<compile_context>
chip_gen: v7x
topology: tpu7x:2x2x1
jax: 0.10.2.dev20260603
libtpu: 0.0.44.dev20260713+nightly
codegen_flags: <defaults>
</compile_context>

<pallas_src>
import functools

import jax
import jax.numpy as jnp
from jax import lax
from jax.experimental import pallas as pl
from jax.experimental.pallas import tpu as pltpu
from jax.experimental.pallas import tpu_sc as plsc

N = 320000
D = 128
S = 10000
NC, NS = 2, 16
NW = NC * NS
RPW = N // NW
C = 80
NCHUNK = RPW // C
NK = D // 16
SEG_STRIDE = 624
SEG_SPAN = 640
ZROWS = 40
NBUF = 4
NROUND = (NCHUNK - 1) // NBUF

_GDN = lax.GatherDimensionNumbers(
    offset_dims=(), collapsed_slice_dims=(0,), start_index_map=(0,))


def _lane_shuffle(v, idx):
    return lax.gather(v, idx, _GDN, (1,),
                      mode=lax.GatherScatterMode.PROMISE_IN_BOUNDS)


def _sc_body(x_hbm, wb_hbm, ids_hbm, out_hbm, shared, xv, iv, zv, wbv,
             semx, semi, semsc):
    cid = lax.axis_index("c")
    sid = lax.axis_index("s")
    wid = cid * NS + sid
    base = wid * RPW

    def issue_loads(ci, b):
        rbase = base + ci * C
        pltpu.async_copy(x_hbm.at[pl.ds(rbase, C)], xv.at[b], semx.at[b])
        pltpu.async_copy(ids_hbm.at[pl.ds(rbase, C)], iv.at[b], semi.at[b])

    def wait_loads(ci, b):
        rbase = base + ci * C
        pltpu.make_async_copy(
            x_hbm.at[pl.ds(rbase, C)], xv.at[b], semx.at[b]).wait()
        pltpu.make_async_copy(
            ids_hbm.at[pl.ds(rbase, C)], iv.at[b], semi.at[b]).wait()

    pltpu.sync_copy(wb_hbm, wbv)

    def zrow(i, _):
        zv[i // 8, pl.ds((i % 8) * 16, 16)] = jnp.zeros((16,), jnp.float32)
        return 0
    lax.fori_loop(0, ZROWS * 8, zrow, 0)
    for j in range(SEG_SPAN // ZROWS):
        pltpu.sync_copy(
            zv, shared.at[pl.ds(sid * SEG_STRIDE + j * ZROWS, ZROWS)])
    plsc.subcore_barrier()

    def weigh_and_scatter(b):
        wk = [wbv[pl.ds(k * 16, 16)] for k in range(NK)]
        bias = wbv[pl.ds(D, 16)]
        lanes = lax.iota(jnp.int32, 16)
        bfly = [(lanes ^ s).reshape(16, 1) for s in (8, 4, 2, 1)]

        @plsc.parallel_loop(0, C, unroll=4)
        def _row(r):
            xk = [xv[b, r, pl.ds(k * 16, 16)] for k in range(NK)]
            acc = xk[0] * wk[0]
            for k in range(1, NK):
                acc = acc + xk[k] * wk[k]
            for bf in bfly:
                acc = acc + _lane_shuffle(acc, bf)
            sv = 1.0 / (1.0 + jnp.exp(-(acc + bias)))
            for k in range(NK):
                xv[b, r, pl.ds(k * 16, 16)] = xk[k] * sv
        pltpu.async_copy(xv.at[b], shared.at[iv.at[b]], semsc.at[b],
                         add=True)

    def wait_scatter(b):
        pltpu.make_async_copy(
            xv.at[b], shared.at[iv.at[b]], semsc.at[b]).wait()

    for b in range(NBUF - 1):
        issue_loads(b, b)

    def piperound(g, _):
        for b in range(NBUF):
            ci = g * NBUF + b
            wait_loads(ci, b)
            bn = (b + NBUF - 1) % NBUF
            nci = ci + NBUF - 1
            if b == 0:
                @pl.when(g > 0)
                def _():
                    wait_scatter(bn)
                issue_loads(nci, bn)
            elif b == 1:
                wait_scatter(bn)
                issue_loads(nci, bn)
            else:
                @pl.when(nci < NCHUNK)
                def _():
                    wait_scatter(bn)
                    issue_loads(nci, bn)
            weigh_and_scatter(b)
        return 0
    lax.fori_loop(0, NROUND, piperound, 0)
    last = NCHUNK - 1
    lastb = last % NBUF
    wait_loads(last, lastb)
    weigh_and_scatter(lastb)
    for b in range(NBUF):
        if b != lastb:
            wait_scatter(b)
    wait_scatter(lastb)
    plsc.subcore_barrier()

    pltpu.sync_copy(
        shared.at[pl.ds(sid * SEG_STRIDE, SEG_SPAN)],
        out_hbm.at[pl.ds(cid * S + sid * SEG_STRIDE, SEG_SPAN)])


@functools.cache
def _sc_kernel():
    return functools.partial(
        pl.kernel,
        out_type=jax.ShapeDtypeStruct((NC * S, D), jnp.float32),
        mesh=plsc.VectorSubcoreMesh(
            core_axis_name="c", subcore_axis_name="s",
            num_cores=NC, num_subcores=NS),
        scratch_types=[
            pltpu.VMEM_SHARED((S, D), jnp.float32),
            pltpu.VMEM((NBUF, C, D), jnp.float32),
            pltpu.VMEM((NBUF, C), jnp.int32),
            pltpu.VMEM((ZROWS, D), jnp.float32),
            pltpu.VMEM((D + 16,), jnp.float32),
            pltpu.SemaphoreType.DMA((NBUF,)),
            pltpu.SemaphoreType.DMA((NBUF,)),
            pltpu.SemaphoreType.DMA((NBUF,)),
        ],
    )(_sc_body)


def kernel(x, segment_ids, W, b):
    ids = segment_ids.astype(jnp.int32)
    wb = jnp.concatenate(
        [W.reshape(D), jnp.broadcast_to(b.reshape(1), (16,))])
    parts = _sc_kernel()(x, wb, ids)
    return parts[:S] + parts[S:]

# --- scband reference (transcript-rebuilt; emitter-appended) ---
"""Pipeline reference for scband-weighted-sum-91328184582314 (READ-ONLY COPY).

The authoritative reference and input builder live on the scoring server;
editing this copy changes nothing except your own understanding.
"""

import jax, jax.numpy as jnp
import numpy as np

NUM_SEGMENTS = 10000

def setup_inputs(seed: int = 0) -> dict:
    key = jax.random.key(seed)
    k1, k2, k3, k4 = jax.random.split(key, 4)
    x = jax.random.normal(k1, (320000, 128), dtype=jnp.float32)
    segment_ids = jnp.sort(jax.random.randint(k2, (320000,), 0, NUM_SEGMENTS, dtype=jnp.int64))
    # Linear(input_units=128, out=1) parameters, PyTorch default init (uniform +/- 1/sqrt(fan_in))
    bound = 1.0 / np.sqrt(128.0)
    W = jax.random.uniform(k3, (128, 1), dtype=jnp.float32, minval=-bound, maxval=bound)
    b = jax.random.uniform(k4, (1,), dtype=jnp.float32, minval=-bound, maxval=bound)
    return {"x": x, "segment_ids": segment_ids, "W": W, "b": b}

def reference(x, segment_ids, W, b):
    # weights = sigmoid(lin1(x))  -> [N, 1]
    weights = jax.nn.sigmoid(x @ W + b)
    # scatter(weights * x, data.batch, dim=0, reduce='sum') -> [num_segments, d]
    out = jax.ops.segment_sum(weights * x, segment_ids, num_segments=NUM_SEGMENTS)
    return out

if __name__ == "__main__":
    import jax
    _d = setup_inputs()
    print(jax.jit(kernel)(*tuple(_d.values())))

</pallas_src>

<mosaic_0001>
#map = affine_map<(d0, d1) -> (0, 0)>
#map1 = affine_map<(d0, d1) -> (0)>
module attributes {stable_mosaic.version = 14 : i64} {
  func.func @_sc_body(%arg0: i32, %arg1: i32, %arg2: memref<320000x128xf32, #tpu.memory_space<hbm>>, %arg3: memref<144xf32, #tpu.memory_space<hbm>>, %arg4: memref<320000xi32, #tpu.memory_space<hbm>>, %arg5: memref<20000x128xf32, #tpu.memory_space<hbm>>, %arg6: memref<10000x128xf32, #tpu.memory_space<vmem_shared>>, %arg7: memref<4x80x128xf32, #tpu.memory_space<vmem>>, %arg8: memref<4x80xi32, #tpu.memory_space<vmem>>, %arg9: memref<40x128xf32, #tpu.memory_space<vmem>>, %arg10: memref<144xf32, #tpu.memory_space<vmem>>, %arg11: memref<4x!tpu.dma_semaphore, #tpu.memory_space<semaphore_mem>>, %arg12: memref<4x!tpu.dma_semaphore, #tpu.memory_space<semaphore_mem>>, %arg13: memref<4x!tpu.dma_semaphore, #tpu.memory_space<semaphore_mem>>) attributes {dimension_semantics = [#tpu.dimension_semantics<core_parallel>, #tpu.dimension_semantics<subcore_parallel>], iteration_bounds = array<i64: 2, 16>, scalar_prefetch = 0 : i64, scratch_operands = 8 : i64, tpu.core_type = #tpu.core_type<sc_vector_subcore>, window_params = [{transform_indices = #map}, {transform_indices = #map1}, {transform_indices = #map1}, {transform_indices = #map}]} {
    %mul3A = arith.constant 16 : i32
    %mul3A_0 = arith.muli %arg0, %mul3A : i32
    %add3A = arith.addi %mul3A_0, %arg1 : i32
    %mul3A_1 = arith.constant 10000 : i32
    %mul3A_2 = arith.muli %add3A, %mul3A_1 : i32
    "tpu.region"() ({
      %run_scoped3A = tpu.sem_alloc : memref<!tpu.dma_semaphore, #tpu.memory_space<semaphore_mem>>
      tpu.enqueue_dma source(%arg3 : memref<144xf32, #tpu.memory_space<hbm>>) target(%arg10 : memref<144xf32, #tpu.memory_space<vmem>>) target_semaphore(%run_scoped3A : memref<!tpu.dma_semaphore, #tpu.memory_space<semaphore_mem>>)
      tpu.wait_dma2 semaphore(%run_scoped3A : memref<!tpu.dma_semaphore, #tpu.memory_space<semaphore_mem>>) src(%arg3 : memref<144xf32, #tpu.memory_space<hbm>>) dst(%arg10 : memref<144xf32, #tpu.memory_space<vmem>>)
      tpu.yield
    }) : () -> ()
    %scan3A = arith.constant 0 : i32
    %scan3A_3 = arith.constant 0 : i32
    %scan3A_4 = arith.constant 320 : i32
    %scan3A_5 = arith.addi %scan3A_3, %scan3A_4 : i32
    %scan3A_6 = arith.constant 1 : i32
    %scan3A_7 = scf.for %scan3A_323 = %scan3A_3 to %scan3A_5 step %scan3A_6 iter_args(%scan3A_324 = %scan3A) -> (i32)  : i32 {
      %broadcast_in_dim3A = arith.constant 0.000000e+00 : f32
      %broadcast_in_dim3A_325 = vector.broadcast %broadcast_in_dim3A : f32 to vector<16xf32>
      %jit3A = arith.constant 8 : i32
      %div3A = arith.divsi %scan3A_323, %jit3A : i32
      %sign3A = arith.constant 0 : i32
      %sign3A_326 = arith.cmpi sgt, %scan3A_323, %sign3A : i32
      %sign3A_327 = arith.extui %sign3A_326 : i1 to i32
      %sign3A_328 = arith.constant 0 : i32
      %sign3A_329 = arith.cmpi slt, %scan3A_323, %sign3A_328 : i32
      %sign3A_330 = arith.extui %sign3A_329 : i1 to i32
      %sign3A_331 = arith.subi %sign3A_327, %sign3A_330 : i32
      %sign3A_332 = arith.constant 0 : i32
      %sign3A_333 = arith.cmpi sgt, %jit3A, %sign3A_332 : i32
      %sign3A_334 = arith.extui %sign3A_333 : i1 to i32
      %sign3A_335 = arith.constant 0 : i32
      %sign3A_336 = arith.cmpi slt, %jit3A, %sign3A_335 : i32
      %sign3A_337 = arith.extui %sign3A_336 : i1 to i32
      %sign3A_338 = arith.subi %sign3A_334, %sign3A_337 : i32
      %ne3A = arith.cmpi ne, %sign3A_331, %sign3A_338 : i32
      %rem3A = arith.remsi %scan3A_323, %jit3A : i32
      %ne3A_339 = arith.constant 0 : i32
      %ne3A_340 = arith.cmpi ne, %rem3A, %ne3A_339 : i32
      %and3A = arith.andi %ne3A, %ne3A_340 : i1
      %sub3A = arith.constant 1 : i32
      %sub3A_341 = arith.subi %div3A, %sub3A : i32
      %select_n3A = arith.select %and3A, %sub3A_341, %div3A : i32
      %jit3A_342 = arith.constant 8 : i32
      %eq3A = arith.constant 0 : i32
      %eq3A_343 = arith.cmpi eq, %jit3A_342, %eq3A : i32
      %jit3A_344 = arith.constant 1 : i32
      %select_n3A_345 = arith.select %eq3A_343, %jit3A_344, %jit3A_342 : i32
      %rem3A_346 = arith.remsi %scan3A_323, %select_n3A_345 : i32
      %ne3A_347 = arith.constant 0 : i32
      %ne3A_348 = arith.cmpi ne, %rem3A_346, %ne3A_347 : i32
      %lt3A = arith.constant 0 : i32
      %lt3A_349 = arith.cmpi slt, %rem3A_346, %lt3A : i32
      %lt3A_350 = arith.constant 0 : i32
      %lt3A_351 = arith.cmpi slt, %select_n3A_345, %lt3A_350 : i32
      %ne3A_352 = arith.xori %lt3A_349, %lt3A_351 : i1
      %and3A_353 = arith.andi %ne3A_352, %ne3A_348 : i1
      %add3A_354 = arith.addi %rem3A_346, %select_n3A_345 : i32
      %select_n3A_355 = arith.select %and3A_353, %add3A_354, %rem3A_346 : i32
      %mul3A_356 = arith.constant 16 : i32
      %mul3A_357 = arith.muli %select_n3A_355, %mul3A_356 : i32
      %swap3A = arith.index_cast %select_n3A : i32 to index
      %swap3A_358 = arith.index_cast %mul3A_357 : i32 to index
      %swap3A_359 = tpu.vector_load %arg9[%swap3A, %swap3A_358] {strides = array<i32>} : memref<40x128xf32, #tpu.memory_space<vmem>>, vector<1x16xf32>,
      %swap3A_360 = vector.shape_cast %swap3A_359 : vector<1x16xf32> to vector<16xf32>
      %swap3A_361 = vector.shape_cast %broadcast_in_dim3A_325 : vector<16xf32> to vector<1x16xf32>
      tpu.vector_store %arg9[%swap3A, %swap3A_358], %swap3A_361 {strides = array<i32>} : memref<40x128xf32, #tpu.memory_space<vmem>>, vector<1x16xf32>,
      %scan3A_362 = arith.constant 0 : i32
      scf.yield %scan3A_362 : i32
    }
    %scan3A_8 = arith.constant 320 : i32
    %mul3A_9 = arith.constant 624 : i32
    %mul3A_10 = arith.muli %arg1, %mul3A_9 : i32
    %add3A_11 = arith.constant 0 : i32
    %add3A_12 = arith.addi %mul3A_10, %add3A_11 : i32
    "tpu.region"() ({
      %run_scoped3A = tpu.sem_alloc : memref<!tpu.dma_semaphore, #tpu.memory_space<semaphore_mem>>
      %dma_start3A_323 = arith.constant 0 : i32
      %dma_start3A_324 = tpu.memref_slice %arg6[%add3A_12, %dma_start3A_323] : memref<10000x128xf32, #tpu.memory_space<vmem_shared>> -> memref<40x128xf32, #tpu.memory_space<vmem_shared>>
      %dma_start3A_325 = arith.constant 0 : i32
      %dma_start3A_326 = tpu.memref_slice %arg6[%add3A_12, %dma_start3A_325] : memref<10000x128xf32, #tpu.memory_space<vmem_shared>> -> memref<40x128xf32, #tpu.memory_space<vmem_shared>>
      tpu.enqueue_dma source(%arg9 : memref<40x128xf32, #tpu.memory_space<vmem>>) target(%dma_start3A_326 : memref<40x128xf32, #tpu.memory_space<vmem_shared>>) target_semaphore(%run_scoped3A : memref<!tpu.dma_semaphore, #tpu.memory_space<semaphore_mem>>)
      %dma_wait3A_327 = arith.constant 0 : i32
      %dma_wait3A_328 = tpu.memref_slice %arg6[%add3A_12, %dma_wait3A_327] : memref<10000x128xf32, #tpu.memory_space<vmem_shared>> -> memref<40x128xf32, #tpu.memory_space<vmem_shared>>
      %dma_wait3A_329 = arith.constant 0 : i32
      %dma_wait3A_330 = tpu.memref_slice %arg6[%add3A_12, %dma_wait3A_329] : memref<10000x128xf32, #tpu.memory_space<vmem_shared>> -> memref<40x128xf32, #tpu.memory_space<vmem_shared>>
      tpu.wait_dma2 semaphore(%run_scoped3A : memref<!tpu.dma_semaphore, #tpu.memory_space<semaphore_mem>>) src(%arg9 : memref<40x128xf32, #tpu.memory_space<vmem>>) dst(%dma_wait3A_330 : memref<40x128xf32, #tpu.memory_space<vmem_shared>>)
      tpu.yield
    }) : () -> ()
    %mul3A_13 = arith.constant 624 : i32
    %mul3A_14 = arith.muli %arg1, %mul3A_13 : i32
    %add3A_15 = arith.constant 40 : i32
    %add3A_16 = arith.addi %mul3A_14, %add3A_15 : i32
    "tpu.region"() ({
      %run_scoped3A = tpu.sem_alloc : memref<!tpu.dma_semaphore, #tpu.memory_space<semaphore_mem>>
      %dma_start3A_323 = arith.constant 0 : i32
      %dma_start3A_324 = tpu.memref_slice %arg6[%add3A_16, %dma_start3A_323] : memref<10000x128xf32, #tpu.memory_space<vmem_shared>> -> memref<40x128xf32, #tpu.memory_space<vmem_shared>>
      %dma_start3A_325 = arith.constant 0 : i32
      %dma_start3A_326 = tpu.memref_slice %arg6[%add3A_16, %dma_start3A_325] : memref<10000x128xf32, #tpu.memory_space<vmem_shared>> -> memref<40x128xf32, #tpu.memory_space<vmem_shared>>
      tpu.enqueue_dma source(%arg9 : memref<40x128xf32, #tpu.memory_space<vmem>>) target(%dma_start3A_326 : memref<40x128xf32, #tpu.memory_space<vmem_shared>>) target_semaphore(%run_scoped3A : memref<!tpu.dma_semaphore, #tpu.memory_space<semaphore_mem>>)
      %dma_wait3A_327 = arith.constant 0 : i32
      %dma_wait3A_328 = tpu.memref_slice %arg6[%add3A_16, %dma_wait3A_327] : memref<10000x128xf32, #tpu.memory_space<vmem_shared>> -> memref<40x128xf32, #tpu.memory_space<vmem_shared>>
      %dma_wait3A_329 = arith.constant 0 : i32
      %dma_wait3A_330 = tpu.memref_slice %arg6[%add3A_16, %dma_wait3A_329] : memref<10000x128xf32, #tpu.memory_space<vmem_shared>> -> memref<40x128xf32, #tpu.memory_space<vmem_shared>>
      tpu.wait_dma2 semaphore(%run_scoped3A : memref<!tpu.dma_semaphore, #tpu.memory_space<semaphore_mem>>) src(%arg9 : memref<40x128xf32, #tpu.memory_space<vmem>>) dst(%dma_wait3A_330 : memref<40x128xf32, #tpu.memory_space<vmem_shared>>)
      tpu.yield
    }) : () -> ()
    %mul3A_17 = arith.constant 624 : i32
    %mul3A_18 = arith.muli %arg1, %mul3A_17 : i32
    %add3A_19 = arith.constant 80 : i32
    %add3A_20 = arith.addi %mul3A_18, %add3A_19 : i32
    "tpu.region"() ({
      %run_scoped3A = tpu.sem_alloc : memref<!tpu.dma_semaphore, #tpu.memory_space<semaphore_mem>>
      %dma_start3A_323 = arith.constant 0 : i32
      %dma_start3A_324 = tpu.memref_slice %arg6[%add3A_20, %dma_start3A_323] : memref<10000x128xf32, #tpu.memory_space<vmem_shared>> -> memref<40x128xf32, #tpu.memory_space<vmem_shared>>
      %dma_start3A_325 = arith.constant 0 : i32
      %dma_start3A_326 = tpu.memref_slice %arg6[%add3A_20, %dma_start3A_325] : memref<10000x128xf32, #tpu.memory_space<vmem_shared>> -> memref<40x128xf32, #tpu.memory_space<vmem_shared>>
      tpu.enqueue_dma source(%arg9 : memref<40x128xf32, #tpu.memory_space<vmem>>) target(%dma_start3A_326 : memref<40x128xf32, #tpu.memory_space<vmem_shared>>) target_semaphore(%run_scoped3A : memref<!tpu.dma_semaphore, #tpu.memory_space<semaphore_mem>>)
      %dma_wait3A_327 = arith.constant 0 : i32
      %dma_wait3A_328 = tpu.memref_slice %arg6[%add3A_20, %dma_wait3A_327] : memref<10000x128xf32, #tpu.memory_space<vmem_shared>> -> memref<40x128xf32, #tpu.memory_space<vmem_shared>>
      %dma_wait3A_329 = arith.constant 0 : i32
      %dma_wait3A_330 = tpu.memref_slice %arg6[%add3A_20, %dma_wait3A_329] : memref<10000x128xf32, #tpu.memory_space<vmem_shared>> -> memref<40x128xf32, #tpu.memory_space<vmem_shared>>
      tpu.wait_dma2 semaphore(%run_scoped3A : memref<!tpu.dma_semaphore, #tpu.memory_space<semaphore_mem>>) src(%arg9 : memref<40x128xf32, #tpu.memory_space<vmem>>) dst(%dma_wait3A_330 : memref<40x128xf32, #tpu.memory_space<vmem_shared>>)
      tpu.yield
    }) : () -> ()
    %mul3A_21 = arith.constant 624 : i32
    %mul3A_22 = arith.muli %arg1, %mul3A_21 : i32
    %add3A_23 = arith.constant 120 : i32
    %add3A_24 = arith.addi %mul3A_22, %add3A_23 : i32
    "tpu.region"() ({
      %run_scoped3A = tpu.sem_alloc : memref<!tpu.dma_semaphore, #tpu.memory_space<semaphore_mem>>
      %dma_start3A_323 = arith.constant 0 : i32
      %dma_start3A_324 = tpu.memref_slice %arg6[%add3A_24, %dma_start3A_323] : memref<10000x128xf32, #tpu.memory_space<vmem_shared>> -> memref<40x128xf32, #tpu.memory_space<vmem_shared>>
      %dma_start3A_325 = arith.constant 0 : i32
      %dma_start3A_326 = tpu.memref_slice %arg6[%add3A_24, %dma_start3A_325] : memref<10000x128xf32, #tpu.memory_space<vmem_shared>> -> memref<40x128xf32, #tpu.memory_space<vmem_shared>>
      tpu.enqueue_dma source(%arg9 : memref<40x128xf32, #tpu.memory_space<vmem>>) target(%dma_start3A_326 : memref<40x128xf32, #tpu.memory_space<vmem_shared>>) target_semaphore(%run_scoped3A : memref<!tpu.dma_semaphore, #tpu.memory_space<semaphore_mem>>)
      %dma_wait3A_327 = arith.constant 0 : i32
      %dma_wait3A_328 = tpu.memref_slice %arg6[%add3A_24, %dma_wait3A_327] : memref<10000x128xf32, #tpu.memory_space<vmem_shared>> -> memref<40x128xf32, #tpu.memory_space<vmem_shared>>
      %dma_wait3A_329 = arith.constant 0 : i32
      %dma_wait3A_330 = tpu.memref_slice %arg6[%add3A_24, %dma_wait3A_329] : memref<10000x128xf32, #tpu.memory_space<vmem_shared>> -> memref<40x128xf32, #tpu.memory_space<vmem_shared>>
      tpu.wait_dma2 semaphore(%run_scoped3A : memref<!tpu.dma_semaphore, #tpu.memory_space<semaphore_mem>>) src(%arg9 : memref<40x128xf32, #tpu.memory_space<vmem>>) dst(%dma_wait3A_330 : memref<40x128xf32, #tpu.memory_space<vmem_shared>>)
      tpu.yield
    }) : () -> ()
    %mul3A_25 = arith.constant 624 : i32
    %mul3A_26 = arith.muli %arg1, %mul3A_25 : i32
    %add3A_27 = arith.constant 160 : i32
    %add3A_28 = arith.addi %mul3A_26, %add3A_27 : i32
    "tpu.region"() ({
      %run_scoped3A = tpu.sem_alloc : memref<!tpu.dma_semaphore, #tpu.memory_space<semaphore_mem>>
      %dma_start3A_323 = arith.constant 0 : i32
      %dma_start3A_324 = tpu.memref_slice %arg6[%add3A_28, %dma_start3A_323] : memref<10000x128xf32, #tpu.memory_space<vmem_shared>> -> memref<40x128xf32, #tpu.memory_space<vmem_shared>>
      %dma_start3A_325 = arith.constant 0 : i32
      %dma_start3A_326 = tpu.memref_slice %arg6[%add3A_28, %dma_start3A_325] : memref<10000x128xf32, #tpu.memory_space<vmem_shared>> -> memref<40x128xf32, #tpu.memory_space<vmem_shared>>
      tpu.enqueue_dma source(%arg9 : memref<40x128xf32, #tpu.memory_space<vmem>>) target(%dma_start3A_326 : memref<40x128xf32, #tpu.memory_space<vmem_shared>>) target_semaphore(%run_scoped3A : memref<!tpu.dma_semaphore, #tpu.memory_space<semaphore_mem>>)
      %dma_wait3A_327 = arith.constant 0 : i32
      %dma_wait3A_328 = tpu.memref_slice %arg6[%add3A_28, %dma_wait3A_327] : memref<10000x128xf32, #tpu.memory_space<vmem_shared>> -> memref<40x128xf32, #tpu.memory_space<vmem_shared>>
      %dma_wait3A_329 = arith.constant 0 : i32
      %dma_wait3A_330 = tpu.memref_slice %arg6[%add3A_28, %dma_wait3A_329] : memref<10000x128xf32, #tpu.memory_space<vmem_shared>> -> memref<40x128xf32, #tpu.memory_space<vmem_shared>>
      tpu.wait_dma2 semaphore(%run_scoped3A : memref<!tpu.dma_semaphore, #tpu.memory_space<semaphore_mem>>) src(%arg9 : memref<40x128xf32, #tpu.memory_space<vmem>>) dst(%dma_wait3A_330 : memref<40x128xf32, #tpu.memory_space<vmem_shared>>)
      tpu.yield
    }) : () -> ()
    %mul3A_29 = arith.constant 624 : i32
    %mul3A_30 = arith.muli %arg1, %mul3A_29 : i32
    %add3A_31 = arith.constant 200 : i32
    %add3A_32 = arith.addi %mul3A_30, %add3A_31 : i32
    "tpu.region"() ({
      %run_scoped3A = tpu.sem_alloc : memref<!tpu.dma_semaphore, #tpu.memory_space<semaphore_mem>>
      %dma_start3A_323 = arith.constant 0 : i32
      %dma_start3A_324 = tpu.memref_slice %arg6[%add3A_32, %dma_start3A_323] : memref<10000x128xf32, #tpu.memory_space<vmem_shared>> -> memref<40x128xf32, #tpu.memory_space<vmem_shared>>
      %dma_start3A_325 = arith.constant 0 : i32
      %dma_start3A_326 = tpu.memref_slice %arg6[%add3A_32, %dma_start3A_325] : memref<10000x128xf32, #tpu.memory_space<vmem_shared>> -> memref<40x128xf32, #tpu.memory_space<vmem_shared>>
      tpu.enqueue_dma source(%arg9 : memref<40x128xf32, #tpu.memory_space<vmem>>) target(%dma_start3A_326 : memref<40x128xf32, #tpu.memory_space<vmem_shared>>) target_semaphore(%run_scoped3A : memref<!tpu.dma_semaphore, #tpu.memory_space<semaphore_mem>>)
      %dma_wait3A_327 = arith.constant 0 : i32
      %dma_wait3A_328 = tpu.memref_slice %arg6[%add3A_32, %dma_wait3A_327] : memref<10000x128xf32, #tpu.memory_space<vmem_shared>> -> memref<40x128xf32, #tpu.memory_space<vmem_shared>>
      %dma_wait3A_329 = arith.constant 0 : i32
      %dma_wait3A_330 = tpu.memref_slice %arg6[%add3A_32, %dma_wait3A_329] : memref<10000x128xf32, #tpu.memory_space<vmem_shared>> -> memref<40x128xf32, #tpu.memory_space<vmem_shared>>
      tpu.wait_dma2 semaphore(%run_scoped3A : memref<!tpu.dma_semaphore, #tpu.memory_space<semaphore_mem>>) src(%arg9 : memref<40x128xf32, #tpu.memory_space<vmem>>) dst(%dma_wait3A_330 : memref<40x128xf32, #tpu.memory_space<vmem_shared>>)
      tpu.yield
    }) : () -> ()
    %mul3A_33 = arith.constant 624 : i32
    %mul3A_34 = arith.muli %arg1, %mul3A_33 : i32
    %add3A_35 = arith.constant 240 : i32
    %add3A_36 = arith.addi %mul3A_34, %add3A_35 : i32
    "tpu.region"() ({
      %run_scoped3A = tpu.sem_alloc : memref<!tpu.dma_semaphore, #tpu.memory_space<semaphore_mem>>
      %dma_start3A_323 = arith.constant 0 : i32
      %dma_start3A_324 = tpu.memref_slice %arg6[%add3A_36, %dma_start3A_323] : memref<10000x128xf32, #tpu.memory_space<vmem_shared>> -> memref<40x128xf32, #tpu.memory_space<vmem_shared>>
      %dma_start3A_325 = arith.constant 0 : i32
      %dma_start3A_326 = tpu.memref_slice %arg6[%add3A_36, %dma_start3A_325] : memref<10000x128xf32, #tpu.memory_space<vmem_shared>> -> memref<40x128xf32, #tpu.memory_space<vmem_shared>>
      tpu.enqueue_dma source(%arg9 : memref<40x128xf32, #tpu.memory_space<vmem>>) target(%dma_start3A_326 : memref<40x128xf32, #tpu.memory_space<vmem_shared>>) target_semaphore(%run_scoped3A : memref<!tpu.dma_semaphore, #tpu.memory_space<semaphore_mem>>)
      %dma_wait3A_327 = arith.constant 0 : i32
      %dma_wait3A_328 = tpu.memref_slice %arg6[%add3A_36, %dma_wait3A_327] : memref<10000x128xf32, #tpu.memory_space<vmem_shared>> -> memref<40x128xf32, #tpu.memory_space<vmem_shared>>
      %dma_wait3A_329 = arith.constant 0 : i32
      %dma_wait3A_330 = tpu.memref_slice %arg6[%add3A_36, %dma_wait3A_329] : memref<10000x128xf32, #tpu.memory_space<vmem_shared>> -> memref<40x128xf32, #tpu.memory_space<vmem_shared>>
      tpu.wait_dma2 semaphore(%run_scoped3A : memref<!tpu.dma_semaphore, #tpu.memory_space<semaphore_mem>>) src(%arg9 : memref<40x128xf32, #tpu.memory_space<vmem>>) dst(%dma_wait3A_330 : memref<40x128xf32, #tpu.memory_space<vmem_shared>>)
      tpu.yield
    }) : () -> ()
    %mul3A_37 = arith.constant 624 : i32
    %mul3A_38 = arith.muli %arg1, %mul3A_37 : i32
    %add3A_39 = arith.constant 280 : i32
    %add3A_40 = arith.addi %mul3A_38, %add3A_39 : i32
    "tpu.region"() ({
      %run_scoped3A = tpu.sem_alloc : memref<!tpu.dma_semaphore, #tpu.memory_space<semaphore_mem>>
      %dma_start3A_323 = arith.constant 0 : i32
      %dma_start3A_324 = tpu.memref_slice %arg6[%add3A_40, %dma_start3A_323] : memref<10000x128xf32, #tpu.memory_space<vmem_shared>> -> memref<40x128xf32, #tpu.memory_space<vmem_shared>>
      %dma_start3A_325 = arith.constant 0 : i32
      %dma_start3A_326 = tpu.memref_slice %arg6[%add3A_40, %dma_start3A_325] : memref<10000x128xf32, #tpu.memory_space<vmem_shared>> -> memref<40x128xf32, #tpu.memory_space<vmem_shared>>
      tpu.enqueue_dma source(%arg9 : memref<40x128xf32, #tpu.memory_space<vmem>>) target(%dma_start3A_326 : memref<40x128xf32, #tpu.memory_space<vmem_shared>>) target_semaphore(%run_scoped3A : memref<!tpu.dma_semaphore, #tpu.memory_space<semaphore_mem>>)
      %dma_wait3A_327 = arith.constant 0 : i32
      %dma_wait3A_328 = tpu.memref_slice %arg6[%add3A_40, %dma_wait3A_327] : memref<10000x128xf32, #tpu.memory_space<vmem_shared>> -> memref<40x128xf32, #tpu.memory_space<vmem_shared>>
      %dma_wait3A_329 = arith.constant 0 : i32
      %dma_wait3A_330 = tpu.memref_slice %arg6[%add3A_40, %dma_wait3A_329] : memref<10000x128xf32, #tpu.memory_space<vmem_shared>> -> memref<40x128xf32, #tpu.memory_space<vmem_shared>>
      tpu.wait_dma2 semaphore(%run_scoped3A : memref<!tpu.dma_semaphore, #tpu.memory_space<semaphore_mem>>) src(%arg9 : memref<40x128xf32, #tpu.memory_space<vmem>>) dst(%dma_wait3A_330 : memref<40x128xf32, #tpu.memory_space<vmem_shared>>)
      tpu.yield
    }) : () -> ()
    %mul3A_41 = arith.constant 624 : i32
    %mul3A_42 = arith.muli %arg1, %mul3A_41 : i32
    %add3A_43 = arith.constant 320 : i32
    %add3A_44 = arith.addi %mul3A_42, %add3A_43 : i32
    "tpu.region"() ({
      %run_scoped3A = tpu.sem_alloc : memref<!tpu.dma_semaphore, #tpu.memory_space<semaphore_mem>>
      %dma_start3A_323 = arith.constant 0 : i32
      %dma_start3A_324 = tpu.memref_slice %arg6[%add3A_44, %dma_start3A_323] : memref<10000x128xf32, #tpu.memory_space<vmem_shared>> -> memref<40x128xf32, #tpu.memory_space<vmem_shared>>
      %dma_start3A_325 = arith.constant 0 : i32
      %dma_start3A_326 = tpu.memref_slice %arg6[%add3A_44, %dma_start3A_325] : memref<10000x128xf32, #tpu.memory_space<vmem_shared>> -> memref<40x128xf32, #tpu.memory_space<vmem_shared>>
      tpu.enqueue_dma source(%arg9 : memref<40x128xf32, #tpu.memory_space<vmem>>) target(%dma_start3A_326 : memref<40x128xf32, #tpu.memory_space<vmem_shared>>) target_semaphore(%run_scoped3A : memref<!tpu.dma_semaphore, #tpu.memory_space<semaphore_mem>>)
      %dma_wait3A_327 = arith.constant 0 : i32
      %dma_wait3A_328 = tpu.memref_slice %arg6[%add3A_44, %dma_wait3A_327] : memref<10000x128xf32, #tpu.memory_space<vmem_shared>> -> memref<40x128xf32, #tpu.memory_space<vmem_shared>>
      %dma_wait3A_329 = arith.constant 0 : i32
      %dma_wait3A_330 = tpu.memref_slice %arg6[%add3A_44, %dma_wait3A_329] : memref<10000x128xf32, #tpu.memory_space<vmem_shared>> -> memref<40x128xf32, #tpu.memory_space<vmem_shared>>
      tpu.wait_dma2 semaphore(%run_scoped3A : memref<!tpu.dma_semaphore, #tpu.memory_space<semaphore_mem>>) src(%arg9 : memref<40x128xf32, #tpu.memory_space<vmem>>) dst(%dma_wait3A_330 : memref<40x128xf32, #tpu.memory_space<vmem_shared>>)
      tpu.yield
    }) : () -> ()
    %mul3A_45 = arith.constant 624 : i32
    %mul3A_46 = arith.muli %arg1, %mul3A_45 : i32
    %add3A_47 = arith.constant 360 : i32
    %add3A_48 = arith.addi %mul3A_46, %add3A_47 : i32
    "tpu.region"() ({
      %run_scoped3A = tpu.sem_alloc : memref<!tpu.dma_semaphore, #tpu.memory_space<semaphore_mem>>
      %dma_start3A_323 = arith.constant 0 : i32
      %dma_start3A_324 = tpu.memref_slice %arg6[%add3A_48, %dma_start3A_323] : memref<10000x128xf32, #tpu.memory_space<vmem_shared>> -> memref<40x128xf32, #tpu.memory_space<vmem_shared>>
      %dma_start3A_325 = arith.constant 0 : i32
      %dma_start3A_326 = tpu.memref_slice %arg6[%add3A_48, %dma_start3A_325] : memref<10000x128xf32, #tpu.memory_space<vmem_shared>> -> memref<40x128xf32, #tpu.memory_space<vmem_shared>>
      tpu.enqueue_dma source(%arg9 : memref<40x128xf32, #tpu.memory_space<vmem>>) target(%dma_start3A_326 : memref<40x128xf32, #tpu.memory_space<vmem_shared>>) target_semaphore(%run_scoped3A : memref<!tpu.dma_semaphore, #tpu.memory_space<semaphore_mem>>)
      %dma_wait3A_327 = arith.constant 0 : i32
      %dma_wait3A_328 = tpu.memref_slice %arg6[%add3A_48, %dma_wait3A_327] : memref<10000x128xf32, #tpu.memory_space<vmem_shared>> -> memref<40x128xf32, #tpu.memory_space<vmem_shared>>
      %dma_wait3A_329 = arith.constant 0 : i32
      %dma_wait3A_330 = tpu.memref_slice %arg6[%add3A_48, %dma_wait3A_329] : memref<10000x128xf32, #tpu.memory_space<vmem_shared>> -> memref<40x128xf32, #tpu.memory_space<vmem_shared>>
      tpu.wait_dma2 semaphore(%run_scoped3A : memref<!tpu.dma_semaphore, #tpu.memory_space<semaphore_mem>>) src(%arg9 : memref<40x128xf32, #tpu.memory_space<vmem>>) dst(%dma_wait3A_330 : memref<40x128xf32, #tpu.memory_space<vmem_shared>>)
      tpu.yield
    }) : () -> ()
    %mul3A_49 = arith.constant 624 : i32
    %mul3A_50 = arith.muli %arg1, %mul3A_49 : i32
    %add3A_51 = arith.constant 400 : i32
    %add3A_52 = arith.addi %mul3A_50, %add3A_51 : i32
    "tpu.region"() ({
      %run_scoped3A = tpu.sem_alloc : memref<!tpu.dma_semaphore, #tpu.memory_space<semaphore_mem>>
      %dma_start3A_323 = arith.constant 0 : i32
      %dma_start3A_324 = tpu.memref_slice %arg6[%add3A_52, %dma_start3A_323] : memref<10000x128xf32, #tpu.memory_space<vmem_shared>> -> memref<40x128xf32, #tpu.memory_space<vmem_shared>>
      %dma_start3A_325 = arith.constant 0 : i32
      %dma_start3A_326 = tpu.memref_slice %arg6[%add3A_52, %dma_start3A_325] : memref<10000x128xf32, #tpu.memory_space<vmem_shared>> -> memref<40x128xf32, #tpu.memory_space<vmem_shared>>
      tpu.enqueue_dma source(%arg9 : memref<40x128xf32, #tpu.memory_space<vmem>>) target(%dma_start3A_326 : memref<40x128xf32, #tpu.memory_space<vmem_shared>>) target_semaphore(%run_scoped3A : memref<!tpu.dma_semaphore, #tpu.memory_space<semaphore_mem>>)
      %dma_wait3A_327 = arith.constant 0 : i32
      %dma_wait3A_328 = tpu.memref_slice %arg6[%add3A_52, %dma_wait3A_327] : memref<10000x128xf32, #tpu.memory_space<vmem_shared>> -> memref<40x128xf32, #tpu.memory_space<vmem_shared>>
      %dma_wait3A_329 = arith.constant 0 : i32
      %dma_wait3A_330 = tpu.memref_slice %arg6[%add3A_52, %dma_wait3A_329] : memref<10000x128xf32, #tpu.memory_space<vmem_shared>> -> memref<40x128xf32, #tpu.memory_space<vmem_shared>>
      tpu.wait_dma2 semaphore(%run_scoped3A : memref<!tpu.dma_semaphore, #tpu.memory_space<semaphore_mem>>) src(%arg9 : memref<40x128xf32, #tpu.memory_space<vmem>>) dst(%dma_wait3A_330 : memref<40x128xf32, #tpu.memory_space<vmem_shared>>)
      tpu.yield
    }) : () -> ()
    %mul3A_53 = arith.constant 624 : i32
    %mul3A_54 = arith.muli %arg1, %mul3A_53 : i32
    %add3A_55 = arith.constant 440 : i32
    %add3A_56 = arith.addi %mul3A_54, %add3A_55 : i32
    "tpu.region"() ({
      %run_scoped3A = tpu.sem_alloc : memref<!tpu.dma_semaphore, #tpu.memory_space<semaphore_mem>>
      %dma_start3A_323 = arith.constant 0 : i32
      %dma_start3A_324 = tpu.memref_slice %arg6[%add3A_56, %dma_start3A_323] : memref<10000x128xf32, #tpu.memory_space<vmem_shared>> -> memref<40x128xf32, #tpu.memory_space<vmem_shared>>
      %dma_start3A_325 = arith.constant 0 : i32
      %dma_start3A_326 = tpu.memref_slice %arg6[%add3A_56, %dma_start3A_325] : memref<10000x128xf32, #tpu.memory_space<vmem_shared>> -> memref<40x128xf32, #tpu.memory_space<vmem_shared>>
      tpu.enqueue_dma source(%arg9 : memref<40x128xf32, #tpu.memory_space<vmem>>) target(%dma_start3A_326 : memref<40x128xf32, #tpu.memory_space<vmem_shared>>) target_semaphore(%run_scoped3A : memref<!tpu.dma_semaphore, #tpu.memory_space<semaphore_mem>>)
      %dma_wait3A_327 = arith.constant 0 : i32
      %dma_wait3A_328 = tpu.memref_slice %arg6[%add3A_56, %dma_wait3A_327] : memref<10000x128xf32, #tpu.memory_space<vmem_shared>> -> memref<40x128xf32, #tpu.memory_space<vmem_shared>>
      %dma_wait3A_329 = arith.constant 0 : i32
      %dma_wait3A_330 = tpu.memref_slice %arg6[%add3A_56, %dma_wait3A_329] : memref<10000x128xf32, #tpu.memory_space<vmem_shared>> -> memref<40x128xf32, #tpu.memory_space<vmem_shared>>
      tpu.wait_dma2 semaphore(%run_scoped3A : memref<!tpu.dma_semaphore, #tpu.memory_space<semaphore_mem>>) src(%arg9 : memref<40x128xf32, #tpu.memory_space<vmem>>) dst(%dma_wait3A_330 : memref<40x128xf32, #tpu.memory_space<vmem_shared>>)
      tpu.yield
    }) : () -> ()
    %mul3A_57 = arith.constant 624 : i32
    %mul3A_58 = arith.muli %arg1, %mul3A_57 : i32
    %add3A_59 = arith.constant 480 : i32
    %add3A_60 = arith.addi %mul3A_58, %add3A_59 : i32
    "tpu.region"() ({
      %run_scoped3A = tpu.sem_alloc : memref<!tpu.dma_semaphore, #tpu.memory_space<semaphore_mem>>
      %dma_start3A_323 = arith.constant 0 : i32
      %dma_start3A_324 = tpu.memref_slice %arg6[%add3A_60, %dma_start3A_323] : memref<10000x128xf32, #tpu.memory_space<vmem_shared>> -> memref<40x128xf32, #tpu.memory_space<vmem_shared>>
      %dma_start3A_325 = arith.constant 0 : i32
      %dma_start3A_326 = tpu.memref_slice %arg6[%add3A_60, %dma_start3A_325] : memref<10000x128xf32, #tpu.memory_space<vmem_shared>> -> memref<40x128xf32, #tpu.memory_space<vmem_shared>>
      tpu.enqueue_dma source(%arg9 : memref<40x128xf32, #tpu.memory_space<vmem>>) target(%dma_start3A_326 : memref<40x128xf32, #tpu.memory_space<vmem_shared>>) target_semaphore(%run_scoped3A : memref<!tpu.dma_semaphore, #tpu.memory_space<semaphore_mem>>)
      %dma_wait3A_327 = arith.constant 0 : i32
      %dma_wait3A_328 = tpu.memref_slice %arg6[%add3A_60, %dma_wait3A_327] : memref<10000x128xf32, #tpu.memory_space<vmem_shared>> -> memref<40x128xf32, #tpu.memory_space<vmem_shared>>
      %dma_wait3A_329 = arith.constant 0 : i32
      %dma_wait3A_330 = tpu.memref_slice %arg6[%add3A_60, %dma_wait3A_329] : memref<10000x128xf32, #tpu.memory_space<vmem_shared>> -> memref<40x128xf32, #tpu.memory_space<vmem_shared>>
      tpu.wait_dma2 semaphore(%run_scoped3A : memref<!tpu.dma_semaphore, #tpu.memory_space<semaphore_mem>>) src(%arg9 : memref<40x128xf32, #tpu.memory_space<vmem>>) dst(%dma_wait3A_330 : memref<40x128xf32, #tpu.memory_space<vmem_shared>>)
      tpu.yield
    }) : () -> ()
    %mul3A_61 = arith.constant 624 : i32
    %mul3A_62 = arith.muli %arg1, %mul3A_61 : i32
    %add3A_63 = arith.constant 520 : i32
    %add3A_64 = arith.addi %mul3A_62, %add3A_63 : i32
    "tpu.region"() ({
      %run_scoped3A = tpu.sem_alloc : memref<!tpu.dma_semaphore, #tpu.memory_space<semaphore_mem>>
      %dma_start3A_323 = arith.constant 0 : i32
      %dma_start3A_324 = tpu.memref_slice %arg6[%add3A_64, %dma_start3A_323] : memref<10000x128xf32, #tpu.memory_space<vmem_shared>> -> memref<40x128xf32, #tpu.memory_space<vmem_shared>>
      %dma_start3A_325 = arith.constant 0 : i32
      %dma_start3A_326 = tpu.memref_slice %arg6[%add3A_64, %dma_start3A_325] : memref<10000x128xf32, #tpu.memory_space<vmem_shared>> -> memref<40x128xf32, #tpu.memory_space<vmem_shared>>
      tpu.enqueue_dma source(%arg9 : memref<40x128xf32, #tpu.memory_space<vmem>>) target(%dma_start3A_326 : memref<40x128xf32, #tpu.memory_space<vmem_shared>>) target_semaphore(%run_scoped3A : memref<!tpu.dma_semaphore, #tpu.memory_space<semaphore_mem>>)
      %dma_wait3A_327 = arith.constant 0 : i32
      %dma_wait3A_328 = tpu.memref_slice %arg6[%add3A_64, %dma_wait3A_327] : memref<10000x128xf32, #tpu.memory_space<vmem_shared>> -> memref<40x128xf32, #tpu.memory_space<vmem_shared>>
      %dma_wait3A_329 = arith.constant 0 : i32
      %dma_wait3A_330 = tpu.memref_slice %arg6[%add3A_64, %dma_wait3A_329] : memref<10000x128xf32, #tpu.memory_space<vmem_shared>> -> memref<40x128xf32, #tpu.memory_space<vmem_shared>>
      tpu.wait_dma2 semaphore(%run_scoped3A : memref<!tpu.dma_semaphore, #tpu.memory_space<semaphore_mem>>) src(%arg9 : memref<40x128xf32, #tpu.memory_space<vmem>>) dst(%dma_wait3A_330 : memref<40x128xf32, #tpu.memory_space<vmem_shared>>)
      tpu.yield
    }) : () -> ()
    %mul3A_65 = arith.constant 624 : i32
    %mul3A_66 = arith.muli %arg1, %mul3A_65 : i32
    %add3A_67 = arith.constant 560 : i32
    %add3A_68 = arith.addi %mul3A_66, %add3A_67 : i32
    "tpu.region"() ({
      %run_scoped3A = tpu.sem_alloc : memref<!tpu.dma_semaphore, #tpu.memory_space<semaphore_mem>>
      %dma_start3A_323 = arith.constant 0 : i32
      %dma_start3A_324 = tpu.memref_slice %arg6[%add3A_68, %dma_start3A_323] : memref<10000x128xf32, #tpu.memory_space<vmem_shared>> -> memref<40x128xf32, #tpu.memory_space<vmem_shared>>
      %dma_start3A_325 = arith.constant 0 : i32
      %dma_start3A_326 = tpu.memref_slice %arg6[%add3A_68, %dma_start3A_325] : memref<10000x128xf32, #tpu.memory_space<vmem_shared>> -> memref<40x128xf32, #tpu.memory_space<vmem_shared>>
      tpu.enqueue_dma source(%arg9 : memref<40x128xf32, #tpu.memory_space<vmem>>) target(%dma_start3A_326 : memref<40x128xf32, #tpu.memory_space<vmem_shared>>) target_semaphore(%run_scoped3A : memref<!tpu.dma_semaphore, #tpu.memory_space<semaphore_mem>>)
      %dma_wait3A_327 = arith.constant 0 : i32
      %dma_wait3A_328 = tpu.memref_slice %arg6[%add3A_68, %dma_wait3A_327] : memref<10000x128xf32, #tpu.memory_space<vmem_shared>> -> memref<40x128xf32, #tpu.memory_space<vmem_shared>>
      %dma_wait3A_329 = arith.constant 0 : i32
      %dma_wait3A_330 = tpu.memref_slice %arg6[%add3A_68, %dma_wait3A_329] : memref<10000x128xf32, #tpu.memory_space<vmem_shared>> -> memref<40x128xf32, #tpu.memory_space<vmem_shared>>
      tpu.wait_dma2 semaphore(%run_scoped3A : memref<!tpu.dma_semaphore, #tpu.memory_space<semaphore_mem>>) src(%arg9 : memref<40x128xf32, #tpu.memory_space<vmem>>) dst(%dma_wait3A_330 : memref<40x128xf32, #tpu.memory_space<vmem_shared>>)
      tpu.yield
    }) : () -> ()
    %mul3A_69 = arith.constant 624 : i32
    %mul3A_70 = arith.muli %arg1, %mul3A_69 : i32
    %add3A_71 = arith.constant 600 : i32
    %add3A_72 = arith.addi %mul3A_70, %add3A_71 : i32
    "tpu.region"() ({
      %run_scoped3A = tpu.sem_alloc : memref<!tpu.dma_semaphore, #tpu.memory_space<semaphore_mem>>
      %dma_start3A_323 = arith.constant 0 : i32
      %dma_start3A_324 = tpu.memref_slice %arg6[%add3A_72, %dma_start3A_323] : memref<10000x128xf32, #tpu.memory_space<vmem_shared>> -> memref<40x128xf32, #tpu.memory_space<vmem_shared>>
      %dma_start3A_325 = arith.constant 0 : i32
      %dma_start3A_326 = tpu.memref_slice %arg6[%add3A_72, %dma_start3A_325] : memref<10000x128xf32, #tpu.memory_space<vmem_shared>> -> memref<40x128xf32, #tpu.memory_space<vmem_shared>>
      tpu.enqueue_dma source(%arg9 : memref<40x128xf32, #tpu.memory_space<vmem>>) target(%dma_start3A_326 : memref<40x128xf32, #tpu.memory_space<vmem_shared>>) target_semaphore(%run_scoped3A : memref<!tpu.dma_semaphore, #tpu.memory_space<semaphore_mem>>)
      %dma_wait3A_327 = arith.constant 0 : i32
      %dma_wait3A_328 = tpu.memref_slice %arg6[%add3A_72, %dma_wait3A_327] : memref<10000x128xf32, #tpu.memory_space<vmem_shared>> -> memref<40x128xf32, #tpu.memory_space<vmem_shared>>
      %dma_wait3A_329 = arith.constant 0 : i32
      %dma_wait3A_330 = tpu.memref_slice %arg6[%add3A_72, %dma_wait3A_329] : memref<10000x128xf32, #tpu.memory_space<vmem_shared>> -> memref<40x128xf32, #tpu.memory_space<vmem_shared>>
      tpu.wait_dma2 semaphore(%run_scoped3A : memref<!tpu.dma_semaphore, #tpu.memory_space<semaphore_mem>>) src(%arg9 : memref<40x128xf32, #tpu.memory_space<vmem>>) dst(%dma_wait3A_330 : memref<40x128xf32, #tpu.memory_space<vmem_shared>>)
      tpu.yield
    }) : () -> ()
    %barrier3A = arith.constant 0 : index
    tpu.barrier barrier_id(%barrier3A)
    %add3A_73 = arith.constant 0 : i32
    %add3A_74 = arith.addi %mul3A_2, %add3A_73 : i32
    %dma_start3A = arith.constant 0 : i32
    %dma_start3A_75 = arith.constant 0 : i32
    %dma_start3A_76 = arith.constant 0 : i32
    %dma_start3A_77 = arith.constant 0 : i32
    %dma_start3A_78 = tpu.memref_slice %arg7[%dma_start3A, %dma_start3A_76, %dma_start3A_77] : memref<4x80x128xf32, #tpu.memory_space<vmem>> -> memref<1x80x128xf32, #tpu.memory_space<vmem>>
    %dma_start3A_79 = tpu.memref_squeeze %dma_start3A_78 : memref<1x80x128xf32, #tpu.memory_space<vmem>> -> memref<80x128xf32, #tpu.memory_space<vmem>>
    %dma_start3A_80 = arith.constant 0 : i32
    %dma_start3A_81 = tpu.memref_slice %arg2[%add3A_74, %dma_start3A_80] : memref<320000x128xf32, #tpu.memory_space<hbm>> -> memref<80x128xf32, #tpu.memory_space<hbm>>
    %dma_start3A_82 = tpu.memref_slice %arg11[%dma_start3A_75] : memref<4x!tpu.dma_semaphore, #tpu.memory_space<semaphore_mem>> -> memref<1x!tpu.dma_semaphore, #tpu.memory_space<semaphore_mem>>
    %dma_start3A_83 = tpu.memref_squeeze %dma_start3A_82 : memref<1x!tpu.dma_semaphore, #tpu.memory_space<semaphore_mem>> -> memref<!tpu.dma_semaphore, #tpu.memory_space<semaphore_mem>>
    %dma_start3A_84 = arith.constant 0 : i32
    %dma_start3A_85 = arith.constant 0 : i32
    %dma_start3A_86 = tpu.memref_slice %arg7[%dma_start3A, %dma_start3A_84, %dma_start3A_85] : memref<4x80x128xf32, #tpu.memory_space<vmem>> -> memref<1x80x128xf32, #tpu.memory_space<vmem>>
    %dma_start3A_87 = tpu.memref_squeeze %dma_start3A_86 : memref<1x80x128xf32, #tpu.memory_space<vmem>> -> memref<80x128xf32, #tpu.memory_space<vmem>>
    %dma_start3A_88 = arith.constant 0 : i32
    %dma_start3A_89 = tpu.memref_slice %arg2[%add3A_74, %dma_start3A_88] : memref<320000x128xf32, #tpu.memory_space<hbm>> -> memref<80x128xf32, #tpu.memory_space<hbm>>
    tpu.enqueue_dma source(%dma_start3A_89 : memref<80x128xf32, #tpu.memory_space<hbm>>) target(%dma_start3A_87 : memref<80x128xf32, #tpu.memory_space<vmem>>) target_semaphore(%dma_start3A_83 : memref<!tpu.dma_semaphore, #tpu.memory_space<semaphore_mem>>)
    %dma_start3A_90 = arith.constant 0 : i32
    %dma_start3A_91 = arith.constant 0 : i32
    %dma_start3A_92 = arith.constant 0 : i32
    %dma_start3A_93 = tpu.memref_slice %arg8[%dma_start3A_90, %dma_start3A_92] : memref<4x80xi32, #tpu.memory_space<vmem>> -> memref<1x80xi32, #tpu.memory_space<vmem>>
    %dma_start3A_94 = tpu.memref_squeeze %dma_start3A_93 : memref<1x80xi32, #tpu.memory_space<vmem>> -> memref<80xi32, #tpu.memory_space<vmem>>
    %dma_start3A_95 = tpu.memref_slice %arg4[%add3A_74] : memref<320000xi32, #tpu.memory_space<hbm>> -> memref<80xi32, #tpu.memory_space<hbm>>
    %dma_start3A_96 = tpu.memref_slice %arg12[%dma_start3A_91] : memref<4x!tpu.dma_semaphore, #tpu.memory_space<semaphore_mem>> -> memref<1x!tpu.dma_semaphore, #tpu.memory_space<semaphore_mem>>
    %dma_start3A_97 = tpu.memref_squeeze %dma_start3A_96 : memref<1x!tpu.dma_semaphore, #tpu.memory_space<semaphore_mem>> -> memref<!tpu.dma_semaphore, #tpu.memory_space<semaphore_mem>>
    %dma_start3A_98 = arith.constant 0 : i32
    %dma_start3A_99 = tpu.memref_slice %arg8[%dma_start3A_90, %dma_start3A_98] : memref<4x80xi32, #tpu.memory_space<vmem>> -> memref<1x80xi32, #tpu.memory_space<vmem>>
    %dma_start3A_100 = tpu.memref_squeeze %dma_start3A_99 : memref<1x80xi32, #tpu.memory_space<vmem>> -> memref<80xi32, #tpu.memory_space<vmem>>
    %dma_start3A_101 = tpu.memref_slice %arg4[%add3A_74] : memref<320000xi32, #tpu.memory_space<hbm>> -> memref<80xi32, #tpu.memory_space<hbm>>
    tpu.enqueue_dma source(%dma_start3A_101 : memref<80xi32, #tpu.memory_space<hbm>>) target(%dma_start3A_100 : memref<80xi32, #tpu.memory_space<vmem>>) target_semaphore(%dma_start3A_97 : memref<!tpu.dma_semaphore, #tpu.memory_space<semaphore_mem>>)
    %add3A_102 = arith.constant 80 : i32
    %add3A_103 = arith.addi %mul3A_2, %add3A_102 : i32
    %dma_start3A_104 = arith.constant 1 : i32
    %dma_start3A_105 = arith.constant 1 : i32
    %dma_start3A_106 = arith.constant 0 : i32
    %dma_start3A_107 = arith.constant 0 : i32
    %dma_start3A_108 = tpu.memref_slice %arg7[%dma_start3A_104, %dma_start3A_106, %dma_start3A_107] : memref<4x80x128xf32, #tpu.memory_space<vmem>> -> memref<1x80x128xf32, #tpu.memory_space<vmem>>
    %dma_start3A_109 = tpu.memref_squeeze %dma_start3A_108 : memref<1x80x128xf32, #tpu.memory_space<vmem>> -> memref<80x128xf32, #tpu.memory_space<vmem>>
    %dma_start3A_110 = arith.constant 0 : i32
    %dma_start3A_111 = tpu.memref_slice %arg2[%add3A_103, %dma_start3A_110] : memref<320000x128xf32, #tpu.memory_space<hbm>> -> memref<80x128xf32, #tpu.memory_space<hbm>>
    %dma_start3A_112 = tpu.memref_slice %arg11[%dma_start3A_105] : memref<4x!tpu.dma_semaphore, #tpu.memory_space<semaphore_mem>> -> memref<1x!tpu.dma_semaphore, #tpu.memory_space<semaphore_mem>>
    %dma_start3A_113 = tpu.memref_squeeze %dma_start3A_112 : memref<1x!tpu.dma_semaphore, #tpu.memory_space<semaphore_mem>> -> memref<!tpu.dma_semaphore, #tpu.memory_space<semaphore_mem>>
    %dma_start3A_114 = arith.constant 0 : i32
    %dma_start3A_115 = arith.constant 0 : i32
    %dma_start3A_116 = tpu.memref_slice %arg7[%dma_start3A_104, %dma_start3A_114, %dma_start3A_115] : memref<4x80x128xf32, #tpu.memory_space<vmem>> -> memref<1x80x128xf32, #tpu.memory_space<vmem>>
    %dma_start3A_117 = tpu.memref_squeeze %dma_start3A_116 : memref<1x80x128xf32, #tpu.memory_space<vmem>> -> memref<80x128xf32, #tpu.memory_space<vmem>>
    %dma_start3A_118 = arith.constant 0 : i32
    %dma_start3A_119 = tpu.memref_slice %arg2[%add3A_103, %dma_start3A_118] : memref<320000x128xf32, #tpu.memory_space<hbm>> -> memref<80x128xf32, #tpu.memory_space<hbm>>
    tpu.enqueue_dma source(%dma_start3A_119 : memref<80x128xf32, #tpu.memory_space<hbm>>) target(%dma_start3A_117 : memref<80x128xf32, #tpu.memory_space<vmem>>) target_semaphore(%dma_start3A_113 : memref<!tpu.dma_semaphore, #tpu.memory_space<semaphore_mem>>)
    %dma_start3A_120 = arith.constant 1 : i32
    %dma_start3A_121 = arith.constant 1 : i32
    %dma_start3A_122 = arith.constant 0 : i32
    %dma_start3A_123 = tpu.memref_slice %arg8[%dma_start3A_120, %dma_start3A_122] : memref<4x80xi32, #tpu.memory_space<vmem>> -> memref<1x80xi32, #tpu.memory_space<vmem>>
    %dma_start3A_124 = tpu.memref_squeeze %dma_start3A_123 : memref<1x80xi32, #tpu.memory_space<vmem>> -> memref<80xi32, #tpu.memory_space<vmem>>
    %dma_start3A_125 = tpu.memref_slice %arg4[%add3A_103] : memref<320000xi32, #tpu.memory_space<hbm>> -> memref<80xi32, #tpu.memory_space<hbm>>
    %dma_start3A_126 = tpu.memref_slice %arg12[%dma_start3A_121] : memref<4x!tpu.dma_semaphore, #tpu.memory_space<semaphore_mem>> -> memref<1x!tpu.dma_semaphore, #tpu.memory_space<semaphore_mem>>
    %dma_start3A_127 = tpu.memref_squeeze %dma_start3A_126 : memref<1x!tpu.dma_semaphore, #tpu.memory_space<semaphore_mem>> -> memref<!tpu.dma_semaphore, #tpu.memory_space<semaphore_mem>>
    %dma_start3A_128 = arith.constant 0 : i32
    %dma_start3A_129 = tpu.memref_slice %arg8[%dma_start3A_120, %dma_start3A_128] : memref<4x80xi32, #tpu.memory_space<vmem>> -> memref<1x80xi32, #tpu.memory_space<vmem>>
    %dma_start3A_130 = tpu.memref_squeeze %dma_start3A_129 : memref<1x80xi32, #tpu.memory_space<vmem>> -> memref<80xi32, #tpu.memory_space<vmem>>
    %dma_start3A_131 = tpu.memref_slice %arg4[%add3A_103] : memref<320000xi32, #tpu.memory_space<hbm>> -> memref<80xi32, #tpu.memory_space<hbm>>
    tpu.enqueue_dma source(%dma_start3A_131 : memref<80xi32, #tpu.memory_space<hbm>>) target(%dma_start3A_130 : memref<80xi32, #tpu.memory_space<vmem>>) target_semaphore(%dma_start3A_127 : memref<!tpu.dma_semaphore, #tpu.memory_space<semaphore_mem>>)
    %add3A_132 = arith.constant 160 : i32
    %add3A_133 = arith.addi %mul3A_2, %add3A_132 : i32
    %dma_start3A_134 = arith.constant 2 : i32
    %dma_start3A_135 = arith.constant 2 : i32
    %dma_start3A_136 = arith.constant 0 : i32
    %dma_start3A_137 = arith.constant 0 : i32
    %dma_start3A_138 = tpu.memref_slice %arg7[%dma_start3A_134, %dma_start3A_136, %dma_start3A_137] : memref<4x80x128xf32, #tpu.memory_space<vmem>> -> memref<1x80x128xf32, #tpu.memory_space<vmem>>
    %dma_start3A_139 = tpu.memref_squeeze %dma_start3A_138 : memref<1x80x128xf32, #tpu.memory_space<vmem>> -> memref<80x128xf32, #tpu.memory_space<vmem>>
    %dma_start3A_140 = arith.constant 0 : i32
    %dma_start3A_141 = tpu.memref_slice %arg2[%add3A_133, %dma_start3A_140] : memref<320000x128xf32, #tpu.memory_space<hbm>> -> memref<80x128xf32, #tpu.memory_space<hbm>>
    %dma_start3A_142 = tpu.memref_slice %arg11[%dma_start3A_135] : memref<4x!tpu.dma_semaphore, #tpu.memory_space<semaphore_mem>> -> memref<1x!tpu.dma_semaphore, #tpu.memory_space<semaphore_mem>>
    %dma_start3A_143 = tpu.memref_squeeze %dma_start3A_142 : memref<1x!tpu.dma_semaphore, #tpu.memory_space<semaphore_mem>> -> memref<!tpu.dma_semaphore, #tpu.memory_space<semaphore_mem>>
    %dma_start3A_144 = arith.constant 0 : i32
    %dma_start3A_145 = arith.constant 0 : i32
    %dma_start3A_146 = tpu.memref_slice %arg7[%dma_start3A_134, %dma_start3A_144, %dma_start3A_145] : memref<4x80x128xf32, #tpu.memory_space<vmem>> -> memref<1x80x128xf32, #tpu.memory_space<vmem>>
    %dma_start3A_147 = tpu.memref_squeeze %dma_start3A_146 : memref<1x80x128xf32, #tpu.memory_space<vmem>> -> memref<80x128xf32, #tpu.memory_space<vmem>>
    %dma_start3A_148 = arith.constant 0 : i32
    %dma_start3A_149 = tpu.memref_slice %arg2[%add3A_133, %dma_start3A_148] : memref<320000x128xf32, #tpu.memory_space<hbm>> -> memref<80x128xf32, #tpu.memory_space<hbm>>
    tpu.enqueue_dma source(%dma_start3A_149 : memref<80x128xf32, #tpu.memory_space<hbm>>) target(%dma_start3A_147 : memref<80x128xf32, #tpu.memory_space<vmem>>) target_semaphore(%dma_start3A_143 : memref<!tpu.dma_semaphore, #tpu.memory_space<semaphore_mem>>)
    %dma_start3A_150 = arith.constant 2 : i32
    %dma_start3A_151 = arith.constant 2 : i32
    %dma_start3A_152 = arith.constant 0 : i32
    %dma_start3A_153 = tpu.memref_slice %arg8[%dma_start3A_150, %dma_start3A_152] : memref<4x80xi32, #tpu.memory_space<vmem>> -> memref<1x80xi32, #tpu.memory_space<vmem>>
    %dma_start3A_154 = tpu.memref_squeeze %dma_start3A_153 : memref<1x80xi32, #tpu.memory_space<vmem>> -> memref<80xi32, #tpu.memory_space<vmem>>
    %dma_start3A_155 = tpu.memref_slice %arg4[%add3A_133] : memref<320000xi32, #tpu.memory_space<hbm>> -> memref<80xi32, #tpu.memory_space<hbm>>
    %dma_start3A_156 = tpu.memref_slice %arg12[%dma_start3A_151] : memref<4x!tpu.dma_semaphore, #tpu.memory_space<semaphore_mem>> -> memref<1x!tpu.dma_semaphore, #tpu.memory_space<semaphore_mem>>
    %dma_start3A_157 = tpu.memref_squeeze %dma_start3A_156 : memref<1x!tpu.dma_semaphore, #tpu.memory_space<semaphore_mem>> -> memref<!tpu.dma_semaphore, #tpu.memory_space<semaphore_mem>>
    %dma_start3A_158 = arith.constant 0 : i32
    %dma_start3A_159 = tpu.memref_slice %arg8[%dma_start3A_150, %dma_start3A_158] : memref<4x80xi32, #tpu.memory_space<vmem>> -> memref<1x80xi32, #tpu.memory_space<vmem>>
    %dma_start3A_160 = tpu.memref_squeeze %dma_start3A_159 : memref<1x80xi32, #tpu.memory_space<vmem>> -> memref<80xi32, #tpu.memory_space<vmem>>
    %dma_start3A_161 = tpu.memref_slice %arg4[%add3A_133] : memref<320000xi32, #tpu.memory_space<hbm>> -> memref<80xi32, #tpu.memory_space<hbm>>
    tpu.enqueue_dma source(%dma_start3A_161 : memref<80xi32, #tpu.memory_space<hbm>>) target(%dma_start3A_160 : memref<80xi32, #tpu.memory_space<vmem>>) target_semaphore(%dma_start3A_157 : memref<!tpu.dma_semaphore, #tpu.memory_space<semaphore_mem>>)
    %scan3A_162 = arith.constant 0 : i32
    %scan3A_163 = arith.constant 0 : i32
    %scan3A_164 = arith.constant 31 : i32
    %scan3A_165 = arith.addi %scan3A_163, %scan3A_164 : i32
    %scan3A_166 = arith.constant 1 : i32
    %scan3A_167 = scf.for %scan3A_323 = %scan3A_163 to %scan3A_165 step %scan3A_166 iter_args(%scan3A_324 = %scan3A_162) -> (i32)  : i32 {
      %mul3A_325 = arith.constant 4 : i32
      %mul3A_326 = arith.muli %scan3A_323, %mul3A_325 : i32
      %add3A_327 = arith.constant 0 : i32
      %add3A_328 = arith.addi %mul3A_326, %add3A_327 : i32
      %mul3A_329 = arith.constant 80 : i32
      %mul3A_330 = arith.muli %add3A_328, %mul3A_329 : i32
      %add3A_331 = arith.addi %mul3A_2, %mul3A_330 : i32
      %dma_wait3A_332 = arith.constant 0 : i32
      %dma_wait3A_333 = arith.constant 0 : i32
      %dma_wait3A_334 = arith.constant 0 : i32
      %dma_wait3A_335 = arith.constant 0 : i32
      %dma_wait3A_336 = tpu.memref_slice %arg7[%dma_wait3A_332, %dma_wait3A_334, %dma_wait3A_335] : memref<4x80x128xf32, #tpu.memory_space<vmem>> -> memref<1x80x128xf32, #tpu.memory_space<vmem>>
      %dma_wait3A_337 = tpu.memref_squeeze %dma_wait3A_336 : memref<1x80x128xf32, #tpu.memory_space<vmem>> -> memref<80x128xf32, #tpu.memory_space<vmem>>
      %dma_wait3A_338 = arith.constant 0 : i32
      %dma_wait3A_339 = tpu.memref_slice %arg2[%add3A_331, %dma_wait3A_338] : memref<320000x128xf32, #tpu.memory_space<hbm>> -> memref<80x128xf32, #tpu.memory_space<hbm>>
      %dma_wait3A_340 = tpu.memref_slice %arg11[%dma_wait3A_333] : memref<4x!tpu.dma_semaphore, #tpu.memory_space<semaphore_mem>> -> memref<1x!tpu.dma_semaphore, #tpu.memory_space<semaphore_mem>>
      %dma_wait3A_341 = tpu.memref_squeeze %dma_wait3A_340 : memref<1x!tpu.dma_semaphore, #tpu.memory_space<semaphore_mem>> -> memref<!tpu.dma_semaphore, #tpu.memory_space<semaphore_mem>>
      %dma_wait3A_342 = arith.constant 0 : i32
      %dma_wait3A_343 = arith.constant 0 : i32
      %dma_wait3A_344 = tpu.memref_slice %arg7[%dma_wait3A_332, %dma_wait3A_342, %dma_wait3A_343] : memref<4x80x128xf32, #tpu.memory_space<vmem>> -> memref<1x80x128xf32, #tpu.memory_space<vmem>>
      %dma_wait3A_345 = tpu.memref_squeeze %dma_wait3A_344 : memref<1x80x128xf32, #tpu.memory_space<vmem>> -> memref<80x128xf32, #tpu.memory_space<vmem>>
      %dma_wait3A_346 = arith.constant 0 : i32
      %dma_wait3A_347 = tpu.memref_slice %arg2[%add3A_331, %dma_wait3A_346] : memref<320000x128xf32, #tpu.memory_space<hbm>> -> memref<80x128xf32, #tpu.memory_space<hbm>>
      tpu.wait_dma2 semaphore(%dma_wait3A_341 : memref<!tpu.dma_semaphore, #tpu.memory_space<semaphore_mem>>) src(%dma_wait3A_347 : memref<80x128xf32, #tpu.memory_space<hbm>>) dst(%dma_wait3A_345 : memref<80x128xf32, #tpu.memory_space<vmem>>)
      %dma_wait3A_348 = arith.constant 0 : i32
      %dma_wait3A_349 = arith.constant 0 : i32
      %dma_wait3A_350 = arith.constant 0 : i32
      %dma_wait3A_351 = tpu.memref_slice %arg8[%dma_wait3A_348, %dma_wait3A_350] : memref<4x80xi32, #tpu.memory_space<vmem>> -> memref<1x80xi32, #tpu.memory_space<vmem>>
      %dma_wait3A_352 = tpu.memref_squeeze %dma_wait3A_351 : memref<1x80xi32, #tpu.memory_space<vmem>> -> memref<80xi32, #tpu.memory_space<vmem>>
      %dma_wait3A_353 = tpu.memref_slice %arg4[%add3A_331] : memref<320000xi32, #tpu.memory_space<hbm>> -> memref<80xi32, #tpu.memory_space<hbm>>
      %dma_wait3A_354 = tpu.memref_slice %arg12[%dma_wait3A_349] : memref<4x!tpu.dma_semaphore, #tpu.memory_space<semaphore_mem>> -> memref<1x!tpu.dma_semaphore, #tpu.memory_space<semaphore_mem>>
      %dma_wait3A_355 = tpu.memref_squeeze %dma_wait3A_354 : memref<1x!tpu.dma_semaphore, #tpu.memory_space<semaphore_mem>> -> memref<!tpu.dma_semaphore, #tpu.memory_space<semaphore_mem>>
      %dma_wait3A_356 = arith.constant 0 : i32
      %dma_wait3A_357 = tpu.memref_slice %arg8[%dma_wait3A_348, %dma_wait3A_356] : memref<4x80xi32, #tpu.memory_space<vmem>> -> memref<1x80xi32, #tpu.memory_space<vmem>>
      %dma_wait3A_358 = tpu.memref_squeeze %dma_wait3A_357 : memref<1x80xi32, #tpu.memory_space<vmem>> -> memref<80xi32, #tpu.memory_space<vmem>>
      %dma_wait3A_359 = tpu.memref_slice %arg4[%add3A_331] : memref<320000xi32, #tpu.memory_space<hbm>> -> memref<80xi32, #tpu.memory_space<hbm>>
      tpu.wait_dma2 semaphore(%dma_wait3A_355 : memref<!tpu.dma_semaphore, #tpu.memory_space<semaphore_mem>>) src(%dma_wait3A_359 : memref<80xi32, #tpu.memory_space<hbm>>) dst(%dma_wait3A_358 : memref<80xi32, #tpu.memory_space<vmem>>)
      %add3A_360 = arith.constant 4 : i32
      %add3A_361 = arith.addi %add3A_328, %add3A_360 : i32
      %sub3A = arith.constant 1 : i32
      %sub3A_362 = arith.subi %add3A_361, %sub3A : i32
      %gt3A = arith.constant 0 : i32
      %gt3A_363 = arith.cmpi sgt, %scan3A_323, %gt3A : i32
      %convert_element_type3A = arith.extui %gt3A_363 : i1 to i32
      %cond3A = arith.constant 0 : i32
      %cond3A_364 = arith.cmpi ne, %convert_element_type3A, %cond3A : i32
      scf.if %cond3A_364 {
        %dma_wait3A_817 = arith.constant 3 : i32
        %dma_wait3A_818 = arith.constant 3 : i32
        %dma_wait3A_819 = arith.constant 3 : i32
        %dma_wait3A_820 = arith.constant 0 : i32
        %dma_wait3A_821 = arith.constant 0 : i32
        %dma_wait3A_822 = tpu.memref_slice %arg7[%dma_wait3A_817, %dma_wait3A_820, %dma_wait3A_821] : memref<4x80x128xf32, #tpu.memory_space<vmem>> -> memref<1x80x128xf32, #tpu.memory_space<vmem>>
        %dma_wait3A_823 = tpu.memref_squeeze %dma_wait3A_822 : memref<1x80x128xf32, #tpu.memory_space<vmem>> -> memref<80x128xf32, #tpu.memory_space<vmem>>
        %dma_wait3A_824 = arith.constant 0 : i32
        %dma_wait3A_825 = tpu.memref_slice %arg8[%dma_wait3A_818, %dma_wait3A_824] : memref<4x80xi32, #tpu.memory_space<vmem>> -> memref<1x80xi32, #tpu.memory_space<vmem>>
        %dma_wait3A_826 = tpu.memref_squeeze %dma_wait3A_825 : memref<1x80xi32, #tpu.memory_space<vmem>> -> memref<80xi32, #tpu.memory_space<vmem>>
        %dma_wait3A_827 = arith.constant 0 : i32
        %dma_wait3A_828 = arith.constant 0 : i32
        %dma_wait3A_829 = tpu.memref_slice %arg6[%dma_wait3A_827, %dma_wait3A_828] : memref<10000x128xf32, #tpu.memory_space<vmem_shared>> -> memref<10000x128xf32, #tpu.memory_space<vmem_shared>>
        %dma_wait3A_830 = tpu.memref_slice %arg13[%dma_wait3A_819] : memref<4x!tpu.dma_semaphore, #tpu.memory_space<semaphore_mem>> -> memref<1x!tpu.dma_semaphore, #tpu.memory_space<semaphore_mem>>
        %dma_wait3A_831 = tpu.memref_squeeze %dma_wait3A_830 : memref<1x!tpu.dma_semaphore, #tpu.memory_space<semaphore_mem>> -> memref<!tpu.dma_semaphore, #tpu.memory_space<semaphore_mem>>
        tpu.wait_indirect_dma semaphore(%dma_wait3A_831 : memref<!tpu.dma_semaphore, #tpu.memory_space<semaphore_mem>>) src(%dma_wait3A_823 : memref<80x128xf32, #tpu.memory_space<vmem>>) dst(%dma_wait3A_829 : memref<10000x128xf32, #tpu.memory_space<vmem_shared>>)
      } else {
      }
      %mul3A_365 = arith.constant 80 : i32
      %mul3A_366 = arith.muli %sub3A_362, %mul3A_365 : i32
      %add3A_367 = arith.addi %mul3A_2, %mul3A_366 : i32
      %dma_start3A_368 = arith.constant 3 : i32
      %dma_start3A_369 = arith.constant 3 : i32
      %dma_start3A_370 = arith.constant 0 : i32
      %dma_start3A_371 = arith.constant 0 : i32
      %dma_start3A_372 = tpu.memref_slice %arg7[%dma_start3A_368, %dma_start3A_370, %dma_start3A_371] : memref<4x80x128xf32, #tpu.memory_space<vmem>> -> memref<1x80x128xf32, #tpu.memory_space<vmem>>
      %dma_start3A_373 = tpu.memref_squeeze %dma_start3A_372 : memref<1x80x128xf32, #tpu.memory_space<vmem>> -> memref<80x128xf32, #tpu.memory_space<vmem>>
      %dma_start3A_374 = arith.constant 0 : i32
      %dma_start3A_375 = tpu.memref_slice %arg2[%add3A_367, %dma_start3A_374] : memref<320000x128xf32, #tpu.memory_space<hbm>> -> memref<80x128xf32, #tpu.memory_space<hbm>>
      %dma_start3A_376 = tpu.memref_slice %arg11[%dma_start3A_369] : memref<4x!tpu.dma_semaphore, #tpu.memory_space<semaphore_mem>> -> memref<1x!tpu.dma_semaphore, #tpu.memory_space<semaphore_mem>>
      %dma_start3A_377 = tpu.memref_squeeze %dma_start3A_376 : memref<1x!tpu.dma_semaphore, #tpu.memory_space<semaphore_mem>> -> memref<!tpu.dma_semaphore, #tpu.memory_space<semaphore_mem>>
      %dma_start3A_378 = arith.constant 0 : i32
      %dma_start3A_379 = arith.constant 0 : i32
      %dma_start3A_380 = tpu.memref_slice %arg7[%dma_start3A_368, %dma_start3A_378, %dma_start3A_379] : memref<4x80x128xf32, #tpu.memory_space<vmem>> -> memref<1x80x128xf32, #tpu.memory_space<vmem>>
      %dma_start3A_381 = tpu.memref_squeeze %dma_start3A_380 : memref<1x80x128xf32, #tpu.memory_space<vmem>> -> memref<80x128xf32, #tpu.memory_space<vmem>>
      %dma_start3A_382 = arith.constant 0 : i32
      %dma_start3A_383 = tpu.memref_slice %arg2[%add3A_367, %dma_start3A_382] : memref<320000x128xf32, #tpu.memory_space<hbm>> -> memref<80x128xf32, #tpu.memory_space<hbm>>
      tpu.enqueue_dma source(%dma_start3A_383 : memref<80x128xf32, #tpu.memory_space<hbm>>) target(%dma_start3A_381 : memref<80x128xf32, #tpu.memory_space<vmem>>) target_semaphore(%dma_start3A_377 : memref<!tpu.dma_semaphore, #tpu.memory_space<semaphore_mem>>)
      %dma_start3A_384 = arith.constant 3 : i32
      %dma_start3A_385 = arith.constant 3 : i32
      %dma_start3A_386 = arith.constant 0 : i32
      %dma_start3A_387 = tpu.memref_slice %arg8[%dma_start3A_384, %dma_start3A_386] : memref<4x80xi32, #tpu.memory_space<vmem>> -> memref<1x80xi32, #tpu.memory_space<vmem>>
      %dma_start3A_388 = tpu.memref_squeeze %dma_start3A_387 : memref<1x80xi32, #tpu.memory_space<vmem>> -> memref<80xi32, #tpu.memory_space<vmem>>
      %dma_start3A_389 = tpu.memref_slice %arg4[%add3A_367] : memref<320000xi32, #tpu.memory_space<hbm>> -> memref<80xi32, #tpu.memory_space<hbm>>
      %dma_start3A_390 = tpu.memref_slice %arg12[%dma_start3A_385] : memref<4x!tpu.dma_semaphore, #tpu.memory_space<semaphore_mem>> -> memref<1x!tpu.dma_semaphore, #tpu.memory_space<semaphore_mem>>
      %dma_start3A_391 = tpu.memref_squeeze %dma_start3A_390 : memref<1x!tpu.dma_semaphore, #tpu.memory_space<semaphore_mem>> -> memref<!tpu.dma_semaphore, #tpu.memory_space<semaphore_mem>>
      %dma_start3A_392 = arith.constant 0 : i32
      %dma_start3A_393 = tpu.memref_slice %arg8[%dma_start3A_384, %dma_start3A_392] : memref<4x80xi32, #tpu.memory_space<vmem>> -> memref<1x80xi32, #tpu.memory_space<vmem>>
      %dma_start3A_394 = tpu.memref_squeeze %dma_start3A_393 : memref<1x80xi32, #tpu.memory_space<vmem>> -> memref<80xi32, #tpu.memory_space<vmem>>
      %dma_start3A_395 = tpu.memref_slice %arg4[%add3A_367] : memref<320000xi32, #tpu.memory_space<hbm>> -> memref<80xi32, #tpu.memory_space<hbm>>
      tpu.enqueue_dma source(%dma_start3A_395 : memref<80xi32, #tpu.memory_space<hbm>>) target(%dma_start3A_394 : memref<80xi32, #tpu.memory_space<vmem>>) target_semaphore(%dma_start3A_391 : memref<!tpu.dma_semaphore, #tpu.memory_space<semaphore_mem>>)
      %get3A_396 = arith.constant 0 : index
      %get3A_397 = tpu.vector_load %arg10[%get3A_396] {strides = array<i32>} : memref<144xf32, #tpu.memory_space<vmem>>, vector<16xf32>,
      %get3A_398 = vector.shape_cast %get3A_397 : vector<16xf32> to vector<16xf32>
      %get3A_399 = arith.constant 16 : index
      %get3A_400 = tpu.vector_load %arg10[%get3A_399] {strides = array<i32>} : memref<144xf32, #tpu.memory_space<vmem>>, vector<16xf32>,
      %get3A_401 = vector.shape_cast %get3A_400 : vector<16xf32> to vector<16xf32>
      %get3A_402 = arith.constant 32 : index
      %get3A_403 = tpu.vector_load %arg10[%get3A_402] {strides = array<i32>} : memref<144xf32, #tpu.memory_space<vmem>>, vector<16xf32>,
      %get3A_404 = vector.shape_cast %get3A_403 : vector<16xf32> to vector<16xf32>
      %get3A_405 = arith.constant 48 : index
      %get3A_406 = tpu.vector_load %arg10[%get3A_405] {strides = array<i32>} : memref<144xf32, #tpu.memory_space<vmem>>, vector<16xf32>,
      %get3A_407 = vector.shape_cast %get3A_406 : vector<16xf32> to vector<16xf32>
      %get3A_408 = arith.constant 64 : index
      %get3A_409 = tpu.vector_load %arg10[%get3A_408] {strides = array<i32>} : memref<144xf32, #tpu.memory_space<vmem>>, vector<16xf32>,
      %get3A_410 = vector.shape_cast %get3A_409 : vector<16xf32> to vector<16xf32>
      %get3A_411 = arith.constant 80 : index
      %get3A_412 = tpu.vector_load %arg10[%get3A_411] {strides = array<i32>} : memref<144xf32, #tpu.memory_space<vmem>>, vector<16xf32>,
      %get3A_413 = vector.shape_cast %get3A_412 : vector<16xf32> to vector<16xf32>
      %get3A_414 = arith.constant 96 : index
      %get3A_415 = tpu.vector_load %arg10[%get3A_414] {strides = array<i32>} : memref<144xf32, #tpu.memory_space<vmem>>, vector<16xf32>,
      %get3A_416 = vector.shape_cast %get3A_415 : vector<16xf32> to vector<16xf32>
      %get3A_417 = arith.constant 112 : index
      %get3A_418 = tpu.vector_load %arg10[%get3A_417] {strides = array<i32>} : memref<144xf32, #tpu.memory_space<vmem>>, vector<16xf32>,
      %get3A_419 = vector.shape_cast %get3A_418 : vector<16xf32> to vector<16xf32>
      %get3A_420 = arith.constant 128 : index
      %get3A_421 = tpu.vector_load %arg10[%get3A_420] {strides = array<i32>} : memref<144xf32, #tpu.memory_space<vmem>>, vector<16xf32>,
      %get3A_422 = vector.shape_cast %get3A_421 : vector<16xf32> to vector<16xf32>
      %iota3A_423 = tpu.iota {dimensions = array<i32: 0>} : vector<16xi32>
      %xor3A_424 = arith.constant 8 : i32
      %xor3A_425 = vector.broadcast %xor3A_424 : i32 to vector<16xi32>
      %xor3A_426 = arith.xori %iota3A_423, %xor3A_425 : vector<16xi32>
      %reshape3A_427 = vector.shape_cast %xor3A_426 : vector<16xi32> to vector<16x1xi32>
      %xor3A_428 = arith.constant 4 : i32
      %xor3A_429 = vector.broadcast %xor3A_428 : i32 to vector<16xi32>
      %xor3A_430 = arith.xori %iota3A_423, %xor3A_429 : vector<16xi32>
      %reshape3A_431 = vector.shape_cast %xor3A_430 : vector<16xi32> to vector<16x1xi32>
      %xor3A_432 = arith.constant 2 : i32
      %xor3A_433 = vector.broadcast %xor3A_432 : i32 to vector<16xi32>
      %xor3A_434 = arith.xori %iota3A_423, %xor3A_433 : vector<16xi32>
      %reshape3A_435 = vector.shape_cast %xor3A_434 : vector<16xi32> to vector<16x1xi32>
      %xor3A_436 = arith.constant 1 : i32
      %xor3A_437 = vector.broadcast %xor3A_436 : i32 to vector<16xi32>
      %xor3A_438 = arith.xori %iota3A_423, %xor3A_437 : vector<16xi32>
      %reshape3A_439 = vector.shape_cast %xor3A_438 : vector<16xi32> to vector<16x1xi32>
      %parallel_loop3A_440 = arith.constant 0 : i32
      %parallel_loop3A_441 = arith.constant 80 : i32
      %parallel_loop3A_442 = arith.constant 1 : i32
      scf.for %parallel_loop3A_817 = %parallel_loop3A_440 to %parallel_loop3A_441 step %parallel_loop3A_442  : i32 {
        %parallel_loop3A_818 = arith.constant 0 : i32
        %parallel_loop3A_819 = arith.index_cast %parallel_loop3A_818 : i32 to index
        %parallel_loop3A_820 = arith.index_cast %parallel_loop3A_817 : i32 to index
        %parallel_loop3A_821 = arith.constant 0 : index
        %parallel_loop3A_822 = tpu.vector_load %arg7[%parallel_loop3A_819, %parallel_loop3A_820, %parallel_loop3A_821] {strides = array<i32>} : memref<4x80x128xf32, #tpu.memory_space<vmem>>, vector<1x1x16xf32>,
        %parallel_loop3A_823 = vector.shape_cast %parallel_loop3A_822 : vector<1x1x16xf32> to vector<16xf32>
        %parallel_loop3A_824 = arith.constant 0 : i32
        %parallel_loop3A_825 = arith.index_cast %parallel_loop3A_824 : i32 to index
        %parallel_loop3A_826 = arith.index_cast %parallel_loop3A_817 : i32 to index
        %parallel_loop3A_827 = arith.constant 16 : index
        %parallel_loop3A_828 = tpu.vector_load %arg7[%parallel_loop3A_825, %parallel_loop3A_826, %parallel_loop3A_827] {strides = array<i32>} : memref<4x80x128xf32, #tpu.memory_space<vmem>>, vector<1x1x16xf32>,
        %parallel_loop3A_829 = vector.shape_cast %parallel_loop3A_828 : vector<1x1x16xf32> to vector<16xf32>
        %parallel_loop3A_830 = arith.constant 0 : i32
        %parallel_loop3A_831 = arith.index_cast %parallel_loop3A_830 : i32 to index
        %parallel_loop3A_832 = arith.index_cast %parallel_loop3A_817 : i32 to index
        %parallel_loop3A_833 = arith.constant 32 : index
        %parallel_loop3A_834 = tpu.vector_load %arg7[%parallel_loop3A_831, %parallel_loop3A_832, %parallel_loop3A_833] {strides = array<i32>} : memref<4x80x128xf32, #tpu.memory_space<vmem>>, vector<1x1x16xf32>,
        %parallel_loop3A_835 = vector.shape_cast %parallel_loop3A_834 : vector<1x1x16xf32> to vector<16xf32>
        %parallel_loop3A_836 = arith.constant 0 : i32
        %parallel_loop3A_837 = arith.index_cast %parallel_loop3A_836 : i32 to index
        %parallel_loop3A_838 = arith.index_cast %parallel_loop3A_817 : i32 to index
        %parallel_loop3A_839 = arith.constant 48 : index
        %parallel_loop3A_840 = tpu.vector_load %arg7[%parallel_loop3A_837, %parallel_loop3A_838, %parallel_loop3A_839] {strides = array<i32>} : memref<4x80x128xf32, #tpu.memory_space<vmem>>, vector<1x1x16xf32>,
        %parallel_loop3A_841 = vector.shape_cast %parallel_loop3A_840 : vector<1x1x16xf32> to vector<16xf32>
        %parallel_loop3A_842 = arith.constant 0 : i32
        %parallel_loop3A_843 = arith.index_cast %parallel_loop3A_842 : i32 to index
        %parallel_loop3A_844 = arith.index_cast %parallel_loop3A_817 : i32 to index
        %parallel_loop3A_845 = arith.constant 64 : index
        %parallel_loop3A_846 = tpu.vector_load %arg7[%parallel_loop3A_843, %parallel_loop3A_844, %parallel_loop3A_845] {strides = array<i32>} : memref<4x80x128xf32, #tpu.memory_space<vmem>>, vector<1x1x16xf32>,
        %parallel_loop3A_847 = vector.shape_cast %parallel_loop3A_846 : vector<1x1x16xf32> to vector<16xf32>
        %parallel_loop3A_848 = arith.constant 0 : i32
        %parallel_loop3A_849 = arith.index_cast %parallel_loop3A_848 : i32 to index
        %parallel_loop3A_850 = arith.index_cast %parallel_loop3A_817 : i32 to index
        %parallel_loop3A_851 = arith.constant 80 : index
        %parallel_loop3A_852 = tpu.vector_load %arg7[%parallel_loop3A_849, %parallel_loop3A_850, %parallel_loop3A_851] {strides = array<i32>} : memref<4x80x128xf32, #tpu.memory_space<vmem>>, vector<1x1x16xf32>,
        %parallel_loop3A_853 = vector.shape_cast %parallel_loop3A_852 : vector<1x1x16xf32> to vector<16xf32>
        %parallel_loop3A_854 = arith.constant 0 : i32
        %parallel_loop3A_855 = arith.index_cast %parallel_loop3A_854 : i32 to index
        %parallel_loop3A_856 = arith.index_cast %parallel_loop3A_817 : i32 to index
        %parallel_loop3A_857 = arith.constant 96 : index
        %parallel_loop3A_858 = tpu.vector_load %arg7[%parallel_loop3A_855, %parallel_loop3A_856, %parallel_loop3A_857] {strides = array<i32>} : memref<4x80x128xf32, #tpu.memory_space<vmem>>, vector<1x1x16xf32>,
        %parallel_loop3A_859 = vector.shape_cast %parallel_loop3A_858 : vector<1x1x16xf32> to vector<16xf32>
        %parallel_loop3A_860 = arith.constant 0 : i32
        %parallel_loop3A_861 = arith.index_cast %parallel_loop3A_860 : i32 to index
        %parallel_loop3A_862 = arith.index_cast %parallel_loop3A_817 : i32 to index
        %parallel_loop3A_863 = arith.constant 112 : index
        %parallel_loop3A_864 = tpu.vector_load %arg7[%parallel_loop3A_861, %parallel_loop3A_862, %parallel_loop3A_863] {strides = array<i32>} : memref<4x80x128xf32, #tpu.memory_space<vmem>>, vector<1x1x16xf32>,
        %parallel_loop3A_865 = vector.shape_cast %parallel_loop3A_864 : vector<1x1x16xf32> to vector<16xf32>
        %parallel_loop3A_866 = arith.mulf %parallel_loop3A_823, %get3A_398 : vector<16xf32>
        %parallel_loop3A_867 = arith.mulf %parallel_loop3A_829, %get3A_401 : vector<16xf32>
        %parallel_loop3A_868 = arith.addf %parallel_loop3A_866, %parallel_loop3A_867 : vector<16xf32>
        %parallel_loop3A_869 = arith.mulf %parallel_loop3A_835, %get3A_404 : vector<16xf32>
        %parallel_loop3A_870 = arith.addf %parallel_loop3A_868, %parallel_loop3A_869 : vector<16xf32>
        %parallel_loop3A_871 = arith.mulf %parallel_loop3A_841, %get3A_407 : vector<16xf32>
        %parallel_loop3A_872 = arith.addf %parallel_loop3A_870, %parallel_loop3A_871 : vector<16xf32>
        %parallel_loop3A_873 = arith.mulf %parallel_loop3A_847, %get3A_410 : vector<16xf32>
        %parallel_loop3A_874 = arith.addf %parallel_loop3A_872, %parallel_loop3A_873 : vector<16xf32>
        %parallel_loop3A_875 = arith.mulf %parallel_loop3A_853, %get3A_413 : vector<16xf32>
        %parallel_loop3A_876 = arith.addf %parallel_loop3A_874, %parallel_loop3A_875 : vector<16xf32>
        %parallel_loop3A_877 = arith.mulf %parallel_loop3A_859, %get3A_416 : vector<16xf32>
        %parallel_loop3A_878 = arith.addf %parallel_loop3A_876, %parallel_loop3A_877 : vector<16xf32>
        %parallel_loop3A_879 = arith.mulf %parallel_loop3A_865, %get3A_419 : vector<16xf32>
        %parallel_loop3A_880 = arith.addf %parallel_loop3A_878, %parallel_loop3A_879 : vector<16xf32>
        %parallel_loop3A_881 = vector.shape_cast %reshape3A_427 : vector<16x1xi32> to vector<16xi32>
        %parallel_loop3A_882 = tpu.dynamic_gather %parallel_loop3A_880[%parallel_loop3A_881] in [0] : vector<16xf32>, vector<16xi32> -> vector<16xf32>
        %parallel_loop3A_883 = arith.addf %parallel_loop3A_880, %parallel_loop3A_882 : vector<16xf32>
        %parallel_loop3A_884 = vector.shape_cast %reshape3A_431 : vector<16x1xi32> to vector<16xi32>
        %parallel_loop3A_885 = tpu.dynamic_gather %parallel_loop3A_883[%parallel_loop3A_884] in [0] : vector<16xf32>, vector<16xi32> -> vector<16xf32>
        %parallel_loop3A_886 = arith.addf %parallel_loop3A_883, %parallel_loop3A_885 : vector<16xf32>
        %parallel_loop3A_887 = vector.shape_cast %reshape3A_435 : vector<16x1xi32> to vector<16xi32>
        %parallel_loop3A_888 = tpu.dynamic_gather %parallel_loop3A_886[%parallel_loop3A_887] in [0] : vector<16xf32>, vector<16xi32> -> vector<16xf32>
        %parallel_loop3A_889 = arith.addf %parallel_loop3A_886, %parallel_loop3A_888 : vector<16xf32>
        %parallel_loop3A_890 = vector.shape_cast %reshape3A_439 : vector<16x1xi32> to vector<16xi32>
        %parallel_loop3A_891 = tpu.dynamic_gather %parallel_loop3A_889[%parallel_loop3A_890] in [0] : vector<16xf32>, vector<16xi32> -> vector<16xf32>
        %parallel_loop3A_892 = arith.addf %parallel_loop3A_889, %parallel_loop3A_891 : vector<16xf32>
        %parallel_loop3A_893 = arith.addf %parallel_loop3A_892, %get3A_422 : vector<16xf32>
        %parallel_loop3A_894 = arith.constant 0.000000e+00 : f32
        %parallel_loop3A_895 = vector.broadcast %parallel_loop3A_894 : f32 to vector<16xf32>
        %parallel_loop3A_896 = arith.subf %parallel_loop3A_895, %parallel_loop3A_893 : vector<16xf32>
        %parallel_loop3A_897 = math.exp %parallel_loop3A_896 : vector<16xf32>
        %parallel_loop3A_898 = arith.constant 1.000000e+00 : f32
        %parallel_loop3A_899 = vector.broadcast %parallel_loop3A_898 : f32 to vector<16xf32>
        %parallel_loop3A_900 = arith.addf %parallel_loop3A_899, %parallel_loop3A_897 : vector<16xf32>
        %parallel_loop3A_901 = arith.constant 1.000000e+00 : f32
        %parallel_loop3A_902 = vector.broadcast %parallel_loop3A_901 : f32 to vector<16xf32>
        %parallel_loop3A_903 = arith.divf %parallel_loop3A_902, %parallel_loop3A_900 : vector<16xf32>
        %parallel_loop3A_904 = arith.mulf %parallel_loop3A_823, %parallel_loop3A_903 : vector<16xf32>
        %parallel_loop3A_905 = arith.constant 0 : i32
        %parallel_loop3A_906 = arith.index_cast %parallel_loop3A_905 : i32 to index
        %parallel_loop3A_907 = arith.index_cast %parallel_loop3A_817 : i32 to index
        %parallel_loop3A_908 = arith.constant 0 : index
        %parallel_loop3A_909 = tpu.vector_load %arg7[%parallel_loop3A_906, %parallel_loop3A_907, %parallel_loop3A_908] {strides = array<i32>} : memref<4x80x128xf32, #tpu.memory_space<vmem>>, vector<1x1x16xf32>,
        %parallel_loop3A_910 = vector.shape_cast %parallel_loop3A_909 : vector<1x1x16xf32> to vector<16xf32>
        %parallel_loop3A_911 = vector.shape_cast %parallel_loop3A_904 : vector<16xf32> to vector<1x1x16xf32>
        tpu.vector_store %arg7[%parallel_loop3A_906, %parallel_loop3A_907, %parallel_loop3A_908], %parallel_loop3A_911 {strides = array<i32>} : memref<4x80x128xf32, #tpu.memory_space<vmem>>, vector<1x1x16xf32>,
        %parallel_loop3A_912 = arith.mulf %parallel_loop3A_829, %parallel_loop3A_903 : vector<16xf32>
        %parallel_loop3A_913 = arith.constant 0 : i32
        %parallel_loop3A_914 = arith.index_cast %parallel_loop3A_913 : i32 to index
        %parallel_loop3A_915 = arith.index_cast %parallel_loop3A_817 : i32 to index
        %parallel_loop3A_916 = arith.constant 16 : index
        %parallel_loop3A_917 = tpu.vector_load %arg7[%parallel_loop3A_914, %parallel_loop3A_915, %parallel_loop3A_916] {strides = array<i32>} : memref<4x80x128xf32, #tpu.memory_space<vmem>>, vector<1x1x16xf32>,
        %parallel_loop3A_918 = vector.shape_cast %parallel_loop3A_917 : vector<1x1x16xf32> to vector<16xf32>
        %parallel_loop3A_919 = vector.shape_cast %parallel_loop3A_912 : vector<16xf32> to vector<1x1x16xf32>
        tpu.vector_store %arg7[%parallel_loop3A_914, %parallel_loop3A_915, %parallel_loop3A_916], %parallel_loop3A_919 {strides = array<i32>} : memref<4x80x128xf32, #tpu.memory_space<vmem>>, vector<1x1x16xf32>,
        %parallel_loop3A_920 = arith.mulf %parallel_loop3A_835, %parallel_loop3A_903 : vector<16xf32>
        %parallel_loop3A_921 = arith.constant 0 : i32
        %parallel_loop3A_922 = arith.index_cast %parallel_loop3A_921 : i32 to index
        %parallel_loop3A_923 = arith.index_cast %parallel_loop3A_817 : i32 to index
        %parallel_loop3A_924 = arith.constant 32 : index
        %parallel_loop3A_925 = tpu.vector_load %arg7[%parallel_loop3A_922, %parallel_loop3A_923, %parallel_loop3A_924] {strides = array<i32>} : memref<4x80x128xf32, #tpu.memory_space<vmem>>, vector<1x1x16xf32>,
        %parallel_loop3A_926 = vector.shape_cast %parallel_loop3A_925 : vector<1x1x16xf32> to vector<16xf32>
        %parallel_loop3A_927 = vector.shape_cast %parallel_loop3A_920 : vector<16xf32> to vector<1x1x16xf32>
        tpu.vector_store %arg7[%parallel_loop3A_922, %parallel_loop3A_923, %parallel_loop3A_924], %parallel_loop3A_927 {strides = array<i32>} : memref<4x80x128xf32, #tpu.memory_space<vmem>>, vector<1x1x16xf32>,
        %parallel_loop3A_928 = arith.mulf %parallel_loop3A_841, %parallel_loop3A_903 : vector<16xf32>
        %parallel_loop3A_929 = arith.constant 0 : i32
        %parallel_loop3A_930 = arith.index_cast %parallel_loop3A_929 : i32 to index
        %parallel_loop3A_931 = arith.index_cast %parallel_loop3A_817 : i32 to index
        %parallel_loop3A_932 = arith.constant 48 : index
        %parallel_loop3A_933 = tpu.vector_load %arg7[%parallel_loop3A_930, %parallel_loop3A_931, %parallel_loop3A_932] {strides = array<i32>} : memref<4x80x128xf32, #tpu.memory_space<vmem>>, vector<1x1x16xf32>,
        %parallel_loop3A_934 = vector.shape_cast %parallel_loop3A_933 : vector<1x1x16xf32> to vector<16xf32>
        %parallel_loop3A_935 = vector.shape_cast %parallel_loop3A_928 : vector<16xf32> to vector<1x1x16xf32>
        tpu.vector_store %arg7[%parallel_loop3A_930, %parallel_loop3A_931, %parallel_loop3A_932], %parallel_loop3A_935 {strides = array<i32>} : memref<4x80x128xf32, #tpu.memory_space<vmem>>, vector<1x1x16xf32>,
        %parallel_loop3A_936 = arith.mulf %parallel_loop3A_847, %parallel_loop3A_903 : vector<16xf32>
        %parallel_loop3A_937 = arith.constant 0 : i32
        %parallel_loop3A_938 = arith.index_cast %parallel_loop3A_937 : i32 to index
        %parallel_loop3A_939 = arith.index_cast %parallel_loop3A_817 : i32 to index
        %parallel_loop3A_940 = arith.constant 64 : index
        %parallel_loop3A_941 = tpu.vector_load %arg7[%parallel_loop3A_938, %parallel_loop3A_939, %parallel_loop3A_940] {strides = array<i32>} : memref<4x80x128xf32, #tpu.memory_space<vmem>>, vector<1x1x16xf32>,
        %parallel_loop3A_942 = vector.shape_cast %parallel_loop3A_941 : vector<1x1x16xf32> to vector<16xf32>
        %parallel_loop3A_943 = vector.shape_cast %parallel_loop3A_936 : vector<16xf32> to vector<1x1x16xf32>
        tpu.vector_store %arg7[%parallel_loop3A_938, %parallel_loop3A_939, %parallel_loop3A_940], %parallel_loop3A_943 {strides = array<i32>} : memref<4x80x128xf32, #tpu.memory_space<vmem>>, vector<1x1x16xf32>,
        %parallel_loop3A_944 = arith.mulf %parallel_loop3A_853, %parallel_loop3A_903 : vector<16xf32>
        %parallel_loop3A_945 = arith.constant 0 : i32
        %parallel_loop3A_946 = arith.index_cast %parallel_loop3A_945 : i32 to index
        %parallel_loop3A_947 = arith.index_cast %parallel_loop3A_817 : i32 to index
        %parallel_loop3A_948 = arith.constant 80 : index
        %parallel_loop3A_949 = tpu.vector_load %arg7[%parallel_loop3A_946, %parallel_loop3A_947, %parallel_loop3A_948] {strides = array<i32>} : memref<4x80x128xf32, #tpu.memory_space<vmem>>, vector<1x1x16xf32>,
        %parallel_loop3A_950 = vector.shape_cast %parallel_loop3A_949 : vector<1x1x16xf32> to vector<16xf32>
        %parallel_loop3A_951 = vector.shape_cast %parallel_loop3A_944 : vector<16xf32> to vector<1x1x16xf32>
        tpu.vector_store %arg7[%parallel_loop3A_946, %parallel_loop3A_947, %parallel_loop3A_948], %parallel_loop3A_951 {strides = array<i32>} : memref<4x80x128xf32, #tpu.memory_space<vmem>>, vector<1x1x16xf32>,
        %parallel_loop3A_952 = arith.mulf %parallel_loop3A_859, %parallel_loop3A_903 : vector<16xf32>
        %parallel_loop3A_953 = arith.constant 0 : i32
        %parallel_loop3A_954 = arith.index_cast %parallel_loop3A_953 : i32 to index
        %parallel_loop3A_955 = arith.index_cast %parallel_loop3A_817 : i32 to index
        %parallel_loop3A_956 = arith.constant 96 : index
        %parallel_loop3A_957 = tpu.vector_load %arg7[%parallel_loop3A_954, %parallel_loop3A_955, %parallel_loop3A_956] {strides = array<i32>} : memref<4x80x128xf32, #tpu.memory_space<vmem>>, vector<1x1x16xf32>,
        %parallel_loop3A_958 = vector.shape_cast %parallel_loop3A_957 : vector<1x1x16xf32> to vector<16xf32>
        %parallel_loop3A_959 = vector.shape_cast %parallel_loop3A_952 : vector<16xf32> to vector<1x1x16xf32>
        tpu.vector_store %arg7[%parallel_loop3A_954, %parallel_loop3A_955, %parallel_loop3A_956], %parallel_loop3A_959 {strides = array<i32>} : memref<4x80x128xf32, #tpu.memory_space<vmem>>, vector<1x1x16xf32>,
        %parallel_loop3A_960 = arith.mulf %parallel_loop3A_865, %parallel_loop3A_903 : vector<16xf32>
        %parallel_loop3A_961 = arith.constant 0 : i32
        %parallel_loop3A_962 = arith.index_cast %parallel_loop3A_961 : i32 to index
        %parallel_loop3A_963 = arith.index_cast %parallel_loop3A_817 : i32 to index
        %parallel_loop3A_964 = arith.constant 112 : index
        %parallel_loop3A_965 = tpu.vector_load %arg7[%parallel_loop3A_962, %parallel_loop3A_963, %parallel_loop3A_964] {strides = array<i32>} : memref<4x80x128xf32, #tpu.memory_space<vmem>>, vector<1x1x16xf32>,
        %parallel_loop3A_966 = vector.shape_cast %parallel_loop3A_965 : vector<1x1x16xf32> to vector<16xf32>
        %parallel_loop3A_967 = vector.shape_cast %parallel_loop3A_960 : vector<16xf32> to vector<1x1x16xf32>
        tpu.vector_store %arg7[%parallel_loop3A_962, %parallel_loop3A_963, %parallel_loop3A_964], %parallel_loop3A_967 {strides = array<i32>} : memref<4x80x128xf32, #tpu.memory_space<vmem>>, vector<1x1x16xf32>,
      } {sc.loop_unroll_factor = 4 : i64, sc.parallel_access}
      %dma_start3A_443 = arith.constant 0 : i32
      %dma_start3A_444 = arith.constant 0 : i32
      %dma_start3A_445 = arith.constant 0 : i32
      %dma_start3A_446 = arith.constant 0 : i32
      %dma_start3A_447 = arith.constant 0 : i32
      %dma_start3A_448 = tpu.memref_slice %arg7[%dma_start3A_443, %dma_start3A_446, %dma_start3A_447] : memref<4x80x128xf32, #tpu.memory_space<vmem>> -> memref<1x80x128xf32, #tpu.memory_space<vmem>>
      %dma_start3A_449 = tpu.memref_squeeze %dma_start3A_448 : memref<1x80x128xf32, #tpu.memory_space<vmem>> -> memref<80x128xf32, #tpu.memory_space<vmem>>
      %dma_start3A_450 = arith.constant 0 : i32
      %dma_start3A_451 = tpu.memref_slice %arg8[%dma_start3A_444, %dma_start3A_450] : memref<4x80xi32, #tpu.memory_space<vmem>> -> memref<1x80xi32, #tpu.memory_space<vmem>>
      %dma_start3A_452 = tpu.memref_squeeze %dma_start3A_451 : memref<1x80xi32, #tpu.memory_space<vmem>> -> memref<80xi32, #tpu.memory_space<vmem>>
      %dma_start3A_453 = arith.constant 0 : i32
      %dma_start3A_454 = arith.constant 0 : i32
      %dma_start3A_455 = tpu.memref_slice %arg6[%dma_start3A_453, %dma_start3A_454] : memref<10000x128xf32, #tpu.memory_space<vmem_shared>> -> memref<10000x128xf32, #tpu.memory_space<vmem_shared>>
      %dma_start3A_456 = tpu.memref_slice %arg13[%dma_start3A_445] : memref<4x!tpu.dma_semaphore, #tpu.memory_space<semaphore_mem>> -> memref<1x!tpu.dma_semaphore, #tpu.memory_space<semaphore_mem>>
      %dma_start3A_457 = tpu.memref_squeeze %dma_start3A_456 : memref<1x!tpu.dma_semaphore, #tpu.memory_space<semaphore_mem>> -> memref<!tpu.dma_semaphore, #tpu.memory_space<semaphore_mem>>
      tpu.enqueue_indirect_dma source(%dma_start3A_449 : memref<80x128xf32, #tpu.memory_space<vmem>>) target(%dma_start3A_455 : memref<10000x128xf32, #tpu.memory_space<vmem_shared>>) offsets(%dma_start3A_452 : memref<80xi32, #tpu.memory_space<vmem>>) semaphore(%dma_start3A_457 : memref<!tpu.dma_semaphore, #tpu.memory_space<semaphore_mem>>) {add = true}
      %mul3A_458 = arith.constant 4 : i32
      %mul3A_459 = arith.muli %scan3A_323, %mul3A_458 : i32
      %add3A_460 = arith.constant 1 : i32
      %add3A_461 = arith.addi %mul3A_459, %add3A_460 : i32
      %mul3A_462 = arith.constant 80 : i32
      %mul3A_463 = arith.muli %add3A_461, %mul3A_462 : i32
      %add3A_464 = arith.addi %mul3A_2, %mul3A_463 : i32
      %dma_wait3A_465 = arith.constant 1 : i32
      %dma_wait3A_466 = arith.constant 1 : i32
      %dma_wait3A_467 = arith.constant 0 : i32
      %dma_wait3A_468 = arith.constant 0 : i32
      %dma_wait3A_469 = tpu.memref_slice %arg7[%dma_wait3A_465, %dma_wait3A_467, %dma_wait3A_468] : memref<4x80x128xf32, #tpu.memory_space<vmem>> -> memref<1x80x128xf32, #tpu.memory_space<vmem>>
      %dma_wait3A_470 = tpu.memref_squeeze %dma_wait3A_469 : memref<1x80x128xf32, #tpu.memory_space<vmem>> -> memref<80x128xf32, #tpu.memory_space<vmem>>
      %dma_wait3A_471 = arith.constant 0 : i32
      %dma_wait3A_472 = tpu.memref_slice %arg2[%add3A_464, %dma_wait3A_471] : memref<320000x128xf32, #tpu.memory_space<hbm>> -> memref<80x128xf32, #tpu.memory_space<hbm>>
      %dma_wait3A_473 = tpu.memref_slice %arg11[%dma_wait3A_466] : memref<4x!tpu.dma_semaphore, #tpu.memory_space<semaphore_mem>> -> memref<1x!tpu.dma_semaphore, #tpu.memory_space<semaphore_mem>>
      %dma_wait3A_474 = tpu.memref_squeeze %dma_wait3A_473 : memref<1x!tpu.dma_semaphore, #tpu.memory_space<semaphore_mem>> -> memref<!tpu.dma_semaphore, #tpu.memory_space<semaphore_mem>>
      %dma_wait3A_475 = arith.constant 0 : i32
      %dma_wait3A_476 = arith.constant 0 : i32
      %dma_wait3A_477 = tpu.memref_slice %arg7[%dma_wait3A_465, %dma_wait3A_475, %dma_wait3A_476] : memref<4x80x128xf32, #tpu.memory_space<vmem>> -> memref<1x80x128xf32, #tpu.memory_space<vmem>>
      %dma_wait3A_478 = tpu.memref_squeeze %dma_wait3A_477 : memref<1x80x128xf32, #tpu.memory_space<vmem>> -> memref<80x128xf32, #tpu.memory_space<vmem>>
      %dma_wait3A_479 = arith.constant 0 : i32
      %dma_wait3A_480 = tpu.memref_slice %arg2[%add3A_464, %dma_wait3A_479] : memref<320000x128xf32, #tpu.memory_space<hbm>> -> memref<80x128xf32, #tpu.memory_space<hbm>>
      tpu.wait_dma2 semaphore(%dma_wait3A_474 : memref<!tpu.dma_semaphore, #tpu.memory_space<semaphore_mem>>) src(%dma_wait3A_480 : memref<80x128xf32, #tpu.memory_space<hbm>>) dst(%dma_wait3A_478 : memref<80x128xf32, #tpu.memory_space<vmem>>)
      %dma_wait3A_481 = arith.constant 1 : i32
      %dma_wait3A_482 = arith.constant 1 : i32
      %dma_wait3A_483 = arith.constant 0 : i32
      %dma_wait3A_484 = tpu.memref_slice %arg8[%dma_wait3A_481, %dma_wait3A_483] : memref<4x80xi32, #tpu.memory_space<vmem>> -> memref<1x80xi32, #tpu.memory_space<vmem>>
      %dma_wait3A_485 = tpu.memref_squeeze %dma_wait3A_484 : memref<1x80xi32, #tpu.memory_space<vmem>> -> memref<80xi32, #tpu.memory_space<vmem>>
      %dma_wait3A_486 = tpu.memref_slice %arg4[%add3A_464] : memref<320000xi32, #tpu.memory_space<hbm>> -> memref<80xi32, #tpu.memory_space<hbm>>
      %dma_wait3A_487 = tpu.memref_slice %arg12[%dma_wait3A_482] : memref<4x!tpu.dma_semaphore, #tpu.memory_space<semaphore_mem>> -> memref<1x!tpu.dma_semaphore, #tpu.memory_space<semaphore_mem>>
      %dma_wait3A_488 = tpu.memref_squeeze %dma_wait3A_487 : memref<1x!tpu.dma_semaphore, #tpu.memory_space<semaphore_mem>> -> memref<!tpu.dma_semaphore, #tpu.memory_space<semaphore_mem>>
      %dma_wait3A_489 = arith.constant 0 : i32
      %dma_wait3A_490 = tpu.memref_slice %arg8[%dma_wait3A_481, %dma_wait3A_489] : memref<4x80xi32, #tpu.memory_space<vmem>> -> memref<1x80xi32, #tpu.memory_space<vmem>>
      %dma_wait3A_491 = tpu.memref_squeeze %dma_wait3A_490 : memref<1x80xi32, #tpu.memory_space<vmem>> -> memref<80xi32, #tpu.memory_space<vmem>>
      %dma_wait3A_492 = tpu.memref_slice %arg4[%add3A_464] : memref<320000xi32, #tpu.memory_space<hbm>> -> memref<80xi32, #tpu.memory_space<hbm>>
      tpu.wait_dma2 semaphore(%dma_wait3A_488 : memref<!tpu.dma_semaphore, #tpu.memory_space<semaphore_mem>>) src(%dma_wait3A_492 : memref<80xi32, #tpu.memory_space<hbm>>) dst(%dma_wait3A_491 : memref<80xi32, #tpu.memory_space<vmem>>)
      %add3A_493 = arith.constant 4 : i32
      %add3A_494 = arith.addi %add3A_461, %add3A_493 : i32
      %sub3A_495 = arith.constant 1 : i32
      %sub3A_496 = arith.subi %add3A_494, %sub3A_495 : i32
      %dma_wait3A_497 = arith.constant 0 : i32
      %dma_wait3A_498 = arith.constant 0 : i32
      %dma_wait3A_499 = arith.constant 0 : i32
      %dma_wait3A_500 = arith.constant 0 : i32
      %dma_wait3A_501 = arith.constant 0 : i32
      %dma_wait3A_502 = tpu.memref_slice %arg7[%dma_wait3A_497, %dma_wait3A_500, %dma_wait3A_501] : memref<4x80x128xf32, #tpu.memory_space<vmem>> -> memref<1x80x128xf32, #tpu.memory_space<vmem>>
      %dma_wait3A_503 = tpu.memref_squeeze %dma_wait3A_502 : memref<1x80x128xf32, #tpu.memory_space<vmem>> -> memref<80x128xf32, #tpu.memory_space<vmem>>
      %dma_wait3A_504 = arith.constant 0 : i32
      %dma_wait3A_505 = tpu.memref_slice %arg8[%dma_wait3A_498, %dma_wait3A_504] : memref<4x80xi32, #tpu.memory_space<vmem>> -> memref<1x80xi32, #tpu.memory_space<vmem>>
      %dma_wait3A_506 = tpu.memref_squeeze %dma_wait3A_505 : memref<1x80xi32, #tpu.memory_space<vmem>> -> memref<80xi32, #tpu.memory_space<vmem>>
      %dma_wait3A_507 = arith.constant 0 : i32
      %dma_wait3A_508 = arith.constant 0 : i32
      %dma_wait3A_509 = tpu.memref_slice %arg6[%dma_wait3A_507, %dma_wait3A_508] : memref<10000x128xf32, #tpu.memory_space<vmem_shared>> -> memref<10000x128xf32, #tpu.memory_space<vmem_shared>>
      %dma_wait3A_510 = tpu.memref_slice %arg13[%dma_wait3A_499] : memref<4x!tpu.dma_semaphore, #tpu.memory_space<semaphore_mem>> -> memref<1x!tpu.dma_semaphore, #tpu.memory_space<semaphore_mem>>
      %dma_wait3A_511 = tpu.memref_squeeze %dma_wait3A_510 : memref<1x!tpu.dma_semaphore, #tpu.memory_space<semaphore_mem>> -> memref<!tpu.dma_semaphore, #tpu.memory_space<semaphore_mem>>
      tpu.wait_indirect_dma semaphore(%dma_wait3A_511 : memref<!tpu.dma_semaphore, #tpu.memory_space<semaphore_mem>>) src(%dma_wait3A_503 : memref<80x128xf32, #tpu.memory_space<vmem>>) dst(%dma_wait3A_509 : memref<10000x128xf32, #tpu.memory_space<vmem_shared>>)
      %mul3A_512 = arith.constant 80 : i32
      %mul3A_513 = arith.muli %sub3A_496, %mul3A_512 : i32
      %add3A_514 = arith.addi %mul3A_2, %mul3A_513 : i32
      %dma_start3A_515 = arith.constant 0 : i32
      %dma_start3A_516 = arith.constant 0 : i32
      %dma_start3A_517 = arith.constant 0 : i32
      %dma_start3A_518 = arith.constant 0 : i32
      %dma_start3A_519 = tpu.memref_slice %arg7[%dma_start3A_515, %dma_start3A_517, %dma_start3A_518] : memref<4x80x128xf32, #tpu.memory_space<vmem>> -> memref<1x80x128xf32, #tpu.memory_space<vmem>>
      %dma_start3A_520 = tpu.memref_squeeze %dma_start3A_519 : memref<1x80x128xf32, #tpu.memory_space<vmem>> -> memref<80x128xf32, #tpu.memory_space<vmem>>
      %dma_start3A_521 = arith.constant 0 : i32
      %dma_start3A_522 = tpu.memref_slice %arg2[%add3A_514, %dma_start3A_521] : memref<320000x128xf32, #tpu.memory_space<hbm>> -> memref<80x128xf32, #tpu.memory_space<hbm>>
      %dma_start3A_523 = tpu.memref_slice %arg11[%dma_start3A_516] : memref<4x!tpu.dma_semaphore, #tpu.memory_space<semaphore_mem>> -> memref<1x!tpu.dma_semaphore, #tpu.memory_space<semaphore_mem>>
      %dma_start3A_524 = tpu.memref_squeeze %dma_start3A_523 : memref<1x!tpu.dma_semaphore, #tpu.memory_space<semaphore_mem>> -> memref<!tpu.dma_semaphore, #tpu.memory_space<semaphore_mem>>
      %dma_start3A_525 = arith.constant 0 : i32
      %dma_start3A_526 = arith.constant 0 : i32
      %dma_start3A_527 = tpu.memref_slice %arg7[%dma_start3A_515, %dma_start3A_525, %dma_start3A_526] : memref<4x80x128xf32, #tpu.memory_space<vmem>> -> memref<1x80x128xf32, #tpu.memory_space<vmem>>
      %dma_start3A_528 = tpu.memref_squeeze %dma_start3A_527 : memref<1x80x128xf32, #tpu.memory_space<vmem>> -> memref<80x128xf32, #tpu.memory_space<vmem>>
      %dma_start3A_529 = arith.constant 0 : i32
      %dma_start3A_530 = tpu.memref_slice %arg2[%add3A_514, %dma_start3A_529] : memref<320000x128xf32, #tpu.memory_space<hbm>> -> memref<80x128xf32, #tpu.memory_space<hbm>>
      tpu.enqueue_dma source(%dma_start3A_530 : memref<80x128xf32, #tpu.memory_space<hbm>>) target(%dma_start3A_528 : memref<80x128xf32, #tpu.memory_space<vmem>>) target_semaphore(%dma_start3A_524 : memref<!tpu.dma_semaphore, #tpu.memory_space<semaphore_mem>>)
      %dma_start3A_531 = arith.constant 0 : i32
      %dma_start3A_532 = arith.constant 0 : i32
      %dma_start3A_533 = arith.constant 0 : i32
      %dma_start3A_534 = tpu.memref_slice %arg8[%dma_start3A_531, %dma_start3A_533] : memref<4x80xi32, #tpu.memory_space<vmem>> -> memref<1x80xi32, #tpu.memory_space<vmem>>
      %dma_start3A_535 = tpu.memref_squeeze %dma_start3A_534 : memref<1x80xi32, #tpu.memory_space<vmem>> -> memref<80xi32, #tpu.memory_space<vmem>>
      %dma_start3A_536 = tpu.memref_slice %arg4[%add3A_514] : memref<320000xi32, #tpu.memory_space<hbm>> -> memref<80xi32, #tpu.memory_space<hbm>>
      %dma_start3A_537 = tpu.memref_slice %arg12[%dma_start3A_532] : memref<4x!tpu.dma_semaphore, #tpu.memory_space<semaphore_mem>> -> memref<1x!tpu.dma_semaphore, #tpu.memory_space<semaphore_mem>>
      %dma_start3A_538 = tpu.memref_squeeze %dma_start3A_537 : memref<1x!tpu.dma_semaphore, #tpu.memory_space<semaphore_mem>> -> memref<!tpu.dma_semaphore, #tpu.memory_space<semaphore_mem>>
      %dma_start3A_539 = arith.constant 0 : i32
      %dma_start3A_540 = tpu.memref_slice %arg8[%dma_start3A_531, %dma_start3A_539] : memref<4x80xi32, #tpu.memory_space<vmem>> -> memref<1x80xi32, #tpu.memory_space<vmem>>
      %dma_start3A_541 = tpu.memref_squeeze %dma_start3A_540 : memref<1x80xi32, #tpu.memory_space<vmem>> -> memref<80xi32, #tpu.memory_space<vmem>>
      %dma_start3A_542 = tpu.memref_slice %arg4[%add3A_514] : memref<320000xi32, #tpu.memory_space<hbm>> -> memref<80xi32, #tpu.memory_space<hbm>>
      tpu.enqueue_dma source(%dma_start3A_542 : memref<80xi32, #tpu.memory_space<hbm>>) target(%dma_start3A_541 : memref<80xi32, #tpu.memory_space<vmem>>) target_semaphore(%dma_start3A_538 : memref<!tpu.dma_semaphore, #tpu.memory_space<semaphore_mem>>)
      %get3A_543 = arith.constant 0 : index
      %get3A_544 = tpu.vector_load %arg10[%get3A_543] {strides = array<i32>} : memref<144xf32, #tpu.memory_space<vmem>>, vector<16xf32>,
      %get3A_545 = vector.shape_cast %get3A_544 : vector<16xf32> to vector<16xf32>
      %get3A_546 = arith.constant 16 : index
      %get3A_547 = tpu.vector_load %arg10[%get3A_546] {strides = array<i32>} : memref<144xf32, #tpu.memory_space<vmem>>, vector<16xf32>,
      %get3A_548 = vector.shape_cast %get3A_547 : vector<16xf32> to vector<16xf32>
      %get3A_549 = arith.constant 32 : index
      %get3A_550 = tpu.vector_load %arg10[%get3A_549] {strides = array<i32>} : memref<144xf32, #tpu.memory_space<vmem>>, vector<16xf32>,
      %get3A_551 = vector.shape_cast %get3A_550 : vector<16xf32> to vector<16xf32>
      %get3A_552 = arith.constant 48 : index
      %get3A_553 = tpu.vector_load %arg10[%get3A_552] {strides = array<i32>} : memref<144xf32, #tpu.memory_space<vmem>>, vector<16xf32>,
      %get3A_554 = vector.shape_cast %get3A_553 : vector<16xf32> to vector<16xf32>
      %get3A_555 = arith.constant 64 : index
      %get3A_556 = tpu.vector_load %arg10[%get3A_555] {strides = array<i32>} : memref<144xf32, #tpu.memory_space<vmem>>, vector<16xf32>,
      %get3A_557 = vector.shape_cast %get3A_556 : vector<16xf32> to vector<16xf32>
      %get3A_558 = arith.constant 80 : index
      %get3A_559 = tpu.vector_load %arg10[%get3A_558] {strides = array<i32>} : memref<144xf32, #tpu.memory_space<vmem>>, vector<16xf32>,
      %get3A_560 = vector.shape_cast %get3A_559 : vector<16xf32> to vector<16xf32>
      %get3A_561 = arith.constant 96 : index
      %get3A_562 = tpu.vector_load %arg10[%get3A_561] {strides = array<i32>} : memref<144xf32, #tpu.memory_space<vmem>>, vector<16xf32>,
      %get3A_563 = vector.shape_cast %get3A_562 : vector<16xf32> to vector<16xf32>
      %get3A_564 = arith.constant 112 : index
      %get3A_565 = tpu.vector_load %arg10[%get3A_564] {strides = array<i32>} : memref<144xf32, #tpu.memory_space<vmem>>, vector<16xf32>,
      %get3A_566 = vector.shape_cast %get3A_565 : vector<16xf32> to vector<16xf32>
      %get3A_567 = arith.constant 128 : index
      %get3A_568 = tpu.vector_load %arg10[%get3A_567] {strides = array<i32>} : memref<144xf32, #tpu.memory_space<vmem>>, vector<16xf32>,
      %get3A_569 = vector.shape_cast %get3A_568 : vector<16xf32> to vector<16xf32>
      %iota3A_570 = tpu.iota {dimensions = array<i32: 0>} : vector<16xi32>
      %xor3A_571 = arith.constant 8 : i32
      %xor3A_572 = vector.broadcast %xor3A_571 : i32 to vector<16xi32>
      %xor3A_573 = arith.xori %iota3A_570, %xor3A_572 : vector<16xi32>
      %reshape3A_574 = vector.shape_cast %xor3A_573 : vector<16xi32> to vector<16x1xi32>
      %xor3A_575 = arith.constant 4 : i32
      %xor3A_576 = vector.broadcast %xor3A_575 : i32 to vector<16xi32>
      %xor3A_577 = arith.xori %iota3A_570, %xor3A_576 : vector<16xi32>
      %reshape3A_578 = vector.shape_cast %xor3A_577 : vector<16xi32> to vector<16x1xi32>
      %xor3A_579 = arith.constant 2 : i32
      %xor3A_580 = vector.broadcast %xor3A_579 : i32 to vector<16xi32>
      %xor3A_581 = arith.xori %iota3A_570, %xor3A_580 : vector<16xi32>
      %reshape3A_582 = vector.shape_cast %xor3A_581 : vector<16xi32> to vector<16x1xi32>
      %xor3A_583 = arith.constant 1 : i32
      %xor3A_584 = vector.broadcast %xor3A_583 : i32 to vector<16xi32>
      %xor3A_585 = arith.xori %iota3A_570, %xor3A_584 : vector<16xi32>
      %reshape3A_586 = vector.shape_cast %xor3A_585 : vector<16xi32> to vector<16x1xi32>
      %parallel_loop3A_587 = arith.constant 0 : i32
      %parallel_loop3A_588 = arith.constant 80 : i32
      %parallel_loop3A_589 = arith.constant 1 : i32
      scf.for %parallel_loop3A_817 = %parallel_loop3A_587 to %parallel_loop3A_588 step %parallel_loop3A_589  : i32 {
        %parallel_loop3A_818 = arith.constant 1 : i32
        %parallel_loop3A_819 = arith.index_cast %parallel_loop3A_818 : i32 to index
        %parallel_loop3A_820 = arith.index_cast %parallel_loop3A_817 : i32 to index
        %parallel_loop3A_821 = arith.constant 0 : index
        %parallel_loop3A_822 = tpu.vector_load %arg7[%parallel_loop3A_819, %parallel_loop3A_820, %parallel_loop3A_821] {strides = array<i32>} : memref<4x80x128xf32, #tpu.memory_space<vmem>>, vector<1x1x16xf32>,
        %parallel_loop3A_823 = vector.shape_cast %parallel_loop3A_822 : vector<1x1x16xf32> to vector<16xf32>
        %parallel_loop3A_824 = arith.constant 1 : i32
        %parallel_loop3A_825 = arith.index_cast %parallel_loop3A_824 : i32 to index
        %parallel_loop3A_826 = arith.index_cast %parallel_loop3A_817 : i32 to index
        %parallel_loop3A_827 = arith.constant 16 : index
        %parallel_loop3A_828 = tpu.vector_load %arg7[%parallel_loop3A_825, %parallel_loop3A_826, %parallel_loop3A_827] {strides = array<i32>} : memref<4x80x128xf32, #tpu.memory_space<vmem>>, vector<1x1x16xf32>,
        %parallel_loop3A_829 = vector.shape_cast %parallel_loop3A_828 : vector<1x1x16xf32> to vector<16xf32>
        %parallel_loop3A_830 = arith.constant 1 : i32
        %parallel_loop3A_831 = arith.index_cast %parallel_loop3A_830 : i32 to index
        %parallel_loop3A_832 = arith.index_cast %parallel_loop3A_817 : i32 to index
        %parallel_loop3A_833 = arith.constant 32 : index
        %parallel_loop3A_834 = tpu.vector_load %arg7[%parallel_loop3A_831, %parallel_loop3A_832, %parallel_loop3A_833] {strides = array<i32>} : memref<4x80x128xf32, #tpu.memory_space<vmem>>, vector<1x1x16xf32>,
        %parallel_loop3A_835 = vector.shape_cast %parallel_loop3A_834 : vector<1x1x16xf32> to vector<16xf32>
        %parallel_loop3A_836 = arith.constant 1 : i32
        %parallel_loop3A_837 = arith.index_cast %parallel_loop3A_836 : i32 to index
        %parallel_loop3A_838 = arith.index_cast %parallel_loop3A_817 : i32 to index
        %parallel_loop3A_839 = arith.constant 48 : index
        %parallel_loop3A_840 = tpu.vector_load %arg7[%parallel_loop3A_837, %parallel_loop3A_838, %parallel_loop3A_839] {strides = array<i32>} : memref<4x80x128xf32, #tpu.memory_space<vmem>>, vector<1x1x16xf32>,
        %parallel_loop3A_841 = vector.shape_cast %parallel_loop3A_840 : vector<1x1x16xf32> to vector<16xf32>
        %parallel_loop3A_842 = arith.constant 1 : i32
        %parallel_loop3A_843 = arith.index_cast %parallel_loop3A_842 : i32 to index
        %parallel_loop3A_844 = arith.index_cast %parallel_loop3A_817 : i32 to index
        %parallel_loop3A_845 = arith.constant 64 : index
        %parallel_loop3A_846 = tpu.vector_load %arg7[%parallel_loop3A_843, %parallel_loop3A_844, %parallel_loop3A_845] {strides = array<i32>} : memref<4x80x128xf32, #tpu.memory_space<vmem>>, vector<1x1x16xf32>,
        %parallel_loop3A_847 = vector.shape_cast %parallel_loop3A_846 : vector<1x1x16xf32> to vector<16xf32>
        %parallel_loop3A_848 = arith.constant 1 : i32
        %parallel_loop3A_849 = arith.index_cast %parallel_loop3A_848 : i32 to index
        %parallel_loop3A_850 = arith.index_cast %parallel_loop3A_817 : i32 to index
        %parallel_loop3A_851 = arith.constant 80 : index
        %parallel_loop3A_852 = tpu.vector_load %arg7[%parallel_loop3A_849, %parallel_loop3A_850, %parallel_loop3A_851] {strides = array<i32>} : memref<4x80x128xf32, #tpu.memory_space<vmem>>, vector<1x1x16xf32>,
        %parallel_loop3A_853 = vector.shape_cast %parallel_loop3A_852 : vector<1x1x16xf32> to vector<16xf32>
        %parallel_loop3A_854 = arith.constant 1 : i32
        %parallel_loop3A_855 = arith.index_cast %parallel_loop3A_854 : i32 to index
        %parallel_loop3A_856 = arith.index_cast %parallel_loop3A_817 : i32 to index
        %parallel_loop3A_857 = arith.constant 96 : index
        %parallel_loop3A_858 = tpu.vector_load %arg7[%parallel_loop3A_855, %parallel_loop3A_856, %parallel_loop3A_857] {strides = array<i32>} : memref<4x80x128xf32, #tpu.memory_space<vmem>>, vector<1x1x16xf32>,
        %parallel_loop3A_859 = vector.shape_cast %parallel_loop3A_858 : vector<1x1x16xf32> to vector<16xf32>
        %parallel_loop3A_860 = arith.constant 1 : i32
        %parallel_loop3A_861 = arith.index_cast %parallel_loop3A_860 : i32 to index
        %parallel_loop3A_862 = arith.index_cast %parallel_loop3A_817 : i32 to index
        %parallel_loop3A_863 = arith.constant 112 : index
        %parallel_loop3A_864 = tpu.vector_load %arg7[%parallel_loop3A_861, %parallel_loop3A_862, %parallel_loop3A_863] {strides = array<i32>} : memref<4x80x128xf32, #tpu.memory_space<vmem>>, vector<1x1x16xf32>,
        %parallel_loop3A_865 = vector.shape_cast %parallel_loop3A_864 : vector<1x1x16xf32> to vector<16xf32>
        %parallel_loop3A_866 = arith.mulf %parallel_loop3A_823, %get3A_545 : vector<16xf32>
        %parallel_loop3A_867 = arith.mulf %parallel_loop3A_829, %get3A_548 : vector<16xf32>
        %parallel_loop3A_868 = arith.addf %parallel_loop3A_866, %parallel_loop3A_867 : vector<16xf32>
        %parallel_loop3A_869 = arith.mulf %parallel_loop3A_835, %get3A_551 : vector<16xf32>
        %parallel_loop3A_870 = arith.addf %parallel_loop3A_868, %parallel_loop3A_869 : vector<16xf32>
        %parallel_loop3A_871 = arith.mulf %parallel_loop3A_841, %get3A_554 : vector<16xf32>
        %parallel_loop3A_872 = arith.addf %parallel_loop3A_870, %parallel_loop3A_871 : vector<16xf32>
        %parallel_loop3A_873 = arith.mulf %parallel_loop3A_847, %get3A_557 : vector<16xf32>
        %parallel_loop3A_874 = arith.addf %parallel_loop3A_872, %parallel_loop3A_873 : vector<16xf32>
        %parallel_loop3A_875 = arith.mulf %parallel_loop3A_853, %get3A_560 : vector<16xf32>
        %parallel_loop3A_876 = arith.addf %parallel_loop3A_874, %parallel_loop3A_875 : vector<16xf32>
        %parallel_loop3A_877 = arith.mulf %parallel_loop3A_859, %get3A_563 : vector<16xf32>
        %parallel_loop3A_878 = arith.addf %parallel_loop3A_876, %parallel_loop3A_877 : vector<16xf32>
        %parallel_loop3A_879 = arith.mulf %parallel_loop3A_865, %get3A_566 : vector<16xf32>
        %parallel_loop3A_880 = arith.addf %parallel_loop3A_878, %parallel_loop3A_879 : vector<16xf32>
        %parallel_loop3A_881 = vector.shape_cast %reshape3A_574 : vector<16x1xi32> to vector<16xi32>
        %parallel_loop3A_882 = tpu.dynamic_gather %parallel_loop3A_880[%parallel_loop3A_881] in [0] : vector<16xf32>, vector<16xi32> -> vector<16xf32>
        %parallel_loop3A_883 = arith.addf %parallel_loop3A_880, %parallel_loop3A_882 : vector<16xf32>
        %parallel_loop3A_884 = vector.shape_cast %reshape3A_578 : vector<16x1xi32> to vector<16xi32>
        %parallel_loop3A_885 = tpu.dynamic_gather %parallel_loop3A_883[%parallel_loop3A_884] in [0] : vector<16xf32>, vector<16xi32> -> vector<16xf32>
        %parallel_loop3A_886 = arith.addf %parallel_loop3A_883, %parallel_loop3A_885 : vector<16xf32>
        %parallel_loop3A_887 = vector.shape_cast %reshape3A_582 : vector<16x1xi32> to vector<16xi32>
        %parallel_loop3A_888 = tpu.dynamic_gather %parallel_loop3A_886[%parallel_loop3A_887] in [0] : vector<16xf32>, vector<16xi32> -> vector<16xf32>
        %parallel_loop3A_889 = arith.addf %parallel_loop3A_886, %parallel_loop3A_888 : vector<16xf32>
        %parallel_loop3A_890 = vector.shape_cast %reshape3A_586 : vector<16x1xi32> to vector<16xi32>
        %parallel_loop3A_891 = tpu.dynamic_gather %parallel_loop3A_889[%parallel_loop3A_890] in [0] : vector<16xf32>, vector<16xi32> -> vector<16xf32>
        %parallel_loop3A_892 = arith.addf %parallel_loop3A_889, %parallel_loop3A_891 : vector<16xf32>
        %parallel_loop3A_893 = arith.addf %parallel_loop3A_892, %get3A_569 : vector<16xf32>
        %parallel_loop3A_894 = arith.constant 0.000000e+00 : f32
        %parallel_loop3A_895 = vector.broadcast %parallel_loop3A_894 : f32 to vector<16xf32>
        %parallel_loop3A_896 = arith.subf %parallel_loop3A_895, %parallel_loop3A_893 : vector<16xf32>
        %parallel_loop3A_897 = math.exp %parallel_loop3A_896 : vector<16xf32>
        %parallel_loop3A_898 = arith.constant 1.000000e+00 : f32
        %parallel_loop3A_899 = vector.broadcast %parallel_loop3A_898 : f32 to vector<16xf32>
        %parallel_loop3A_900 = arith.addf %parallel_loop3A_899, %parallel_loop3A_897 : vector<16xf32>
        %parallel_loop3A_901 = arith.constant 1.000000e+00 : f32
        %parallel_loop3A_902 = vector.broadcast %parallel_loop3A_901 : f32 to vector<16xf32>
        %parallel_loop3A_903 = arith.divf %parallel_loop3A_902, %parallel_loop3A_900 : vector<16xf32>
        %parallel_loop3A_904 = arith.mulf %parallel_loop3A_823, %parallel_loop3A_903 : vector<16xf32>
        %parallel_loop3A_905 = arith.constant 1 : i32
        %parallel_loop3A_906 = arith.index_cast %parallel_loop3A_905 : i32 to index
        %parallel_loop3A_907 = arith.index_cast %parallel_loop3A_817 : i32 to index
        %parallel_loop3A_908 = arith.constant 0 : index
        %parallel_loop3A_909 = tpu.vector_load %arg7[%parallel_loop3A_906, %parallel_loop3A_907, %parallel_loop3A_908] {strides = array<i32>} : memref<4x80x128xf32, #tpu.memory_space<vmem>>, vector<1x1x16xf32>,
        %parallel_loop3A_910 = vector.shape_cast %parallel_loop3A_909 : vector<1x1x16xf32> to vector<16xf32>
        %parallel_loop3A_911 = vector.shape_cast %parallel_loop3A_904 : vector<16xf32> to vector<1x1x16xf32>
        tpu.vector_store %arg7[%parallel_loop3A_906, %parallel_loop3A_907, %parallel_loop3A_908], %parallel_loop3A_911 {strides = array<i32>} : memref<4x80x128xf32, #tpu.memory_space<vmem>>, vector<1x1x16xf32>,
        %parallel_loop3A_912 = arith.mulf %parallel_loop3A_829, %parallel_loop3A_903 : vector<16xf32>
        %parallel_loop3A_913 = arith.constant 1 : i32
        %parallel_loop3A_914 = arith.index_cast %parallel_loop3A_913 : i32 to index
        %parallel_loop3A_915 = arith.index_cast %parallel_loop3A_817 : i32 to index
        %parallel_loop3A_916 = arith.constant 16 : index
        %parallel_loop3A_917 = tpu.vector_load %arg7[%parallel_loop3A_914, %parallel_loop3A_915, %parallel_loop3A_916] {strides = array<i32>} : memref<4x80x128xf32, #tpu.memory_space<vmem>>, vector<1x1x16xf32>,
        %parallel_loop3A_918 = vector.shape_cast %parallel_loop3A_917 : vector<1x1x16xf32> to vector<16xf32>
        %parallel_loop3A_919 = vector.shape_cast %parallel_loop3A_912 : vector<16xf32> to vector<1x1x16xf32>
        tpu.vector_store %arg7[%parallel_loop3A_914, %parallel_loop3A_915, %parallel_loop3A_916], %parallel_loop3A_919 {strides = array<i32>} : memref<4x80x128xf32, #tpu.memory_space<vmem>>, vector<1x1x16xf32>,
        %parallel_loop3A_920 = arith.mulf %parallel_loop3A_835, %parallel_loop3A_903 : vector<16xf32>
        %parallel_loop3A_921 = arith.constant 1 : i32
        %parallel_loop3A_922 = arith.index_cast %parallel_loop3A_921 : i32 to index
        %parallel_loop3A_923 = arith.index_cast %parallel_loop3A_817 : i32 to index
        %parallel_loop3A_924 = arith.constant 32 : index
        %parallel_loop3A_925 = tpu.vector_load %arg7[%parallel_loop3A_922, %parallel_loop3A_923, %parallel_loop3A_924] {strides = array<i32>} : memref<4x80x128xf32, #tpu.memory_space<vmem>>, vector<1x1x16xf32>,
        %parallel_loop3A_926 = vector.shape_cast %parallel_loop3A_925 : vector<1x1x16xf32> to vector<16xf32>
        %parallel_loop3A_927 = vector.shape_cast %parallel_loop3A_920 : vector<16xf32> to vector<1x1x16xf32>
        tpu.vector_store %arg7[%parallel_loop3A_922, %parallel_loop3A_923, %parallel_loop3A_924], %parallel_loop3A_927 {strides = array<i32>} : memref<4x80x128xf32, #tpu.memory_space<vmem>>, vector<1x1x16xf32>,
        %parallel_loop3A_928 = arith.mulf %parallel_loop3A_841, %parallel_loop3A_903 : vector<16xf32>
        %parallel_loop3A_929 = arith.constant 1 : i32
        %parallel_loop3A_930 = arith.index_cast %parallel_loop3A_929 : i32 to index
        %parallel_loop3A_931 = arith.index_cast %parallel_loop3A_817 : i32 to index
        %parallel_loop3A_932 = arith.constant 48 : index
        %parallel_loop3A_933 = tpu.vector_load %arg7[%parallel_loop3A_930, %parallel_loop3A_931, %parallel_loop3A_932] {strides = array<i32>} : memref<4x80x128xf32, #tpu.memory_space<vmem>>, vector<1x1x16xf32>,
        %parallel_loop3A_934 = vector.shape_cast %parallel_loop3A_933 : vector<1x1x16xf32> to vector<16xf32>
        %parallel_loop3A_935 = vector.shape_cast %parallel_loop3A_928 : vector<16xf32> to vector<1x1x16xf32>
        tpu.vector_store %arg7[%parallel_loop3A_930, %parallel_loop3A_931, %parallel_loop3A_932], %parallel_loop3A_935 {strides = array<i32>} : memref<4x80x128xf32, #tpu.memory_space<vmem>>, vector<1x1x16xf32>,
        %parallel_loop3A_936 = arith.mulf %parallel_loop3A_847, %parallel_loop3A_903 : vector<16xf32>
        %parallel_loop3A_937 = arith.constant 1 : i32
        %parallel_loop3A_938 = arith.index_cast %parallel_loop3A_937 : i32 to index
        %parallel_loop3A_939 = arith.index_cast %parallel_loop3A_817 : i32 to index
        %parallel_loop3A_940 = arith.constant 64 : index
        %parallel_loop3A_941 = tpu.vector_load %arg7[%parallel_loop3A_938, %parallel_loop3A_939, %parallel_loop3A_940] {strides = array<i32>} : memref<4x80x128xf32, #tpu.memory_space<vmem>>, vector<1x1x16xf32>,
        %parallel_loop3A_942 = vector.shape_cast %parallel_loop3A_941 : vector<1x1x16xf32> to vector<16xf32>
        %parallel_loop3A_943 = vector.shape_cast %parallel_loop3A_936 : vector<16xf32> to vector<1x1x16xf32>
        tpu.vector_store %arg7[%parallel_loop3A_938, %parallel_loop3A_939, %parallel_loop3A_940], %parallel_loop3A_943 {strides = array<i32>} : memref<4x80x128xf32, #tpu.memory_space<vmem>>, vector<1x1x16xf32>,
        %parallel_loop3A_944 = arith.mulf %parallel_loop3A_853, %parallel_loop3A_903 : vector<16xf32>
        %parallel_loop3A_945 = arith.constant 1 : i32
        %parallel_loop3A_946 = arith.index_cast %parallel_loop3A_945 : i32 to index
        %parallel_loop3A_947 = arith.index_cast %parallel_loop3A_817 : i32 to index
        %parallel_loop3A_948 = arith.constant 80 : index
        %parallel_loop3A_949 = tpu.vector_load %arg7[%parallel_loop3A_946, %parallel_loop3A_947, %parallel_loop3A_948] {strides = array<i32>} : memref<4x80x128xf32, #tpu.memory_space<vmem>>, vector<1x1x16xf32>,
        %parallel_loop3A_950 = vector.shape_cast %parallel_loop3A_949 : vector<1x1x16xf32> to vector<16xf32>
        %parallel_loop3A_951 = vector.shape_cast %parallel_loop3A_944 : vector<16xf32> to vector<1x1x16xf32>
        tpu.vector_store %arg7[%parallel_loop3A_946, %parallel_loop3A_947, %parallel_loop3A_948], %parallel_loop3A_951 {strides = array<i32>} : memref<4x80x128xf32, #tpu.memory_space<vmem>>, vector<1x1x16xf32>,
        %parallel_loop3A_952 = arith.mulf %parallel_loop3A_859, %parallel_loop3A_903 : vector<16xf32>
        %parallel_loop3A_953 = arith.constant 1 : i32
        %parallel_loop3A_954 = arith.index_cast %parallel_loop3A_953 : i32 to index
        %parallel_loop3A_955 = arith.index_cast %parallel_loop3A_817 : i32 to index
        %parallel_loop3A_956 = arith.constant 96 : index
        %parallel_loop3A_957 = tpu.vector_load %arg7[%parallel_loop3A_954, %parallel_loop3A_955, %parallel_loop3A_956] {strides = array<i32>} : memref<4x80x128xf32, #tpu.memory_space<vmem>>, vector<1x1x16xf32>,
        %parallel_loop3A_958 = vector.shape_cast %parallel_loop3A_957 : vector<1x1x16xf32> to vector<16xf32>
        %parallel_loop3A_959 = vector.shape_cast %parallel_loop3A_952 : vector<16xf32> to vector<1x1x16xf32>
        tpu.vector_store %arg7[%parallel_loop3A_954, %parallel_loop3A_955, %parallel_loop3A_956], %parallel_loop3A_959 {strides = array<i32>} : memref<4x80x128xf32, #tpu.memory_space<vmem>>, vector<1x1x16xf32>,
        %parallel_loop3A_960 = arith.mulf %parallel_loop3A_865, %parallel_loop3A_903 : vector<16xf32>
        %parallel_loop3A_961 = arith.constant 1 : i32
        %parallel_loop3A_962 = arith.index_cast %parallel_loop3A_961 : i32 to index
        %parallel_loop3A_963 = arith.index_cast %parallel_loop3A_817 : i32 to index
        %parallel_loop3A_964 = arith.constant 112 : index
        %parallel_loop3A_965 = tpu.vector_load %arg7[%parallel_loop3A_962, %parallel_loop3A_963, %parallel_loop3A_964] {strides = array<i32>} : memref<4x80x128xf32, #tpu.memory_space<vmem>>, vector<1x1x16xf32>,
        %parallel_loop3A_966 = vector.shape_cast %parallel_loop3A_965 : vector<1x1x16xf32> to vector<16xf32>
        %parallel_loop3A_967 = vector.shape_cast %parallel_loop3A_960 : vector<16xf32> to vector<1x1x16xf32>
        tpu.vector_store %arg7[%parallel_loop3A_962, %parallel_loop3A_963, %parallel_loop3A_964], %parallel_loop3A_967 {strides = array<i32>} : memref<4x80x128xf32, #tpu.memory_space<vmem>>, vector<1x1x16xf32>,
      } {sc.loop_unroll_factor = 4 : i64, sc.parallel_access}
      %dma_start3A_590 = arith.constant 1 : i32
      %dma_start3A_591 = arith.constant 1 : i32
      %dma_start3A_592 = arith.constant 1 : i32
      %dma_start3A_593 = arith.constant 0 : i32
      %dma_start3A_594 = arith.constant 0 : i32
      %dma_start3A_595 = tpu.memref_slice %arg7[%dma_start3A_590, %dma_start3A_593, %dma_start3A_594] : memref<4x80x128xf32, #tpu.memory_space<vmem>> -> memref<1x80x128xf32, #tpu.memory_space<vmem>>
      %dma_start3A_596 = tpu.memref_squeeze %dma_start3A_595 : memref<1x80x128xf32, #tpu.memory_space<vmem>> -> memref<80x128xf32, #tpu.memory_space<vmem>>
      %dma_start3A_597 = arith.constant 0 : i32
      %dma_start3A_598 = tpu.memref_slice %arg8[%dma_start3A_591, %dma_start3A_597] : memref<4x80xi32, #tpu.memory_space<vmem>> -> memref<1x80xi32, #tpu.memory_space<vmem>>
      %dma_start3A_599 = tpu.memref_squeeze %dma_start3A_598 : memref<1x80xi32, #tpu.memory_space<vmem>> -> memref<80xi32, #tpu.memory_space<vmem>>
      %dma_start3A_600 = arith.constant 0 : i32
      %dma_start3A_601 = arith.constant 0 : i32
      %dma_start3A_602 = tpu.memref_slice %arg6[%dma_start3A_600, %dma_start3A_601] : memref<10000x128xf32, #tpu.memory_space<vmem_shared>> -> memref<10000x128xf32, #tpu.memory_space<vmem_shared>>
      %dma_start3A_603 = tpu.memref_slice %arg13[%dma_start3A_592] : memref<4x!tpu.dma_semaphore, #tpu.memory_space<semaphore_mem>> -> memref<1x!tpu.dma_semaphore, #tpu.memory_space<semaphore_mem>>
      %dma_start3A_604 = tpu.memref_squeeze %dma_start3A_603 : memref<1x!tpu.dma_semaphore, #tpu.memory_space<semaphore_mem>> -> memref<!tpu.dma_semaphore, #tpu.memory_space<semaphore_mem>>
      tpu.enqueue_indirect_dma source(%dma_start3A_596 : memref<80x128xf32, #tpu.memory_space<vmem>>) target(%dma_start3A_602 : memref<10000x128xf32, #tpu.memory_space<vmem_shared>>) offsets(%dma_start3A_599 : memref<80xi32, #tpu.memory_space<vmem>>) semaphore(%dma_start3A_604 : memref<!tpu.dma_semaphore, #tpu.memory_space<semaphore_mem>>) {add = true}
      %mul3A_605 = arith.constant 4 : i32
      %mul3A_606 = arith.muli %scan3A_323, %mul3A_605 : i32
      %add3A_607 = arith.constant 2 : i32
      %add3A_608 = arith.addi %mul3A_606, %add3A_607 : i32
      %mul3A_609 = arith.constant 80 : i32
      %mul3A_610 = arith.muli %add3A_608, %mul3A_609 : i32
      %add3A_611 = arith.addi %mul3A_2, %mul3A_610 : i32
      %dma_wait3A_612 = arith.constant 2 : i32
      %dma_wait3A_613 = arith.constant 2 : i32
      %dma_wait3A_614 = arith.constant 0 : i32
      %dma_wait3A_615 = arith.constant 0 : i32
      %dma_wait3A_616 = tpu.memref_slice %arg7[%dma_wait3A_612, %dma_wait3A_614, %dma_wait3A_615] : memref<4x80x128xf32, #tpu.memory_space<vmem>> -> memref<1x80x128xf32, #tpu.memory_space<vmem>>
      %dma_wait3A_617 = tpu.memref_squeeze %dma_wait3A_616 : memref<1x80x128xf32, #tpu.memory_space<vmem>> -> memref<80x128xf32, #tpu.memory_space<vmem>>
      %dma_wait3A_618 = arith.constant 0 : i32
      %dma_wait3A_619 = tpu.memref_slice %arg2[%add3A_611, %dma_wait3A_618] : memref<320000x128xf32, #tpu.memory_space<hbm>> -> memref<80x128xf32, #tpu.memory_space<hbm>>
      %dma_wait3A_620 = tpu.memref_slice %arg11[%dma_wait3A_613] : memref<4x!tpu.dma_semaphore, #tpu.memory_space<semaphore_mem>> -> memref<1x!tpu.dma_semaphore, #tpu.memory_space<semaphore_mem>>
      %dma_wait3A_621 = tpu.memref_squeeze %dma_wait3A_620 : memref<1x!tpu.dma_semaphore, #tpu.memory_space<semaphore_mem>> -> memref<!tpu.dma_semaphore, #tpu.memory_space<semaphore_mem>>
      %dma_wait3A_622 = arith.constant 0 : i32
      %dma_wait3A_623 = arith.constant 0 : i32
      %dma_wait3A_624 = tpu.memref_slice %arg7[%dma_wait3A_612, %dma_wait3A_622, %dma_wait3A_623] : memref<4x80x128xf32, #tpu.memory_space<vmem>> -> memref<1x80x128xf32, #tpu.memory_space<vmem>>
      %dma_wait3A_625 = tpu.memref_squeeze %dma_wait3A_624 : memref<1x80x128xf32, #tpu.memory_space<vmem>> -> memref<80x128xf32, #tpu.memory_space<vmem>>
      %dma_wait3A_626 = arith.constant 0 : i32
      %dma_wait3A_627 = tpu.memref_slice %arg2[%add3A_611, %dma_wait3A_626] : memref<320000x128xf32, #tpu.memory_space<hbm>> -> memref<80x128xf32, #tpu.memory_space<hbm>>
      tpu.wait_dma2 semaphore(%dma_wait3A_621 : memref<!tpu.dma_semaphore, #tpu.memory_space<semaphore_mem>>) src(%dma_wait3A_627 : memref<80x128xf32, #tpu.memory_space<hbm>>) dst(%dma_wait3A_625 : memref<80x128xf32, #tpu.memory_space<vmem>>)
      %dma_wait3A_628 = arith.constant 2 : i32
      %dma_wait3A_629 = arith.constant 2 : i32
      %dma_wait3A_630 = arith.constant 0 : i32
      %dma_wait3A_631 = tpu.memref_slice %arg8[%dma_wait3A_628, %dma_wait3A_630] : memref<4x80xi32, #tpu.memory_space<vmem>> -> memref<1x80xi32, #tpu.memory_space<vmem>>
      %dma_wait3A_632 = tpu.memref_squeeze %dma_wait3A_631 : memref<1x80xi32, #tpu.memory_space<vmem>> -> memref<80xi32, #tpu.memory_space<vmem>>
      %dma_wait3A_633 = tpu.memref_slice %arg4[%add3A_611] : memref<320000xi32, #tpu.memory_space<hbm>> -> memref<80xi32, #tpu.memory_space<hbm>>
      %dma_wait3A_634 = tpu.memref_slice %arg12[%dma_wait3A_629] : memref<4x!tpu.dma_semaphore, #tpu.memory_space<semaphore_mem>> -> memref<1x!tpu.dma_semaphore, #tpu.memory_space<semaphore_mem>>
      %dma_wait3A_635 = tpu.memref_squeeze %dma_wait3A_634 : memref<1x!tpu.dma_semaphore, #tpu.memory_space<semaphore_mem>> -> memref<!tpu.dma_semaphore, #tpu.memory_space<semaphore_mem>>
      %dma_wait3A_636 = arith.constant 0 : i32
      %dma_wait3A_637 = tpu.memref_slice %arg8[%dma_wait3A_628, %dma_wait3A_636] : memref<4x80xi32, #tpu.memory_space<vmem>> -> memref<1x80xi32, #tpu.memory_space<vmem>>
      %dma_wait3A_638 = tpu.memref_squeeze %dma_wait3A_637 : memref<1x80xi32, #tpu.memory_space<vmem>> -> memref<80xi32, #tpu.memory_space<vmem>>
      %dma_wait3A_639 = tpu.memref_slice %arg4[%add3A_611] : memref<320000xi32, #tpu.memory_space<hbm>> -> memref<80xi32, #tpu.memory_space<hbm>>
      tpu.wait_dma2 semaphore(%dma_wait3A_635 : memref<!tpu.dma_semaphore, #tpu.memory_space<semaphore_mem>>) src(%dma_wait3A_639 : memref<80xi32, #tpu.memory_space<hbm>>) dst(%dma_wait3A_638 : memref<80xi32, #tpu.memory_space<vmem>>)
      %add3A_640 = arith.constant 4 : i32
      %add3A_641 = arith.addi %add3A_608, %add3A_640 : i32
      %sub3A_642 = arith.constant 1 : i32
      %sub3A_643 = arith.subi %add3A_641, %sub3A_642 : i32
      %lt3A = arith.constant 125 : i32
      %lt3A_644 = arith.cmpi slt, %sub3A_643, %lt3A : i32
      %convert_element_type3A_645 = arith.extui %lt3A_644 : i1 to i32
      %cond3A_646 = arith.constant 0 : i32
      %cond3A_647 = arith.cmpi ne, %convert_element_type3A_645, %cond3A_646 : i32
      scf.if %cond3A_647 {
        %dma_wait3A_817 = arith.constant 1 : i32
        %dma_wait3A_818 = arith.constant 1 : i32
        %dma_wait3A_819 = arith.constant 1 : i32
        %dma_wait3A_820 = arith.constant 0 : i32
        %dma_wait3A_821 = arith.constant 0 : i32
        %dma_wait3A_822 = tpu.memref_slice %arg7[%dma_wait3A_817, %dma_wait3A_820, %dma_wait3A_821] : memref<4x80x128xf32, #tpu.memory_space<vmem>> -> memref<1x80x128xf32, #tpu.memory_space<vmem>>
        %dma_wait3A_823 = tpu.memref_squeeze %dma_wait3A_822 : memref<1x80x128xf32, #tpu.memory_space<vmem>> -> memref<80x128xf32, #tpu.memory_space<vmem>>
        %dma_wait3A_824 = arith.constant 0 : i32
        %dma_wait3A_825 = tpu.memref_slice %arg8[%dma_wait3A_818, %dma_wait3A_824] : memref<4x80xi32, #tpu.memory_space<vmem>> -> memref<1x80xi32, #tpu.memory_space<vmem>>
        %dma_wait3A_826 = tpu.memref_squeeze %dma_wait3A_825 : memref<1x80xi32, #tpu.memory_space<vmem>> -> memref<80xi32, #tpu.memory_space<vmem>>
        %dma_wait3A_827 = arith.constant 0 : i32
        %dma_wait3A_828 = arith.constant 0 : i32
        %dma_wait3A_829 = tpu.memref_slice %arg6[%dma_wait3A_827, %dma_wait3A_828] : memref<10000x128xf32, #tpu.memory_space<vmem_shared>> -> memref<10000x128xf32, #tpu.memory_space<vmem_shared>>
        %dma_wait3A_830 = tpu.memref_slice %arg13[%dma_wait3A_819] : memref<4x!tpu.dma_semaphore, #tpu.memory_space<semaphore_mem>> -> memref<1x!tpu.dma_semaphore, #tpu.memory_space<semaphore_mem>>
        %dma_wait3A_831 = tpu.memref_squeeze %dma_wait3A_830 : memref<1x!tpu.dma_semaphore, #tpu.memory_space<semaphore_mem>> -> memref<!tpu.dma_semaphore, #tpu.memory_space<semaphore_mem>>
        tpu.wait_indirect_dma semaphore(%dma_wait3A_831 : memref<!tpu.dma_semaphore, #tpu.memory_space<semaphore_mem>>) src(%dma_wait3A_823 : memref<80x128xf32, #tpu.memory_space<vmem>>) dst(%dma_wait3A_829 : memref<10000x128xf32, #tpu.memory_space<vmem_shared>>)
        %mul3A_832 = arith.constant 80 : i32
        %mul3A_833 = arith.muli %sub3A_643, %mul3A_832 : i32
        %add3A_834 = arith.addi %mul3A_2, %mul3A_833 : i32
        %dma_start3A_835 = arith.constant 1 : i32
        %dma_start3A_836 = arith.constant 1 : i32
        %dma_start3A_837 = arith.constant 0 : i32
        %dma_start3A_838 = arith.constant 0 : i32
        %dma_start3A_839 = tpu.memref_slice %arg7[%dma_start3A_835, %dma_start3A_837, %dma_start3A_838] : memref<4x80x128xf32, #tpu.memory_space<vmem>> -> memref<1x80x128xf32, #tpu.memory_space<vmem>>
        %dma_start3A_840 = tpu.memref_squeeze %dma_start3A_839 : memref<1x80x128xf32, #tpu.memory_space<vmem>> -> memref<80x128xf32, #tpu.memory_space<vmem>>
        %dma_start3A_841 = arith.constant 0 : i32
        %dma_start3A_842 = tpu.memref_slice %arg2[%add3A_834, %dma_start3A_841] : memref<320000x128xf32, #tpu.memory_space<hbm>> -> memref<80x128xf32, #tpu.memory_space<hbm>>
        %dma_start3A_843 = tpu.memref_slice %arg11[%dma_start3A_836] : memref<4x!tpu.dma_semaphore, #tpu.memory_space<semaphore_mem>> -> memref<1x!tpu.dma_semaphore, #tpu.memory_space<semaphore_mem>>
        %dma_start3A_844 = tpu.memref_squeeze %dma_start3A_843 : memref<1x!tpu.dma_semaphore, #tpu.memory_space<semaphore_mem>> -> memref<!tpu.dma_semaphore, #tpu.memory_space<semaphore_mem>>
        %dma_start3A_845 = arith.constant 0 : i32
        %dma_start3A_846 = arith.constant 0 : i32
        %dma_start3A_847 = tpu.memref_slice %arg7[%dma_start3A_835, %dma_start3A_845, %dma_start3A_846] : memref<4x80x128xf32, #tpu.memory_space<vmem>> -> memref<1x80x128xf32, #tpu.memory_space<vmem>>
        %dma_start3A_848 = tpu.memref_squeeze %dma_start3A_847 : memref<1x80x128xf32, #tpu.memory_space<vmem>> -> memref<80x128xf32, #tpu.memory_space<vmem>>
        %dma_start3A_849 = arith.constant 0 : i32
        %dma_start3A_850 = tpu.memref_slice %arg2[%add3A_834, %dma_start3A_849] : memref<320000x128xf32, #tpu.memory_space<hbm>> -> memref<80x128xf32, #tpu.memory_space<hbm>>
        tpu.enqueue_dma source(%dma_start3A_850 : memref<80x128xf32, #tpu.memory_space<hbm>>) target(%dma_start3A_848 : memref<80x128xf32, #tpu.memory_space<vmem>>) target_semaphore(%dma_start3A_844 : memref<!tpu.dma_semaphore, #tpu.memory_space<semaphore_mem>>)
        %dma_start3A_851 = arith.constant 1 : i32
        %dma_start3A_852 = arith.constant 1 : i32
        %dma_start3A_853 = arith.constant 0 : i32
        %dma_start3A_854 = tpu.memref_slice %arg8[%dma_start3A_851, %dma_start3A_853] : memref<4x80xi32, #tpu.memory_space<vmem>> -> memref<1x80xi32, #tpu.memory_space<vmem>>
        %dma_start3A_855 = tpu.memref_squeeze %dma_start3A_854 : memref<1x80xi32, #tpu.memory_space<vmem>> -> memref<80xi32, #tpu.memory_space<vmem>>
        %dma_start3A_856 = tpu.memref_slice %arg4[%add3A_834] : memref<320000xi32, #tpu.memory_space<hbm>> -> memref<80xi32, #tpu.memory_space<hbm>>
        %dma_start3A_857 = tpu.memref_slice %arg12[%dma_start3A_852] : memref<4x!tpu.dma_semaphore, #tpu.memory_space<semaphore_mem>> -> memref<1x!tpu.dma_semaphore, #tpu.memory_space<semaphore_mem>>
        %dma_start3A_858 = tpu.memref_squeeze %dma_start3A_857 : memref<1x!tpu.dma_semaphore, #tpu.memory_space<semaphore_mem>> -> memref<!tpu.dma_semaphore, #tpu.memory_space<semaphore_mem>>
        %dma_start3A_859 = arith.constant 0 : i32
        %dma_start3A_860 = tpu.memref_slice %arg8[%dma_start3A_851, %dma_start3A_859] : memref<4x80xi32, #tpu.memory_space<vmem>> -> memref<1x80xi32, #tpu.memory_space<vmem>>
        %dma_start3A_861 = tpu.memref_squeeze %dma_start3A_860 : memref<1x80xi32, #tpu.memory_space<vmem>> -> memref<80xi32, #tpu.memory_space<vmem>>
        %dma_start3A_862 = tpu.memref_slice %arg4[%add3A_834] : memref<320000xi32, #tpu.memory_space<hbm>> -> memref<80xi32, #tpu.memory_space<hbm>>
        tpu.enqueue_dma source(%dma_start3A_862 : memref<80xi32, #tpu.memory_space<hbm>>) target(%dma_start3A_861 : memref<80xi32, #tpu.memory_space<vmem>>) target_semaphore(%dma_start3A_858 : memref<!tpu.dma_semaphore, #tpu.memory_space<semaphore_mem>>)
      } else {
      }
      %get3A_648 = arith.constant 0 : index
      %get3A_649 = tpu.vector_load %arg10[%get3A_648] {strides = array<i32>} : memref<144xf32, #tpu.memory_space<vmem>>, vector<16xf32>,
      %get3A_650 = vector.shape_cast %get3A_649 : vector<16xf32> to vector<16xf32>
      %get3A_651 = arith.constant 16 : index
      %get3A_652 = tpu.vector_load %arg10[%get3A_651] {strides = array<i32>} : memref<144xf32, #tpu.memory_space<vmem>>, vector<16xf32>,
      %get3A_653 = vector.shape_cast %get3A_652 : vector<16xf32> to vector<16xf32>
      %get3A_654 = arith.constant 32 : index
      %get3A_655 = tpu.vector_load %arg10[%get3A_654] {strides = array<i32>} : memref<144xf32, #tpu.memory_space<vmem>>, vector<16xf32>,
      %get3A_656 = vector.shape_cast %get3A_655 : vector<16xf32> to vector<16xf32>
      %get3A_657 = arith.constant 48 : index
      %get3A_658 = tpu.vector_load %arg10[%get3A_657] {strides = array<i32>} : memref<144xf32, #tpu.memory_space<vmem>>, vector<16xf32>,
      %get3A_659 = vector.shape_cast %get3A_658 : vector<16xf32> to vector<16xf32>
      %get3A_660 = arith.constant 64 : index
      %get3A_661 = tpu.vector_load %arg10[%get3A_660] {strides = array<i32>} : memref<144xf32, #tpu.memory_space<vmem>>, vector<16xf32>,
      %get3A_662 = vector.shape_cast %get3A_661 : vector<16xf32> to vector<16xf32>
      %get3A_663 = arith.constant 80 : index
      %get3A_664 = tpu.vector_load %arg10[%get3A_663] {strides = array<i32>} : memref<144xf32, #tpu.memory_space<vmem>>, vector<16xf32>,
      %get3A_665 = vector.shape_cast %get3A_664 : vector<16xf32> to vector<16xf32>
      %get3A_666 = arith.constant 96 : index
      %get3A_667 = tpu.vector_load %arg10[%get3A_666] {strides = array<i32>} : memref<144xf32, #tpu.memory_space<vmem>>, vector<16xf32>,
      %get3A_668 = vector.shape_cast %get3A_667 : vector<16xf32> to vector<16xf32>
      %get3A_669 = arith.constant 112 : index
      %get3A_670 = tpu.vector_load %arg10[%get3A_669] {strides = array<i32>} : memref<144xf32, #tpu.memory_space<vmem>>, vector<16xf32>,
      %get3A_671 = vector.shape_cast %get3A_670 : vector<16xf32> to vector<16xf32>
      %get3A_672 = arith.constant 128 : index
      %get3A_673 = tpu.vector_load %arg10[%get3A_672] {strides = array<i32>} : memref<144xf32, #tpu.memory_space<vmem>>, vector<16xf32>,
      %get3A_674 = vector.shape_cast %get3A_673 : vector<16xf32> to vector<16xf32>
      %iota3A_675 = tpu.iota {dimensions = array<i32: 0>} : vector<16xi32>
      %xor3A_676 = arith.constant 8 : i32
      %xor3A_677 = vector.broadcast %xor3A_676 : i32 to vector<16xi32>
      %xor3A_678 = arith.xori %iota3A_675, %xor3A_677 : vector<16xi32>
      %reshape3A_679 = vector.shape_cast %xor3A_678 : vector<16xi32> to vector<16x1xi32>
      %xor3A_680 = arith.constant 4 : i32
      %xor3A_681 = vector.broadcast %xor3A_680 : i32 to vector<16xi32>
      %xor3A_682 = arith.xori %iota3A_675, %xor3A_681 : vector<16xi32>
      %reshape3A_683 = vector.shape_cast %xor3A_682 : vector<16xi32> to vector<16x1xi32>
      %xor3A_684 = arith.constant 2 : i32
      %xor3A_685 = vector.broadcast %xor3A_684 : i32 to vector<16xi32>
      %xor3A_686 = arith.xori %iota3A_675, %xor3A_685 : vector<16xi32>
      %reshape3A_687 = vector.shape_cast %xor3A_686 : vector<16xi32> to vector<16x1xi32>
      %xor3A_688 = arith.constant 1 : i32
      %xor3A_689 = vector.broadcast %xor3A_688 : i32 to vector<16xi32>
      %xor3A_690 = arith.xori %iota3A_675, %xor3A_689 : vector<16xi32>
      %reshape3A_691 = vector.shape_cast %xor3A_690 : vector<16xi32> to vector<16x1xi32>
      %parallel_loop3A_692 = arith.constant 0 : i32
      %parallel_loop3A_693 = arith.constant 80 : i32
      %parallel_loop3A_694 = arith.constant 1 : i32
      scf.for %parallel_loop3A_817 = %parallel_loop3A_692 to %parallel_loop3A_693 step %parallel_loop3A_694  : i32 {
        %parallel_loop3A_818 = arith.constant 2 : i32
        %parallel_loop3A_819 = arith.index_cast %parallel_loop3A_818 : i32 to index
        %parallel_loop3A_820 = arith.index_cast %parallel_loop3A_817 : i32 to index
        %parallel_loop3A_821 = arith.constant 0 : index
        %parallel_loop3A_822 = tpu.vector_load %arg7[%parallel_loop3A_819, %parallel_loop3A_820, %parallel_loop3A_821] {strides = array<i32>} : memref<4x80x128xf32, #tpu.memory_space<vmem>>, vector<1x1x16xf32>,
        %parallel_loop3A_823 = vector.shape_cast %parallel_loop3A_822 : vector<1x1x16xf32> to vector<16xf32>
        %parallel_loop3A_824 = arith.constant 2 : i32
        %parallel_loop3A_825 = arith.index_cast %parallel_loop3A_824 : i32 to index
        %parallel_loop3A_826 = arith.index_cast %parallel_loop3A_817 : i32 to index
        %parallel_loop3A_827 = arith.constant 16 : index
        %parallel_loop3A_828 = tpu.vector_load %arg7[%parallel_loop3A_825, %parallel_loop3A_826, %parallel_loop3A_827] {strides = array<i32>} : memref<4x80x128xf32, #tpu.memory_space<vmem>>, vector<1x1x16xf32>,
        %parallel_loop3A_829 = vector.shape_cast %parallel_loop3A_828 : vector<1x1x16xf32> to vector<16xf32>
        %parallel_loop3A_830 = arith.constant 2 : i32
        %parallel_loop3A_831 = arith.index_cast %parallel_loop3A_830 : i32 to index
        %parallel_loop3A_832 = arith.index_cast %parallel_loop3A_817 : i32 to index
        %parallel_loop3A_833 = arith.constant 32 : index
        %parallel_loop3A_834 = tpu.vector_load %arg7[%parallel_loop3A_831, %parallel_loop3A_832, %parallel_loop3A_833] {strides = array<i32>} : memref<4x80x128xf32, #tpu.memory_space<vmem>>, vector<1x1x16xf32>,
        %parallel_loop3A_835 = vector.shape_cast %parallel_loop3A_834 : vector<1x1x16xf32> to vector<16xf32>
        %parallel_loop3A_836 = arith.constant 2 : i32
        %parallel_loop3A_837 = arith.index_cast %parallel_loop3A_836 : i32 to index
        %parallel_loop3A_838 = arith.index_cast %parallel_loop3A_817 : i32 to index
        %parallel_loop3A_839 = arith.constant 48 : index
        %parallel_loop3A_840 = tpu.vector_load %arg7[%parallel_loop3A_837, %parallel_loop3A_838, %parallel_loop3A_839] {strides = array<i32>} : memref<4x80x128xf32, #tpu.memory_space<vmem>>, vector<1x1x16xf32>,
        %parallel_loop3A_841 = vector.shape_cast %parallel_loop3A_840 : vector<1x1x16xf32> to vector<16xf32>
        %parallel_loop3A_842 = arith.constant 2 : i32
        %parallel_loop3A_843 = arith.index_cast %parallel_loop3A_842 : i32 to index
        %parallel_loop3A_844 = arith.index_cast %parallel_loop3A_817 : i32 to index
        %parallel_loop3A_845 = arith.constant 64 : index
        %parallel_loop3A_846 = tpu.vector_load %arg7[%parallel_loop3A_843, %parallel_loop3A_844, %parallel_loop3A_845] {strides = array<i32>} : memref<4x80x128xf32, #tpu.memory_space<vmem>>, vector<1x1x16xf32>,
        %parallel_loop3A_847 = vector.shape_cast %parallel_loop3A_846 : vector<1x1x16xf32> to vector<16xf32>
        %parallel_loop3A_848 = arith.constant 2 : i32
        %parallel_loop3A_849 = arith.index_cast %parallel_loop3A_848 : i32 to index
        %parallel_loop3A_850 = arith.index_cast %parallel_loop3A_817 : i32 to index
        %parallel_loop3A_851 = arith.constant 80 : index
        %parallel_loop3A_852 = tpu.vector_load %arg7[%parallel_loop3A_849, %parallel_loop3A_850, %parallel_loop3A_851] {strides = array<i32>} : memref<4x80x128xf32, #tpu.memory_space<vmem>>, vector<1x1x16xf32>,
        %parallel_loop3A_853 = vector.shape_cast %parallel_loop3A_852 : vector<1x1x16xf32> to vector<16xf32>
        %parallel_loop3A_854 = arith.constant 2 : i32
        %parallel_loop3A_855 = arith.index_cast %parallel_loop3A_854 : i32 to index
        %parallel_loop3A_856 = arith.index_cast %parallel_loop3A_817 : i32 to index
        %parallel_loop3A_857 = arith.constant 96 : index
        %parallel_loop3A_858 = tpu.vector_load %arg7[%parallel_loop3A_855, %parallel_loop3A_856, %parallel_loop3A_857] {strides = array<i32>} : memref<4x80x128xf32, #tpu.memory_space<vmem>>, vector<1x1x16xf32>,
        %parallel_loop3A_859 = vector.shape_cast %parallel_loop3A_858 : vector<1x1x16xf32> to vector<16xf32>
        %parallel_loop3A_860 = arith.constant 2 : i32
        %parallel_loop3A_861 = arith.index_cast %parallel_loop3A_860 : i32 to index
        %parallel_loop3A_862 = arith.index_cast %parallel_loop3A_817 : i32 to index
        %parallel_loop3A_863 = arith.constant 112 : index
        %parallel_loop3A_864 = tpu.vector_load %arg7[%parallel_loop3A_861, %parallel_loop3A_862, %parallel_loop3A_863] {strides = array<i32>} : memref<4x80x128xf32, #tpu.memory_space<vmem>>, vector<1x1x16xf32>,
        %parallel_loop3A_865 = vector.shape_cast %parallel_loop3A_864 : vector<1x1x16xf32> to vector<16xf32>
        %parallel_loop3A_866 = arith.mulf %parallel_loop3A_823, %get3A_650 : vector<16xf32>
        %parallel_loop3A_867 = arith.mulf %parallel_loop3A_829, %get3A_653 : vector<16xf32>
        %parallel_loop3A_868 = arith.addf %parallel_loop3A_866, %parallel_loop3A_867 : vector<16xf32>
        %parallel_loop3A_869 = arith.mulf %parallel_loop3A_835, %get3A_656 : vector<16xf32>
        %parallel_loop3A_870 = arith.addf %parallel_loop3A_868, %parallel_loop3A_869 : vector<16xf32>
        %parallel_loop3A_871 = arith.mulf %parallel_loop3A_841, %get3A_659 : vector<16xf32>
        %parallel_loop3A_872 = arith.addf %parallel_loop3A_870, %parallel_loop3A_871 : vector<16xf32>
        %parallel_loop3A_873 = arith.mulf %parallel_loop3A_847, %get3A_662 : vector<16xf32>
        %parallel_loop3A_874 = arith.addf %parallel_loop3A_872, %parallel_loop3A_873 : vector<16xf32>
        %parallel_loop3A_875 = arith.mulf %parallel_loop3A_853, %get3A_665 : vector<16xf32>
        %parallel_loop3A_876 = arith.addf %parallel_loop3A_874, %parallel_loop3A_875 : vector<16xf32>
        %parallel_loop3A_877 = arith.mulf %parallel_loop3A_859, %get3A_668 : vector<16xf32>
        %parallel_loop3A_878 = arith.addf %parallel_loop3A_876, %parallel_loop3A_877 : vector<16xf32>
        %parallel_loop3A_879 = arith.mulf %parallel_loop3A_865, %get3A_671 : vector<16xf32>
        %parallel_loop3A_880 = arith.addf %parallel_loop3A_878, %parallel_loop3A_879 : vector<16xf32>
        %parallel_loop3A_881 = vector.shape_cast %reshape3A_679 : vector<16x1xi32> to vector<16xi32>
        %parallel_loop3A_882 = tpu.dynamic_gather %parallel_loop3A_880[%parallel_loop3A_881] in [0] : vector<16xf32>, vector<16xi32> -> vector<16xf32>
        %parallel_loop3A_883 = arith.addf %parallel_loop3A_880, %parallel_loop3A_882 : vector<16xf32>
        %parallel_loop3A_884 = vector.shape_cast %reshape3A_683 : vector<16x1xi32> to vector<16xi32>
        %parallel_loop3A_885 = tpu.dynamic_gather %parallel_loop3A_883[%parallel_loop3A_884] in [0] : vector<16xf32>, vector<16xi32> -> vector<16xf32>
        %parallel_loop3A_886 = arith.addf %parallel_loop3A_883, %parallel_loop3A_885 : vector<16xf32>
        %parallel_loop3A_887 = vector.shape_cast %reshape3A_687 : vector<16x1xi32> to vector<16xi32>
        %parallel_loop3A_888 = tpu.dynamic_gather %parallel_loop3A_886[%parallel_loop3A_887] in [0] : vector<16xf32>, vector<16xi32> -> vector<16xf32>
        %parallel_loop3A_889 = arith.addf %parallel_loop3A_886, %parallel_loop3A_888 : vector<16xf32>
        %parallel_loop3A_890 = vector.shape_cast %reshape3A_691 : vector<16x1xi32> to vector<16xi32>
        %parallel_loop3A_891 = tpu.dynamic_gather %parallel_loop3A_889[%parallel_loop3A_890] in [0] : vector<16xf32>, vector<16xi32> -> vector<16xf32>
        %parallel_loop3A_892 = arith.addf %parallel_loop3A_889, %parallel_loop3A_891 : vector<16xf32>
        %parallel_loop3A_893 = arith.addf %parallel_loop3A_892, %get3A_674 : vector<16xf32>
        %parallel_loop3A_894 = arith.constant 0.000000e+00 : f32
        %parallel_loop3A_895 = vector.broadcast %parallel_loop3A_894 : f32 to vector<16xf32>
        %parallel_loop3A_896 = arith.subf %parallel_loop3A_895, %parallel_loop3A_893 : vector<16xf32>
        %parallel_loop3A_897 = math.exp %parallel_loop3A_896 : vector<16xf32>
        %parallel_loop3A_898 = arith.constant 1.000000e+00 : f32
        %parallel_loop3A_899 = vector.broadcast %parallel_loop3A_898 : f32 to vector<16xf32>
        %parallel_loop3A_900 = arith.addf %parallel_loop3A_899, %parallel_loop3A_897 : vector<16xf32>
        %parallel_loop3A_901 = arith.constant 1.000000e+00 : f32
        %parallel_loop3A_902 = vector.broadcast %parallel_loop3A_901 : f32 to vector<16xf32>
        %parallel_loop3A_903 = arith.divf %parallel_loop3A_902, %parallel_loop3A_900 : vector<16xf32>
        %parallel_loop3A_904 = arith.mulf %parallel_loop3A_823, %parallel_loop3A_903 : vector<16xf32>
        %parallel_loop3A_905 = arith.constant 2 : i32
        %parallel_loop3A_906 = arith.index_cast %parallel_loop3A_905 : i32 to index
        %parallel_loop3A_907 = arith.index_cast %parallel_loop3A_817 : i32 to index
        %parallel_loop3A_908 = arith.constant 0 : index
        %parallel_loop3A_909 = tpu.vector_load %arg7[%parallel_loop3A_906, %parallel_loop3A_907, %parallel_loop3A_908] {strides = array<i32>} : memref<4x80x128xf32, #tpu.memory_space<vmem>>, vector<1x1x16xf32>,
        %parallel_loop3A_910 = vector.shape_cast %parallel_loop3A_909 : vector<1x1x16xf32> to vector<16xf32>
        %parallel_loop3A_911 = vector.shape_cast %parallel_loop3A_904 : vector<16xf32> to vector<1x1x16xf32>
        tpu.vector_store %arg7[%parallel_loop3A_906, %parallel_loop3A_907, %parallel_loop3A_908], %parallel_loop3A_911 {strides = array<i32>} : memref<4x80x128xf32, #tpu.memory_space<vmem>>, vector<1x1x16xf32>,
        %parallel_loop3A_912 = arith.mulf %parallel_loop3A_829, %parallel_loop3A_903 : vector<16xf32>
        %parallel_loop3A_913 = arith.constant 2 : i32
        %parallel_loop3A_914 = arith.index_cast %parallel_loop3A_913 : i32 to index
        %parallel_loop3A_915 = arith.index_cast %parallel_loop3A_817 : i32 to index
        %parallel_loop3A_916 = arith.constant 16 : index
        %parallel_loop3A_917 = tpu.vector_load %arg7[%parallel_loop3A_914, %parallel_loop3A_915, %parallel_loop3A_916] {strides = array<i32>} : memref<4x80x128xf32, #tpu.memory_space<vmem>>, vector<1x1x16xf32>,
        %parallel_loop3A_918 = vector.shape_cast %parallel_loop3A_917 : vector<1x1x16xf32> to vector<16xf32>
        %parallel_loop3A_919 = vector.shape_cast %parallel_loop3A_912 : vector<16xf32> to vector<1x1x16xf32>
        tpu.vector_store %arg7[%parallel_loop3A_914, %parallel_loop3A_915, %parallel_loop3A_916], %parallel_loop3A_919 {strides = array<i32>} : memref<4x80x128xf32, #tpu.memory_space<vmem>>, vector<1x1x16xf32>,
        %parallel_loop3A_920 = arith.mulf %parallel_loop3A_835, %parallel_loop3A_903 : vector<16xf32>
        %parallel_loop3A_921 = arith.constant 2 : i32
        %parallel_loop3A_922 = arith.index_cast %parallel_loop3A_921 : i32 to index
        %parallel_loop3A_923 = arith.index_cast %parallel_loop3A_817 : i32 to index
        %parallel_loop3A_924 = arith.constant 32 : index
        %parallel_loop3A_925 = tpu.vector_load %arg7[%parallel_loop3A_922, %parallel_loop3A_923, %parallel_loop3A_924] {strides = array<i32>} : memref<4x80x128xf32, #tpu.memory_space<vmem>>, vector<1x1x16xf32>,
        %parallel_loop3A_926 = vector.shape_cast %parallel_loop3A_925 : vector<1x1x16xf32> to vector<16xf32>
        %parallel_loop3A_927 = vector.shape_cast %parallel_loop3A_920 : vector<16xf32> to vector<1x1x16xf32>
        tpu.vector_store %arg7[%parallel_loop3A_922, %parallel_loop3A_923, %parallel_loop3A_924], %parallel_loop3A_927 {strides = array<i32>} : memref<4x80x128xf32, #tpu.memory_space<vmem>>, vector<1x1x16xf32>,
        %parallel_loop3A_928 = arith.mulf %parallel_loop3A_841, %parallel_loop3A_903 : vector<16xf32>
        %parallel_loop3A_929 = arith.constant 2 : i32
        %parallel_loop3A_930 = arith.index_cast %parallel_loop3A_929 : i32 to index
        %parallel_loop3A_931 = arith.index_cast %parallel_loop3A_817 : i32 to index
        %parallel_loop3A_932 = arith.constant 48 : index
        %parallel_loop3A_933 = tpu.vector_load %arg7[%parallel_loop3A_930, %parallel_loop3A_931, %parallel_loop3A_932] {strides = array<i32>} : memref<4x80x128xf32, #tpu.memory_space<vmem>>, vector<1x1x16xf32>,
        %parallel_loop3A_934 = vector.shape_cast %parallel_loop3A_933 : vector<1x1x16xf32> to vector<16xf32>
        %parallel_loop3A_935 = vector.shape_cast %parallel_loop3A_928 : vector<16xf32> to vector<1x1x16xf32>
        tpu.vector_store %arg7[%parallel_loop3A_930, %parallel_loop3A_931, %parallel_loop3A_932], %parallel_loop3A_935 {strides = array<i32>} : memref<4x80x128xf32, #tpu.memory_space<vmem>>, vector<1x1x16xf32>,
        %parallel_loop3A_936 = arith.mulf %parallel_loop3A_847, %parallel_loop3A_903 : vector<16xf32>
        %parallel_loop3A_937 = arith.constant 2 : i32
        %parallel_loop3A_938 = arith.index_cast %parallel_loop3A_937 : i32 to index
        %parallel_loop3A_939 = arith.index_cast %parallel_loop3A_817 : i32 to index
        %parallel_loop3A_940 = arith.constant 64 : index
        %parallel_loop3A_941 = tpu.vector_load %arg7[%parallel_loop3A_938, %parallel_loop3A_939, %parallel_loop3A_940] {strides = array<i32>} : memref<4x80x128xf32, #tpu.memory_space<vmem>>, vector<1x1x16xf32>,
        %parallel_loop3A_942 = vector.shape_cast %parallel_loop3A_941 : vector<1x1x16xf32> to vector<16xf32>
        %parallel_loop3A_943 = vector.shape_cast %parallel_loop3A_936 : vector<16xf32> to vector<1x1x16xf32>
        tpu.vector_store %arg7[%parallel_loop3A_938, %parallel_loop3A_939, %parallel_loop3A_940], %parallel_loop3A_943 {strides = array<i32>} : memref<4x80x128xf32, #tpu.memory_space<vmem>>, vector<1x1x16xf32>,
        %parallel_loop3A_944 = arith.mulf %parallel_loop3A_853, %parallel_loop3A_903 : vector<16xf32>
        %parallel_loop3A_945 = arith.constant 2 : i32
        %parallel_loop3A_946 = arith.index_cast %parallel_loop3A_945 : i32 to index
        %parallel_loop3A_947 = arith.index_cast %parallel_loop3A_817 : i32 to index
        %parallel_loop3A_948 = arith.constant 80 : index
        %parallel_loop3A_949 = tpu.vector_load %arg7[%parallel_loop3A_946, %parallel_loop3A_947, %parallel_loop3A_948] {strides = array<i32>} : memref<4x80x128xf32, #tpu.memory_space<vmem>>, vector<1x1x16xf32>,
        %parallel_loop3A_950 = vector.shape_cast %parallel_loop3A_949 : vector<1x1x16xf32> to vector<16xf32>
        %parallel_loop3A_951 = vector.shape_cast %parallel_loop3A_944 : vector<16xf32> to vector<1x1x16xf32>
        tpu.vector_store %arg7[%parallel_loop3A_946, %parallel_loop3A_947, %parallel_loop3A_948], %parallel_loop3A_951 {strides = array<i32>} : memref<4x80x128xf32, #tpu.memory_space<vmem>>, vector<1x1x16xf32>,
        %parallel_loop3A_952 = arith.mulf %parallel_loop3A_859, %parallel_loop3A_903 : vector<16xf32>
        %parallel_loop3A_953 = arith.constant 2 : i32
        %parallel_loop3A_954 = arith.index_cast %parallel_loop3A_953 : i32 to index
        %parallel_loop3A_955 = arith.index_cast %parallel_loop3A_817 : i32 to index
        %parallel_loop3A_956 = arith.constant 96 : index
        %parallel_loop3A_957 = tpu.vector_load %arg7[%parallel_loop3A_954, %parallel_loop3A_955, %parallel_loop3A_956] {strides = array<i32>} : memref<4x80x128xf32, #tpu.memory_space<vmem>>, vector<1x1x16xf32>,
        %parallel_loop3A_958 = vector.shape_cast %parallel_loop3A_957 : vector<1x1x16xf32> to vector<16xf32>
        %parallel_loop3A_959 = vector.shape_cast %parallel_loop3A_952 : vector<16xf32> to vector<1x1x16xf32>
        tpu.vector_store %arg7[%parallel_loop3A_954, %parallel_loop3A_955, %parallel_loop3A_956], %parallel_loop3A_959 {strides = array<i32>} : memref<4x80x128xf32, #tpu.memory_space<vmem>>, vector<1x1x16xf32>,
        %parallel_loop3A_960 = arith.mulf %parallel_loop3A_865, %parallel_loop3A_903 : vector<16xf32>
        %parallel_loop3A_961 = arith.constant 2 : i32
        %parallel_loop3A_962 = arith.index_cast %parallel_loop3A_961 : i32 to index
        %parallel_loop3A_963 = arith.index_cast %parallel_loop3A_817 : i32 to index
        %parallel_loop3A_964 = arith.constant 112 : index
        %parallel_loop3A_965 = tpu.vector_load %arg7[%parallel_loop3A_962, %parallel_loop3A_963, %parallel_loop3A_964] {strides = array<i32>} : memref<4x80x128xf32, #tpu.memory_space<vmem>>, vector<1x1x16xf32>,
        %parallel_loop3A_966 = vector.shape_cast %parallel_loop3A_965 : vector<1x1x16xf32> to vector<16xf32>
        %parallel_loop3A_967 = vector.shape_cast %parallel_loop3A_960 : vector<16xf32> to vector<1x1x16xf32>
        tpu.vector_store %arg7[%parallel_loop3A_962, %parallel_loop3A_963, %parallel_loop3A_964], %parallel_loop3A_967 {strides = array<i32>} : memref<4x80x128xf32, #tpu.memory_space<vmem>>, vector<1x1x16xf32>,
      } {sc.loop_unroll_factor = 4 : i64, sc.parallel_access}
      %dma_start3A_695 = arith.constant 2 : i32
      %dma_start3A_696 = arith.constant 2 : i32
      %dma_start3A_697 = arith.constant 2 : i32
      %dma_start3A_698 = arith.constant 0 : i32
      %dma_start3A_699 = arith.constant 0 : i32
      %dma_start3A_700 = tpu.memref_slice %arg7[%dma_start3A_695, %dma_start3A_698, %dma_start3A_699] : memref<4x80x128xf32, #tpu.memory_space<vmem>> -> memref<1x80x128xf32, #tpu.memory_space<vmem>>
      %dma_start3A_701 = tpu.memref_squeeze %dma_start3A_700 : memref<1x80x128xf32, #tpu.memory_space<vmem>> -> memref<80x128xf32, #tpu.memory_space<vmem>>
      %dma_start3A_702 = arith.constant 0 : i32
      %dma_start3A_703 = tpu.memref_slice %arg8[%dma_start3A_696, %dma_start3A_702] : memref<4x80xi32, #tpu.memory_space<vmem>> -> memref<1x80xi32, #tpu.memory_space<vmem>>
      %dma_start3A_704 = tpu.memref_squeeze %dma_start3A_703 : memref<1x80xi32, #tpu.memory_space<vmem>> -> memref<80xi32, #tpu.memory_space<vmem>>
      %dma_start3A_705 = arith.constant 0 : i32
      %dma_start3A_706 = arith.constant 0 : i32
      %dma_start3A_707 = tpu.memref_slice %arg6[%dma_start3A_705, %dma_start3A_706] : memref<10000x128xf32, #tpu.memory_space<vmem_shared>> -> memref<10000x128xf32, #tpu.memory_space<vmem_shared>>
      %dma_start3A_708 = tpu.memref_slice %arg13[%dma_start3A_697] : memref<4x!tpu.dma_semaphore, #tpu.memory_space<semaphore_mem>> -> memref<1x!tpu.dma_semaphore, #tpu.memory_space<semaphore_mem>>
      %dma_start3A_709 = tpu.memref_squeeze %dma_start3A_708 : memref<1x!tpu.dma_semaphore, #tpu.memory_space<semaphore_mem>> -> memref<!tpu.dma_semaphore, #tpu.memory_space<semaphore_mem>>
      tpu.enqueue_indirect_dma source(%dma_start3A_701 : memref<80x128xf32, #tpu.memory_space<vmem>>) target(%dma_start3A_707 : memref<10000x128xf32, #tpu.memory_space<vmem_shared>>) offsets(%dma_start3A_704 : memref<80xi32, #tpu.memory_space<vmem>>) semaphore(%dma_start3A_709 : memref<!tpu.dma_semaphore, #tpu.memory_space<semaphore_mem>>) {add = true}
      %mul3A_710 = arith.constant 4 : i32
      %mul3A_711 = arith.muli %scan3A_323, %mul3A_710 : i32
      %add3A_712 = arith.constant 3 : i32
      %add3A_713 = arith.addi %mul3A_711, %add3A_712 : i32
      %mul3A_714 = arith.constant 80 : i32
      %mul3A_715 = arith.muli %add3A_713, %mul3A_714 : i32
      %add3A_716 = arith.addi %mul3A_2, %mul3A_715 : i32
      %dma_wait3A_717 = arith.constant 3 : i32
      %dma_wait3A_718 = arith.constant 3 : i32
      %dma_wait3A_719 = arith.constant 0 : i32
      %dma_wait3A_720 = arith.constant 0 : i32
      %dma_wait3A_721 = tpu.memref_slice %arg7[%dma_wait3A_717, %dma_wait3A_719, %dma_wait3A_720] : memref<4x80x128xf32, #tpu.memory_space<vmem>> -> memref<1x80x128xf32, #tpu.memory_space<vmem>>
      %dma_wait3A_722 = tpu.memref_squeeze %dma_wait3A_721 : memref<1x80x128xf32, #tpu.memory_space<vmem>> -> memref<80x128xf32, #tpu.memory_space<vmem>>
      %dma_wait3A_723 = arith.constant 0 : i32
      %dma_wait3A_724 = tpu.memref_slice %arg2[%add3A_716, %dma_wait3A_723] : memref<320000x128xf32, #tpu.memory_space<hbm>> -> memref<80x128xf32, #tpu.memory_space<hbm>>
      %dma_wait3A_725 = tpu.memref_slice %arg11[%dma_wait3A_718] : memref<4x!tpu.dma_semaphore, #tpu.memory_space<semaphore_mem>> -> memref<1x!tpu.dma_semaphore, #tpu.memory_space<semaphore_mem>>
      %dma_wait3A_726 = tpu.memref_squeeze %dma_wait3A_725 : memref<1x!tpu.dma_semaphore, #tpu.memory_space<semaphore_mem>> -> memref<!tpu.dma_semaphore, #tpu.memory_space<semaphore_mem>>
      %dma_wait3A_727 = arith.constant 0 : i32
      %dma_wait3A_728 = arith.constant 0 : i32
      %dma_wait3A_729 = tpu.memref_slice %arg7[%dma_wait3A_717, %dma_wait3A_727, %dma_wait3A_728] : memref<4x80x128xf32, #tpu.memory_space<vmem>> -> memref<1x80x128xf32, #tpu.memory_space<vmem>>
      %dma_wait3A_730 = tpu.memref_squeeze %dma_wait3A_729 : memref<1x80x128xf32, #tpu.memory_space<vmem>> -> memref<80x128xf32, #tpu.memory_space<vmem>>
      %dma_wait3A_731 = arith.constant 0 : i32
      %dma_wait3A_732 = tpu.memref_slice %arg2[%add3A_716, %dma_wait3A_731] : memref<320000x128xf32, #tpu.memory_space<hbm>> -> memref<80x128xf32, #tpu.memory_space<hbm>>
      tpu.wait_dma2 semaphore(%dma_wait3A_726 : memref<!tpu.dma_semaphore, #tpu.memory_space<semaphore_mem>>) src(%dma_wait3A_732 : memref<80x128xf32, #tpu.memory_space<hbm>>) dst(%dma_wait3A_730 : memref<80x128xf32, #tpu.memory_space<vmem>>)
      %dma_wait3A_733 = arith.constant 3 : i32
      %dma_wait3A_734 = arith.constant 3 : i32
      %dma_wait3A_735 = arith.constant 0 : i32
      %dma_wait3A_736 = tpu.memref_slice %arg8[%dma_wait3A_733, %dma_wait3A_735] : memref<4x80xi32, #tpu.memory_space<vmem>> -> memref<1x80xi32, #tpu.memory_space<vmem>>
      %dma_wait3A_737 = tpu.memref_squeeze %dma_wait3A_736 : memref<1x80xi32, #tpu.memory_space<vmem>> -> memref<80xi32, #tpu.memory_space<vmem>>
      %dma_wait3A_738 = tpu.memref_slice %arg4[%add3A_716] : memref<320000xi32, #tpu.memory_space<hbm>> -> memref<80xi32, #tpu.memory_space<hbm>>
      %dma_wait3A_739 = tpu.memref_slice %arg12[%dma_wait3A_734] : memref<4x!tpu.dma_semaphore, #tpu.memory_space<semaphore_mem>> -> memref<1x!tpu.dma_semaphore, #tpu.memory_space<semaphore_mem>>
      %dma_wait3A_740 = tpu.memref_squeeze %dma_wait3A_739 : memref<1x!tpu.dma_semaphore, #tpu.memory_space<semaphore_mem>> -> memref<!tpu.dma_semaphore, #tpu.memory_space<semaphore_mem>>
      %dma_wait3A_741 = arith.constant 0 : i32
      %dma_wait3A_742 = tpu.memref_slice %arg8[%dma_wait3A_733, %dma_wait3A_741] : memref<4x80xi32, #tpu.memory_space<vmem>> -> memref<1x80xi32, #tpu.memory_space<vmem>>
      %dma_wait3A_743 = tpu.memref_squeeze %dma_wait3A_742 : memref<1x80xi32, #tpu.memory_space<vmem>> -> memref<80xi32, #tpu.memory_space<vmem>>
      %dma_wait3A_744 = tpu.memref_slice %arg4[%add3A_716] : memref<320000xi32, #tpu.memory_space<hbm>> -> memref<80xi32, #tpu.memory_space<hbm>>
      tpu.wait_dma2 semaphore(%dma_wait3A_740 : memref<!tpu.dma_semaphore, #tpu.memory_space<semaphore_mem>>) src(%dma_wait3A_744 : memref<80xi32, #tpu.memory_space<hbm>>) dst(%dma_wait3A_743 : memref<80xi32, #tpu.memory_space<vmem>>)
      %add3A_745 = arith.constant 4 : i32
      %add3A_746 = arith.addi %add3A_713, %add3A_745 : i32
      %sub3A_747 = arith.constant 1 : i32
      %sub3A_748 = arith.subi %add3A_746, %sub3A_747 : i32
      %lt3A_749 = arith.constant 125 : i32
      %lt3A_750 = arith.cmpi slt, %sub3A_748, %lt3A_749 : i32
      %convert_element_type3A_751 = arith.extui %lt3A_750 : i1 to i32
      %cond3A_752 = arith.constant 0 : i32
      %cond3A_753 = arith.cmpi ne, %convert_element_type3A_751, %cond3A_752 : i32
      scf.if %cond3A_753 {
        %dma_wait3A_817 = arith.constant 2 : i32
        %dma_wait3A_818 = arith.constant 2 : i32
        %dma_wait3A_819 = arith.constant 2 : i32
        %dma_wait3A_820 = arith.constant 0 : i32
        %dma_wait3A_821 = arith.constant 0 : i32
        %dma_wait3A_822 = tpu.memref_slice %arg7[%dma_wait3A_817, %dma_wait3A_820, %dma_wait3A_821] : memref<4x80x128xf32, #tpu.memory_space<vmem>> -> memref<1x80x128xf32, #tpu.memory_space<vmem>>
        %dma_wait3A_823 = tpu.memref_squeeze %dma_wait3A_822 : memref<1x80x128xf32, #tpu.memory_space<vmem>> -> memref<80x128xf32, #tpu.memory_space<vmem>>
        %dma_wait3A_824 = arith.constant 0 : i32
        %dma_wait3A_825 = tpu.memref_slice %arg8[%dma_wait3A_818, %dma_wait3A_824] : memref<4x80xi32, #tpu.memory_space<vmem>> -> memref<1x80xi32, #tpu.memory_space<vmem>>
        %dma_wait3A_826 = tpu.memref_squeeze %dma_wait3A_825 : memref<1x80xi32, #tpu.memory_space<vmem>> -> memref<80xi32, #tpu.memory_space<vmem>>
        %dma_wait3A_827 = arith.constant 0 : i32
        %dma_wait3A_828 = arith.constant 0 : i32
        %dma_wait3A_829 = tpu.memref_slice %arg6[%dma_wait3A_827, %dma_wait3A_828] : memref<10000x128xf32, #tpu.memory_space<vmem_shared>> -> memref<10000x128xf32, #tpu.memory_space<vmem_shared>>
        %dma_wait3A_830 = tpu.memref_slice %arg13[%dma_wait3A_819] : memref<4x!tpu.dma_semaphore, #tpu.memory_space<semaphore_mem>> -> memref<1x!tpu.dma_semaphore, #tpu.memory_space<semaphore_mem>>
        %dma_wait3A_831 = tpu.memref_squeeze %dma_wait3A_830 : memref<1x!tpu.dma_semaphore, #tpu.memory_space<semaphore_mem>> -> memref<!tpu.dma_semaphore, #tpu.memory_space<semaphore_mem>>
        tpu.wait_indirect_dma semaphore(%dma_wait3A_831 : memref<!tpu.dma_semaphore, #tpu.memory_space<semaphore_mem>>) src(%dma_wait3A_823 : memref<80x128xf32, #tpu.memory_space<vmem>>) dst(%dma_wait3A_829 : memref<10000x128xf32, #tpu.memory_space<vmem_shared>>)
        %mul3A_832 = arith.constant 80 : i32
        %mul3A_833 = arith.muli %sub3A_748, %mul3A_832 : i32
        %add3A_834 = arith.addi %mul3A_2, %mul3A_833 : i32
        %dma_start3A_835 = arith.constant 2 : i32
        %dma_start3A_836 = arith.constant 2 : i32
        %dma_start3A_837 = arith.constant 0 : i32
        %dma_start3A_838 = arith.constant 0 : i32
        %dma_start3A_839 = tpu.memref_slice %arg7[%dma_start3A_835, %dma_start3A_837, %dma_start3A_838] : memref<4x80x128xf32, #tpu.memory_space<vmem>> -> memref<1x80x128xf32, #tpu.memory_space<vmem>>
        %dma_start3A_840 = tpu.memref_squeeze %dma_start3A_839 : memref<1x80x128xf32, #tpu.memory_space<vmem>> -> memref<80x128xf32, #tpu.memory_space<vmem>>
        %dma_start3A_841 = arith.constant 0 : i32
        %dma_start3A_842 = tpu.memref_slice %arg2[%add3A_834, %dma_start3A_841] : memref<320000x128xf32, #tpu.memory_space<hbm>> -> memref<80x128xf32, #tpu.memory_space<hbm>>
        %dma_start3A_843 = tpu.memref_slice %arg11[%dma_start3A_836] : memref<4x!tpu.dma_semaphore, #tpu.memory_space<semaphore_mem>> -> memref<1x!tpu.dma_semaphore, #tpu.memory_space<semaphore_mem>>
        %dma_start3A_844 = tpu.memref_squeeze %dma_start3A_843 : memref<1x!tpu.dma_semaphore, #tpu.memory_space<semaphore_mem>> -> memref<!tpu.dma_semaphore, #tpu.memory_space<semaphore_mem>>
        %dma_start3A_845 = arith.constant 0 : i32
        %dma_start3A_846 = arith.constant 0 : i32
        %dma_start3A_847 = tpu.memref_slice %arg7[%dma_start3A_835, %dma_start3A_845, %dma_start3A_846] : memref<4x80x128xf32, #tpu.memory_space<vmem>> -> memref<1x80x128xf32, #tpu.memory_space<vmem>>
        %dma_start3A_848 = tpu.memref_squeeze %dma_start3A_847 : memref<1x80x128xf32, #tpu.memory_space<vmem>> -> memref<80x128xf32, #tpu.memory_space<vmem>>
        %dma_start3A_849 = arith.constant 0 : i32
        %dma_start3A_850 = tpu.memref_slice %arg2[%add3A_834, %dma_start3A_849] : memref<320000x128xf32, #tpu.memory_space<hbm>> -> memref<80x128xf32, #tpu.memory_space<hbm>>
        tpu.enqueue_dma source(%dma_start3A_850 : memref<80x128xf32, #tpu.memory_space<hbm>>) target(%dma_start3A_848 : memref<80x128xf32, #tpu.memory_space<vmem>>) target_semaphore(%dma_start3A_844 : memref<!tpu.dma_semaphore, #tpu.memory_space<semaphore_mem>>)
        %dma_start3A_851 = arith.constant 2 : i32
        %dma_start3A_852 = arith.constant 2 : i32
        %dma_start3A_853 = arith.constant 0 : i32
        %dma_start3A_854 = tpu.memref_slice %arg8[%dma_start3A_851, %dma_start3A_853] : memref<4x80xi32, #tpu.memory_space<vmem>> -> memref<1x80xi32, #tpu.memory_space<vmem>>
        %dma_start3A_855 = tpu.memref_squeeze %dma_start3A_854 : memref<1x80xi32, #tpu.memory_space<vmem>> -> memref<80xi32, #tpu.memory_space<vmem>>
        %dma_start3A_856 = tpu.memref_slice %arg4[%add3A_834] : memref<320000xi32, #tpu.memory_space<hbm>> -> memref<80xi32, #tpu.memory_space<hbm>>
        %dma_start3A_857 = tpu.memref_slice %arg12[%dma_start3A_852] : memref<4x!tpu.dma_semaphore, #tpu.memory_space<semaphore_mem>> -> memref<1x!tpu.dma_semaphore, #tpu.memory_space<semaphore_mem>>
        %dma_start3A_858 = tpu.memref_squeeze %dma_start3A_857 : memref<1x!tpu.dma_semaphore, #tpu.memory_space<semaphore_mem>> -> memref<!tpu.dma_semaphore, #tpu.memory_space<semaphore_mem>>
        %dma_start3A_859 = arith.constant 0 : i32
        %dma_start3A_860 = tpu.memref_slice %arg8[%dma_start3A_851, %dma_start3A_859] : memref<4x80xi32, #tpu.memory_space<vmem>> -> memref<1x80xi32, #tpu.memory_space<vmem>>
        %dma_start3A_861 = tpu.memref_squeeze %dma_start3A_860 : memref<1x80xi32, #tpu.memory_space<vmem>> -> memref<80xi32, #tpu.memory_space<vmem>>
        %dma_start3A_862 = tpu.memref_slice %arg4[%add3A_834] : memref<320000xi32, #tpu.memory_space<hbm>> -> memref<80xi32, #tpu.memory_space<hbm>>
        tpu.enqueue_dma source(%dma_start3A_862 : memref<80xi32, #tpu.memory_space<hbm>>) target(%dma_start3A_861 : memref<80xi32, #tpu.memory_space<vmem>>) target_semaphore(%dma_start3A_858 : memref<!tpu.dma_semaphore, #tpu.memory_space<semaphore_mem>>)
      } else {
      }
      %get3A_754 = arith.constant 0 : index
      %get3A_755 = tpu.vector_load %arg10[%get3A_754] {strides = array<i32>} : memref<144xf32, #tpu.memory_space<vmem>>, vector<16xf32>,
      %get3A_756 = vector.shape_cast %get3A_755 : vector<16xf32> to vector<16xf32>
      %get3A_757 = arith.constant 16 : index
      %get3A_758 = tpu.vector_load %arg10[%get3A_757] {strides = array<i32>} : memref<144xf32, #tpu.memory_space<vmem>>, vector<16xf32>,
      %get3A_759 = vector.shape_cast %get3A_758 : vector<16xf32> to vector<16xf32>
      %get3A_760 = arith.constant 32 : index
      %get3A_761 = tpu.vector_load %arg10[%get3A_760] {strides = array<i32>} : memref<144xf32, #tpu.memory_space<vmem>>, vector<16xf32>,
      %get3A_762 = vector.shape_cast %get3A_761 : vector<16xf32> to vector<16xf32>
      %get3A_763 = arith.constant 48 : index
      %get3A_764 = tpu.vector_load %arg10[%get3A_763] {strides = array<i32>} : memref<144xf32, #tpu.memory_space<vmem>>, vector<16xf32>,
      %get3A_765 = vector.shape_cast %get3A_764 : vector<16xf32> to vector<16xf32>
      %get3A_766 = arith.constant 64 : index
      %get3A_767 = tpu.vector_load %arg10[%get3A_766] {strides = array<i32>} : memref<144xf32, #tpu.memory_space<vmem>>, vector<16xf32>,
      %get3A_768 = vector.shape_cast %get3A_767 : vector<16xf32> to vector<16xf32>
      %get3A_769 = arith.constant 80 : index
      %get3A_770 = tpu.vector_load %arg10[%get3A_769] {strides = array<i32>} : memref<144xf32, #tpu.memory_space<vmem>>, vector<16xf32>,
      %get3A_771 = vector.shape_cast %get3A_770 : vector<16xf32> to vector<16xf32>
      %get3A_772 = arith.constant 96 : index
      %get3A_773 = tpu.vector_load %arg10[%get3A_772] {strides = array<i32>} : memref<144xf32, #tpu.memory_space<vmem>>, vector<16xf32>,
      %get3A_774 = vector.shape_cast %get3A_773 : vector<16xf32> to vector<16xf32>
      %get3A_775 = arith.constant 112 : index
      %get3A_776 = tpu.vector_load %arg10[%get3A_775] {strides = array<i32>} : memref<144xf32, #tpu.memory_space<vmem>>, vector<16xf32>,
      %get3A_777 = vector.shape_cast %get3A_776 : vector<16xf32> to vector<16xf32>
      %get3A_778 = arith.constant 128 : index
      %get3A_779 = tpu.vector_load %arg10[%get3A_778] {strides = array<i32>} : memref<144xf32, #tpu.memory_space<vmem>>, vector<16xf32>,
      %get3A_780 = vector.shape_cast %get3A_779 : vector<16xf32> to vector<16xf32>
      %iota3A_781 = tpu.iota {dimensions = array<i32: 0>} : vector<16xi32>
      %xor3A_782 = arith.constant 8 : i32
      %xor3A_783 = vector.broadcast %xor3A_782 : i32 to vector<16xi32>
      %xor3A_784 = arith.xori %iota3A_781, %xor3A_783 : vector<16xi32>
      %reshape3A_785 = vector.shape_cast %xor3A_784 : vector<16xi32> to vector<16x1xi32>
      %xor3A_786 = arith.constant 4 : i32
      %xor3A_787 = vector.broadcast %xor3A_786 : i32 to vector<16xi32>
      %xor3A_788 = arith.xori %iota3A_781, %xor3A_787 : vector<16xi32>
      %reshape3A_789 = vector.shape_cast %xor3A_788 : vector<16xi32> to vector<16x1xi32>
      %xor3A_790 = arith.constant 2 : i32
      %xor3A_791 = vector.broadcast %xor3A_790 : i32 to vector<16xi32>
      %xor3A_792 = arith.xori %iota3A_781, %xor3A_791 : vector<16xi32>
      %reshape3A_793 = vector.shape_cast %xor3A_792 : vector<16xi32> to vector<16x1xi32>
      %xor3A_794 = arith.constant 1 : i32
      %xor3A_795 = vector.broadcast %xor3A_794 : i32 to vector<16xi32>
      %xor3A_796 = arith.xori %iota3A_781, %xor3A_795 : vector<16xi32>
      %reshape3A_797 = vector.shape_cast %xor3A_796 : vector<16xi32> to vector<16x1xi32>
      %parallel_loop3A_798 = arith.constant 0 : i32
      %parallel_loop3A_799 = arith.constant 80 : i32
      %parallel_loop3A_800 = arith.constant 1 : i32
      scf.for %parallel_loop3A_817 = %parallel_loop3A_798 to %parallel_loop3A_799 step %parallel_loop3A_800  : i32 {
        %parallel_loop3A_818 = arith.constant 3 : i32
        %parallel_loop3A_819 = arith.index_cast %parallel_loop3A_818 : i32 to index
        %parallel_loop3A_820 = arith.index_cast %parallel_loop3A_817 : i32 to index
        %parallel_loop3A_821 = arith.constant 0 : index
        %parallel_loop3A_822 = tpu.vector_load %arg7[%parallel_loop3A_819, %parallel_loop3A_820, %parallel_loop3A_821] {strides = array<i32>} : memref<4x80x128xf32, #tpu.memory_space<vmem>>, vector<1x1x16xf32>,
        %parallel_loop3A_823 = vector.shape_cast %parallel_loop3A_822 : vector<1x1x16xf32> to vector<16xf32>
        %parallel_loop3A_824 = arith.constant 3 : i32
        %parallel_loop3A_825 = arith.index_cast %parallel_loop3A_824 : i32 to index
        %parallel_loop3A_826 = arith.index_cast %parallel_loop3A_817 : i32 to index
        %parallel_loop3A_827 = arith.constant 16 : index
        %parallel_loop3A_828 = tpu.vector_load %arg7[%parallel_loop3A_825, %parallel_loop3A_826, %parallel_loop3A_827] {strides = array<i32>} : memref<4x80x128xf32, #tpu.memory_space<vmem>>, vector<1x1x16xf32>,
        %parallel_loop3A_829 = vector.shape_cast %parallel_loop3A_828 : vector<1x1x16xf32> to vector<16xf32>
        %parallel_loop3A_830 = arith.constant 3 : i32
        %parallel_loop3A_831 = arith.index_cast %parallel_loop3A_830 : i32 to index
        %parallel_loop3A_832 = arith.index_cast %parallel_loop3A_817 : i32 to index
        %parallel_loop3A_833 = arith.constant 32 : index
        %parallel_loop3A_834 = tpu.vector_load %arg7[%parallel_loop3A_831, %parallel_loop3A_832, %parallel_loop3A_833] {strides = array<i32>} : memref<4x80x128xf32, #tpu.memory_space<vmem>>, vector<1x1x16xf32>,
        %parallel_loop3A_835 = vector.shape_cast %parallel_loop3A_834 : vector<1x1x16xf32> to vector<16xf32>
        %parallel_loop3A_836 = arith.constant 3 : i32
        %parallel_loop3A_837 = arith.index_cast %parallel_loop3A_836 : i32 to index
        %parallel_loop3A_838 = arith.index_cast %parallel_loop3A_817 : i32 to index
        %parallel_loop3A_839 = arith.constant 48 : index
        %parallel_loop3A_840 = tpu.vector_load %arg7[%parallel_loop3A_837, %parallel_loop3A_838, %parallel_loop3A_839] {strides = array<i32>} : memref<4x80x128xf32, #tpu.memory_space<vmem>>, vector<1x1x16xf32>,
        %parallel_loop3A_841 = vector.shape_cast %parallel_loop3A_840 : vector<1x1x16xf32> to vector<16xf32>
        %parallel_loop3A_842 = arith.constant 3 : i32
        %parallel_loop3A_843 = arith.index_cast %parallel_loop3A_842 : i32 to index
        %parallel_loop3A_844 = arith.index_cast %parallel_loop3A_817 : i32 to index
        %parallel_loop3A_845 = arith.constant 64 : index
        %parallel_loop3A_846 = tpu.vector_load %arg7[%parallel_loop3A_843, %parallel_loop3A_844, %parallel_loop3A_845] {strides = array<i32>} : memref<4x80x128xf32, #tpu.memory_space<vmem>>, vector<1x1x16xf32>,
        %parallel_loop3A_847 = vector.shape_cast %parallel_loop3A_846 : vector<1x1x16xf32> to vector<16xf32>
        %parallel_loop3A_848 = arith.constant 3 : i32
        %parallel_loop3A_849 = arith.index_cast %parallel_loop3A_848 : i32 to index
        %parallel_loop3A_850 = arith.index_cast %parallel_loop3A_817 : i32 to index
        %parallel_loop3A_851 = arith.constant 80 : index
        %parallel_loop3A_852 = tpu.vector_load %arg7[%parallel_loop3A_849, %parallel_loop3A_850, %parallel_loop3A_851] {strides = array<i32>} : memref<4x80x128xf32, #tpu.memory_space<vmem>>, vector<1x1x16xf32>,
        %parallel_loop3A_853 = vector.shape_cast %parallel_loop3A_852 : vector<1x1x16xf32> to vector<16xf32>
        %parallel_loop3A_854 = arith.constant 3 : i32
        %parallel_loop3A_855 = arith.index_cast %parallel_loop3A_854 : i32 to index
        %parallel_loop3A_856 = arith.index_cast %parallel_loop3A_817 : i32 to index
        %parallel_loop3A_857 = arith.constant 96 : index
        %parallel_loop3A_858 = tpu.vector_load %arg7[%parallel_loop3A_855, %parallel_loop3A_856, %parallel_loop3A_857] {strides = array<i32>} : memref<4x80x128xf32, #tpu.memory_space<vmem>>, vector<1x1x16xf32>,
        %parallel_loop3A_859 = vector.shape_cast %parallel_loop3A_858 : vector<1x1x16xf32> to vector<16xf32>
        %parallel_loop3A_860 = arith.constant 3 : i32
        %parallel_loop3A_861 = arith.index_cast %parallel_loop3A_860 : i32 to index
        %parallel_loop3A_862 = arith.index_cast %parallel_loop3A_817 : i32 to index
        %parallel_loop3A_863 = arith.constant 112 : index
        %parallel_loop3A_864 = tpu.vector_load %arg7[%parallel_loop3A_861, %parallel_loop3A_862, %parallel_loop3A_863] {strides = array<i32>} : memref<4x80x128xf32, #tpu.memory_space<vmem>>, vector<1x1x16xf32>,
        %parallel_loop3A_865 = vector.shape_cast %parallel_loop3A_864 : vector<1x1x16xf32> to vector<16xf32>
        %parallel_loop3A_866 = arith.mulf %parallel_loop3A_823, %get3A_756 : vector<16xf32>
        %parallel_loop3A_867 = arith.mulf %parallel_loop3A_829, %get3A_759 : vector<16xf32>
        %parallel_loop3A_868 = arith.addf %parallel_loop3A_866, %parallel_loop3A_867 : vector<16xf32>
        %parallel_loop3A_869 = arith.mulf %parallel_loop3A_835, %get3A_762 : vector<16xf32>
        %parallel_loop3A_870 = arith.addf %parallel_loop3A_868, %parallel_loop3A_869 : vector<16xf32>
        %parallel_loop3A_871 = arith.mulf %parallel_loop3A_841, %get3A_765 : vector<16xf32>
        %parallel_loop3A_872 = arith.addf %parallel_loop3A_870, %parallel_loop3A_871 : vector<16xf32>
        %parallel_loop3A_873 = arith.mulf %parallel_loop3A_847, %get3A_768 : vector<16xf32>
        %parallel_loop3A_874 = arith.addf %parallel_loop3A_872, %parallel_loop3A_873 : vector<16xf32>
        %parallel_loop3A_875 = arith.mulf %parallel_loop3A_853, %get3A_771 : vector<16xf32>
        %parallel_loop3A_876 = arith.addf %parallel_loop3A_874, %parallel_loop3A_875 : vector<16xf32>
        %parallel_loop3A_877 = arith.mulf %parallel_loop3A_859, %get3A_774 : vector<16xf32>
        %parallel_loop3A_878 = arith.addf %parallel_loop3A_876, %parallel_loop3A_877 : vector<16xf32>
        %parallel_loop3A_879 = arith.mulf %parallel_loop3A_865, %get3A_777 : vector<16xf32>
        %parallel_loop3A_880 = arith.addf %parallel_loop3A_878, %parallel_loop3A_879 : vector<16xf32>
        %parallel_loop3A_881 = vector.shape_cast %reshape3A_785 : vector<16x1xi32> to vector<16xi32>
        %parallel_loop3A_882 = tpu.dynamic_gather %parallel_loop3A_880[%parallel_loop3A_881] in [0] : vector<16xf32>, vector<16xi32> -> vector<16xf32>
        %parallel_loop3A_883 = arith.addf %parallel_loop3A_880, %parallel_loop3A_882 : vector<16xf32>
        %parallel_loop3A_884 = vector.shape_cast %reshape3A_789 : vector<16x1xi32> to vector<16xi32>
        %parallel_loop3A_885 = tpu.dynamic_gather %parallel_loop3A_883[%parallel_loop3A_884] in [0] : vector<16xf32>, vector<16xi32> -> vector<16xf32>
        %parallel_loop3A_886 = arith.addf %parallel_loop3A_883, %parallel_loop3A_885 : vector<16xf32>
        %parallel_loop3A_887 = vector.shape_cast %reshape3A_793 : vector<16x1xi32> to vector<16xi32>
        %parallel_loop3A_888 = tpu.dynamic_gather %parallel_loop3A_886[%parallel_loop3A_887] in [0] : vector<16xf32>, vector<16xi32> -> vector<16xf32>
        %parallel_loop3A_889 = arith.addf %parallel_loop3A_886, %parallel_loop3A_888 : vector<16xf32>
        %parallel_loop3A_890 = vector.shape_cast %reshape3A_797 : vector<16x1xi32> to vector<16xi32>
        %parallel_loop3A_891 = tpu.dynamic_gather %parallel_loop3A_889[%parallel_loop3A_890] in [0] : vector<16xf32>, vector<16xi32> -> vector<16xf32>
        %parallel_loop3A_892 = arith.addf %parallel_loop3A_889, %parallel_loop3A_891 : vector<16xf32>
        %parallel_loop3A_893 = arith.addf %parallel_loop3A_892, %get3A_780 : vector<16xf32>
        %parallel_loop3A_894 = arith.constant 0.000000e+00 : f32
        %parallel_loop3A_895 = vector.broadcast %parallel_loop3A_894 : f32 to vector<16xf32>
        %parallel_loop3A_896 = arith.subf %parallel_loop3A_895, %parallel_loop3A_893 : vector<16xf32>
        %parallel_loop3A_897 = math.exp %parallel_loop3A_896 : vector<16xf32>
        %parallel_loop3A_898 = arith.constant 1.000000e+00 : f32
        %parallel_loop3A_899 = vector.broadcast %parallel_loop3A_898 : f32 to vector<16xf32>
        %parallel_loop3A_900 = arith.addf %parallel_loop3A_899, %parallel_loop3A_897 : vector<16xf32>
        %parallel_loop3A_901 = arith.constant 1.000000e+00 : f32
        %parallel_loop3A_902 = vector.broadcast %parallel_loop3A_901 : f32 to vector<16xf32>
        %parallel_loop3A_903 = arith.divf %parallel_loop3A_902, %parallel_loop3A_900 : vector<16xf32>
        %parallel_loop3A_904 = arith.mulf %parallel_loop3A_823, %parallel_loop3A_903 : vector<16xf32>
        %parallel_loop3A_905 = arith.constant 3 : i32
        %parallel_loop3A_906 = arith.index_cast %parallel_loop3A_905 : i32 to index
        %parallel_loop3A_907 = arith.index_cast %parallel_loop3A_817 : i32 to index
        %parallel_loop3A_908 = arith.constant 0 : index
        %parallel_loop3A_909 = tpu.vector_load %arg7[%parallel_loop3A_906, %parallel_loop3A_907, %parallel_loop3A_908] {strides = array<i32>} : memref<4x80x128xf32, #tpu.memory_space<vmem>>, vector<1x1x16xf32>,
        %parallel_loop3A_910 = vector.shape_cast %parallel_loop3A_909 : vector<1x1x16xf32> to vector<16xf32>
        %parallel_loop3A_911 = vector.shape_cast %parallel_loop3A_904 : vector<16xf32> to vector<1x1x16xf32>
        tpu.vector_store %arg7[%parallel_loop3A_906, %parallel_loop3A_907, %parallel_loop3A_908], %parallel_loop3A_911 {strides = array<i32>} : memref<4x80x128xf32, #tpu.memory_space<vmem>>, vector<1x1x16xf32>,
        %parallel_loop3A_912 = arith.mulf %parallel_loop3A_829, %parallel_loop3A_903 : vector<16xf32>
        %parallel_loop3A_913 = arith.constant 3 : i32
        %parallel_loop3A_914 = arith.index_cast %parallel_loop3A_913 : i32 to index
        %parallel_loop3A_915 = arith.index_cast %parallel_loop3A_817 : i32 to index
        %parallel_loop3A_916 = arith.constant 16 : index
        %parallel_loop3A_917 = tpu.vector_load %arg7[%parallel_loop3A_914, %parallel_loop3A_915, %parallel_loop3A_916] {strides = array<i32>} : memref<4x80x128xf32, #tpu.memory_space<vmem>>, vector<1x1x16xf32>,
        %parallel_loop3A_918 = vector.shape_cast %parallel_loop3A_917 : vector<1x1x16xf32> to vector<16xf32>
        %parallel_loop3A_919 = vector.shape_cast %parallel_loop3A_912 : vector<16xf32> to vector<1x1x16xf32>
        tpu.vector_store %arg7[%parallel_loop3A_914, %parallel_loop3A_915, %parallel_loop3A_916], %parallel_loop3A_919 {strides = array<i32>} : memref<4x80x128xf32, #tpu.memory_space<vmem>>, vector<1x1x16xf32>,
        %parallel_loop3A_920 = arith.mulf %parallel_loop3A_835, %parallel_loop3A_903 : vector<16xf32>
        %parallel_loop3A_921 = arith.constant 3 : i32
        %parallel_loop3A_922 = arith.index_cast %parallel_loop3A_921 : i32 to index
        %parallel_loop3A_923 = arith.index_cast %parallel_loop3A_817 : i32 to index
        %parallel_loop3A_924 = arith.constant 32 : index
        %parallel_loop3A_925 = tpu.vector_load %arg7[%parallel_loop3A_922, %parallel_loop3A_923, %parallel_loop3A_924] {strides = array<i32>} : memref<4x80x128xf32, #tpu.memory_space<vmem>>, vector<1x1x16xf32>,
        %parallel_loop3A_926 = vector.shape_cast %parallel_loop3A_925 : vector<1x1x16xf32> to vector<16xf32>
        %parallel_loop3A_927 = vector.shape_cast %parallel_loop3A_920 : vector<16xf32> to vector<1x1x16xf32>
        tpu.vector_store %arg7[%parallel_loop3A_922, %parallel_loop3A_923, %parallel_loop3A_924], %parallel_loop3A_927 {strides = array<i32>} : memref<4x80x128xf32, #tpu.memory_space<vmem>>, vector<1x1x16xf32>,
        %parallel_loop3A_928 = arith.mulf %parallel_loop3A_841, %parallel_loop3A_903 : vector<16xf32>
        %parallel_loop3A_929 = arith.constant 3 : i32
        %parallel_loop3A_930 = arith.index_cast %parallel_loop3A_929 : i32 to index
        %parallel_loop3A_931 = arith.index_cast %parallel_loop3A_817 : i32 to index
        %parallel_loop3A_932 = arith.constant 48 : index
        %parallel_loop3A_933 = tpu.vector_load %arg7[%parallel_loop3A_930, %parallel_loop3A_931, %parallel_loop3A_932] {strides = array<i32>} : memref<4x80x128xf32, #tpu.memory_space<vmem>>, vector<1x1x16xf32>,
        %parallel_loop3A_934 = vector.shape_cast %parallel_loop3A_933 : vector<1x1x16xf32> to vector<16xf32>
        %parallel_loop3A_935 = vector.shape_cast %parallel_loop3A_928 : vector<16xf32> to vector<1x1x16xf32>
        tpu.vector_store %arg7[%parallel_loop3A_930, %parallel_loop3A_931, %parallel_loop3A_932], %parallel_loop3A_935 {strides = array<i32>} : memref<4x80x128xf32, #tpu.memory_space<vmem>>, vector<1x1x16xf32>,
        %parallel_loop3A_936 = arith.mulf %parallel_loop3A_847, %parallel_loop3A_903 : vector<16xf32>
        %parallel_loop3A_937 = arith.constant 3 : i32
        %parallel_loop3A_938 = arith.index_cast %parallel_loop3A_937 : i32 to index
        %parallel_loop3A_939 = arith.index_cast %parallel_loop3A_817 : i32 to index
        %parallel_loop3A_940 = arith.constant 64 : index
        %parallel_loop3A_941 = tpu.vector_load %arg7[%parallel_loop3A_938, %parallel_loop3A_939, %parallel_loop3A_940] {strides = array<i32>} : memref<4x80x128xf32, #tpu.memory_space<vmem>>, vector<1x1x16xf32>,
        %parallel_loop3A_942 = vector.shape_cast %parallel_loop3A_941 : vector<1x1x16xf32> to vector<16xf32>
        %parallel_loop3A_943 = vector.shape_cast %parallel_loop3A_936 : vector<16xf32> to vector<1x1x16xf32>
        tpu.vector_store %arg7[%parallel_loop3A_938, %parallel_loop3A_939, %parallel_loop3A_940], %parallel_loop3A_943 {strides = array<i32>} : memref<4x80x128xf32, #tpu.memory_space<vmem>>, vector<1x1x16xf32>,
        %parallel_loop3A_944 = arith.mulf %parallel_loop3A_853, %parallel_loop3A_903 : vector<16xf32>
        %parallel_loop3A_945 = arith.constant 3 : i32
        %parallel_loop3A_946 = arith.index_cast %parallel_loop3A_945 : i32 to index
        %parallel_loop3A_947 = arith.index_cast %parallel_loop3A_817 : i32 to index
        %parallel_loop3A_948 = arith.constant 80 : index
        %parallel_loop3A_949 = tpu.vector_load %arg7[%parallel_loop3A_946, %parallel_loop3A_947, %parallel_loop3A_948] {strides = array<i32>} : memref<4x80x128xf32, #tpu.memory_space<vmem>>, vector<1x1x16xf32>,
        %parallel_loop3A_950 = vector.shape_cast %parallel_loop3A_949 : vector<1x1x16xf32> to vector<16xf32>
        %parallel_loop3A_951 = vector.shape_cast %parallel_loop3A_944 : vector<16xf32> to vector<1x1x16xf32>
        tpu.vector_store %arg7[%parallel_loop3A_946, %parallel_loop3A_947, %parallel_loop3A_948], %parallel_loop3A_951 {strides = array<i32>} : memref<4x80x128xf32, #tpu.memory_space<vmem>>, vector<1x1x16xf32>,
        %parallel_loop3A_952 = arith.mulf %parallel_loop3A_859, %parallel_loop3A_903 : vector<16xf32>
        %parallel_loop3A_953 = arith.constant 3 : i32
        %parallel_loop3A_954 = arith.index_cast %parallel_loop3A_953 : i32 to index
        %parallel_loop3A_955 = arith.index_cast %parallel_loop3A_817 : i32 to index
        %parallel_loop3A_956 = arith.constant 96 : index
        %parallel_loop3A_957 = tpu.vector_load %arg7[%parallel_loop3A_954, %parallel_loop3A_955, %parallel_loop3A_956] {strides = array<i32>} : memref<4x80x128xf32, #tpu.memory_space<vmem>>, vector<1x1x16xf32>,
        %parallel_loop3A_958 = vector.shape_cast %parallel_loop3A_957 : vector<1x1x16xf32> to vector<16xf32>
        %parallel_loop3A_959 = vector.shape_cast %parallel_loop3A_952 : vector<16xf32> to vector<1x1x16xf32>
        tpu.vector_store %arg7[%parallel_loop3A_954, %parallel_loop3A_955, %parallel_loop3A_956], %parallel_loop3A_959 {strides = array<i32>} : memref<4x80x128xf32, #tpu.memory_space<vmem>>, vector<1x1x16xf32>,
        %parallel_loop3A_960 = arith.mulf %parallel_loop3A_865, %parallel_loop3A_903 : vector<16xf32>
        %parallel_loop3A_961 = arith.constant 3 : i32
        %parallel_loop3A_962 = arith.index_cast %parallel_loop3A_961 : i32 to index
        %parallel_loop3A_963 = arith.index_cast %parallel_loop3A_817 : i32 to index
        %parallel_loop3A_964 = arith.constant 112 : index
        %parallel_loop3A_965 = tpu.vector_load %arg7[%parallel_loop3A_962, %parallel_loop3A_963, %parallel_loop3A_964] {strides = array<i32>} : memref<4x80x128xf32, #tpu.memory_space<vmem>>, vector<1x1x16xf32>,
        %parallel_loop3A_966 = vector.shape_cast %parallel_loop3A_965 : vector<1x1x16xf32> to vector<16xf32>
        %parallel_loop3A_967 = vector.shape_cast %parallel_loop3A_960 : vector<16xf32> to vector<1x1x16xf32>
        tpu.vector_store %arg7[%parallel_loop3A_962, %parallel_loop3A_963, %parallel_loop3A_964], %parallel_loop3A_967 {strides = array<i32>} : memref<4x80x128xf32, #tpu.memory_space<vmem>>, vector<1x1x16xf32>,
      } {sc.loop_unroll_factor = 4 : i64, sc.parallel_access}
      %dma_start3A_801 = arith.constant 3 : i32
      %dma_start3A_802 = arith.constant 3 : i32
      %dma_start3A_803 = arith.constant 3 : i32
      %dma_start3A_804 = arith.constant 0 : i32
      %dma_start3A_805 = arith.constant 0 : i32
      %dma_start3A_806 = tpu.memref_slice %arg7[%dma_start3A_801, %dma_start3A_804, %dma_start3A_805] : memref<4x80x128xf32, #tpu.memory_space<vmem>> -> memref<1x80x128xf32, #tpu.memory_space<vmem>>
      %dma_start3A_807 = tpu.memref_squeeze %dma_start3A_806 : memref<1x80x128xf32, #tpu.memory_space<vmem>> -> memref<80x128xf32, #tpu.memory_space<vmem>>
      %dma_start3A_808 = arith.constant 0 : i32
      %dma_start3A_809 = tpu.memref_slice %arg8[%dma_start3A_802, %dma_start3A_808] : memref<4x80xi32, #tpu.memory_space<vmem>> -> memref<1x80xi32, #tpu.memory_space<vmem>>
      %dma_start3A_810 = tpu.memref_squeeze %dma_start3A_809 : memref<1x80xi32, #tpu.memory_space<vmem>> -> memref<80xi32, #tpu.memory_space<vmem>>
      %dma_start3A_811 = arith.constant 0 : i32
      %dma_start3A_812 = arith.constant 0 : i32
      %dma_start3A_813 = tpu.memref_slice %arg6[%dma_start3A_811, %dma_start3A_812] : memref<10000x128xf32, #tpu.memory_space<vmem_shared>> -> memref<10000x128xf32, #tpu.memory_space<vmem_shared>>
      %dma_start3A_814 = tpu.memref_slice %arg13[%dma_start3A_803] : memref<4x!tpu.dma_semaphore, #tpu.memory_space<semaphore_mem>> -> memref<1x!tpu.dma_semaphore, #tpu.memory_space<semaphore_mem>>
      %dma_start3A_815 = tpu.memref_squeeze %dma_start3A_814 : memref<1x!tpu.dma_semaphore, #tpu.memory_space<semaphore_mem>> -> memref<!tpu.dma_semaphore, #tpu.memory_space<semaphore_mem>>
      tpu.enqueue_indirect_dma source(%dma_start3A_807 : memref<80x128xf32, #tpu.memory_space<vmem>>) target(%dma_start3A_813 : memref<10000x128xf32, #tpu.memory_space<vmem_shared>>) offsets(%dma_start3A_810 : memref<80xi32, #tpu.memory_space<vmem>>) semaphore(%dma_start3A_815 : memref<!tpu.dma_semaphore, #tpu.memory_space<semaphore_mem>>) {add = true}
      %scan3A_816 = arith.constant 0 : i32
      scf.yield %scan3A_816 : i32
    }
    %scan3A_168 = arith.constant 31 : i32
    %add3A_169 = arith.constant 9920 : i32
    %add3A_170 = arith.addi %mul3A_2, %add3A_169 : i32
    %dma_wait3A = arith.constant 0 : i32
    %dma_wait3A_171 = arith.constant 0 : i32
    %dma_wait3A_172 = arith.constant 0 : i32
    %dma_wait3A_173 = arith.constant 0 : i32
    %dma_wait3A_174 = tpu.memref_slice %arg7[%dma_wait3A, %dma_wait3A_172, %dma_wait3A_173] : memref<4x80x128xf32, #tpu.memory_space<vmem>> -> memref<1x80x128xf32, #tpu.memory_space<vmem>>
    %dma_wait3A_175 = tpu.memref_squeeze %dma_wait3A_174 : memref<1x80x128xf32, #tpu.memory_space<vmem>> -> memref<80x128xf32, #tpu.memory_space<vmem>>
    %dma_wait3A_176 = arith.constant 0 : i32
    %dma_wait3A_177 = tpu.memref_slice %arg2[%add3A_170, %dma_wait3A_176] : memref<320000x128xf32, #tpu.memory_space<hbm>> -> memref<80x128xf32, #tpu.memory_space<hbm>>
    %dma_wait3A_178 = tpu.memref_slice %arg11[%dma_wait3A_171] : memref<4x!tpu.dma_semaphore, #tpu.memory_space<semaphore_mem>> -> memref<1x!tpu.dma_semaphore, #tpu.memory_space<semaphore_mem>>
    %dma_wait3A_179 = tpu.memref_squeeze %dma_wait3A_178 : memref<1x!tpu.dma_semaphore, #tpu.memory_space<semaphore_mem>> -> memref<!tpu.dma_semaphore, #tpu.memory_space<semaphore_mem>>
    %dma_wait3A_180 = arith.constant 0 : i32
    %dma_wait3A_181 = arith.constant 0 : i32
    %dma_wait3A_182 = tpu.memref_slice %arg7[%dma_wait3A, %dma_wait3A_180, %dma_wait3A_181] : memref<4x80x128xf32, #tpu.memory_space<vmem>> -> memref<1x80x128xf32, #tpu.memory_space<vmem>>
    %dma_wait3A_183 = tpu.memref_squeeze %dma_wait3A_182 : memref<1x80x128xf32, #tpu.memory_space<vmem>> -> memref<80x128xf32, #tpu.memory_space<vmem>>
    %dma_wait3A_184 = arith.constant 0 : i32
    %dma_wait3A_185 = tpu.memref_slice %arg2[%add3A_170, %dma_wait3A_184] : memref<320000x128xf32, #tpu.memory_space<hbm>> -> memref<80x128xf32, #tpu.memory_space<hbm>>
    tpu.wait_dma2 semaphore(%dma_wait3A_179 : memref<!tpu.dma_semaphore, #tpu.memory_space<semaphore_mem>>) src(%dma_wait3A_185 : memref<80x128xf32, #tpu.memory_space<hbm>>) dst(%dma_wait3A_183 : memref<80x128xf32, #tpu.memory_space<vmem>>)
    %dma_wait3A_186 = arith.constant 0 : i32
    %dma_wait3A_187 = arith.constant 0 : i32
    %dma_wait3A_188 = arith.constant 0 : i32
    %dma_wait3A_189 = tpu.memref_slice %arg8[%dma_wait3A_186, %dma_wait3A_188] : memref<4x80xi32, #tpu.memory_space<vmem>> -> memref<1x80xi32, #tpu.memory_space<vmem>>
    %dma_wait3A_190 = tpu.memref_squeeze %dma_wait3A_189 : memref<1x80xi32, #tpu.memory_space<vmem>> -> memref<80xi32, #tpu.memory_space<vmem>>
    %dma_wait3A_191 = tpu.memref_slice %arg4[%add3A_170] : memref<320000xi32, #tpu.memory_space<hbm>> -> memref<80xi32, #tpu.memory_space<hbm>>
    %dma_wait3A_192 = tpu.memref_slice %arg12[%dma_wait3A_187] : memref<4x!tpu.dma_semaphore, #tpu.memory_space<semaphore_mem>> -> memref<1x!tpu.dma_semaphore, #tpu.memory_space<semaphore_mem>>
    %dma_wait3A_193 = tpu.memref_squeeze %dma_wait3A_192 : memref<1x!tpu.dma_semaphore, #tpu.memory_space<semaphore_mem>> -> memref<!tpu.dma_semaphore, #tpu.memory_space<semaphore_mem>>
    %dma_wait3A_194 = arith.constant 0 : i32
    %dma_wait3A_195 = tpu.memref_slice %arg8[%dma_wait3A_186, %dma_wait3A_194] : memref<4x80xi32, #tpu.memory_space<vmem>> -> memref<1x80xi32, #tpu.memory_space<vmem>>
    %dma_wait3A_196 = tpu.memref_squeeze %dma_wait3A_195 : memref<1x80xi32, #tpu.memory_space<vmem>> -> memref<80xi32, #tpu.memory_space<vmem>>
    %dma_wait3A_197 = tpu.memref_slice %arg4[%add3A_170] : memref<320000xi32, #tpu.memory_space<hbm>> -> memref<80xi32, #tpu.memory_space<hbm>>
    tpu.wait_dma2 semaphore(%dma_wait3A_193 : memref<!tpu.dma_semaphore, #tpu.memory_space<semaphore_mem>>) src(%dma_wait3A_197 : memref<80xi32, #tpu.memory_space<hbm>>) dst(%dma_wait3A_196 : memref<80xi32, #tpu.memory_space<vmem>>)
    %get3A = arith.constant 0 : index
    %get3A_198 = tpu.vector_load %arg10[%get3A] {strides = array<i32>} : memref<144xf32, #tpu.memory_space<vmem>>, vector<16xf32>,
    %get3A_199 = vector.shape_cast %get3A_198 : vector<16xf32> to vector<16xf32>
    %get3A_200 = arith.constant 16 : index
    %get3A_201 = tpu.vector_load %arg10[%get3A_200] {strides = array<i32>} : memref<144xf32, #tpu.memory_space<vmem>>, vector<16xf32>,
    %get3A_202 = vector.shape_cast %get3A_201 : vector<16xf32> to vector<16xf32>
    %get3A_203 = arith.constant 32 : index
    %get3A_204 = tpu.vector_load %arg10[%get3A_203] {strides = array<i32>} : memref<144xf32, #tpu.memory_space<vmem>>, vector<16xf32>,
    %get3A_205 = vector.shape_cast %get3A_204 : vector<16xf32> to vector<16xf32>
    %get3A_206 = arith.constant 48 : index
    %get3A_207 = tpu.vector_load %arg10[%get3A_206] {strides = array<i32>} : memref<144xf32, #tpu.memory_space<vmem>>, vector<16xf32>,
    %get3A_208 = vector.shape_cast %get3A_207 : vector<16xf32> to vector<16xf32>
    %get3A_209 = arith.constant 64 : index
    %get3A_210 = tpu.vector_load %arg10[%get3A_209] {strides = array<i32>} : memref<144xf32, #tpu.memory_space<vmem>>, vector<16xf32>,
    %get3A_211 = vector.shape_cast %get3A_210 : vector<16xf32> to vector<16xf32>
    %get3A_212 = arith.constant 80 : index
    %get3A_213 = tpu.vector_load %arg10[%get3A_212] {strides = array<i32>} : memref<144xf32, #tpu.memory_space<vmem>>, vector<16xf32>,
    %get3A_214 = vector.shape_cast %get3A_213 : vector<16xf32> to vector<16xf32>
    %get3A_215 = arith.constant 96 : index
    %get3A_216 = tpu.vector_load %arg10[%get3A_215] {strides = array<i32>} : memref<144xf32, #tpu.memory_space<vmem>>, vector<16xf32>,
    %get3A_217 = vector.shape_cast %get3A_216 : vector<16xf32> to vector<16xf32>
    %get3A_218 = arith.constant 112 : index
    %get3A_219 = tpu.vector_load %arg10[%get3A_218] {strides = array<i32>} : memref<144xf32, #tpu.memory_space<vmem>>, vector<16xf32>,
    %get3A_220 = vector.shape_cast %get3A_219 : vector<16xf32> to vector<16xf32>
    %get3A_221 = arith.constant 128 : index
    %get3A_222 = tpu.vector_load %arg10[%get3A_221] {strides = array<i32>} : memref<144xf32, #tpu.memory_space<vmem>>, vector<16xf32>,
    %get3A_223 = vector.shape_cast %get3A_222 : vector<16xf32> to vector<16xf32>
    %iota3A = tpu.iota {dimensions = array<i32: 0>} : vector<16xi32>
    %xor3A = arith.constant 8 : i32
    %xor3A_224 = vector.broadcast %xor3A : i32 to vector<16xi32>
    %xor3A_225 = arith.xori %iota3A, %xor3A_224 : vector<16xi32>
    %reshape3A = vector.shape_cast %xor3A_225 : vector<16xi32> to vector<16x1xi32>
    %xor3A_226 = arith.constant 4 : i32
    %xor3A_227 = vector.broadcast %xor3A_226 : i32 to vector<16xi32>
    %xor3A_228 = arith.xori %iota3A, %xor3A_227 : vector<16xi32>
    %reshape3A_229 = vector.shape_cast %xor3A_228 : vector<16xi32> to vector<16x1xi32>
    %xor3A_230 = arith.constant 2 : i32
    %xor3A_231 = vector.broadcast %xor3A_230 : i32 to vector<16xi32>
    %xor3A_232 = arith.xori %iota3A, %xor3A_231 : vector<16xi32>
    %reshape3A_233 = vector.shape_cast %xor3A_232 : vector<16xi32> to vector<16x1xi32>
    %xor3A_234 = arith.constant 1 : i32
    %xor3A_235 = vector.broadcast %xor3A_234 : i32 to vector<16xi32>
    %xor3A_236 = arith.xori %iota3A, %xor3A_235 : vector<16xi32>
    %reshape3A_237 = vector.shape_cast %xor3A_236 : vector<16xi32> to vector<16x1xi32>
    %parallel_loop3A = arith.constant 0 : i32
    %parallel_loop3A_238 = arith.constant 80 : i32
    %parallel_loop3A_239 = arith.constant 1 : i32
    scf.for %parallel_loop3A_323 = %parallel_loop3A to %parallel_loop3A_238 step %parallel_loop3A_239  : i32 {
      %parallel_loop3A_324 = arith.constant 0 : i32
      %parallel_loop3A_325 = arith.index_cast %parallel_loop3A_324 : i32 to index
      %parallel_loop3A_326 = arith.index_cast %parallel_loop3A_323 : i32 to index
      %parallel_loop3A_327 = arith.constant 0 : index
      %parallel_loop3A_328 = tpu.vector_load %arg7[%parallel_loop3A_325, %parallel_loop3A_326, %parallel_loop3A_327] {strides = array<i32>} : memref<4x80x128xf32, #tpu.memory_space<vmem>>, vector<1x1x16xf32>,
      %parallel_loop3A_329 = vector.shape_cast %parallel_loop3A_328 : vector<1x1x16xf32> to vector<16xf32>
      %parallel_loop3A_330 = arith.constant 0 : i32
      %parallel_loop3A_331 = arith.index_cast %parallel_loop3A_330 : i32 to index
      %parallel_loop3A_332 = arith.index_cast %parallel_loop3A_323 : i32 to index
      %parallel_loop3A_333 = arith.constant 16 : index
      %parallel_loop3A_334 = tpu.vector_load %arg7[%parallel_loop3A_331, %parallel_loop3A_332, %parallel_loop3A_333] {strides = array<i32>} : memref<4x80x128xf32, #tpu.memory_space<vmem>>, vector<1x1x16xf32>,
      %parallel_loop3A_335 = vector.shape_cast %parallel_loop3A_334 : vector<1x1x16xf32> to vector<16xf32>
      %parallel_loop3A_336 = arith.constant 0 : i32
      %parallel_loop3A_337 = arith.index_cast %parallel_loop3A_336 : i32 to index
      %parallel_loop3A_338 = arith.index_cast %parallel_loop3A_323 : i32 to index
      %parallel_loop3A_339 = arith.constant 32 : index
      %parallel_loop3A_340 = tpu.vector_load %arg7[%parallel_loop3A_337, %parallel_loop3A_338, %parallel_loop3A_339] {strides = array<i32>} : memref<4x80x128xf32, #tpu.memory_space<vmem>>, vector<1x1x16xf32>,
      %parallel_loop3A_341 = vector.shape_cast %parallel_loop3A_340 : vector<1x1x16xf32> to vector<16xf32>
      %parallel_loop3A_342 = arith.constant 0 : i32
      %parallel_loop3A_343 = arith.index_cast %parallel_loop3A_342 : i32 to index
      %parallel_loop3A_344 = arith.index_cast %parallel_loop3A_323 : i32 to index
      %parallel_loop3A_345 = arith.constant 48 : index
      %parallel_loop3A_346 = tpu.vector_load %arg7[%parallel_loop3A_343, %parallel_loop3A_344, %parallel_loop3A_345] {strides = array<i32>} : memref<4x80x128xf32, #tpu.memory_space<vmem>>, vector<1x1x16xf32>,
      %parallel_loop3A_347 = vector.shape_cast %parallel_loop3A_346 : vector<1x1x16xf32> to vector<16xf32>
      %parallel_loop3A_348 = arith.constant 0 : i32
      %parallel_loop3A_349 = arith.index_cast %parallel_loop3A_348 : i32 to index
      %parallel_loop3A_350 = arith.index_cast %parallel_loop3A_323 : i32 to index
      %parallel_loop3A_351 = arith.constant 64 : index
      %parallel_loop3A_352 = tpu.vector_load %arg7[%parallel_loop3A_349, %parallel_loop3A_350, %parallel_loop3A_351] {strides = array<i32>} : memref<4x80x128xf32, #tpu.memory_space<vmem>>, vector<1x1x16xf32>,
      %parallel_loop3A_353 = vector.shape_cast %parallel_loop3A_352 : vector<1x1x16xf32> to vector<16xf32>
      %parallel_loop3A_354 = arith.constant 0 : i32
      %parallel_loop3A_355 = arith.index_cast %parallel_loop3A_354 : i32 to index
      %parallel_loop3A_356 = arith.index_cast %parallel_loop3A_323 : i32 to index
      %parallel_loop3A_357 = arith.constant 80 : index
      %parallel_loop3A_358 = tpu.vector_load %arg7[%parallel_loop3A_355, %parallel_loop3A_356, %parallel_loop3A_357] {strides = array<i32>} : memref<4x80x128xf32, #tpu.memory_space<vmem>>, vector<1x1x16xf32>,
      %parallel_loop3A_359 = vector.shape_cast %parallel_loop3A_358 : vector<1x1x16xf32> to vector<16xf32>
      %parallel_loop3A_360 = arith.constant 0 : i32
      %parallel_loop3A_361 = arith.index_cast %parallel_loop3A_360 : i32 to index
      %parallel_loop3A_362 = arith.index_cast %parallel_loop3A_323 : i32 to index
      %parallel_loop3A_363 = arith.constant 96 : index
      %parallel_loop3A_364 = tpu.vector_load %arg7[%parallel_loop3A_361, %parallel_loop3A_362, %parallel_loop3A_363] {strides = array<i32>} : memref<4x80x128xf32, #tpu.memory_space<vmem>>, vector<1x1x16xf32>,
      %parallel_loop3A_365 = vector.shape_cast %parallel_loop3A_364 : vector<1x1x16xf32> to vector<16xf32>
      %parallel_loop3A_366 = arith.constant 0 : i32
      %parallel_loop3A_367 = arith.index_cast %parallel_loop3A_366 : i32 to index
      %parallel_loop3A_368 = arith.index_cast %parallel_loop3A_323 : i32 to index
      %parallel_loop3A_369 = arith.constant 112 : index
      %parallel_loop3A_370 = tpu.vector_load %arg7[%parallel_loop3A_367, %parallel_loop3A_368, %parallel_loop3A_369] {strides = array<i32>} : memref<4x80x128xf32, #tpu.memory_space<vmem>>, vector<1x1x16xf32>,
      %parallel_loop3A_371 = vector.shape_cast %parallel_loop3A_370 : vector<1x1x16xf32> to vector<16xf32>
      %parallel_loop3A_372 = arith.mulf %parallel_loop3A_329, %get3A_199 : vector<16xf32>
      %parallel_loop3A_373 = arith.mulf %parallel_loop3A_335, %get3A_202 : vector<16xf32>
      %parallel_loop3A_374 = arith.addf %parallel_loop3A_372, %parallel_loop3A_373 : vector<16xf32>
      %parallel_loop3A_375 = arith.mulf %parallel_loop3A_341, %get3A_205 : vector<16xf32>
      %parallel_loop3A_376 = arith.addf %parallel_loop3A_374, %parallel_loop3A_375 : vector<16xf32>
      %parallel_loop3A_377 = arith.mulf %parallel_loop3A_347, %get3A_208 : vector<16xf32>
      %parallel_loop3A_378 = arith.addf %parallel_loop3A_376, %parallel_loop3A_377 : vector<16xf32>
      %parallel_loop3A_379 = arith.mulf %parallel_loop3A_353, %get3A_211 : vector<16xf32>
      %parallel_loop3A_380 = arith.addf %parallel_loop3A_378, %parallel_loop3A_379 : vector<16xf32>
      %parallel_loop3A_381 = arith.mulf %parallel_loop3A_359, %get3A_214 : vector<16xf32>
      %parallel_loop3A_382 = arith.addf %parallel_loop3A_380, %parallel_loop3A_381 : vector<16xf32>
      %parallel_loop3A_383 = arith.mulf %parallel_loop3A_365, %get3A_217 : vector<16xf32>
      %parallel_loop3A_384 = arith.addf %parallel_loop3A_382, %parallel_loop3A_383 : vector<16xf32>
      %parallel_loop3A_385 = arith.mulf %parallel_loop3A_371, %get3A_220 : vector<16xf32>
      %parallel_loop3A_386 = arith.addf %parallel_loop3A_384, %parallel_loop3A_385 : vector<16xf32>
      %parallel_loop3A_387 = vector.shape_cast %reshape3A : vector<16x1xi32> to vector<16xi32>
      %parallel_loop3A_388 = tpu.dynamic_gather %parallel_loop3A_386[%parallel_loop3A_387] in [0] : vector<16xf32>, vector<16xi32> -> vector<16xf32>
      %parallel_loop3A_389 = arith.addf %parallel_loop3A_386, %parallel_loop3A_388 : vector<16xf32>
      %parallel_loop3A_390 = vector.shape_cast %reshape3A_229 : vector<16x1xi32> to vector<16xi32>
      %parallel_loop3A_391 = tpu.dynamic_gather %parallel_loop3A_389[%parallel_loop3A_390] in [0] : vector<16xf32>, vector<16xi32> -> vector<16xf32>
      %parallel_loop3A_392 = arith.addf %parallel_loop3A_389, %parallel_loop3A_391 : vector<16xf32>
      %parallel_loop3A_393 = vector.shape_cast %reshape3A_233 : vector<16x1xi32> to vector<16xi32>
      %parallel_loop3A_394 = tpu.dynamic_gather %parallel_loop3A_392[%parallel_loop3A_393] in [0] : vector<16xf32>, vector<16xi32> -> vector<16xf32>
      %parallel_loop3A_395 = arith.addf %parallel_loop3A_392, %parallel_loop3A_394 : vector<16xf32>
      %parallel_loop3A_396 = vector.shape_cast %reshape3A_237 : vector<16x1xi32> to vector<16xi32>
      %parallel_loop3A_397 = tpu.dynamic_gather %parallel_loop3A_395[%parallel_loop3A_396] in [0] : vector<16xf32>, vector<16xi32> -> vector<16xf32>
      %parallel_loop3A_398 = arith.addf %parallel_loop3A_395, %parallel_loop3A_397 : vector<16xf32>
      %parallel_loop3A_399 = arith.addf %parallel_loop3A_398, %get3A_223 : vector<16xf32>
      %parallel_loop3A_400 = arith.constant 0.000000e+00 : f32
      %parallel_loop3A_401 = vector.broadcast %parallel_loop3A_400 : f32 to vector<16xf32>
      %parallel_loop3A_402 = arith.subf %parallel_loop3A_401, %parallel_loop3A_399 : vector<16xf32>
      %parallel_loop3A_403 = math.exp %parallel_loop3A_402 : vector<16xf32>
      %parallel_loop3A_404 = arith.constant 1.000000e+00 : f32
      %parallel_loop3A_405 = vector.broadcast %parallel_loop3A_404 : f32 to vector<16xf32>
      %parallel_loop3A_406 = arith.addf %parallel_loop3A_405, %parallel_loop3A_403 : vector<16xf32>
      %parallel_loop3A_407 = arith.constant 1.000000e+00 : f32
      %parallel_loop3A_408 = vector.broadcast %parallel_loop3A_407 : f32 to vector<16xf32>
      %parallel_loop3A_409 = arith.divf %parallel_loop3A_408, %parallel_loop3A_406 : vector<16xf32>
      %parallel_loop3A_410 = arith.mulf %parallel_loop3A_329, %parallel_loop3A_409 : vector<16xf32>
      %parallel_loop3A_411 = arith.constant 0 : i32
      %parallel_loop3A_412 = arith.index_cast %parallel_loop3A_411 : i32 to index
      %parallel_loop3A_413 = arith.index_cast %parallel_loop3A_323 : i32 to index
      %parallel_loop3A_414 = arith.constant 0 : index
      %parallel_loop3A_415 = tpu.vector_load %arg7[%parallel_loop3A_412, %parallel_loop3A_413, %parallel_loop3A_414] {strides = array<i32>} : memref<4x80x128xf32, #tpu.memory_space<vmem>>, vector<1x1x16xf32>,
      %parallel_loop3A_416 = vector.shape_cast %parallel_loop3A_415 : vector<1x1x16xf32> to vector<16xf32>
      %parallel_loop3A_417 = vector.shape_cast %parallel_loop3A_410 : vector<16xf32> to vector<1x1x16xf32>
      tpu.vector_store %arg7[%parallel_loop3A_412, %parallel_loop3A_413, %parallel_loop3A_414], %parallel_loop3A_417 {strides = array<i32>} : memref<4x80x128xf32, #tpu.memory_space<vmem>>, vector<1x1x16xf32>,
      %parallel_loop3A_418 = arith.mulf %parallel_loop3A_335, %parallel_loop3A_409 : vector<16xf32>
      %parallel_loop3A_419 = arith.constant 0 : i32
      %parallel_loop3A_420 = arith.index_cast %parallel_loop3A_419 : i32 to index
      %parallel_loop3A_421 = arith.index_cast %parallel_loop3A_323 : i32 to index
      %parallel_loop3A_422 = arith.constant 16 : index
      %parallel_loop3A_423 = tpu.vector_load %arg7[%parallel_loop3A_420, %parallel_loop3A_421, %parallel_loop3A_422] {strides = array<i32>} : memref<4x80x128xf32, #tpu.memory_space<vmem>>, vector<1x1x16xf32>,
      %parallel_loop3A_424 = vector.shape_cast %parallel_loop3A_423 : vector<1x1x16xf32> to vector<16xf32>
      %parallel_loop3A_425 = vector.shape_cast %parallel_loop3A_418 : vector<16xf32> to vector<1x1x16xf32>
      tpu.vector_store %arg7[%parallel_loop3A_420, %parallel_loop3A_421, %parallel_loop3A_422], %parallel_loop3A_425 {strides = array<i32>} : memref<4x80x128xf32, #tpu.memory_space<vmem>>, vector<1x1x16xf32>,
      %parallel_loop3A_426 = arith.mulf %parallel_loop3A_341, %parallel_loop3A_409 : vector<16xf32>
      %parallel_loop3A_427 = arith.constant 0 : i32
      %parallel_loop3A_428 = arith.index_cast %parallel_loop3A_427 : i32 to index
      %parallel_loop3A_429 = arith.index_cast %parallel_loop3A_323 : i32 to index
      %parallel_loop3A_430 = arith.constant 32 : index
      %parallel_loop3A_431 = tpu.vector_load %arg7[%parallel_loop3A_428, %parallel_loop3A_429, %parallel_loop3A_430] {strides = array<i32>} : memref<4x80x128xf32, #tpu.memory_space<vmem>>, vector<1x1x16xf32>,
      %parallel_loop3A_432 = vector.shape_cast %parallel_loop3A_431 : vector<1x1x16xf32> to vector<16xf32>
      %parallel_loop3A_433 = vector.shape_cast %parallel_loop3A_426 : vector<16xf32> to vector<1x1x16xf32>
      tpu.vector_store %arg7[%parallel_loop3A_428, %parallel_loop3A_429, %parallel_loop3A_430], %parallel_loop3A_433 {strides = array<i32>} : memref<4x80x128xf32, #tpu.memory_space<vmem>>, vector<1x1x16xf32>,
      %parallel_loop3A_434 = arith.mulf %parallel_loop3A_347, %parallel_loop3A_409 : vector<16xf32>
      %parallel_loop3A_435 = arith.constant 0 : i32
      %parallel_loop3A_436 = arith.index_cast %parallel_loop3A_435 : i32 to index
      %parallel_loop3A_437 = arith.index_cast %parallel_loop3A_323 : i32 to index
      %parallel_loop3A_438 = arith.constant 48 : index
      %parallel_loop3A_439 = tpu.vector_load %arg7[%parallel_loop3A_436, %parallel_loop3A_437, %parallel_loop3A_438] {strides = array<i32>} : memref<4x80x128xf32, #tpu.memory_space<vmem>>, vector<1x1x16xf32>,
      %parallel_loop3A_440 = vector.shape_cast %parallel_loop3A_439 : vector<1x1x16xf32> to vector<16xf32>
      %parallel_loop3A_441 = vector.shape_cast %parallel_loop3A_434 : vector<16xf32> to vector<1x1x16xf32>
      tpu.vector_store %arg7[%parallel_loop3A_436, %parallel_loop3A_437, %parallel_loop3A_438], %parallel_loop3A_441 {strides = array<i32>} : memref<4x80x128xf32, #tpu.memory_space<vmem>>, vector<1x1x16xf32>,
      %parallel_loop3A_442 = arith.mulf %parallel_loop3A_353, %parallel_loop3A_409 : vector<16xf32>
      %parallel_loop3A_443 = arith.constant 0 : i32
      %parallel_loop3A_444 = arith.index_cast %parallel_loop3A_443 : i32 to index
      %parallel_loop3A_445 = arith.index_cast %parallel_loop3A_323 : i32 to index
      %parallel_loop3A_446 = arith.constant 64 : index
      %parallel_loop3A_447 = tpu.vector_load %arg7[%parallel_loop3A_444, %parallel_loop3A_445, %parallel_loop3A_446] {strides = array<i32>} : memref<4x80x128xf32, #tpu.memory_space<vmem>>, vector<1x1x16xf32>,
      %parallel_loop3A_448 = vector.shape_cast %parallel_loop3A_447 : vector<1x1x16xf32> to vector<16xf32>
      %parallel_loop3A_449 = vector.shape_cast %parallel_loop3A_442 : vector<16xf32> to vector<1x1x16xf32>
      tpu.vector_store %arg7[%parallel_loop3A_444, %parallel_loop3A_445, %parallel_loop3A_446], %parallel_loop3A_449 {strides = array<i32>} : memref<4x80x128xf32, #tpu.memory_space<vmem>>, vector<1x1x16xf32>,
      %parallel_loop3A_450 = arith.mulf %parallel_loop3A_359, %parallel_loop3A_409 : vector<16xf32>
      %parallel_loop3A_451 = arith.constant 0 : i32
      %parallel_loop3A_452 = arith.index_cast %parallel_loop3A_451 : i32 to index
      %parallel_loop3A_453 = arith.index_cast %parallel_loop3A_323 : i32 to index
      %parallel_loop3A_454 = arith.constant 80 : index
      %parallel_loop3A_455 = tpu.vector_load %arg7[%parallel_loop3A_452, %parallel_loop3A_453, %parallel_loop3A_454] {strides = array<i32>} : memref<4x80x128xf32, #tpu.memory_space<vmem>>, vector<1x1x16xf32>,
      %parallel_loop3A_456 = vector.shape_cast %parallel_loop3A_455 : vector<1x1x16xf32> to vector<16xf32>
      %parallel_loop3A_457 = vector.shape_cast %parallel_loop3A_450 : vector<16xf32> to vector<1x1x16xf32>
      tpu.vector_store %arg7[%parallel_loop3A_452, %parallel_loop3A_453, %parallel_loop3A_454], %parallel_loop3A_457 {strides = array<i32>} : memref<4x80x128xf32, #tpu.memory_space<vmem>>, vector<1x1x16xf32>,
      %parallel_loop3A_458 = arith.mulf %parallel_loop3A_365, %parallel_loop3A_409 : vector<16xf32>
      %parallel_loop3A_459 = arith.constant 0 : i32
      %parallel_loop3A_460 = arith.index_cast %parallel_loop3A_459 : i32 to index
      %parallel_loop3A_461 = arith.index_cast %parallel_loop3A_323 : i32 to index
      %parallel_loop3A_462 = arith.constant 96 : index
      %parallel_loop3A_463 = tpu.vector_load %arg7[%parallel_loop3A_460, %parallel_loop3A_461, %parallel_loop3A_462] {strides = array<i32>} : memref<4x80x128xf32, #tpu.memory_space<vmem>>, vector<1x1x16xf32>,
      %parallel_loop3A_464 = vector.shape_cast %parallel_loop3A_463 : vector<1x1x16xf32> to vector<16xf32>
      %parallel_loop3A_465 = vector.shape_cast %parallel_loop3A_458 : vector<16xf32> to vector<1x1x16xf32>
      tpu.vector_store %arg7[%parallel_loop3A_460, %parallel_loop3A_461, %parallel_loop3A_462], %parallel_loop3A_465 {strides = array<i32>} : memref<4x80x128xf32, #tpu.memory_space<vmem>>, vector<1x1x16xf32>,
      %parallel_loop3A_466 = arith.mulf %parallel_loop3A_371, %parallel_loop3A_409 : vector<16xf32>
      %parallel_loop3A_467 = arith.constant 0 : i32
      %parallel_loop3A_468 = arith.index_cast %parallel_loop3A_467 : i32 to index
      %parallel_loop3A_469 = arith.index_cast %parallel_loop3A_323 : i32 to index
      %parallel_loop3A_470 = arith.constant 112 : index
      %parallel_loop3A_471 = tpu.vector_load %arg7[%parallel_loop3A_468, %parallel_loop3A_469, %parallel_loop3A_470] {strides = array<i32>} : memref<4x80x128xf32, #tpu.memory_space<vmem>>, vector<1x1x16xf32>,
      %parallel_loop3A_472 = vector.shape_cast %parallel_loop3A_471 : vector<1x1x16xf32> to vector<16xf32>
      %parallel_loop3A_473 = vector.shape_cast %parallel_loop3A_466 : vector<16xf32> to vector<1x1x16xf32>
      tpu.vector_store %arg7[%parallel_loop3A_468, %parallel_loop3A_469, %parallel_loop3A_470], %parallel_loop3A_473 {strides = array<i32>} : memref<4x80x128xf32, #tpu.memory_space<vmem>>, vector<1x1x16xf32>,
    } {sc.loop_unroll_factor = 4 : i64, sc.parallel_access}
    %dma_start3A_240 = arith.constant 0 : i32
    %dma_start3A_241 = arith.constant 0 : i32
    %dma_start3A_242 = arith.constant 0 : i32
    %dma_start3A_243 = arith.constant 0 : i32
    %dma_start3A_244 = arith.constant 0 : i32
    %dma_start3A_245 = tpu.memref_slice %arg7[%dma_start3A_240, %dma_start3A_243, %dma_start3A_244] : memref<4x80x128xf32, #tpu.memory_space<vmem>> -> memref<1x80x128xf32, #tpu.memory_space<vmem>>
    %dma_start3A_246 = tpu.memref_squeeze %dma_start3A_245 : memref<1x80x128xf32, #tpu.memory_space<vmem>> -> memref<80x128xf32, #tpu.memory_space<vmem>>
    %dma_start3A_247 = arith.constant 0 : i32
    %dma_start3A_248 = tpu.memref_slice %arg8[%dma_start3A_241, %dma_start3A_247] : memref<4x80xi32, #tpu.memory_space<vmem>> -> memref<1x80xi32, #tpu.memory_space<vmem>>
    %dma_start3A_249 = tpu.memref_squeeze %dma_start3A_248 : memref<1x80xi32, #tpu.memory_space<vmem>> -> memref<80xi32, #tpu.memory_space<vmem>>
    %dma_start3A_250 = arith.constant 0 : i32
    %dma_start3A_251 = arith.constant 0 : i32
    %dma_start3A_252 = tpu.memref_slice %arg6[%dma_start3A_250, %dma_start3A_251] : memref<10000x128xf32, #tpu.memory_space<vmem_shared>> -> memref<10000x128xf32, #tpu.memory_space<vmem_shared>>
    %dma_start3A_253 = tpu.memref_slice %arg13[%dma_start3A_242] : memref<4x!tpu.dma_semaphore, #tpu.memory_space<semaphore_mem>> -> memref<1x!tpu.dma_semaphore, #tpu.memory_space<semaphore_mem>>
    %dma_start3A_254 = tpu.memref_squeeze %dma_start3A_253 : memref<1x!tpu.dma_semaphore, #tpu.memory_space<semaphore_mem>> -> memref<!tpu.dma_semaphore, #tpu.memory_space<semaphore_mem>>
    tpu.enqueue_indirect_dma source(%dma_start3A_246 : memref<80x128xf32, #tpu.memory_space<vmem>>) target(%dma_start3A_252 : memref<10000x128xf32, #tpu.memory_space<vmem_shared>>) offsets(%dma_start3A_249 : memref<80xi32, #tpu.memory_space<vmem>>) semaphore(%dma_start3A_254 : memref<!tpu.dma_semaphore, #tpu.memory_space<semaphore_mem>>) {add = true}
    %dma_wait3A_255 = arith.constant 1 : i32
    %dma_wait3A_256 = arith.constant 1 : i32
    %dma_wait3A_257 = arith.constant 1 : i32
    %dma_wait3A_258 = arith.constant 0 : i32
    %dma_wait3A_259 = arith.constant 0 : i32
    %dma_wait3A_260 = tpu.memref_slice %arg7[%dma_wait3A_255, %dma_wait3A_258, %dma_wait3A_259] : memref<4x80x128xf32, #tpu.memory_space<vmem>> -> memref<1x80x128xf32, #tpu.memory_space<vmem>>
    %dma_wait3A_261 = tpu.memref_squeeze %dma_wait3A_260 : memref<1x80x128xf32, #tpu.memory_space<vmem>> -> memref<80x128xf32, #tpu.memory_space<vmem>>
    %dma_wait3A_262 = arith.constant 0 : i32
    %dma_wait3A_263 = tpu.memref_slice %arg8[%dma_wait3A_256, %dma_wait3A_262] : memref<4x80xi32, #tpu.memory_space<vmem>> -> memref<1x80xi32, #tpu.memory_space<vmem>>
    %dma_wait3A_264 = tpu.memref_squeeze %dma_wait3A_263 : memref<1x80xi32, #tpu.memory_space<vmem>> -> memref<80xi32, #tpu.memory_space<vmem>>
    %dma_wait3A_265 = arith.constant 0 : i32
    %dma_wait3A_266 = arith.constant 0 : i32
    %dma_wait3A_267 = tpu.memref_slice %arg6[%dma_wait3A_265, %dma_wait3A_266] : memref<10000x128xf32, #tpu.memory_space<vmem_shared>> -> memref<10000x128xf32, #tpu.memory_space<vmem_shared>>
    %dma_wait3A_268 = tpu.memref_slice %arg13[%dma_wait3A_257] : memref<4x!tpu.dma_semaphore, #tpu.memory_space<semaphore_mem>> -> memref<1x!tpu.dma_semaphore, #tpu.memory_space<semaphore_mem>>
    %dma_wait3A_269 = tpu.memref_squeeze %dma_wait3A_268 : memref<1x!tpu.dma_semaphore, #tpu.memory_space<semaphore_mem>> -> memref<!tpu.dma_semaphore, #tpu.memory_space<semaphore_mem>>
    tpu.wait_indirect_dma semaphore(%dma_wait3A_269 : memref<!tpu.dma_semaphore, #tpu.memory_space<semaphore_mem>>) src(%dma_wait3A_261 : memref<80x128xf32, #tpu.memory_space<vmem>>) dst(%dma_wait3A_267 : memref<10000x128xf32, #tpu.memory_space<vmem_shared>>)
    %dma_wait3A_270 = arith.constant 2 : i32
    %dma_wait3A_271 = arith.constant 2 : i32
    %dma_wait3A_272 = arith.constant 2 : i32
    %dma_wait3A_273 = arith.constant 0 : i32
    %dma_wait3A_274 = arith.constant 0 : i32
    %dma_wait3A_275 = tpu.memref_slice %arg7[%dma_wait3A_270, %dma_wait3A_273, %dma_wait3A_274] : memref<4x80x128xf32, #tpu.memory_space<vmem>> -> memref<1x80x128xf32, #tpu.memory_space<vmem>>
    %dma_wait3A_276 = tpu.memref_squeeze %dma_wait3A_275 : memref<1x80x128xf32, #tpu.memory_space<vmem>> -> memref<80x128xf32, #tpu.memory_space<vmem>>
    %dma_wait3A_277 = arith.constant 0 : i32
    %dma_wait3A_278 = tpu.memref_slice %arg8[%dma_wait3A_271, %dma_wait3A_277] : memref<4x80xi32, #tpu.memory_space<vmem>> -> memref<1x80xi32, #tpu.memory_space<vmem>>
    %dma_wait3A_279 = tpu.memref_squeeze %dma_wait3A_278 : memref<1x80xi32, #tpu.memory_space<vmem>> -> memref<80xi32, #tpu.memory_space<vmem>>
    %dma_wait3A_280 = arith.constant 0 : i32
    %dma_wait3A_281 = arith.constant 0 : i32
    %dma_wait3A_282 = tpu.memref_slice %arg6[%dma_wait3A_280, %dma_wait3A_281] : memref<10000x128xf32, #tpu.memory_space<vmem_shared>> -> memref<10000x128xf32, #tpu.memory_space<vmem_shared>>
    %dma_wait3A_283 = tpu.memref_slice %arg13[%dma_wait3A_272] : memref<4x!tpu.dma_semaphore, #tpu.memory_space<semaphore_mem>> -> memref<1x!tpu.dma_semaphore, #tpu.memory_space<semaphore_mem>>
    %dma_wait3A_284 = tpu.memref_squeeze %dma_wait3A_283 : memref<1x!tpu.dma_semaphore, #tpu.memory_space<semaphore_mem>> -> memref<!tpu.dma_semaphore, #tpu.memory_space<semaphore_mem>>
    tpu.wait_indirect_dma semaphore(%dma_wait3A_284 : memref<!tpu.dma_semaphore, #tpu.memory_space<semaphore_mem>>) src(%dma_wait3A_276 : memref<80x128xf32, #tpu.memory_space<vmem>>) dst(%dma_wait3A_282 : memref<10000x128xf32, #tpu.memory_space<vmem_shared>>)
    %dma_wait3A_285 = arith.constant 3 : i32
    %dma_wait3A_286 = arith.constant 3 : i32
    %dma_wait3A_287 = arith.constant 3 : i32
    %dma_wait3A_288 = arith.constant 0 : i32
    %dma_wait3A_289 = arith.constant 0 : i32
    %dma_wait3A_290 = tpu.memref_slice %arg7[%dma_wait3A_285, %dma_wait3A_288, %dma_wait3A_289] : memref<4x80x128xf32, #tpu.memory_space<vmem>> -> memref<1x80x128xf32, #tpu.memory_space<vmem>>
    %dma_wait3A_291 = tpu.memref_squeeze %dma_wait3A_290 : memref<1x80x128xf32, #tpu.memory_space<vmem>> -> memref<80x128xf32, #tpu.memory_space<vmem>>
    %dma_wait3A_292 = arith.constant 0 : i32
    %dma_wait3A_293 = tpu.memref_slice %arg8[%dma_wait3A_286, %dma_wait3A_292] : memref<4x80xi32, #tpu.memory_space<vmem>> -> memref<1x80xi32, #tpu.memory_space<vmem>>
    %dma_wait3A_294 = tpu.memref_squeeze %dma_wait3A_293 : memref<1x80xi32, #tpu.memory_space<vmem>> -> memref<80xi32, #tpu.memory_space<vmem>>
    %dma_wait3A_295 = arith.constant 0 : i32
    %dma_wait3A_296 = arith.constant 0 : i32
    %dma_wait3A_297 = tpu.memref_slice %arg6[%dma_wait3A_295, %dma_wait3A_296] : memref<10000x128xf32, #tpu.memory_space<vmem_shared>> -> memref<10000x128xf32, #tpu.memory_space<vmem_shared>>
    %dma_wait3A_298 = tpu.memref_slice %arg13[%dma_wait3A_287] : memref<4x!tpu.dma_semaphore, #tpu.memory_space<semaphore_mem>> -> memref<1x!tpu.dma_semaphore, #tpu.memory_space<semaphore_mem>>
    %dma_wait3A_299 = tpu.memref_squeeze %dma_wait3A_298 : memref<1x!tpu.dma_semaphore, #tpu.memory_space<semaphore_mem>> -> memref<!tpu.dma_semaphore, #tpu.memory_space<semaphore_mem>>
    tpu.wait_indirect_dma semaphore(%dma_wait3A_299 : memref<!tpu.dma_semaphore, #tpu.memory_space<semaphore_mem>>) src(%dma_wait3A_291 : memref<80x128xf32, #tpu.memory_space<vmem>>) dst(%dma_wait3A_297 : memref<10000x128xf32, #tpu.memory_space<vmem_shared>>)
    %dma_wait3A_300 = arith.constant 0 : i32
    %dma_wait3A_301 = arith.constant 0 : i32
    %dma_wait3A_302 = arith.constant 0 : i32
    %dma_wait3A_303 = arith.constant 0 : i32
    %dma_wait3A_304 = arith.constant 0 : i32
    %dma_wait3A_305 = tpu.memref_slice %arg7[%dma_wait3A_300, %dma_wait3A_303, %dma_wait3A_304] : memref<4x80x128xf32, #tpu.memory_space<vmem>> -> memref<1x80x128xf32, #tpu.memory_space<vmem>>
    %dma_wait3A_306 = tpu.memref_squeeze %dma_wait3A_305 : memref<1x80x128xf32, #tpu.memory_space<vmem>> -> memref<80x128xf32, #tpu.memory_space<vmem>>
    %dma_wait3A_307 = arith.constant 0 : i32
    %dma_wait3A_308 = tpu.memref_slice %arg8[%dma_wait3A_301, %dma_wait3A_307] : memref<4x80xi32, #tpu.memory_space<vmem>> -> memref<1x80xi32, #tpu.memory_space<vmem>>
    %dma_wait3A_309 = tpu.memref_squeeze %dma_wait3A_308 : memref<1x80xi32, #tpu.memory_space<vmem>> -> memref<80xi32, #tpu.memory_space<vmem>>
    %dma_wait3A_310 = arith.constant 0 : i32
    %dma_wait3A_311 = arith.constant 0 : i32
    %dma_wait3A_312 = tpu.memref_slice %arg6[%dma_wait3A_310, %dma_wait3A_311] : memref<10000x128xf32, #tpu.memory_space<vmem_shared>> -> memref<10000x128xf32, #tpu.memory_space<vmem_shared>>
    %dma_wait3A_313 = tpu.memref_slice %arg13[%dma_wait3A_302] : memref<4x!tpu.dma_semaphore, #tpu.memory_space<semaphore_mem>> -> memref<1x!tpu.dma_semaphore, #tpu.memory_space<semaphore_mem>>
    %dma_wait3A_314 = tpu.memref_squeeze %dma_wait3A_313 : memref<1x!tpu.dma_semaphore, #tpu.memory_space<semaphore_mem>> -> memref<!tpu.dma_semaphore, #tpu.memory_space<semaphore_mem>>
    tpu.wait_indirect_dma semaphore(%dma_wait3A_314 : memref<!tpu.dma_semaphore, #tpu.memory_space<semaphore_mem>>) src(%dma_wait3A_306 : memref<80x128xf32, #tpu.memory_space<vmem>>) dst(%dma_wait3A_312 : memref<10000x128xf32, #tpu.memory_space<vmem_shared>>)
    %barrier3A_315 = arith.constant 0 : index
    tpu.barrier barrier_id(%barrier3A_315)
    %mul3A_316 = arith.constant 624 : i32
    %mul3A_317 = arith.muli %arg1, %mul3A_316 : i32
    %mul3A_318 = arith.constant 10000 : i32
    %mul3A_319 = arith.muli %arg0, %mul3A_318 : i32
    %mul3A_320 = arith.constant 624 : i32
    %mul3A_321 = arith.muli %arg1, %mul3A_320 : i32
    %add3A_322 = arith.addi %mul3A_319, %mul3A_321 : i32
    "tpu.region"() ({
      %run_scoped3A = tpu.sem_alloc : memref<!tpu.dma_semaphore, #tpu.memory_space<semaphore_mem>>
      %dma_start3A_323 = arith.constant 0 : i32
      %dma_start3A_324 = tpu.memref_slice %arg5[%add3A_322, %dma_start3A_323] : memref<20000x128xf32, #tpu.memory_space<hbm>> -> memref<640x128xf32, #tpu.memory_space<hbm>>
      %dma_start3A_325 = arith.constant 0 : i32
      %dma_start3A_326 = tpu.memref_slice %arg6[%mul3A_317, %dma_start3A_325] : memref<10000x128xf32, #tpu.memory_space<vmem_shared>> -> memref<640x128xf32, #tpu.memory_space<vmem_shared>>
      tpu.enqueue_dma source(%dma_start3A_326 : memref<640x128xf32, #tpu.memory_space<vmem_shared>>) target(%dma_start3A_324 : memref<640x128xf32, #tpu.memory_space<hbm>>) target_semaphore(%run_scoped3A : memref<!tpu.dma_semaphore, #tpu.memory_space<semaphore_mem>>)
      %dma_wait3A_327 = arith.constant 0 : i32
      %dma_wait3A_328 = tpu.memref_slice %arg5[%add3A_322, %dma_wait3A_327] : memref<20000x128xf32, #tpu.memory_space<hbm>> -> memref<640x128xf32, #tpu.memory_space<hbm>>
      %dma_wait3A_329 = arith.constant 0 : i32
      %dma_wait3A_330 = tpu.memref_slice %arg6[%mul3A_317, %dma_wait3A_329] : memref<10000x128xf32, #tpu.memory_space<vmem_shared>> -> memref<640x128xf32, #tpu.memory_space<vmem_shared>>
      tpu.wait_dma2 semaphore(%run_scoped3A : memref<!tpu.dma_semaphore, #tpu.memory_space<semaphore_mem>>) src(%dma_wait3A_330 : memref<640x128xf32, #tpu.memory_space<vmem_shared>>) dst(%dma_wait3A_328 : memref<640x128xf32, #tpu.memory_space<hbm>>)
      tpu.yield
    }) : () -> ()
    return
  }
}

</mosaic_0001>

<sc_bundles>
// kernel: kernel.3.cloned.1.call-start
scs
__scs_entry_jumppad:
0x0: {  	(pc) =	sbr.rel $0x88, $3  }
0x1: {  	(tag) =	ssettag $0x0;
	lr =	simm.s32 $0x1  }
0x2: {  	[smem:$0x3F9D] =	sst lr;
	_ =	strace $0xD0000000  }
0x3: {  	_ = 	snop  }
0x4: {  	_ = 	snop  }
0x5: {  	_ = 	snop  }
0x6: {  	_ = 	snop  }
0x7: {  	_ = 	snop  }
__scs_overlays_trampoline_lowered:
0x8: {  	[smem:$0x3FAC] =	sst s0  }
0x9: {  	[smem:$0x3FAD] =	sst s1  }
0xa: {  	[smem:$0x3FAE] =	sst s2  }
0xb: {  	[smem:$0x3FAF] =	sst s3  }
0xc: {  	[smem:$0x3FB0] =	sst s4  }
0xd: {  	[smem:$0x3FB1] =	sst s5  }
0xe: {  	[smem:$0x3FB2] =	sst s6  }
0xf: {  	[smem:$0x3FB3] =	sst s7  }
0x10: {  	[smem:$0x3FB4] =	sst s8  }
0x11: {  	[smem:$0x3FB5] =	sst s9;
	s0 =	simm.s32 @!p0 $0x0  }
0x12: {  	s1 =	sld [smem:$0x3F9B];
	s0 =	simm.s32 @p0 $0x1  }
0x13: {  	[smem:$0x3FB6] =	sst s0;
	s0 =	simm.s32 @!p1 $0x0  }
0x14: {  	s2 =	sld [smem:$0x3F9A];
	s0 =	simm.s32 @p1 $0x1  }
0x15: {  	[smem:$0x3FB7] =	sst s0;
	s0 =	simm.s32 @!p2 $0x0  }
0x16: {  	s3 =	sld [smem:$0x3FDB];
	s0 =	simm.s32 @p2 $0x1  }
0x17: {  	s4 =	simm.s32 $0x1BF5;
	[smem:$0x3FB9] =	sst s0  }
0x18: {  	s0 =	sld [smem:$0x3F9C];
	_ =	swait.ge [sflag:s4], $0x0  }
0x19: {  	s7 =	sld [smem:$0x3F9D]  }
0x1a: {  	s8 =	sadd.s32 $0xFFFFE003, lr  }
0x1b: {  	s9 =	sadd.s32 $0xFFFFFEF7, lr;
	s5 =	simm.s32 $0xFFFFFFFF;
	p2 =	slt.u32 s8, $0xFFFFF086  }
0x1c: {  	p1 =	slt.u32 s9, $0xF7A;
	s5 =	simm.s32 @!p2 $0x0  }
0x1d: {  	s5 =	simm.s32 @p1 $0x1;
	p0 =	seq.s32 s7, s2  }
0x1e: {  	s7 =	smul.u32 @!p0 $0xF7A, s2;
	p2 =	seq.s32 @!p0 s5, $0x0  }
0x1f: {  	s9 =	smul.u32 $0xF7A, s1;
	s8 =	simm.s32 @!p0 $0x1BF5;
	p2 =	por !p2, p0  }
0x20: {  	[sflag:s8] =	ssyncset.s32 @!p0 $0xFFFFF086;
	s6 =	sadd.s32 @!p0 s3, s7;
	s7 =	simm.s32 @!p0 $0x108  }
0x21: {  	s3 =	sadd.s32 s3, s9;
	s6 =	sadd.s32 @!p0 $0x88, s6;
	s7 =	simm.s32 @p2 $0x1082  }
0x22: {  	[simem:s7], [sflag:s8] =	dma.local @!p0 [hbm:s6], $0xF7A  }
0x23: {  	s9 =	sor.u32 $0xD0000000, s2;
	s6 =	simm.s32 $0x108;
	_ =	swait.ge @!p0 [sflag:s8], $0x0  }
0x24: {  	s3 =	sadd.s32 $0x88, s3;
	s6 =	simm.s32 @!p1 $0x1082;
	[sflag:s4] =	ssyncset.s32 $0xFFFFF086  }
0x25: {  	[simem:s6], [sflag:s4] =	dma.local [hbm:s3], $0xF7A  }
0x26: {  	[smem:$0x3F9D] =	sst s1;
	(tag) =	ssettag s2;
	_ =	strace s9  }
0x27: {  	s1 =	sld [smem:$0x3FAD]  }
0x28: {  	s2 =	sld [smem:$0x3FAE]  }
0x29: {  	s4 =	sld [smem:$0x3FB0]  }
0x2a: {  	p0 =	seq.s32 s5, $0x0;
	s5 =	sld [smem:$0x3FB1]  }
0x2b: {  	s6 =	sld [smem:$0x3FB2]  }
0x2c: {  	s7 =	sld [smem:$0x3FB3]  }
0x2d: {  	s3 =	simm.s32 $0x108;
	s8 =	sld [smem:$0x3FB4]  }
0x2e: {  	s3 =	simm.s32 @!p0 $0x1082;
	s9 =	sld [smem:$0x3FB5]  }
0x2f: {  	lr =	sadd.s32 s0, s3;
	s0 =	sld [smem:$0x3FAC]  }
0x30: {  	s3 =	sld [smem:$0x3FAF]  }
0x31: {  	[smem:$0x3FB8] =	sst s10  }
0x32: {  	s10 =	sld [smem:$0x3FB6];
	_ =	sdelay $0x3  }
0x33: {  	p0 =	seq.s32 s10, $0x1;
	s10 =	sld [smem:$0x3FB8];
	_ =	sdelay $0x3  }
0x34: {  	[smem:$0x3FB8] =	sst s10  }
0x35: {  	s10 =	sld [smem:$0x3FB7];
	_ =	sdelay $0x3  }
0x36: {  	p1 =	seq.s32 s10, $0x1;
	s10 =	sld [smem:$0x3FB8];
	_ =	sdelay $0x3  }
0x37: {  	[smem:$0x3FB8] =	sst s10  }
0x38: {  	s10 =	sld [smem:$0x3FB9]  }
0x39: {  	_ = 	snop;
	(pc) =	sbr.ind lr, $3  }
0x3a: {  	_ = 	snop  }
0x3b: {  	_ = 	snop  }
0x3c: {  	p2 =	seq.s32 s10, $0x1;
	s10 =	sld [smem:$0x3FB8]  }
0x3d: {  	_ =	shalt  }
0x3e: {  	_ =	shalt  }
0x3f: {  	_ =	shalt  }
0x40: {  	_ =	shalt  }
0x41: {  	_ =	shalt  }
0x42: {  	_ =	shalt  }
0x43: {  	_ =	shalt  }
0x44: {  	_ =	shalt  }
0x45: {  	_ =	shalt  }
0x46: {  	_ =	shalt  }
0x47: {  	_ =	shalt  }
0x48: {  	_ =	shalt  }
0x49: {  	_ =	shalt  }
0x4a: {  	_ =	shalt  }
0x4b: {  	_ =	shalt  }
0x4c: {  	_ =	shalt  }
0x4d: {  	_ =	shalt  }
0x4e: {  	_ =	shalt  }
0x4f: {  	_ =	shalt  }
0x50: {  	_ =	shalt  }
0x51: {  	_ =	shalt  }
0x52: {  	_ =	shalt  }
0x53: {  	_ =	shalt  }
0x54: {  	_ =	shalt  }
0x55: {  	_ =	shalt  }
0x56: {  	_ =	shalt  }
0x57: {  	_ =	shalt  }
0x58: {  	_ =	shalt  }
0x59: {  	_ =	shalt  }
0x5a: {  	_ =	shalt  }
0x5b: {  	_ =	shalt  }
0x5c: {  	_ =	shalt  }
0x5d: {  	_ =	shalt  }
0x5e: {  	_ =	shalt  }
0x5f: {  	_ =	shalt  }
0x60: {  	_ =	shalt  }
0x61: {  	_ =	shalt  }
0x62: {  	_ =	shalt  }
0x63: {  	_ =	shalt  }
0x64: {  	_ =	shalt  }
0x65: {  	_ =	shalt  }
0x66: {  	_ =	shalt  }
0x67: {  	_ =	shalt  }
0x68: {  	_ =	shalt  }
0x69: {  	_ =	shalt  }
0x6a: {  	_ =	shalt  }
0x6b: {  	_ =	shalt  }
0x6c: {  	_ =	shalt  }
0x6d: {  	_ =	shalt  }
0x6e: {  	_ =	shalt  }
0x6f: {  	_ =	shalt  }
0x70: {  	_ =	shalt  }
0x71: {  	_ =	shalt  }
0x72: {  	_ =	shalt  }
0x73: {  	_ =	shalt  }
0x74: {  	_ =	shalt  }
0x75: {  	_ =	shalt  }
0x76: {  	_ =	shalt  }
0x77: {  	_ =	shalt  }
0x78: {  	_ =	shalt  }
0x79: {  	_ =	shalt  }
0x7a: {  	_ =	shalt  }
0x7b: {  	_ =	shalt  }
0x7c: {  	_ =	shalt  }
0x7d: {  	_ =	shalt  }
0x7e: {  	_ =	shalt  }
0x7f: {  	_ =	shalt  }
0x80: {  	_ =	shalt  }
0x81: {  	_ =	shalt  }
0x82: {  	_ =	shalt  }
0x83: {  	_ =	shalt  }
0x84: {  	_ =	shalt  }
0x85: {  	_ =	shalt  }
0x86: {  	_ =	shalt  }
0x87: {  	_ =	shalt  }
.Lfunc_end0:
.L_simem_size_0:
called_computation_lowered:
.L_overlay_start_0:
0x88: {  	s2 =	sld [smem:$0x3FD9]  }
0x89: {  	s3 =	sld [smem:$0x3FFE];
	_ =	sdelay $0x1  }
0x8a: {  	s1 =	srdreg.scid  }
0x8b: {  	s0 =	sand.u32 $0x1, s1  }
0x8c: {  	s17 =	sshll.u32 s0, $0xA;
	s2 =	sadd.s32 s3, s2  }
0x8d: {  	s2 =	sadd.s32 s2, s17  }
0x8e: {  	[smem:$0x3FC4] =	sst s2  }
0x8f: {  	_ = 	snop  }
0x90: {  	s2 =	sld [smem:$0x3FC9]  }
0x91: {  	s18 =	sld [smem:$0x3FC8]  }
0x92: {  	s4 =	sld [smem:$0x3FD0];
	(tm) =	ssettm $0x1  }
0x93: {  	s5 =	sld [smem:$0x3FFB];
	_ =	sdelay $0x3  }
0x94: {  	_ =	strace s5  }
0x95: {  	s5 =	sld [smem:$0x3FFC];
	_ =	sdelay $0x3  }
0x96: {  	_ =	strace s5  }
0x97: {  	s5 =	sld [smem:$0x3FFD];
	_ =	sdelay $0x3  }
0x98: {  	_ =	strace s5  }
0x99: {  	_ =	strace $0x8FFFFFFF  }
0x9a: {  	s19 =	sld [smem:$0x3FDB];
	_ =	sdelay $0x1  }
0x9b: {  	s6 =	simm.s32 $_scs_section_size  }
0x9c: {  	s7 =	simm.s32 $_size__tile_overlayer_lowered;
	s8 =	simm.s32 $_tile_overlayer_lowered  }
0x9d: {  	s22 =	simm.s32 $0x1BFF;
	s21 =	sshll.u32 s8, $0x1;
	s5 =	sadd.s32 s6, s19  }
0x9e: {  	s9 =	simm.s32 $0x0;
	s20 =	sshll.u32 s7, $0x1;
	s7 =	sadd.s32 s21, s5  }
0x9f: {  	[timem:s9], [sflag:s22] =	dma.local [hbm:s7], s20  }
0xa0: {  	_ =	swait.ge [sflag:s22], s20  }
0xa1: {  	s6 =	ssub.s32 $0x0, s20;
	[sflag:s22] =	ssyncset.done $0x0  }
0xa2: {  	[sflag:s22] =	ssyncadd.s32 s6;
	_ =	sdelay $0x1  }
0xa3: {  	s23 =	simm.s32 $0x1B8B  }
0xa4: {  	_ =	swait.ge [sflag:s23], $0x1  }
0xa5: {  	[sflag:s23] =	ssyncset.done $0x0  }
0xa6: {  	s25 =	simm.s32 $0x1B8E;
	s24 =	sld [smem:$0x3FFE];
	[sflag:s23] =	ssyncadd.s32 $0xFFFFFFFF  }
0xa7: {  	s26 =	simm.s32 $execute0_lowered;
	[smem:$0x3FD2] =	sst s25  }
0xa8: {  	s7 =	sshll.u32 s26, $0x1;
	_ =	strace $0x80000046;
	[dreg:$0x1] =	wrdreg $0xFFFFFFFF  }
0xa9: {  	s28 =	simm.s32 $_size_execute0_lowered;
	s5 =	sadd.s32 s5, s7;
	[dreg:$0x0] =	wrdreg $0x0  }
0xaa: {  	s7 =	sshll.u32 s28, $0x1;
	[dreg:$0x2] =	wrdreg s5  }
0xab: {  	[dreg:$0x3] =	wrdreg s7  }
0xac: {  	[dreg:$0x4] =	wrdreg $0xC0  }
0xad: {  	_ =	task [dreg:s9], $0x5FFFF  }
0xae: {  	[dreg:$0x1] =	wrdreg $0xFFFFFFFF  }
0xaf: {  	[dreg:$0x0] =	wrdreg $0x60  }
0xb0: {  	[dreg:$0x2] =	wrdreg s2  }
0xb1: {  	[dreg:$0x3] =	wrdreg s4  }
0xb2: {  	[dreg:$0x4] =	wrdreg s18  }
0xb3: {  	[dreg:$0x5] =	wrdreg s24  }
0xb4: {  	[dreg:$0x6] =	wrdreg $0x0  }
0xb5: {  	[dreg:$0x7] =	wrdreg $0x9  }
0xb6: {  	_ =	task.clear_ibuf [dreg:s9], $0x8FFFF;
	_ =	strace $0x90000046  }
0xb7: {  	s29 =	simm.s32 $0x9;
	_ =	strace $0x80000048  }
0xb8: {  	_ =	swait.ge [sflag:s29], $0x1  }
0xb9: {  	[sflag:s29] =	ssyncadd.s32 $0xFFFFFFFF  }
0xba: {  	_ =	strace $0x90000048  }
0xbb: {  	_ =	sfence  }
0xbc: {  	s30 =	sld [smem:$0x0];
	_ =	sdelay $0x2  }
0xbd: {  	s31 =	sshll.u32 s1, $0xD;
	s1 =	sshrl.u32 s1, $0x2  }
0xbe: {  	s3 =	sand.u32 $0x4000, s31;
	s1 =	sadd.s32 s1, s30  }
0xbf: {  	s0 =	sor.u32 s3, s0;
	s1 =	sshll.u32 s1, $0x11  }
0xc0: {  	s0 =	sor.u32 s1, s0  }
0xc1: {  	s0 =	sadd.s32 $0x8F2B, s0  }
0xc2: {  	[sflag:s0] =	ssyncadd.remote.s32 $0x1  }
0xc3: {  	_ =	sfence.sel $0xFFFF  }
0xc4: {  	[dreg:$0x0] =	wrdreg $0xFFFFFFFF;
	(pc) =	sbr.abs _section_cstart, $3  }
0xc5: {  	[dreg:$0x1] =	wrdreg $0xFFFFFFFF  }
0xc6: {  	_ =	task.clear_ibuf [dreg:s9], $0x2FFFF;
	_ =	strace $0x9FFFFFFF  }
0xc7: {  	(tm) =	ssettm $0x7FFFFFFF  }
tec
execute0_lowered:
.L_overlay_start_1:
0x0: {  	(tag) =	ssettag $0x1  }
0x1: {  	s0 =	rddreg [dreg:$0x0]  }
0x2: {  	s3 =	rddreg [dreg:$0x2]  }
0x3: {  	s1 =	rddreg [dreg:$0x3];
	s2 =	srdreg.scid  }
0x4: {  	s9 =	stileid.u32;
	s5 =	rddreg [dreg:$0x4];
	s6 =	simm.s32 $0x0  }
0x5: {  	s28 =	simm.s32 $0x6;
	s29 =	simm.s32 $0x9;
	s30 =	simm.s32 $0x3  }
0x6: {  	s31 =	simm.s32 $0x7;
	s2 =	sand.u32 $0x1, s2;
	s4 =	smul.u32 $0x2700, s9  }
0x7: {  	s7 =	smul.u32 $0x27100, s2;
	s16 =	ssub.s32 $0x2, s2;
	s2 =	sshll.u32 s2, $0x4  }
0x8: {  	[smem:$0x7FF] =	sst s6;
	s15 =	smul.u32 $0x4E000, s9;
	s2 =	sor.u32 s9, s2  }
0x9: {  	_ =	strace $0x80000047;
	s8 =	sshrl.u32 s16, $0x1;
	s17 =	smul.u32 $0x2710, s2  }
0xa: {  	s4 =	sadd.s32 s4, s7;
	s7 =	sshrl.u32 s15, $0x2;
	s2 =	smul.u32 $0x27100, s2  }
0xb: {  	s1 =	sadd.s32 s4, s1;
	s4 =	ssub.s32 s16, s8;
	s13 =	sadd.s32 s7, s5  }
0xc: {  	s7 =	sadd.s32 $0x1400, s13;
	s18 =	sadd.s32 $0x2800, s13;
	[dreg:$0x6] =	wrdreg s13  }
0xd: {  	s19 =	sadd.s32 $0x3C00, s13;
	s20 =	sadd.s32 $0x5000, s13;
	[dreg:$0x7] =	wrdreg s7  }
0xe: {  	s21 =	sadd.s32 $0x6400, s13;
	s22 =	sadd.s32 $0x7800, s13;
	[dreg:$0x8] =	wrdreg s18  }
0xf: {  	s2 =	sadd.s32 s0, s2;
	s23 =	sshrl.u32 s17, $0x3;
	[dreg:$0x9] =	wrdreg s19  }
0x10: {  	s24 =	sadd.s32 $0x50, s17;
	s25 =	sadd.s32 $0xA0, s17;
	[dreg:$0xa] =	wrdreg s20  }
0x11: {  	s1 =	sadd.s32 $0x400, s1;
	s12 =	smax.u32 s4, $0x1;
	[dreg:$0xb] =	wrdreg s21  }
0x12: {  	s14 =	sadd.s32 $0x8C00, s13;
	s15 =	sadd.s32 $0xA000, s13;
	[dreg:$0xc] =	wrdreg s22  }
0x13: {  	s16 =	sadd.s32 $0xB400, s13;
	s4 =	simm.s32 $0x4;
	[dreg:$0xd] =	wrdreg s2  }
0x14: {  	s2 =	sadd.s32 s3, s23;
	s26 =	sshll.u32 s24, $0x4;
	[dreg:$0x13] =	wrdreg s1  }
0x15: {  	v0 =	vimm.s32 $0x76543210;
	v1 =	vimm.s32 $0xFEDCBA98;
	v2 =	vimm.s32 $0xBA98FEDC;
	s10 =	sshll.u32 s25, $0x4;
	s11 =	sshrl.u32 s25, $0x3;
	[dreg:$0x14] =	wrdreg s12  }
0x16: {  	v3 =	vimm.s32 $0x32107654;
	v4 =	vimm.s32 $0xDCFE98BA;
	s19 =	sadd.s32 $0xF0, s17;
	s20 =	sadd.s32 $0x140, s17;
	[dreg:$0x15] =	wrdreg s14  }
0x17: {  	v5 =	vimm.s32 $0x54761032;
	v6 =	vimm.s32 $0xEFCDAB89;
	s22 =	sadd.s32 $0x190, s17;
	s23 =	sadd.s32 $0x1E0, s17;
	[dreg:$0x16] =	wrdreg s15  }
0x18: {  	v7 =	vimm.s32 $0x67452301;
	v1 =	vunpack.c.l.s4.s8 v1;
	v2 =	vunpack.c.l.s4.s8 v2;
	[dreg:$0x17] =	wrdreg s16;
	s17 =	sadd.s32 $0xC800, s13;
	s18 =	sadd.s32 $0xDC00, s13  }
0x19: {  	v3 =	vunpack.c.l.s4.s8 v3;
	v4 =	vunpack.c.l.s4.s8 v4;
	v5 =	vunpack.c.l.s4.s8 v5;
	s21 =	sadd.s32 $0xF000, s13;
	s25 =	sadd.s32 $0x11800, s13;
	[dreg:$0xe] =	wrdreg s2  }
0x1a: {  	v6 =	vunpack.c.l.s4.s8 v6;
	v7 =	vunpack.c.l.s4.s8 v7;
	v2 =	vunpack.c.0.s8.s32 v2;
	s12 =	simm.s32 $0x1D880;
	s15 =	simm.s32 $0x18880;
	[dreg:$0x18] =	wrdreg s17  }
0x1b: {  	v3 =	vunpack.c.0.s8.s32 v3;
	v4 =	vunpack.c.0.s8.s32 v4;
	v5 =	vunpack.c.0.s8.s32 v5;
	s16 =	simm.s32 $0x1D980;
	s7 =	simm.s32 $0x0;
	[dreg:$0x19] =	wrdreg s18  }
0x1c: {  	v0 =	vunpack.c.l.s4.s8 v0;
	v6 =	vunpack.c.0.s8.s32 v6;
	v7 =	vunpack.c.0.s8.s32 v7;
	s2 =	sshrl.u32 s24, $0x3;
	s9 =	sadd.s32 s0, s26;
	[dreg:$0x1a] =	wrdreg s21  }
0x1d: {  	v1 =	vunpack.c.0.s8.s32 v1;
	v2 =	vcombine.low v3, v2;
	v3 =	vcombine.low v5, v4;
	s10 =	sadd.s32 s0, s10;
	s24 =	sadd.s32 $0x10400, s13;
	[dreg:$0x1c] =	wrdreg s25  }
0x1e: {  	v0 =	vunpack.c.0.s8.s32 v0;
	v4 =	vcombine.low v7, v6;
	s26 =	sadd.s32 $0x12C00, s13;
	s17 =	simm.s32 $0x1;
	[dreg:$0xf] =	wrdreg s9  }
0x1f: {  	v1 =	vand.u32 $0xF, v1;
	v16 =	vand.u32 $0xF, v3;
	s18 =	simm.s32 $0x5;
	s21 =	simm.s32 $0x1B080;
	[dreg:$0x11] =	wrdreg s10  }
0x20: {  	v9 =	vcombine.low v1, v0;
	v13 =	vand.u32 $0xF, v4;
	s25 =	simm.s32 $0x50;
	[tilespmem:$0x1FFC0] =	vst v16;
	s2 =	sadd.s32 s3, s2;
	[dreg:$0x1b] =	wrdreg s24  }
0x21: {  	[tilespmem:$0x1FFD0] =	vst v13;
	[dreg:$0x1d] =	wrdreg s26;
	s9 =	simm.s32 $0xD;
	s24 =	simm.s32 $0x1DA00  }
0x22: {  	v10 =	vand.u32 $0xF, v2;
	[tilespmem:$0x1FFE0] =	vst v9;
	s26 =	simm.s32 $0x2;
	[dreg:$0x10] =	wrdreg s2;
	s2 =	sadd.s32 s3, s11  }
0x23: {  	v5 =	vimm.f32 $0.0e+00;
	[tilespmem:$0x1FFF0] =	vst v10;
	s11 =	simm.s32 $0x13880;
	[dreg:$0x12] =	wrdreg s2;
	s2 =	simm.s32 $0x8  }
.LBB2_1:
0x24: {  	[dreg:$0x1e] =	wrdreg s7  }
0x25: {  	s1 =	rddreg [dreg:$0x1];
	s8 =	simm.s32 $0x1EE80  }
0x26: {  	[tilespmem:s8], [sflag:$0xD] =	stream.linear.gather [hbm4b:s1+s6], $0x100, $0x38;
	[tilespmem:$0x1EF80] =	vst v63  }
0x27: {  	s10 =	sand.u32 $0x7E00, s6;
	s14 =	sand.u32 $0x70, s6;
	_ =	swait.ge [sflag:s9], $0x100  }
0x28: {  	s7 =	simm.s32 $0x0;
	s8 =	sshrl.u32 s10, $0x2;
	[sflag:s9] =	ssyncset.done $0x0  }
0x29: {  	s1 =	simm.s32 $0x40;
	s8 =	sor.u32 s14, s8;
	[sflag:s9] =	ssyncadd.s32 $0xFFFFFF00  }
.LBB2_2:
0x2a: {  	p0 =	sne.s32 s1, $0x4FC0  }
0x2b: {  	[tilespmem:s8+$0x1DA80] =	vst v5;
	s7 =	sadd.s32 $0x10, s7;
	s8 =	smov.u32 s1;
	s1 =	sadd.s32 $0x40, s1  }
.Ltmp0:
0x2c: {  	(pc) =	sbr.rel @p0 .LBB2_2-.Ltmp0, $4  }
0x2d: {  	_ = 	snop  }
0x2e: {  	s8 =	sand.u32 $0x7E00, s8  }
0x2f: {  	s10 =	sand.u32 $0x70, s7;
	s8 =	sshrl.u32 s8, $0x2  }
0x30: {  	s8 =	sor.u32 s10, s8  }
0x31: {  	[tilespmem:s8+$0x1DA80] =	vst v5;
	s7 =	simm.s32 $0x1DA80  }
0x32: {  	[spmem:s13] =	stream.linear.scatter [tilespmem:s7], [sflag:$0xD], $0x1400, $0x38;
	[tilespmem:$0x1EF80] =	vst v63  }
0x33: {  	_ =	swait.ge [sflag:s9], $0x1400  }
0x34: {  	[sflag:s9] =	ssyncset.done $0x0  }
0x35: {  	s1 =	rddreg [dreg:$0x7];
	[sflag:s9] =	ssyncadd.s32 $0xFFFFEC00  }
0x36: {  	[spmem:s1] =	stream.linear.scatter [tilespmem:s7], [sflag:$0xD], $0x1400, $0x38;
	[tilespmem:$0x1EF80] =	vst v63  }
0x37: {  	_ =	swait.ge [sflag:s9], $0x1400  }
0x38: {  	[sflag:s9] =	ssyncset.done $0x0  }
0x39: {  	s13 =	rddreg [dreg:$0x8];
	[sflag:s9] =	ssyncadd.s32 $0xFFFFEC00  }
0x3a: {  	[spmem:s13] =	stream.linear.scatter [tilespmem:s7], [sflag:$0xD], $0x1400, $0x38;
	[tilespmem:$0x1EF80] =	vst v63  }
0x3b: {  	_ =	swait.ge [sflag:s9], $0x1400  }
0x3c: {  	[sflag:s9] =	ssyncset.done $0x0  }
0x3d: {  	s14 =	rddreg [dreg:$0x9];
	[sflag:s9] =	ssyncadd.s32 $0xFFFFEC00  }
0x3e: {  	[spmem:s14] =	stream.linear.scatter [tilespmem:s7], [sflag:$0xD], $0x1400, $0x38;
	[tilespmem:$0x1EF80] =	vst v63  }
0x3f: {  	_ =	swait.ge [sflag:s9], $0x1400  }
0x40: {  	[sflag:s9] =	ssyncset.done $0x0  }
0x41: {  	s8 =	rddreg [dreg:$0xa];
	[sflag:s9] =	ssyncadd.s32 $0xFFFFEC00  }
0x42: {  	[spmem:s8] =	stream.linear.scatter [tilespmem:s7], [sflag:$0xD], $0x1400, $0x38;
	[tilespmem:$0x1EF80] =	vst v63  }
0x43: {  	_ =	swait.ge [sflag:s9], $0x1400  }
0x44: {  	[sflag:s9] =	ssyncset.done $0x0  }
0x45: {  	s10 =	rddreg [dreg:$0xb];
	[sflag:s9] =	ssyncadd.s32 $0xFFFFEC00  }
0x46: {  	[spmem:s10] =	stream.linear.scatter [tilespmem:s7], [sflag:$0xD], $0x1400, $0x38;
	[tilespmem:$0x1EF80] =	vst v63  }
0x47: {  	_ =	swait.ge [sflag:s9], $0x1400  }
0x48: {  	[sflag:s9] =	ssyncset.done $0x0  }
0x49: {  	s13 =	rddreg [dreg:$0xc];
	[sflag:s9] =	ssyncadd.s32 $0xFFFFEC00  }
0x4a: {  	[spmem:s13] =	stream.linear.scatter [tilespmem:s7], [sflag:$0xD], $0x1400, $0x38;
	[tilespmem:$0x1EF80] =	vst v63  }
0x4b: {  	_ =	swait.ge [sflag:s9], $0x1400  }
0x4c: {  	[sflag:s9] =	ssyncset.done $0x0  }
0x4d: {  	s14 =	rddreg [dreg:$0x15];
	[sflag:s9] =	ssyncadd.s32 $0xFFFFEC00  }
0x4e: {  	[spmem:s14] =	stream.linear.scatter [tilespmem:s7], [sflag:$0xD], $0x1400, $0x38;
	[tilespmem:$0x1EF80] =	vst v63  }
0x4f: {  	_ =	swait.ge [sflag:s9], $0x1400  }
0x50: {  	[sflag:s9] =	ssyncset.done $0x0  }
0x51: {  	s8 =	rddreg [dreg:$0x16];
	[sflag:s9] =	ssyncadd.s32 $0xFFFFEC00  }
0x52: {  	[spmem:s8] =	stream.linear.scatter [tilespmem:s7], [sflag:$0xD], $0x1400, $0x38;
	[tilespmem:$0x1EF80] =	vst v63  }
0x53: {  	_ =	swait.ge [sflag:s9], $0x1400  }
0x54: {  	[sflag:s9] =	ssyncset.done $0x0  }
0x55: {  	s10 =	rddreg [dreg:$0x17];
	[sflag:s9] =	ssyncadd.s32 $0xFFFFEC00  }
0x56: {  	[spmem:s10] =	stream.linear.scatter [tilespmem:s7], [sflag:$0xD], $0x1400, $0x38;
	[tilespmem:$0x1EF80] =	vst v63  }
0x57: {  	_ =	swait.ge [sflag:s9], $0x1400  }
0x58: {  	[sflag:s9] =	ssyncset.done $0x0  }
0x59: {  	s13 =	rddreg [dreg:$0x18];
	[sflag:s9] =	ssyncadd.s32 $0xFFFFEC00  }
0x5a: {  	[spmem:s13] =	stream.linear.scatter [tilespmem:s7], [sflag:$0xD], $0x1400, $0x38;
	[tilespmem:$0x1EF80] =	vst v63  }
0x5b: {  	_ =	swait.ge [sflag:s9], $0x1400  }
0x5c: {  	[sflag:s9] =	ssyncset.done $0x0  }
0x5d: {  	s14 =	rddreg [dreg:$0x19];
	[sflag:s9] =	ssyncadd.s32 $0xFFFFEC00  }
0x5e: {  	[spmem:s14] =	stream.linear.scatter [tilespmem:s7], [sflag:$0xD], $0x1400, $0x38;
	[tilespmem:$0x1EF80] =	vst v63  }
0x5f: {  	_ =	swait.ge [sflag:s9], $0x1400  }
0x60: {  	[sflag:s9] =	ssyncset.done $0x0  }
0x61: {  	s8 =	rddreg [dreg:$0x1a];
	[sflag:s9] =	ssyncadd.s32 $0xFFFFEC00  }
0x62: {  	[spmem:s8] =	stream.linear.scatter [tilespmem:s7], [sflag:$0xD], $0x1400, $0x38;
	[tilespmem:$0x1EF80] =	vst v63  }
0x63: {  	_ =	swait.ge [sflag:s9], $0x1400  }
0x64: {  	[sflag:s9] =	ssyncset.done $0x0  }
0x65: {  	s10 =	rddreg [dreg:$0x1b];
	[sflag:s9] =	ssyncadd.s32 $0xFFFFEC00  }
0x66: {  	[spmem:s10] =	stream.linear.scatter [tilespmem:s7], [sflag:$0xD], $0x1400, $0x38;
	[tilespmem:$0x1EF80] =	vst v63  }
0x67: {  	_ =	swait.ge [sflag:s9], $0x1400  }
0x68: {  	[sflag:s9] =	ssyncset.done $0x0  }
0x69: {  	s13 =	rddreg [dreg:$0x1c];
	[sflag:s9] =	ssyncadd.s32 $0xFFFFEC00  }
0x6a: {  	[spmem:s13] =	stream.linear.scatter [tilespmem:s7], [sflag:$0xD], $0x1400, $0x38;
	[tilespmem:$0x1EF80] =	vst v63  }
0x6b: {  	_ =	swait.ge [sflag:s9], $0x1400  }
0x6c: {  	[sflag:s9] =	ssyncset.done $0x0  }
0x6d: {  	s14 =	rddreg [dreg:$0x1d];
	[sflag:s9] =	ssyncadd.s32 $0xFFFFEC00  }
0x6e: {  	[spmem:s14] =	stream.linear.scatter [tilespmem:s7], [sflag:$0xD], $0x1400, $0x38;
	[tilespmem:$0x1EF80] =	vst v63  }
0x6f: {  	_ =	swait.ge [sflag:s9], $0x1400  }
0x70: {  	[sflag:s9] =	ssyncset.done $0x0  }
0x71: {  	[sflag:s9] =	ssyncadd.s32 $0xFFFFEC00  }
0x72: {  	[bflag:$0x0] =	sbarrier.arrive $0xFFFF  }
0x73: {  	s1 =	simm.s32 $0x0;
	s8 =	rddreg [dreg:$0xd]  }
0x74: {  	[tilespmem:s11], [sflag:$0x1] =	stream.linear.gather [hbm4b:s8+s1], $0x2800, $0x38;
	[tilespmem:$0x1EF80] =	vst v63  }
0x75: {  	s10 =	rddreg [dreg:$0xe]  }
0x76: {  	[tilespmem:s12], [sflag:$0x5] =	stream.linear.gather [hbm4b:s10+s1], $0x50, $0x38;
	[tilespmem:$0x1EF80] =	vst v63  }
0x77: {  	s14 =	simm.s32 $0x16080;
	s13 =	rddreg [dreg:$0xf]  }
0x78: {  	[tilespmem:s14], [sflag:$0x2] =	stream.linear.gather [hbm4b:s13+s1], $0x2800, $0x38;
	[tilespmem:$0x1EF80] =	vst v63  }
0x79: {  	s8 =	rddreg [dreg:$0x10];
	s10 =	simm.s32 $0x1D900  }
0x7a: {  	[tilespmem:s10], [sflag:$0x6] =	stream.linear.gather [hbm4b:s8+s1], $0x50, $0x38;
	[tilespmem:$0x1EF80] =	vst v63  }
0x7b: {  	s13 =	rddreg [dreg:$0x11]  }
0x7c: {  	[tilespmem:s15], [sflag:$0x3] =	stream.linear.gather [hbm4b:s13+s1], $0x2800, $0x38;
	[tilespmem:$0x1EF80] =	vst v63  }
0x7d: {  	s14 =	rddreg [dreg:$0x12]  }
0x7e: {  	[tilespmem:s16], [sflag:$0x7] =	stream.linear.gather [hbm4b:s14+s1], $0x50, $0x38;
	[tilespmem:$0x1EF80] =	vst v63  }
.LBB2_4:
0x7f: {  	_ =	swait.ge [sflag:s17], $0x2800  }
0x80: {  	[sflag:s17] =	ssyncset.done $0x0  }
0x81: {  	[sflag:s17] =	ssyncadd.s32 $0xFFFFD800  }
0x82: {  	_ =	swait.ge [sflag:s18], $0x50  }
0x83: {  	p0 =	seq.s32 s1, $0x0;
	s7 =	smul.u32 $0x140, s1;
	[sflag:s18] =	ssyncset.done $0x0  }
0x84: {  	s8 =	simm.s32 @!p0 $0xC;
	[sflag:s18] =	ssyncadd.s32 $0xFFFFFFB0  }
0x85: {  	s10 =	sadd.s32 s7, s19;
	_ =	swait.ge @!p0 [sflag:s8], $0x2800  }
0x86: {  	s13 =	sshll.u32 s10, $0x4;
	[sflag:s8] =	ssyncset.done @!p0 $0x0  }
0x87: {  	s14 =	sshrl.u32 s10, $0x3;
	s13 =	sadd.s32 s0, s13;
	[sflag:s8] =	ssyncadd.s32 @!p0 $0xFFFFD800  }
0x88: {  	[tilespmem:s21], [sflag:$0x4] =	stream.linear.gather [hbm4b:s13+s6], $0x2800, $0x38;
	[tilespmem:$0x1EF80] =	vst v63  }
0x89: {  	s8 =	sadd.s32 s3, s14  }
0x8a: {  	[tilespmem:s24], [sflag:$0x8] =	stream.linear.gather [hbm4b:s8+s6], $0x50, $0x38;
	[tilespmem:$0x1EF80] =	vst v63  }
0x8b: {  	s8 =	simm.s32 $0x13980  }
0x8c: {  	v2 =	vld [tilespmem:s8+$0xFFFFFF10];
	_ =	sdelay $0x3  }
0x8d: {  	v51 =	vld [tilespmem:s8+$0x80]  }
0x8e: {  	v50 =	vld [tilespmem:s8+$0x90];
	[tilespmem:$0x1FF20] =	vst v2  }
0x8f: {  	v4 =	vld [tilespmem:s8+$0xFFFFFF80];
	_ =	sdelay $0x4  }
0x90: {  	v54 =	vld [tilespmem:s8+$0xA0];
	[tilespmem:$0x1FF60] =	vst v4  }
0x91: {  	v49 =	vld [tilespmem:s8+$0xB0]  }
0x92: {  	v36 =	vld [tilespmem:s8+$0xFFFFFF90]  }
0x93: {  	v5 =	vld [tilespmem:s8+$0xFFFFFF00]  }
0x94: {  	v59 =	vld [tilespmem:s8+$0xC0]  }
0x95: {  	v21 =	vld [tilespmem:s8+$0x0]  }
0x96: {  	v61 =	vld [tilespmem:s8+$0xD0]  }
0x97: {  	v22 =	vld [tilespmem:s8+$0x10]  }
0x98: {  	v60 =	vld [tilespmem:s8+$0xE0];
	[tilespmem:$0x1FF10] =	vst v5  }
0x99: {  	v26 =	vld [tilespmem:s8+$0xFFFFFF20];
	_ =	sdelay $0x4  }
0x9a: {  	v43 =	vld [tilespmem:s8+$0xF0];
	[tilespmem:$0x1FF30] =	vst v26  }
0x9b: {  	v7 =	vld [tilespmem:s8+$0xFFFFFFA0];
	_ =	sdelay $0x4  }
0x9c: {  	[tilespmem:$0x1FF70] =	vst v7  }
0x9d: {  	v28 =	vld [tilespmem:s8+$0xFFFFFF30];
	_ =	sdelay $0x3  }
0x9e: {  	v11 =	vld [tilespmem:$0x1EE80]  }
0x9f: {  	v24 =	vld [tilespmem:s8+$0x20];
	[tilespmem:$0x1FF40] =	vst v28  }
0xa0: {  	v8 =	vld [tilespmem:s8+$0xFFFFFFB0]  }
0xa1: {  	v12 =	vld [tilespmem:$0x1EE90];
	_ =	sdelay $0x1  }
0xa2: {  	v14 =	vld [tilespmem:$0x1EEA0];
	_ =	sdelay $0x1  }
0xa3: {  	v15 =	vld [tilespmem:$0x1EEB0];
	[tilespmem:$0x1FF80] =	vst v8  }
0xa4: {  	v0 =	vmul.f32 v51, v11;
	v1 =	vmul.f32 v50, v12;
	v29 =	vld [tilespmem:s8+$0xFFFFFF40]  }
0xa5: {  	v17 =	vld [tilespmem:$0x1EEC0]  }
0xa6: {  	v0 =	vadd.f32 v1, v0;
	v1 =	vmul.f32 v54, v14  }
0xa7: {  	v18 =	vld [tilespmem:$0x1EED0]  }
0xa8: {  	v19 =	vld [tilespmem:$0x1EEE0];
	v0 =	vadd.f32 v1, v0;
	v1 =	vmul.f32 v49, v15  }
0xa9: {  	v23 =	vld [tilespmem:s8+$0x30];
	[tilespmem:$0x1FF50] =	vst v29  }
0xaa: {  	v0 =	vadd.f32 v1, v0;
	v1 =	vmul.f32 v59, v17;
	v25 =	vld [tilespmem:s8+$0xFFFFFFC0]  }
0xab: {  	v20 =	vld [tilespmem:$0x1EEF0]  }
0xac: {  	v2 =	vmul.f32 v2, v12;
	v0 =	vadd.f32 v1, v0;
	v1 =	vmul.f32 v61, v18  }
0xad: {  	v3 =	vmul.f32 v4, v11;
	v4 =	vmul.f32 v5, v11  }
0xae: {  	v0 =	vadd.f32 v1, v0;
	v1 =	vmul.f32 v60, v19  }
0xaf: {  	v2 =	vadd.f32 v2, v4;
	[tilespmem:$0x1FF90] =	vst v25  }
0xb0: {  	v4 =	vmul.f32 v26, v14;
	v0 =	vadd.f32 v1, v0;
	v1 =	vmul.f32 v43, v20;
	v26 =	vld [tilespmem:s8+$0xFFFFFFD0];
	_ =	sdelay $0x1  }
0xb1: {  	v6 =	vmul.f32 v21, v11;
	v0 =	vadd.f32 v1, v0;
	v1 =	vmul.f32 v22, v12;
	_ =	sdelay $0x1  }
0xb2: {  	v2 =	vadd.f32 v4, v2;
	v1 =	vadd.f32 v1, v6;
	v6 =	vmul.f32 v28, v15;
	v27 =	vld [tilespmem:s8+$0x40]  }
0xb3: {  	v5 =	vmul.f32 v36, v12;
	v62 =	vld [tilespmem:s8+$0xFFFFFF50];
	[tilespmem:$0x1FFA0] =	vst v26  }
0xb4: {  	v2 =	vadd.f32 v6, v2;
	v6 =	vmul.f32 v29, v17;
	v29 =	vld [tilespmem:s8+$0xFFFFFFE0]  }
0xb5: {  	v3 =	vadd.f32 v5, v3;
	v5 =	vmul.f32 v7, v14;
	v7 =	vperm.xlane v0, v9  }
0xb6: {  	v4 =	vmul.f32 v24, v14  }
0xb7: {  	v3 =	vadd.f32 v5, v3;
	v0 =	vadd.f32 v0, v7  }
0xb8: {  	v1 =	vadd.f32 v4, v1;
	v5 =	vmul.f32 v8, v15;
	v4 =	vmul.f32 v23, v15;
	v28 =	vld [tilespmem:s8+$0x50]  }
0xb9: {  	v7 =	vperm.xlane v0, v10;
	v58 =	vld [tilespmem:s8+$0xFFFFFF60];
	[tilespmem:$0x1FFB0] =	vst v29  }
0xba: {  	v3 =	vadd.f32 v5, v3;
	v1 =	vadd.f32 v4, v1;
	v5 =	vmul.f32 v25, v17;
	v25 =	vld [tilespmem:s8+$0x60]  }
0xbb: {  	v2 =	vadd.f32 v6, v2;
	v6 =	vadd.f32 v0, v7;
	v4 =	vmul.f32 v27, v17;
	v57 =	vld [tilespmem:s8+$0xFFFFFF70]  }
0xbc: {  	v3 =	vadd.f32 v5, v3;
	v7 =	vmul.f32 v62, v18;
	v5 =	vmul.f32 v26, v18;
	v63 =	vld [tilespmem:s8+$0xFFFFFFF0]  }
0xbd: {  	v8 =	vperm.xlane v6, v16;
	v1 =	vadd.f32 v4, v1;
	v4 =	vmul.f32 v28, v18;
	v0 =	vld [tilespmem:s8+$0x70]  }
0xbe: {  	v2 =	vadd.f32 v7, v2;
	v3 =	vadd.f32 v5, v3;
	v7 =	vmul.f32 v58, v19  }
0xbf: {  	v5 =	vmul.f32 v29, v19;
	v1 =	vadd.f32 v4, v1;
	v4 =	vadd.f32 v6, v8  }
0xc0: {  	v2 =	vadd.f32 v7, v2;
	v6 =	vmul.f32 v25, v19;
	v7 =	vmul.f32 v57, v20  }
0xc1: {  	v39 =	vld [tilespmem:$0x1EF00];
	v3 =	vadd.f32 v5, v3;
	v5 =	vperm.xlane v4, v13;
	v8 =	vmul.f32 v63, v20  }
0xc2: {  	v1 =	vadd.f32 v6, v1;
	v2 =	vadd.f32 v7, v2;
	v6 =	vmul.f32 v0, v20  }
0xc3: {  	v3 =	vadd.f32 v8, v3  }
0xc4: {  	v4 =	vadd.f32 v4, v5;
	v5 =	vperm.xlane v2, v9;
	v1 =	vadd.f32 v6, v1  }
0xc5: {  	v6 =	vperm.xlane v3, v9  }
0xc6: {  	v4 =	vadd.f32 v4, v39;
	v2 =	vadd.f32 v2, v5;
	v5 =	vperm.xlane v1, v9  }
0xc7: {  	v3 =	vadd.f32 v3, v6  }
0xc8: {  	v4 =	vsub.f32 $0.0e+00, v4;
	v1 =	vadd.f32 v1, v5  }
0xc9: {  	v6 =	vperm.xlane v2, v10;
	v5 =	vperm.xlane v3, v10  }
0xca: {  	v4 =	vmul.f32 $1.442695020e+00, v4;
	v7 =	vperm.xlane v1, v10  }
0xcb: {  	v2 =	vadd.f32 v2, v6;
	v3 =	vadd.f32 v3, v5  }
0xcc: {  	[tilespmem:$0x1FE20] =	vst v25;
	(erf) = vpow2.f32 v4;
	v1 =	vadd.f32 v1, v7  }
0xcd: {  	s10 =	simm.s32 $0x13B80;
	[tilespmem:$0x1FE30] =	vst v0;
	v4 =	vperm.xlane v2, v16;
	v5 =	vperm.xlane v3, v16  }
0xce: {  	v32 =	vld [tilespmem:s10+$0x90];
	v6 =	vperm.xlane v1, v16  }
0xcf: {  	v7 =	vld [tilespmem:s10+$0x80];
	v2 =	vadd.f32 v2, v4;
	v3 =	vadd.f32 v3, v5  }
0xd0: {  	v33 =	vld [tilespmem:s10+$0xA0];
	v1 =	vadd.f32 v1, v6  }
0xd1: {  	v25 =	vld [tilespmem:s10+$0xFFFFFF80];
	v4 =	vperm.xlane v2, v13;
	v5 =	vperm.xlane v3, v13  }
0xd2: {  	v31 =	vld [tilespmem:s10+$0xB0];
	v6 =	vperm.xlane v1, v13  }
0xd3: {  	v30 =	vld [tilespmem:s10+$0xFFFFFF90];
	v2 =	vadd.f32 v2, v4;
	v3 =	vadd.f32 v3, v5  }
0xd4: {  	v0 =	vld [tilespmem:s10+$0xFFFFFF10];
	[tilespmem:$0x1FE40] =	vst v7;
	v5 =	vmul.f32 v7, v11;
	v1 =	vadd.f32 v1, v6;
	v6 =	vmul.f32 v32, v12  }
0xd5: {  	v34 =	vld [tilespmem:s10+$0xC0];
	v4 =	vpop (erf);
	v2 =	vadd.f32 v2, v39;
	v3 =	vadd.f32 v3, v39  }
0xd6: {  	v26 =	vld [tilespmem:s10+$0x0];
	v4 =	vadd.f32 $1.000000000e+00, v4;
	v5 =	vadd.f32 v6, v5;
	v6 =	vmul.f32 v33, v14  }
0xd7: {  	v8 =	vld [tilespmem:s10+$0xD0];
	v1 =	vadd.f32 v1, v39;
	v2 =	vsub.f32 $0.0e+00, v2  }
0xd8: {  	v29 =	vld [tilespmem:s10+$0x10];
	(erf) = vrcp.f32 v4;
	v4 =	vadd.f32 v6, v5;
	v5 =	vmul.f32 v31, v15  }
0xd9: {  	v37 =	vld [tilespmem:s10+$0xE0];
	[tilespmem:$0x1FE50] =	vst v0;
	v3 =	vsub.f32 $0.0e+00, v3;
	v1 =	vsub.f32 $0.0e+00, v1;
	v6 =	vmul.f32 v0, v12  }
0xda: {  	v2 =	vmul.f32 $1.442695020e+00, v2;
	v0 =	vld [tilespmem:s10+$0xFFFFFF00];
	v4 =	vadd.f32 v5, v4;
	v5 =	vmul.f32 v34, v17  }
0xdb: {  	v45 =	vld [tilespmem:s10+$0xF0];
	v3 =	vmul.f32 $1.442695020e+00, v3;
	v1 =	vmul.f32 $1.442695020e+00, v1  }
0xdc: {  	v40 =	vld [tilespmem:s10+$0xFFFFFF20];
	[tilespmem:$0x1FE60] =	vst v8;
	(erf) = vpow2.f32 v2;
	v2 =	vadd.f32 v5, v4;
	v4 =	vmul.f32 v8, v18  }
0xdd: {  	v38 =	vld [tilespmem:s10+$0xFFFFFFA0];
	(erf) = vpow2.f32 v3  }
0xde: {  	v41 =	vld [tilespmem:s10+$0x20];
	(erf) = vpow2.f32 v1;
	v1 =	vadd.f32 v4, v2;
	v2 =	vmul.f32 v37, v19  }
0xdf: {  	v7 =	vmul.f32 v25, v11;
	v42 =	vld [tilespmem:s10+$0xFFFFFF30];
	[tilespmem:$0x1FE70] =	vst v11;
	v4 =	vmul.f32 v0, v11  }
0xe0: {  	[tilespmem:$0x1FE90] =	vst v12;
	v5 =	vmul.f32 v30, v12;
	v8 =	vmul.f32 v45, v20;
	v1 =	vadd.f32 v2, v1  }
0xe1: {  	v3 =	vmul.f32 v26, v11;
	[tilespmem:$0x1FE80] =	vst v0;
	v4 =	vadd.f32 v6, v4;
	v6 =	vmul.f32 v40, v14  }
0xe2: {  	v11 =	vld [tilespmem:s10+$0xFFFFFFB0];
	v5 =	vadd.f32 v5, v7;
	v2 =	vmul.f32 v29, v12;
	v1 =	vadd.f32 v8, v1  }
0xe3: {  	v4 =	vadd.f32 v6, v4;
	v6 =	vmul.f32 v41, v14  }
0xe4: {  	v44 =	vld [tilespmem:s10+$0x30];
	v2 =	vadd.f32 v2, v3;
	v3 =	vmul.f32 v38, v14;
	v8 =	vperm.xlane v1, v9  }
0xe5: {  	[tilespmem:$0x1FEA0] =	vst v14;
	v7 =	vmul.f32 v42, v15  }
0xe6: {  	v35 =	vmov v40;
	v40 =	vld [tilespmem:s10+$0xFFFFFF40];
	v3 =	vadd.f32 v3, v5;
	v5 =	vpop (erf)  }
0xe7: {  	v12 =	vld [tilespmem:s10+$0xFFFFFFC0];
	v2 =	vadd.f32 v6, v2;
	v4 =	vadd.f32 v7, v4;
	v7 =	vmul.f32 v11, v15;
	v6 =	vpop (erf)  }
0xe8: {  	v46 =	vld [tilespmem:s10+$0x40];
	[tilespmem:$0x1FEB0] =	vst v15;
	v14 =	vmov v42;
	v1 =	vadd.f32 v1, v8;
	v6 =	vadd.f32 $1.000000000e+00, v6;
	v8 =	vpop (erf)  }
0xe9: {  	v42 =	vld [tilespmem:s10+$0xFFFFFF50];
	v47 =	vmul.f32 v44, v15;
	v3 =	vadd.f32 v7, v3;
	v7 =	vadd.f32 $1.000000000e+00, v8;
	v8 =	vpop (erf)  }
0xea: {  	(erf) = vrcp.f32 v6;
	v6 =	vadd.f32 $1.000000000e+00, v8;
	v8 =	vperm.xlane v1, v10  }
0xeb: {  	v48 =	vld [tilespmem:s10+$0xFFFFFFD0];
	v2 =	vadd.f32 v47, v2;
	(erf) = vrcp.f32 v7;
	v7 =	vmul.f32 v40, v17  }
0xec: {  	v47 =	vld [tilespmem:s10+$0x50];
	v1 =	vadd.f32 v1, v8;
	(erf) = vrcp.f32 v6;
	v6 =	vmul.f32 v12, v17  }
0xed: {  	v8 =	vmul.f32 v46, v17;
	v4 =	vadd.f32 v7, v4;
	v7 =	vmul.f32 v5, v43;
	v43 =	vld [tilespmem:s10+$0xFFFFFF60];
	[tilespmem:$0x1FEC0] =	vst v17  }
0xee: {  	v56 =	vmul.f32 v5, v51;
	v52 =	vmul.f32 v42, v18;
	v3 =	vadd.f32 v6, v3;
	v51 =	vld [tilespmem:s10+$0xFFFFFFE0]  }
0xef: {  	v53 =	vperm.xlane v1, v16;
	v6 =	vadd.f32 v8, v2;
	v8 =	vmul.f32 v5, v50;
	v50 =	vld [tilespmem:s10+$0x60]  }
0xf0: {  	v4 =	vadd.f32 v52, v4;
	v52 =	vld [tilespmem:s10+$0xFFFFFFF0]  }
0xf1: {  	v1 =	vadd.f32 v1, v53;
	v53 =	vld [tilespmem:s10+$0xFFFFFF70];
	[tilespmem:$0x1FED0] =	vst v18  }
0xf2: {  	[tilespmem:s8+$0xF0] =	vst v7  }
0xf3: {  	[tilespmem:s8+$0x80] =	vst v56  }
0xf4: {  	v54 =	vmul.f32 v5, v54;
	[tilespmem:s8+$0x90] =	vst v8  }
0xf5: {  	v55 =	vmul.f32 v5, v49;
	v49 =	vld [tilespmem:s10+$0x70];
	[tilespmem:$0x1FEE0] =	vst v19  }
0xf6: {  	v0 =	vmul.f32 v48, v18;
	[tilespmem:s8+$0xA0] =	vst v54  }
0xf7: {  	[tilespmem:$0x1FEF0] =	vst v39  }
0xf8: {  	v0 =	vadd.f32 v0, v3;
	v3 =	vmul.f32 v5, v59;
	[tilespmem:s8+$0xB0] =	vst v55  }
0xf9: {  	v7 =	vmul.f32 v43, v19;
	[tilespmem:$0x1FF00] =	vst v20  }
0xfa: {  	[tilespmem:s8+$0xC0] =	vst v3  }
0xfb: {  	v2 =	vmul.f32 v47, v18;
	v4 =	vadd.f32 v7, v4;
	v7 =	vmul.f32 v50, v19;
	v3 =	vld [tilespmem:$0x1FF10];
	_ =	sdelay $0x1  }
0xfc: {  	v2 =	vadd.f32 v2, v6;
	v6 =	vmul.f32 v5, v61;
	v8 =	vmul.f32 v53, v20  }
0xfd: {  	v5 =	vmul.f32 v5, v60;
	v59 =	vperm.xlane v1, v13  }
0xfe: {  	v2 =	vadd.f32 v7, v2;
	v4 =	vadd.f32 v8, v4;
	v8 =	vmul.f32 v49, v20;
	v7 =	vpop (erf);
	[tilespmem:s8+$0xD0] =	vst v6  }
0xff: {  	v1 =	vadd.f32 v1, v59;
	v6 =	vld [tilespmem:$0x1FF20];
	v3 =	vmul.f32 v7, v3  }
0x100: {  	v2 =	vadd.f32 v8, v2;
	v8 =	vperm.xlane v4, v9;
	[tilespmem:s8+$0xE0] =	vst v5  }
0x101: {  	v1 =	vadd.f32 v1, v39;
	[tilespmem:s8+$0xFFFFFF00] =	vst v3  }
0x102: {  	v3 =	vadd.f32 v4, v8;
	v4 =	vld [tilespmem:$0x1FF30]  }
0x103: {  	v1 =	vsub.f32 $0.0e+00, v1  }
0x104: {  	v6 =	vmul.f32 v7, v6  }
0x105: {  	v1 =	vmul.f32 $1.442695020e+00, v1  }
0x106: {  	v61 =	vmul.f32 v51, v19;
	[tilespmem:s8+$0xFFFFFF10] =	vst v6  }
0x107: {  	(erf) = vpow2.f32 v1;
	v1 =	vld [tilespmem:$0x1FF40];
	v4 =	vmul.f32 v7, v4  }
0x108: {  	v0 =	vadd.f32 v61, v0;
	v39 =	vmul.f32 v52, v20  }
0x109: {  	[tilespmem:s8+$0xFFFFFF20] =	vst v4  }
0x10a: {  	v0 =	vadd.f32 v39, v0;
	v4 =	vld [tilespmem:$0x1FF50];
	_ =	sdelay $0x1  }
0x10b: {  	v5 =	vperm.xlane v0, v9;
	v1 =	vmul.f32 v7, v1;
	_ =	sdelay $0x1  }
0x10c: {  	v0 =	vadd.f32 v0, v5;
	[tilespmem:s8+$0xFFFFFF30] =	vst v1;
	v1 =	vmul.f32 v7, v62  }
0x10d: {  	v4 =	vmul.f32 v7, v4  }
0x10e: {  	v6 =	vperm.xlane v0, v10;
	[tilespmem:s8+$0xFFFFFF50] =	vst v1  }
0x10f: {  	[tilespmem:s8+$0xFFFFFF40] =	vst v4  }
0x110: {  	v0 =	vadd.f32 v0, v6;
	v6 =	vld [tilespmem:$0x1FF60]  }
0x111: {  	v1 =	vmul.f32 v7, v57  }
0x112: {  	v8 =	vperm.xlane v2, v9;
	v4 =	vmul.f32 v7, v58  }
0x113: {  	[tilespmem:s8+$0xFFFFFF70] =	vst v1  }
0x114: {  	v59 =	vpop (erf);
	v2 =	vadd.f32 v2, v8;
	v5 =	vperm.xlane v3, v10;
	[tilespmem:s8+$0xFFFFFF60] =	vst v4  }
0x115: {  	v7 =	vmul.f32 v59, v6;
	v6 =	vld [tilespmem:$0x1FF70]  }
0x116: {  	v3 =	vadd.f32 v3, v5;
	v5 =	vperm.xlane v2, v10;
	_ =	sdelay $0x1  }
0x117: {  	v4 =	vadd.f32 v2, v5;
	v2 =	vperm.xlane v3, v16;
	v5 =	vmul.f32 v59, v36  }
0x118: {  	v1 =	vperm.xlane v0, v16;
	[tilespmem:s8+$0xFFFFFF80] =	vst v7  }
0x119: {  	v8 =	vmul.f32 v59, v6;
	v6 =	vadd.f32 v3, v2;
	v2 =	vld [tilespmem:$0x1FF80];
	[tilespmem:s8+$0xFFFFFF90] =	vst v5  }
0x11a: {  	v3 =	vadd.f32 v0, v1;
	v0 =	vld [tilespmem:$0x1FF90];
	_ =	sdelay $0x4  }
0x11b: {  	v5 =	vmul.f32 v59, v0;
	v0 =	vld [tilespmem:$0x1FFA0];
	_ =	sdelay $0x3  }
0x11c: {  	[tilespmem:s8+$0xFFFFFFA0] =	vst v8  }
0x11d: {  	v62 =	vmul.f32 v59, v2;
	v2 =	vmul.f32 v59, v0;
	v0 =	vld [tilespmem:$0x1FFB0];
	_ =	sdelay $0x1  }
0x11e: {  	v7 =	vperm.xlane v4, v16;
	_ =	sdelay $0x1  }
0x11f: {  	v4 =	vadd.f32 v4, v7;
	v1 =	vmul.f32 v59, v63;
	v7 =	vperm.xlane v3, v13  }
0x120: {  	s14 =	simm.s32 $0x13D80;
	s13 =	simm.s32 $0x4;
	v60 =	vpop (erf);
	v8 =	vperm.xlane v6, v13;
	[tilespmem:s8+$0xFFFFFFB0] =	vst v62;
	v0 =	vmul.f32 v59, v0  }
.LBB2_5:
0x121: {  	v61 =	vld [tilespmem:s14+$0x80]  }
0x122: {  	[tilespmem:s8+$0xFFFFFFC0] =	vst v5;
	v5 =	vld [tilespmem:s14+$0x90]  }
0x123: {  	v58 =	vld [tilespmem:s14+$0xFFFFFF10]  }
0x124: {  	[tilespmem:$0x1FDF0] =	vst v38;
	v38 =	vld [tilespmem:$0x1FEF0]  }
0x125: {  	v9 =	vld [tilespmem:s14+$0xB0]  }
0x126: {  	[tilespmem:$0x1FE00] =	vst v12;
	v12 =	vld [tilespmem:$0x1FE70]  }
0x127: {  	v10 =	vld [tilespmem:s14+$0xC0]  }
0x128: {  	v36 =	vmov v40;
	v40 =	vmov v14;
	v14 =	vld [tilespmem:$0x1FEA0]  }
0x129: {  	v19 =	vld [tilespmem:$0x1FEC0];
	[tilespmem:s8+$0xFFFFFFD0] =	vst v2;
	v2 =	vmul.f32 v60, v22  }
0x12a: {  	[tilespmem:s8+$0xFFFFFFE0] =	vst v0;
	v0 =	vld [tilespmem:s14+$0xFFFFFF80]  }
0x12b: {  	[tilespmem:s8+$0x10] =	vst v2;
	v2 =	vld [tilespmem:$0x1FE20]  }
0x12c: {  	[tilespmem:$0x1FDE0] =	vst v25;
	v54 =	vmul.f32 v60, v21;
	v56 =	vld [tilespmem:s14+$0xFFFFFF90]  }
0x12d: {  	v55 =	vmul.f32 v60, v24;
	v8 =	vadd.f32 v6, v8;
	v6 =	vperm.xlane v4, v13;
	[tilespmem:s8+$0xFFFFFFF0] =	vst v1;
	v13 =	vld [tilespmem:$0x1FE90]  }
0x12e: {  	v57 =	vmul.f32 v60, v23;
	v20 =	vld [tilespmem:$0x1FED0];
	v3 =	vadd.f32 v3, v7;
	v7 =	vpop (erf);
	[tilespmem:s8+$0x0] =	vst v54  }
0x12f: {  	v1 =	vmul.f32 v60, v27;
	v22 =	vld [tilespmem:$0x1FF00];
	v7 =	vadd.f32 $1.000000000e+00, v7;
	[tilespmem:s8+$0x20] =	vst v55;
	v8 =	vadd.f32 v8, v38  }
0x130: {  	[tilespmem:s8+$0x30] =	vst v57;
	v4 =	vadd.f32 v4, v6;
	v6 =	vld [tilespmem:s14+$0xA0];
	v2 =	vmul.f32 v60, v2  }
0x131: {  	v25 =	vmov v26;
	[tilespmem:s8+$0x40] =	vst v1;
	(erf) = vrcp.f32 v7;
	v26 =	vld [tilespmem:s14+$0x0];
	v15 =	vsub.f32 $0.0e+00, v8  }
0x132: {  	v54 =	vmovc v30;
	v30 =	vmov v29;
	v29 =	vld [tilespmem:s14+$0x10];
	v63 =	vmul.f32 v0, v12;
	[tilespmem:s8+$0x60] =	vst v2;
	v2 =	vmul.f32 v56, v13  }
0x133: {  	v24 =	vmovc v41;
	v27 =	vmovc v46;
	v3 =	vadd.f32 v3, v38;
	v4 =	vadd.f32 v4, v38;
	v41 =	vmul.f32 $1.442695020e+00, v15;
	v15 =	vld [tilespmem:$0x1FEB0]  }
0x134: {  	v1 =	vmovc v50;
	v21 =	vmul.f32 v5, v13;
	v8 =	vmul.f32 v61, v12;
	v46 =	vadd.f32 v2, v63;
	v2 =	vld [tilespmem:$0x1FE30]  }
0x135: {  	v59 =	vmul.f32 v60, v28;
	v23 =	vmovc v44;
	v7 =	vmovc v51;
	[tilespmem:$0x1FE20] =	vst v1;
	v1 =	vld [tilespmem:s14+$0xFFFFFF00];
	v3 =	vsub.f32 $0.0e+00, v3;
	v4 =	vsub.f32 $0.0e+00, v4  }
0x136: {  	v44 =	vmul.f32 v58, v13;
	[tilespmem:$0x1FE10] =	vst v7;
	v7 =	vld [tilespmem:s14+$0xD0];
	v39 =	vmul.f32 v6, v14;
	v8 =	vadd.f32 v21, v8  }
0x137: {  	v62 =	vmul.f32 $1.442695020e+00, v3;
	v4 =	vmul.f32 $1.442695020e+00, v4;
	v3 =	vld [tilespmem:s14+$0xE0]  }
0x138: {  	v57 =	vmovc v52;
	v21 =	vld [tilespmem:$0x1FEE0];
	v8 =	vadd.f32 v39, v8;
	(erf) = vpow2.f32 v41;
	v52 =	vmul.f32 v9, v15  }
0x139: {  	v28 =	vmov v47;
	[tilespmem:s8+$0x50] =	vst v59;
	v18 =	vmul.f32 v60, v2;
	v60 =	vmul.f32 v29, v13;
	v13 =	vld [tilespmem:$0x1FE40]  }
0x13a: {  	v59 =	vmovc v53;
	v53 =	vmul.f32 v10, v19;
	v50 =	vld [tilespmem:s14+$0xF0];
	v47 =	vmul.f32 v26, v12;
	v8 =	vadd.f32 v52, v8  }
0x13b: {  	v17 =	vmovc v49;
	v55 =	vmovc v48;
	(erf) = vpow2.f32 v62;
	v39 =	vmov v11;
	v48 =	vmul.f32 v7, v20;
	v2 =	vld [tilespmem:s14+$0xFFFFFF20]  }
0x13c: {  	v41 =	vld [tilespmem:s14+$0x20];
	[tilespmem:$0x1FE30] =	vst v17;
	(erf) = vpow2.f32 v4;
	v11 =	vpop (erf);
	v4 =	vmov v61;
	v8 =	vadd.f32 v53, v8  }
0x13d: {  	v33 =	vmul.f32 v11, v33;
	v52 =	vmul.f32 v3, v21;
	[tilespmem:$0x1FE40] =	vst v4;
	v4 =	vld [tilespmem:s14+$0xFFFFFF30]  }
0x13e: {  	v62 =	vld [tilespmem:s14+$0xFFFFFFA0];
	v53 =	vmul.f32 v1, v12;
	[tilespmem:s8+$0x70] =	vst v18;
	s8 =	smov.u32 s10;
	v8 =	vadd.f32 v48, v8;
	v63 =	vmul.f32 v11, v13  }
0x13f: {  	v49 =	vmul.f32 v50, v22;
	v17 =	vld [tilespmem:$0x1FFE0];
	v47 =	vadd.f32 v60, v47;
	[tilespmem:s8+$0xA0] =	vst v33;
	v33 =	vmul.f32 v11, v34  }
0x140: {  	v61 =	vld [tilespmem:s14+$0xFFFFFFB0];
	v48 =	vadd.f32 v52, v8;
	v13 =	vadd.f32 v44, v53;
	v60 =	vmul.f32 v2, v14  }
0x141: {  	v45 =	vmul.f32 v11, v45;
	v44 =	vld [tilespmem:s14+$0x30]  }
0x142: {  	v8 =	vld [tilespmem:s14+$0xFFFFFF40];
	[tilespmem:s8+$0x80] =	vst v63;
	v49 =	vadd.f32 v49, v48;
	v18 =	vadd.f32 v60, v13;
	v48 =	vmul.f32 v4, v15;
	v63 =	vpop (erf)  }
0x143: {  	v51 =	vmul.f32 v62, v14;
	v12 =	vmul.f32 v11, v31;
	[tilespmem:s8+$0xF0] =	vst v45;
	v52 =	vadd.f32 $1.000000000e+00, v63;
	v63 =	vld [tilespmem:s14+$0xFFFFFFC0]  }
0x144: {  	v45 =	vmul.f32 v41, v14;
	[tilespmem:s8+$0xC0] =	vst v33;
	v33 =	vmov v6;
	v6 =	vadd.f32 v48, v18;
	v18 =	vld [tilespmem:$0x1FFF0]  }
0x145: {  	v32 =	vmul.f32 v11, v32;
	v51 =	vadd.f32 v51, v46;
	v60 =	vperm.xlane v49, v17;
	v31 =	vpop (erf)  }
0x146: {  	[tilespmem:s8+$0xB0] =	vst v12;
	v46 =	vld [tilespmem:s14+$0x40];
	v12 =	vmul.f32 v61, v15;
	v13 =	vadd.f32 v45, v47;
	v53 =	vadd.f32 $1.000000000e+00, v31;
	v31 =	vpop (erf)  }
0x147: {  	v34 =	vmovc v10;
	v49 =	vadd.f32 v49, v60;
	v14 =	vadd.f32 $1.000000000e+00, v31;
	v31 =	vmovc v9;
	v9 =	vmul.f32 v44, v15  }
0x148: {  	v12 =	vadd.f32 v12, v51;
	v47 =	vld [tilespmem:s14+$0x50];
	v45 =	vmovc v50;
	v10 =	vmul.f32 v8, v19;
	v50 =	vmul.f32 v63, v19  }
0x149: {  	[tilespmem:s8+$0x90] =	vst v32;
	v32 =	vmov v5;
	v5 =	vld [tilespmem:s14+$0xFFFFFF50];
	v9 =	vadd.f32 v9, v13;
	v13 =	vperm.xlane v49, v18  }
0x14a: {  	(erf) = vrcp.f32 v52;
	v6 =	vadd.f32 v10, v6;
	v12 =	vadd.f32 v50, v12;
	v50 =	vld [tilespmem:s14+$0x60]  }
0x14b: {  	v51 =	vld [tilespmem:s14+$0xFFFFFFE0];
	v10 =	vmul.f32 v46, v19;
	(erf) = vrcp.f32 v53;
	v13 =	vadd.f32 v49, v13  }
0x14c: {  	v48 =	vld [tilespmem:s14+$0xFFFFFFD0];
	(erf) = vrcp.f32 v14  }
0x14d: {  	v15 =	vld [tilespmem:s14+$0xFFFFFF60];
	v9 =	vadd.f32 v10, v9;
	v10 =	vmul.f32 v47, v20;
	v14 =	vperm.xlane v13, v16  }
0x14e: {  	v52 =	vld [tilespmem:s14+$0xFFFFFFF0]  }
0x14f: {  	v53 =	vld [tilespmem:s14+$0xFFFFFF70];
	v9 =	vadd.f32 v10, v9;
	v10 =	vadd.f32 v13, v14;
	v13 =	vmul.f32 v50, v21  }
0x150: {  	v60 =	vmul.f32 v5, v20;
	v16 =	vld [tilespmem:$0x1FE60]  }
0x151: {  	v49 =	vmul.f32 v48, v20;
	v9 =	vadd.f32 v13, v9;
	v13 =	vld [tilespmem:$0x1FE80]  }
0x152: {  	v6 =	vadd.f32 v60, v6;
	v60 =	vmul.f32 v15, v21  }
0x153: {  	v12 =	vadd.f32 v49, v12;
	v49 =	vld [tilespmem:s14+$0x70]  }
0x154: {  	v19 =	vmovc v7;
	v7 =	vmul.f32 v51, v21;
	v6 =	vadd.f32 v60, v6;
	v60 =	vmul.f32 v52, v22  }
0x155: {  	v20 =	vmul.f32 v11, v16;
	v11 =	vmul.f32 v11, v37;
	v16 =	vpop (erf)  }
0x156: {  	v14 =	vmul.f32 v53, v22;
	v7 =	vadd.f32 v7, v12;
	v12 =	vld [tilespmem:$0x1FFD0];
	v13 =	vmul.f32 v16, v13  }
0x157: {  	[tilespmem:s8+$0xE0] =	vst v11  }
0x158: {  	v6 =	vadd.f32 v14, v6;
	v7 =	vadd.f32 v60, v7;
	v11 =	vmul.f32 v49, v22;
	[tilespmem:s8+$0xFFFFFF00] =	vst v13;
	v13 =	vld [tilespmem:$0x1FE50]  }
0x159: {  	v14 =	vmul.f32 v16, v35  }
0x15a: {  	v35 =	vperm.xlane v6, v17;
	v9 =	vadd.f32 v11, v9;
	v11 =	vperm.xlane v7, v17  }
0x15b: {  	[tilespmem:$0x1FE60] =	vst v19;
	v37 =	vmov v3;
	v19 =	vperm.xlane v10, v12  }
0x15c: {  	v3 =	vadd.f32 v6, v35;
	v6 =	vperm.xlane v9, v17;
	v17 =	vmovc v1;
	v1 =	vadd.f32 v7, v11  }
0x15d: {  	[tilespmem:s8+$0xFFFFFF20] =	vst v14;
	v14 =	vmov v4;
	v4 =	vmul.f32 v16, v43;
	v13 =	vmul.f32 v16, v13  }
0x15e: {  	v10 =	vadd.f32 v10, v19;
	v35 =	vmovc v2;
	v7 =	vmul.f32 v16, v36;
	v2 =	vperm.xlane v1, v18  }
0x15f: {  	v11 =	vmul.f32 v16, v42;
	[tilespmem:s8+$0xFFFFFF10] =	vst v13;
	v13 =	vmul.f32 v16, v40  }
0x160: {  	v10 =	vadd.f32 v10, v38;
	v1 =	vadd.f32 v1, v2;
	v2 =	vmul.f32 v16, v59;
	v16 =	vld [tilespmem:$0x1FFC0]  }
0x161: {  	[tilespmem:s8+$0xFFFFFF30] =	vst v13;
	v13 =	vperm.xlane v3, v18  }
0x162: {  	v6 =	vadd.f32 v9, v6;
	v10 =	vsub.f32 $0.0e+00, v10  }
0x163: {  	v3 =	vadd.f32 v3, v13  }
0x164: {  	v21 =	vmovc v25;
	v42 =	vmov v5;
	v5 =	vperm.xlane v6, v18;
	v9 =	vmul.f32 $1.442695020e+00, v10  }
0x165: {  	v25 =	vmov v0;
	v12 =	vpop (erf);
	[tilespmem:s8+$0xFFFFFF40] =	vst v7;
	v0 =	vperm.xlane v1, v16;
	v7 =	vperm.xlane v3, v16  }
0x166: {  	v60 =	vpop (erf);
	(erf) = vpow2.f32 v9;
	v9 =	vadd.f32 v6, v5  }
0x167: {  	[tilespmem:s8+$0xD0] =	vst v20;
	v6 =	vadd.f32 v3, v7;
	v3 =	vadd.f32 v1, v0;
	v0 =	vld [tilespmem:$0x1FE00]  }
0x168: {  	[tilespmem:s8+$0xFFFFFF60] =	vst v4;
	v4 =	vld [tilespmem:$0x1FDE0]  }
0x169: {  	v43 =	vmov v15;
	v15 =	vmul.f32 v12, v39;
	[tilespmem:s8+$0xFFFFFF70] =	vst v2;
	v2 =	vld [tilespmem:$0x1FDF0]  }
0x16a: {  	[tilespmem:$0x1FE80] =	vst v17;
	v5 =	vmul.f32 v12, v54  }
0x16b: {  	s13 =	sadd.s32 $0x4, s13;
	[tilespmem:s8+$0xFFFFFFB0] =	vst v15;
	v13 =	vld [tilespmem:$0x1FFD0]  }
0x16c: {  	p0 =	slt.u32 s13, $0x4C;
	v19 =	vmov v58;
	[tilespmem:s8+$0xFFFFFF90] =	vst v5;
	v5 =	vmul.f32 v12, v0;
	v0 =	vld [tilespmem:$0x1FE10]  }
.Ltmp1:
0x16d: {  	[tilespmem:$0x1FE50] =	vst v19;
	v4 =	vmul.f32 v12, v4;
	(pc) =	sbr.rel @p0 .LBB2_5-.Ltmp1, $4  }
0x16e: {  	v22 =	vmov v30;
	[tilespmem:s8+$0xFFFFFF50] =	vst v11;
	v10 =	vmul.f32 v12, v2  }
0x16f: {  	v30 =	vmovc v56;
	v38 =	vmov v62;
	[tilespmem:s8+$0xFFFFFF80] =	vst v4;
	v2 =	vmul.f32 v12, v55;
	v7 =	vperm.xlane v9, v16  }
0x170: {  	v11 =	vmovc v61;
	v40 =	vmov v8;
	[tilespmem:s8+$0xFFFFFFA0] =	vst v10;
	v1 =	vmul.f32 v12, v57;
	v8 =	vperm.xlane v6, v13  }
0x171: {  	s10 =	smov.u32 s14;
	s14 =	sadd.s32 $0x200, s14;
	v4 =	vadd.f32 v9, v7;
	v7 =	vperm.xlane v3, v13;
	v0 =	vmul.f32 v12, v0;
	v12 =	vmovc v63  }
0x172: {  	v9 =	vld [tilespmem:$0x1FEF0];
	_ =	sdelay $0x2  }
0x173: {  	v6 =	vadd.f32 v6, v8;
	_ =	sdelay $0x1  }
0x174: {  	v6 =	vadd.f32 v6, v9;
	_ =	sdelay $0x1  }
0x175: {  	v8 =	vpop (erf);
	v6 =	vsub.f32 $0.0e+00, v6  }
0x176: {  	v8 =	vadd.f32 $1.000000000e+00, v8  }
0x177: {  	v3 =	vadd.f32 v3, v7;
	v6 =	vmul.f32 $1.442695020e+00, v6  }
0x178: {  	(erf) = vrcp.f32 v8  }
0x179: {  	v3 =	vadd.f32 v3, v9;
	(erf) = vpow2.f32 v6;
	v6 =	vperm.xlane v4, v13;
	_ =	sdelay $0x1  }
0x17a: {  	[tilespmem:s8+$0xFFFFFFC0] =	vst v5;
	v3 =	vsub.f32 $0.0e+00, v3;
	v4 =	vadd.f32 v4, v6  }
0x17b: {  	[tilespmem:s8+$0xFFFFFFD0] =	vst v2  }
0x17c: {  	[tilespmem:s8+$0xFFFFFFE0] =	vst v0;
	v0 =	vmul.f32 $1.442695020e+00, v3;
	v3 =	vmul.f32 v60, v22;
	v2 =	vadd.f32 v4, v9  }
0x17d: {  	[tilespmem:s8+$0xFFFFFFF0] =	vst v1;
	v4 =	vmul.f32 v60, v21  }
0x17e: {  	[tilespmem:s8+$0x10] =	vst v3;
	v1 =	vsub.f32 $0.0e+00, v2;
	v2 =	vmul.f32 v60, v24  }
0x17f: {  	[tilespmem:s8+$0x0] =	vst v4;
	v4 =	vmul.f32 v60, v23  }
0x180: {  	v1 =	vmul.f32 $1.442695020e+00, v1;
	[tilespmem:s8+$0x20] =	vst v2  }
0x181: {  	(erf) = vpow2.f32 v0;
	v0 =	vpop (erf);
	[tilespmem:s8+$0x30] =	vst v4  }
0x182: {  	v3 =	vpop (erf);
	(erf) = vpow2.f32 v1;
	v1 =	vld [tilespmem:$0x1FE20];
	_ =	sdelay $0x2  }
0x183: {  	v5 =	vmul.f32 v60, v27  }
0x184: {  	v2 =	vadd.f32 $1.000000000e+00, v3;
	v3 =	vmul.f32 v60, v28  }
0x185: {  	[tilespmem:s8+$0x40] =	vst v5;
	v1 =	vmul.f32 v60, v1  }
0x186: {  	[tilespmem:s8+$0x50] =	vst v3  }
0x187: {  	(erf) = vrcp.f32 v2;
	v2 =	vld [tilespmem:$0x1FE30];
	[tilespmem:s8+$0x60] =	vst v1  }
0x188: {  	v3 =	vld [tilespmem:$0x1FE40];
	_ =	sdelay $0x3  }
0x189: {  	v2 =	vmul.f32 v60, v2  }
0x18a: {  	v1 =	vmul.f32 v0, v45;
	v3 =	vmul.f32 v0, v3  }
0x18b: {  	[tilespmem:s8+$0x70] =	vst v2;
	v2 =	vmul.f32 v0, v32  }
0x18c: {  	[tilespmem:s10+$0xF0] =	vst v1  }
0x18d: {  	v1 =	vmul.f32 v0, v33;
	[tilespmem:s10+$0x90] =	vst v2;
	v2 =	vmul.f32 v0, v31  }
0x18e: {  	[tilespmem:s10+$0x80] =	vst v3;
	v3 =	vpop (erf)  }
0x18f: {  	[tilespmem:s10+$0xA0] =	vst v1;
	v3 =	vadd.f32 $1.000000000e+00, v3  }
0x190: {  	[tilespmem:s10+$0xB0] =	vst v2  }
0x191: {  	v2 =	vpop (erf);
	(erf) = vrcp.f32 v3;
	v3 =	vld [tilespmem:$0x1FE60];
	_ =	sdelay $0x3  }
0x192: {  	v1 =	vmul.f32 v0, v34  }
0x193: {  	v3 =	vmul.f32 v0, v3  }
0x194: {  	[tilespmem:s10+$0xC0] =	vst v1;
	v0 =	vmul.f32 v0, v37  }
0x195: {  	[tilespmem:s10+$0xD0] =	vst v3  }
0x196: {  	v3 =	vld [tilespmem:$0x1FE80];
	[tilespmem:s10+$0xE0] =	vst v0  }
0x197: {  	v0 =	vld [tilespmem:$0x1FE50];
	_ =	sdelay $0x2  }
0x198: {  	v1 =	vpop (erf)  }
0x199: {  	v3 =	vmul.f32 v1, v3  }
0x19a: {  	v0 =	vmul.f32 v1, v0  }
0x19b: {  	[tilespmem:s10+$0xFFFFFF00] =	vst v3;
	v3 =	vmul.f32 v1, v35  }
0x19c: {  	[tilespmem:s10+$0xFFFFFF10] =	vst v0  }
0x19d: {  	v0 =	vmul.f32 v1, v14;
	[tilespmem:s10+$0xFFFFFF20] =	vst v3;
	v3 =	vmul.f32 v1, v40  }
0x19e: {  	v2 =	vadd.f32 $1.000000000e+00, v2  }
0x19f: {  	[tilespmem:s10+$0xFFFFFF30] =	vst v0;
	v0 =	vmul.f32 v1, v42  }
0x1a0: {  	(erf) = vrcp.f32 v2;
	v2 =	vmul.f32 v1, v43;
	[tilespmem:s10+$0xFFFFFF40] =	vst v3  }
0x1a1: {  	[tilespmem:s10+$0xFFFFFF50] =	vst v0;
	v0 =	vmul.f32 v1, v53;
	v3 =	vpop (erf)  }
0x1a2: {  	[tilespmem:s10+$0xFFFFFF60] =	vst v2;
	v1 =	vmul.f32 v3, v25  }
0x1a3: {  	v2 =	vmul.f32 v3, v30;
	[tilespmem:s10+$0xFFFFFF70] =	vst v0  }
0x1a4: {  	v0 =	vmul.f32 v3, v38;
	[tilespmem:s10+$0xFFFFFF80] =	vst v1  }
0x1a5: {  	v1 =	vmul.f32 v3, v11;
	[tilespmem:s10+$0xFFFFFF90] =	vst v2;
	v2 =	vmul.f32 v3, v12  }
0x1a6: {  	[tilespmem:s10+$0xFFFFFFA0] =	vst v0  }
0x1a7: {  	v0 =	vmul.f32 v3, v48;
	[tilespmem:s10+$0xFFFFFFB0] =	vst v1  }
0x1a8: {  	v1 =	vmul.f32 v3, v51;
	[tilespmem:s10+$0xFFFFFFC0] =	vst v2  }
0x1a9: {  	v3 =	vmul.f32 v3, v52;
	[tilespmem:s10+$0xFFFFFFD0] =	vst v0;
	v2 =	vpop (erf)  }
0x1aa: {  	[tilespmem:s10+$0xFFFFFFE0] =	vst v1;
	v0 =	vmul.f32 v2, v26  }
0x1ab: {  	[tilespmem:s10+$0xFFFFFFF0] =	vst v3;
	v1 =	vmul.f32 v2, v29  }
0x1ac: {  	v3 =	vmul.f32 v2, v41;
	[tilespmem:s10+$0x0] =	vst v0  }
0x1ad: {  	v0 =	vmul.f32 v2, v44;
	[tilespmem:s10+$0x10] =	vst v1  }
0x1ae: {  	v1 =	vmul.f32 v2, v46;
	[tilespmem:s10+$0x20] =	vst v3  }
0x1af: {  	v3 =	vmul.f32 v2, v47;
	[tilespmem:s10+$0x30] =	vst v0  }
0x1b0: {  	v0 =	vmul.f32 v2, v50;
	[tilespmem:s10+$0x40] =	vst v1  }
0x1b1: {  	[tilespmem:s10+$0x50] =	vst v3;
	v1 =	vmul.f32 v2, v49  }
0x1b2: {  	[tilespmem:s10+$0x60] =	vst v0  }
0x1b3: {  	[tilespmem:s10+$0x70] =	vst v1  }
0x1b4: {  	[spmem:s5] =	stream.indirect.scatter.add.f32 [tilespmem:s11], [sflag:$0x9], $0x80, s12, s25, $0xb8;
	[tilespmem:$0x1EF80] =	vst v63  }
0x1b5: {  	_ =	swait.ge [sflag:s26], $0x2800  }
0x1b6: {  	[sflag:s26] =	ssyncset.done $0x0  }
0x1b7: {  	[sflag:s26] =	ssyncadd.s32 $0xFFFFD800  }
0x1b8: {  	_ =	swait.ge [sflag:s28], $0x50  }
0x1b9: {  	[sflag:s28] =	ssyncset.done $0x0  }
0x1ba: {  	[sflag:s28] =	ssyncadd.s32 $0xFFFFFFB0  }
0x1bb: {  	s13 =	sadd.s32 s7, s20;
	_ =	swait.ge [sflag:s29], $0x2800  }
0x1bc: {  	s14 =	sshll.u32 s13, $0x4;
	[sflag:s29] =	ssyncset.done $0x0  }
0x1bd: {  	s8 =	sshrl.u32 s13, $0x3;
	s10 =	sadd.s32 s0, s14;
	[sflag:s29] =	ssyncadd.s32 $0xFFFFD800  }
0x1be: {  	[tilespmem:s11], [sflag:$0x1] =	stream.linear.gather [hbm4b:s10+s6], $0x2800, $0x38;
	[tilespmem:$0x1EF80] =	vst v63  }
0x1bf: {  	s8 =	sadd.s32 s3, s8  }
0x1c0: {  	[tilespmem:s12], [sflag:$0x5] =	stream.linear.gather [hbm4b:s8+s6], $0x50, $0x38;
	[tilespmem:$0x1EF80] =	vst v63  }
0x1c1: {  	s8 =	simm.s32 $0x16270  }
0x1c2: {  	v2 =	vld [tilespmem:s8+$0xFFFFFE20];
	_ =	sdelay $0x3  }
0x1c3: {  	v51 =	vld [tilespmem:s8+$0xFFFFFF90]  }
0x1c4: {  	v50 =	vld [tilespmem:s8+$0xFFFFFFA0];
	[tilespmem:$0x1FD40] =	vst v2  }
0x1c5: {  	v4 =	vld [tilespmem:s8+$0xFFFFFE90];
	_ =	sdelay $0x4  }
0x1c6: {  	v54 =	vld [tilespmem:s8+$0xFFFFFFB0];
	[tilespmem:$0x1FD80] =	vst v4  }
0x1c7: {  	v49 =	vld [tilespmem:s8+$0xFFFFFFC0]  }
0x1c8: {  	v36 =	vld [tilespmem:s8+$0xFFFFFEA0]  }
0x1c9: {  	v5 =	vld [tilespmem:s8+$0xFFFFFE10]  }
0x1ca: {  	v59 =	vld [tilespmem:s8+$0xFFFFFFD0]  }
0x1cb: {  	v21 =	vld [tilespmem:s8+$0xFFFFFF10]  }
0x1cc: {  	v61 =	vld [tilespmem:s8+$0xFFFFFFE0]  }
0x1cd: {  	v22 =	vld [tilespmem:s8+$0xFFFFFF20]  }
0x1ce: {  	v60 =	vld [tilespmem:s8+$0xFFFFFFF0];
	[tilespmem:$0x1FD30] =	vst v5  }
0x1cf: {  	v9 =	vld [tilespmem:s8+$0xFFFFFE30];
	_ =	sdelay $0x4  }
0x1d0: {  	v52 =	vld [tilespmem:s8+$0x0];
	[tilespmem:$0x1FD50] =	vst v9  }
0x1d1: {  	v7 =	vld [tilespmem:s8+$0xFFFFFEB0];
	_ =	sdelay $0x4  }
0x1d2: {  	[tilespmem:$0x1FD90] =	vst v7  }
0x1d3: {  	v10 =	vld [tilespmem:s8+$0xFFFFFE40];
	_ =	sdelay $0x2  }
0x1d4: {  	v11 =	vld [tilespmem:$0x1EE80]  }
0x1d5: {  	v12 =	vld [tilespmem:$0x1EE90]  }
0x1d6: {  	v24 =	vld [tilespmem:s8+$0xFFFFFF30];
	[tilespmem:$0x1FD60] =	vst v10  }
0x1d7: {  	v8 =	vld [tilespmem:s8+$0xFFFFFEC0];
	_ =	sdelay $0x1  }
0x1d8: {  	v14 =	vld [tilespmem:$0x1EEA0];
	_ =	sdelay $0x1  }
0x1d9: {  	v15 =	vld [tilespmem:$0x1EEB0]  }
0x1da: {  	v17 =	vld [tilespmem:$0x1EEC0];
	v0 =	vmul.f32 v51, v11;
	v1 =	vmul.f32 v50, v12;
	[tilespmem:$0x1FDA0] =	vst v8  }
0x1db: {  	v29 =	vld [tilespmem:s8+$0xFFFFFE50]  }
0x1dc: {  	v0 =	vadd.f32 v1, v0;
	v1 =	vmul.f32 v54, v14  }
0x1dd: {  	v18 =	vld [tilespmem:$0x1EED0]  }
0x1de: {  	v19 =	vld [tilespmem:$0x1EEE0];
	v0 =	vadd.f32 v1, v0;
	v1 =	vmul.f32 v49, v15  }
0x1df: {  	v20 =	vld [tilespmem:$0x1EEF0]  }
0x1e0: {  	v0 =	vadd.f32 v1, v0;
	v1 =	vmul.f32 v59, v17;
	v23 =	vld [tilespmem:s8+$0xFFFFFF40];
	[tilespmem:$0x1FD70] =	vst v29  }
0x1e1: {  	v25 =	vld [tilespmem:s8+$0xFFFFFED0]  }
0x1e2: {  	v0 =	vadd.f32 v1, v0;
	v1 =	vmul.f32 v61, v18;
	_ =	sdelay $0x1  }
0x1e3: {  	v0 =	vadd.f32 v1, v0;
	v1 =	vmul.f32 v60, v19;
	_ =	sdelay $0x1  }
0x1e4: {  	v2 =	vmul.f32 v2, v12;
	v0 =	vadd.f32 v1, v0;
	v1 =	vmul.f32 v52, v20;
	[tilespmem:$0x1FDB0] =	vst v25  }
0x1e5: {  	v3 =	vmul.f32 v4, v11;
	v4 =	vmul.f32 v5, v11;
	v26 =	vld [tilespmem:s8+$0xFFFFFEE0]  }
0x1e6: {  	v6 =	vmul.f32 v21, v11;
	v0 =	vadd.f32 v1, v0;
	v1 =	vmul.f32 v22, v12  }
0x1e7: {  	v2 =	vadd.f32 v2, v4;
	v4 =	vmul.f32 v9, v14;
	v9 =	vld [tilespmem:$0x1FFE0]  }
0x1e8: {  	v1 =	vadd.f32 v1, v6;
	v6 =	vmul.f32 v10, v15;
	v10 =	vld [tilespmem:$0x1FFF0]  }
0x1e9: {  	v2 =	vadd.f32 v4, v2;
	v27 =	vld [tilespmem:s8+$0xFFFFFF50]  }
0x1ea: {  	v5 =	vmul.f32 v36, v12;
	v62 =	vld [tilespmem:s8+$0xFFFFFE60];
	[tilespmem:$0x1FDC0] =	vst v26  }
0x1eb: {  	v2 =	vadd.f32 v6, v2;
	v6 =	vmul.f32 v29, v17;
	v29 =	vld [tilespmem:s8+$0xFFFFFEF0]  }
0x1ec: {  	v3 =	vadd.f32 v5, v3;
	v5 =	vmul.f32 v7, v14;
	v7 =	vperm.xlane v0, v9  }
0x1ed: {  	v4 =	vmul.f32 v24, v14  }
0x1ee: {  	v3 =	vadd.f32 v5, v3;
	v0 =	vadd.f32 v0, v7  }
0x1ef: {  	v1 =	vadd.f32 v4, v1;
	v5 =	vmul.f32 v8, v15;
	v4 =	vmul.f32 v23, v15;
	v28 =	vld [tilespmem:s8+$0xFFFFFF60]  }
0x1f0: {  	v7 =	vperm.xlane v0, v10;
	v58 =	vld [tilespmem:s8+$0xFFFFFE70];
	[tilespmem:$0x1FDD0] =	vst v29  }
0x1f1: {  	v3 =	vadd.f32 v5, v3;
	v1 =	vadd.f32 v4, v1;
	v5 =	vmul.f32 v25, v17;
	v25 =	vld [tilespmem:s8+$0xFFFFFF70]  }
0x1f2: {  	v2 =	vadd.f32 v6, v2;
	v6 =	vadd.f32 v0, v7;
	v4 =	vmul.f32 v27, v17;
	v57 =	vld [tilespmem:s8+$0xFFFFFE80]  }
0x1f3: {  	v3 =	vadd.f32 v5, v3;
	v7 =	vmul.f32 v62, v18;
	v5 =	vmul.f32 v26, v18;
	v63 =	vld [tilespmem:s8+$0xFFFFFF00]  }
0x1f4: {  	v8 =	vperm.xlane v6, v16;
	v1 =	vadd.f32 v4, v1;
	v4 =	vmul.f32 v28, v18;
	v0 =	vld [tilespmem:s8+$0xFFFFFF80]  }
0x1f5: {  	v2 =	vadd.f32 v7, v2;
	v3 =	vadd.f32 v5, v3;
	v7 =	vmul.f32 v58, v19  }
0x1f6: {  	v5 =	vmul.f32 v29, v19;
	v1 =	vadd.f32 v4, v1;
	v4 =	vadd.f32 v6, v8  }
0x1f7: {  	v2 =	vadd.f32 v7, v2;
	v6 =	vmul.f32 v25, v19;
	v7 =	vmul.f32 v57, v20  }
0x1f8: {  	v39 =	vld [tilespmem:$0x1EF00];
	v3 =	vadd.f32 v5, v3;
	v5 =	vperm.xlane v4, v13;
	v8 =	vmul.f32 v63, v20  }
0x1f9: {  	v1 =	vadd.f32 v6, v1;
	v2 =	vadd.f32 v7, v2;
	v6 =	vmul.f32 v0, v20  }
0x1fa: {  	v3 =	vadd.f32 v8, v3  }
0x1fb: {  	v4 =	vadd.f32 v4, v5;
	v5 =	vperm.xlane v2, v9;
	v1 =	vadd.f32 v6, v1  }
0x1fc: {  	v6 =	vperm.xlane v3, v9  }
0x1fd: {  	v4 =	vadd.f32 v4, v39;
	v2 =	vadd.f32 v2, v5;
	v5 =	vperm.xlane v1, v9  }
0x1fe: {  	v3 =	vadd.f32 v3, v6  }
0x1ff: {  	v4 =	vsub.f32 $0.0e+00, v4;
	v1 =	vadd.f32 v1, v5  }
0x200: {  	v6 =	vperm.xlane v2, v10;
	v5 =	vperm.xlane v3, v10  }
0x201: {  	v4 =	vmul.f32 $1.442695020e+00, v4;
	v7 =	vperm.xlane v1, v10  }
0x202: {  	[tilespmem:$0x1FC40] =	vst v25;
	v2 =	vadd.f32 v2, v6;
	v3 =	vadd.f32 v3, v5  }
0x203: {  	s10 =	simm.s32 $0x16470;
	[tilespmem:$0x1FC50] =	vst v0;
	(erf) = vpow2.f32 v4;
	v1 =	vadd.f32 v1, v7  }
0x204: {  	v32 =	vld [tilespmem:s10+$0xFFFFFFA0];
	v4 =	vperm.xlane v2, v16;
	v5 =	vperm.xlane v3, v16  }
0x205: {  	v7 =	vld [tilespmem:s10+$0xFFFFFF90];
	v6 =	vperm.xlane v1, v16  }
0x206: {  	v33 =	vld [tilespmem:s10+$0xFFFFFFB0];
	v2 =	vadd.f32 v2, v4;
	v3 =	vadd.f32 v3, v5  }
0x207: {  	v25 =	vld [tilespmem:s10+$0xFFFFFE90];
	v1 =	vadd.f32 v1, v6  }
0x208: {  	v31 =	vld [tilespmem:s10+$0xFFFFFFC0];
	v4 =	vperm.xlane v2, v13;
	v5 =	vperm.xlane v3, v13  }
0x209: {  	v30 =	vld [tilespmem:s10+$0xFFFFFEA0];
	v6 =	vperm.xlane v1, v13  }
0x20a: {  	v0 =	vld [tilespmem:s10+$0xFFFFFE20];
	[tilespmem:$0x1FC60] =	vst v7;
	v2 =	vadd.f32 v2, v4;
	v3 =	vadd.f32 v3, v5  }
0x20b: {  	v5 =	vmul.f32 v7, v11;
	v34 =	vld [tilespmem:s10+$0xFFFFFFD0];
	v1 =	vadd.f32 v1, v6;
	v6 =	vmul.f32 v32, v12  }
0x20c: {  	v26 =	vld [tilespmem:s10+$0xFFFFFF10];
	v4 =	vpop (erf);
	v2 =	vadd.f32 v2, v39;
	v3 =	vadd.f32 v3, v39  }
0x20d: {  	v8 =	vld [tilespmem:s10+$0xFFFFFFE0];
	v4 =	vadd.f32 $1.000000000e+00, v4;
	v5 =	vadd.f32 v6, v5;
	v6 =	vmul.f32 v33, v14  }
0x20e: {  	v29 =	vld [tilespmem:s10+$0xFFFFFF20];
	v1 =	vadd.f32 v1, v39;
	v2 =	vsub.f32 $0.0e+00, v2  }
0x20f: {  	v37 =	vld [tilespmem:s10+$0xFFFFFFF0];
	[tilespmem:$0x1FC70] =	vst v0;
	(erf) = vrcp.f32 v4;
	v4 =	vadd.f32 v6, v5;
	v5 =	vmul.f32 v31, v15  }
0x210: {  	v45 =	vld [tilespmem:s10+$0x0];
	v3 =	vsub.f32 $0.0e+00, v3;
	v1 =	vsub.f32 $0.0e+00, v1;
	v6 =	vmul.f32 v0, v12  }
0x211: {  	v2 =	vmul.f32 $1.442695020e+00, v2;
	v0 =	vld [tilespmem:s10+$0xFFFFFE10];
	v4 =	vadd.f32 v5, v4;
	v5 =	vmul.f32 v34, v17  }
0x212: {  	v53 =	vld [tilespmem:s10+$0xFFFFFE30];
	v3 =	vmul.f32 $1.442695020e+00, v3;
	[tilespmem:$0x1FC80] =	vst v8;
	v1 =	vmul.f32 $1.442695020e+00, v1  }
0x213: {  	v38 =	vld [tilespmem:s10+$0xFFFFFEB0];
	(erf) = vpow2.f32 v2;
	v2 =	vadd.f32 v5, v4;
	v4 =	vmul.f32 v8, v18  }
0x214: {  	v41 =	vld [tilespmem:s10+$0xFFFFFF30];
	(erf) = vpow2.f32 v3  }
0x215: {  	v55 =	vld [tilespmem:s10+$0xFFFFFE40];
	[tilespmem:$0x1FC90] =	vst v11;
	(erf) = vpow2.f32 v1;
	v1 =	vadd.f32 v4, v2;
	v2 =	vmul.f32 v37, v19  }
0x216: {  	v7 =	vmul.f32 v25, v11;
	[tilespmem:$0x1FCB0] =	vst v12;
	v4 =	vmul.f32 v0, v11  }
0x217: {  	v5 =	vmul.f32 v30, v12;
	v8 =	vmul.f32 v45, v20;
	[tilespmem:$0x1FCA0] =	vst v0;
	v1 =	vadd.f32 v2, v1  }
0x218: {  	v3 =	vmul.f32 v26, v11;
	v11 =	vld [tilespmem:s10+$0xFFFFFEC0];
	v4 =	vadd.f32 v6, v4;
	v6 =	vmul.f32 v53, v14  }
0x219: {  	v5 =	vadd.f32 v5, v7;
	v44 =	vld [tilespmem:s10+$0xFFFFFF40];
	v2 =	vmul.f32 v29, v12;
	v1 =	vadd.f32 v8, v1  }
0x21a: {  	v7 =	vmul.f32 v55, v15;
	v4 =	vadd.f32 v6, v4;
	v6 =	vmul.f32 v41, v14  }
0x21b: {  	v2 =	vadd.f32 v2, v3;
	v3 =	vmul.f32 v38, v14;
	v8 =	vperm.xlane v1, v9  }
0x21c: {  	[tilespmem:$0x1FCC0] =	vst v14  }
0x21d: {  	v40 =	vld [tilespmem:s10+$0xFFFFFE50];
	v3 =	vadd.f32 v3, v5;
	v5 =	vpop (erf);
	v4 =	vadd.f32 v7, v4;
	v7 =	vmul.f32 v11, v15  }
0x21e: {  	v12 =	vld [tilespmem:s10+$0xFFFFFED0];
	v56 =	vmul.f32 v44, v15;
	v2 =	vadd.f32 v6, v2;
	v6 =	vpop (erf);
	v1 =	vadd.f32 v1, v8  }
0x21f: {  	v46 =	vld [tilespmem:s10+$0xFFFFFF50];
	[tilespmem:$0x1FCD0] =	vst v15;
	v3 =	vadd.f32 v7, v3;
	v6 =	vadd.f32 $1.000000000e+00, v6;
	v8 =	vpop (erf)  }
0x220: {  	v42 =	vld [tilespmem:s10+$0xFFFFFE60];
	v2 =	vadd.f32 v56, v2;
	v56 =	vmul.f32 v5, v51;
	v7 =	vadd.f32 $1.000000000e+00, v8;
	v8 =	vpop (erf)  }
0x221: {  	(erf) = vrcp.f32 v6;
	v6 =	vadd.f32 $1.000000000e+00, v8;
	v8 =	vperm.xlane v1, v10  }
0x222: {  	v48 =	vld [tilespmem:s10+$0xFFFFFEE0];
	(erf) = vrcp.f32 v7;
	v7 =	vmul.f32 v40, v17  }
0x223: {  	v47 =	vld [tilespmem:s10+$0xFFFFFF60];
	(erf) = vrcp.f32 v6;
	v6 =	vmul.f32 v12, v17  }
0x224: {  	v43 =	vld [tilespmem:s10+$0xFFFFFE70];
	[tilespmem:$0x1FCE0] =	vst v17;
	v1 =	vadd.f32 v1, v8;
	v8 =	vmul.f32 v46, v17;
	v4 =	vadd.f32 v7, v4  }
0x225: {  	v51 =	vld [tilespmem:s10+$0xFFFFFEF0];
	v7 =	vmul.f32 v5, v52;
	v52 =	vmul.f32 v42, v18;
	v3 =	vadd.f32 v6, v3  }
0x226: {  	v35 =	vmovc v53;
	v53 =	vperm.xlane v1, v16;
	v6 =	vadd.f32 v8, v2;
	v8 =	vmul.f32 v5, v50;
	v50 =	vld [tilespmem:s10+$0xFFFFFF70]  }
0x227: {  	v4 =	vadd.f32 v52, v4;
	v52 =	vld [tilespmem:s10+$0xFFFFFF00]  }
0x228: {  	v1 =	vadd.f32 v1, v53;
	v53 =	vld [tilespmem:s10+$0xFFFFFE80];
	[tilespmem:$0x1FCF0] =	vst v18  }
0x229: {  	[tilespmem:s8+$0x0] =	vst v7  }
0x22a: {  	[tilespmem:s8+$0xFFFFFF90] =	vst v56  }
0x22b: {  	v54 =	vmul.f32 v5, v54;
	[tilespmem:s8+$0xFFFFFFA0] =	vst v8  }
0x22c: {  	v14 =	vmov v55;
	v55 =	vmul.f32 v5, v49;
	v49 =	vld [tilespmem:s10+$0xFFFFFF80];
	[tilespmem:$0x1FD00] =	vst v19  }
0x22d: {  	v0 =	vmul.f32 v48, v18;
	[tilespmem:s8+$0xFFFFFFB0] =	vst v54  }
0x22e: {  	[tilespmem:$0x1FD10] =	vst v39  }
0x22f: {  	v0 =	vadd.f32 v0, v3;
	v3 =	vmul.f32 v5, v59;
	[tilespmem:s8+$0xFFFFFFC0] =	vst v55  }
0x230: {  	v7 =	vmul.f32 v43, v19;
	[tilespmem:$0x1FD20] =	vst v20  }
0x231: {  	[tilespmem:s8+$0xFFFFFFD0] =	vst v3  }
0x232: {  	v2 =	vmul.f32 v47, v18;
	v4 =	vadd.f32 v7, v4;
	v7 =	vmul.f32 v50, v19;
	v3 =	vld [tilespmem:$0x1FD30];
	_ =	sdelay $0x1  }
0x233: {  	v2 =	vadd.f32 v2, v6;
	v6 =	vmul.f32 v5, v61;
	v8 =	vmul.f32 v53, v20  }
0x234: {  	v5 =	vmul.f32 v5, v60;
	v59 =	vperm.xlane v1, v13  }
0x235: {  	v2 =	vadd.f32 v7, v2;
	v4 =	vadd.f32 v8, v4;
	v7 =	vpop (erf);
	v8 =	vmul.f32 v49, v20;
	[tilespmem:s8+$0xFFFFFFE0] =	vst v6  }
0x236: {  	v1 =	vadd.f32 v1, v59;
	v6 =	vld [tilespmem:$0x1FD40];
	v3 =	vmul.f32 v7, v3  }
0x237: {  	v2 =	vadd.f32 v8, v2;
	v8 =	vperm.xlane v4, v9;
	[tilespmem:s8+$0xFFFFFFF0] =	vst v5  }
0x238: {  	v1 =	vadd.f32 v1, v39;
	[tilespmem:s8+$0xFFFFFE10] =	vst v3  }
0x239: {  	v3 =	vadd.f32 v4, v8;
	v4 =	vld [tilespmem:$0x1FD50]  }
0x23a: {  	v1 =	vsub.f32 $0.0e+00, v1  }
0x23b: {  	v6 =	vmul.f32 v7, v6  }
0x23c: {  	v1 =	vmul.f32 $1.442695020e+00, v1  }
0x23d: {  	v61 =	vmul.f32 v51, v19;
	[tilespmem:s8+$0xFFFFFE20] =	vst v6  }
0x23e: {  	(erf) = vpow2.f32 v1;
	v1 =	vld [tilespmem:$0x1FD60];
	v4 =	vmul.f32 v7, v4  }
0x23f: {  	v0 =	vadd.f32 v61, v0;
	v39 =	vmul.f32 v52, v20  }
0x240: {  	[tilespmem:s8+$0xFFFFFE30] =	vst v4  }
0x241: {  	v0 =	vadd.f32 v39, v0;
	v4 =	vld [tilespmem:$0x1FD70];
	_ =	sdelay $0x1  }
0x242: {  	v5 =	vperm.xlane v0, v9;
	v1 =	vmul.f32 v7, v1;
	_ =	sdelay $0x1  }
0x243: {  	v0 =	vadd.f32 v0, v5;
	[tilespmem:s8+$0xFFFFFE40] =	vst v1;
	v1 =	vmul.f32 v7, v62  }
0x244: {  	v4 =	vmul.f32 v7, v4  }
0x245: {  	v6 =	vperm.xlane v0, v10;
	[tilespmem:s8+$0xFFFFFE60] =	vst v1  }
0x246: {  	[tilespmem:s8+$0xFFFFFE50] =	vst v4  }
0x247: {  	v0 =	vadd.f32 v0, v6;
	v6 =	vld [tilespmem:$0x1FD80]  }
0x248: {  	v1 =	vmul.f32 v7, v57  }
0x249: {  	v8 =	vperm.xlane v2, v9;
	v4 =	vmul.f32 v7, v58  }
0x24a: {  	[tilespmem:s8+$0xFFFFFE80] =	vst v1  }
0x24b: {  	v59 =	vpop (erf);
	v2 =	vadd.f32 v2, v8;
	v5 =	vperm.xlane v3, v10;
	[tilespmem:s8+$0xFFFFFE70] =	vst v4  }
0x24c: {  	v7 =	vmul.f32 v59, v6;
	v6 =	vld [tilespmem:$0x1FD90]  }
0x24d: {  	v3 =	vadd.f32 v3, v5;
	v5 =	vperm.xlane v2, v10;
	_ =	sdelay $0x1  }
0x24e: {  	v4 =	vadd.f32 v2, v5;
	v2 =	vperm.xlane v3, v16;
	v5 =	vmul.f32 v59, v36  }
0x24f: {  	v1 =	vperm.xlane v0, v16;
	[tilespmem:s8+$0xFFFFFE90] =	vst v7  }
0x250: {  	v8 =	vmul.f32 v59, v6;
	v6 =	vadd.f32 v3, v2;
	v2 =	vld [tilespmem:$0x1FDA0];
	[tilespmem:s8+$0xFFFFFEA0] =	vst v5  }
0x251: {  	v3 =	vadd.f32 v0, v1;
	v0 =	vld [tilespmem:$0x1FDB0];
	_ =	sdelay $0x4  }
0x252: {  	v5 =	vmul.f32 v59, v0;
	v0 =	vld [tilespmem:$0x1FDC0];
	_ =	sdelay $0x3  }
0x253: {  	[tilespmem:s8+$0xFFFFFEB0] =	vst v8  }
0x254: {  	v62 =	vmul.f32 v59, v2;
	v2 =	vmul.f32 v59, v0;
	v0 =	vld [tilespmem:$0x1FDD0];
	_ =	sdelay $0x1  }
0x255: {  	v7 =	vperm.xlane v4, v16;
	_ =	sdelay $0x1  }
0x256: {  	v4 =	vadd.f32 v4, v7;
	v1 =	vmul.f32 v59, v63;
	v7 =	vperm.xlane v3, v13  }
0x257: {  	s13 =	simm.s32 $0x4;
	s14 =	simm.s32 $0x16670;
	v60 =	vpop (erf);
	v8 =	vperm.xlane v6, v13;
	[tilespmem:s8+$0xFFFFFEC0] =	vst v62;
	v0 =	vmul.f32 v59, v0  }
.LBB2_7:
0x258: {  	v61 =	vld [tilespmem:s14+$0xFFFFFF90]  }
0x259: {  	[tilespmem:s8+$0xFFFFFED0] =	vst v5;
	v5 =	vld [tilespmem:s14+$0xFFFFFFA0]  }
0x25a: {  	v58 =	vld [tilespmem:s14+$0xFFFFFE20]  }
0x25b: {  	[tilespmem:$0x1FC10] =	vst v38;
	v38 =	vld [tilespmem:$0x1FD10]  }
0x25c: {  	v9 =	vld [tilespmem:s14+$0xFFFFFFC0]  }
0x25d: {  	[tilespmem:$0x1FC20] =	vst v12;
	v12 =	vld [tilespmem:$0x1FC90]  }
0x25e: {  	v10 =	vld [tilespmem:s14+$0xFFFFFFD0]  }
0x25f: {  	v36 =	vmov v40;
	v40 =	vmov v14;
	v14 =	vld [tilespmem:$0x1FCC0]  }
0x260: {  	v19 =	vld [tilespmem:$0x1FCE0];
	[tilespmem:s8+$0xFFFFFEE0] =	vst v2;
	v2 =	vmul.f32 v60, v22  }
0x261: {  	[tilespmem:s8+$0xFFFFFEF0] =	vst v0;
	v0 =	vld [tilespmem:s14+$0xFFFFFE90]  }
0x262: {  	[tilespmem:s8+$0xFFFFFF20] =	vst v2;
	v2 =	vld [tilespmem:$0x1FC40]  }
0x263: {  	[tilespmem:$0x1FC00] =	vst v25;
	v54 =	vmul.f32 v60, v21;
	v56 =	vld [tilespmem:s14+$0xFFFFFEA0]  }
0x264: {  	v55 =	vmul.f32 v60, v24;
	v8 =	vadd.f32 v6, v8;
	v6 =	vperm.xlane v4, v13;
	[tilespmem:s8+$0xFFFFFF00] =	vst v1;
	v13 =	vld [tilespmem:$0x1FCB0]  }
0x265: {  	v57 =	vmul.f32 v60, v23;
	v20 =	vld [tilespmem:$0x1FCF0];
	v3 =	vadd.f32 v3, v7;
	v7 =	vpop (erf);
	[tilespmem:s8+$0xFFFFFF10] =	vst v54  }
0x266: {  	v1 =	vmul.f32 v60, v27;
	v22 =	vld [tilespmem:$0x1FD20];
	v7 =	vadd.f32 $1.000000000e+00, v7;
	[tilespmem:s8+$0xFFFFFF30] =	vst v55;
	v8 =	vadd.f32 v8, v38  }
0x267: {  	[tilespmem:s8+$0xFFFFFF40] =	vst v57;
	v4 =	vadd.f32 v4, v6;
	v6 =	vld [tilespmem:s14+$0xFFFFFFB0];
	v2 =	vmul.f32 v60, v2  }
0x268: {  	v25 =	vmov v26;
	[tilespmem:s8+$0xFFFFFF50] =	vst v1;
	(erf) = vrcp.f32 v7;
	v26 =	vld [tilespmem:s14+$0xFFFFFF10];
	v15 =	vsub.f32 $0.0e+00, v8  }
0x269: {  	v54 =	vmovc v30;
	v30 =	vmov v29;
	v29 =	vld [tilespmem:s14+$0xFFFFFF20];
	v63 =	vmul.f32 v0, v12;
	[tilespmem:s8+$0xFFFFFF70] =	vst v2;
	v2 =	vmul.f32 v56, v13  }
0x26a: {  	v24 =	vmovc v41;
	v27 =	vmovc v46;
	v3 =	vadd.f32 v3, v38;
	v4 =	vadd.f32 v4, v38;
	v41 =	vmul.f32 $1.442695020e+00, v15;
	v15 =	vld [tilespmem:$0x1FCD0]  }
0x26b: {  	v1 =	vmovc v50;
	v21 =	vmul.f32 v5, v13;
	v8 =	vmul.f32 v61, v12;
	v46 =	vadd.f32 v2, v63;
	v2 =	vld [tilespmem:$0x1FC50]  }
0x26c: {  	v59 =	vmul.f32 v60, v28;
	v23 =	vmovc v44;
	v7 =	vmovc v51;
	[tilespmem:$0x1FC40] =	vst v1;
	v1 =	vld [tilespmem:s14+$0xFFFFFE10];
	v3 =	vsub.f32 $0.0e+00, v3;
	v4 =	vsub.f32 $0.0e+00, v4  }
0x26d: {  	v44 =	vmul.f32 v58, v13;
	[tilespmem:$0x1FC30] =	vst v7;
	v7 =	vld [tilespmem:s14+$0xFFFFFFE0];
	v39 =	vmul.f32 v6, v14;
	v8 =	vadd.f32 v21, v8  }
0x26e: {  	v62 =	vmul.f32 $1.442695020e+00, v3;
	v4 =	vmul.f32 $1.442695020e+00, v4;
	v3 =	vld [tilespmem:s14+$0xFFFFFFF0]  }
0x26f: {  	v57 =	vmovc v52;
	v21 =	vld [tilespmem:$0x1FD00];
	v8 =	vadd.f32 v39, v8;
	(erf) = vpow2.f32 v41;
	v52 =	vmul.f32 v9, v15  }
0x270: {  	v28 =	vmov v47;
	[tilespmem:s8+$0xFFFFFF60] =	vst v59;
	v18 =	vmul.f32 v60, v2;
	v60 =	vmul.f32 v29, v13;
	v13 =	vld [tilespmem:$0x1FC60]  }
0x271: {  	v59 =	vmovc v53;
	v53 =	vmul.f32 v10, v19;
	v50 =	vld [tilespmem:s14+$0x0];
	v47 =	vmul.f32 v26, v12;
	v8 =	vadd.f32 v52, v8  }
0x272: {  	v17 =	vmovc v49;
	v55 =	vmovc v48;
	(erf) = vpow2.f32 v62;
	v39 =	vmov v11;
	v48 =	vmul.f32 v7, v20;
	v2 =	vld [tilespmem:s14+$0xFFFFFE30]  }
0x273: {  	v41 =	vld [tilespmem:s14+$0xFFFFFF30];
	[tilespmem:$0x1FC50] =	vst v17;
	(erf) = vpow2.f32 v4;
	v11 =	vpop (erf);
	v4 =	vmov v61;
	v8 =	vadd.f32 v53, v8  }
0x274: {  	v33 =	vmul.f32 v11, v33;
	v52 =	vmul.f32 v3, v21;
	[tilespmem:$0x1FC60] =	vst v4;
	v4 =	vld [tilespmem:s14+$0xFFFFFE40]  }
0x275: {  	v62 =	vld [tilespmem:s14+$0xFFFFFEB0];
	v53 =	vmul.f32 v1, v12;
	[tilespmem:s8+$0xFFFFFF80] =	vst v18;
	s8 =	smov.u32 s10;
	v8 =	vadd.f32 v48, v8;
	v63 =	vmul.f32 v11, v13  }
0x276: {  	v49 =	vmul.f32 v50, v22;
	v17 =	vld [tilespmem:$0x1FFE0];
	v47 =	vadd.f32 v60, v47;
	[tilespmem:s8+$0xFFFFFFB0] =	vst v33;
	v33 =	vmul.f32 v11, v34  }
0x277: {  	v61 =	vld [tilespmem:s14+$0xFFFFFEC0];
	v48 =	vadd.f32 v52, v8;
	v13 =	vadd.f32 v44, v53;
	v60 =	vmul.f32 v2, v14  }
0x278: {  	v45 =	vmul.f32 v11, v45;
	v44 =	vld [tilespmem:s14+$0xFFFFFF40]  }
0x279: {  	v8 =	vld [tilespmem:s14+$0xFFFFFE50];
	[tilespmem:s8+$0xFFFFFF90] =	vst v63;
	v49 =	vadd.f32 v49, v48;
	v18 =	vadd.f32 v60, v13;
	v48 =	vmul.f32 v4, v15;
	v63 =	vpop (erf)  }
0x27a: {  	v51 =	vmul.f32 v62, v14;
	v12 =	vmul.f32 v11, v31;
	[tilespmem:s8+$0x0] =	vst v45;
	v52 =	vadd.f32 $1.000000000e+00, v63;
	v63 =	vld [tilespmem:s14+$0xFFFFFED0]  }
0x27b: {  	v45 =	vmul.f32 v41, v14;
	[tilespmem:s8+$0xFFFFFFD0] =	vst v33;
	v33 =	vmov v6;
	v6 =	vadd.f32 v48, v18;
	v18 =	vld [tilespmem:$0x1FFF0]  }
0x27c: {  	v32 =	vmul.f32 v11, v32;
	v51 =	vadd.f32 v51, v46;
	v60 =	vperm.xlane v49, v17;
	v31 =	vpop (erf)  }
0x27d: {  	[tilespmem:s8+$0xFFFFFFC0] =	vst v12;
	v46 =	vld [tilespmem:s14+$0xFFFFFF50];
	v12 =	vmul.f32 v61, v15;
	v13 =	vadd.f32 v45, v47;
	v53 =	vadd.f32 $1.000000000e+00, v31;
	v31 =	vpop (erf)  }
0x27e: {  	v34 =	vmovc v10;
	v49 =	vadd.f32 v49, v60;
	v14 =	vadd.f32 $1.000000000e+00, v31;
	v31 =	vmovc v9;
	v9 =	vmul.f32 v44, v15  }
0x27f: {  	v12 =	vadd.f32 v12, v51;
	v47 =	vld [tilespmem:s14+$0xFFFFFF60];
	v45 =	vmovc v50;
	v10 =	vmul.f32 v8, v19;
	v50 =	vmul.f32 v63, v19  }
0x280: {  	[tilespmem:s8+$0xFFFFFFA0] =	vst v32;
	v32 =	vmov v5;
	v5 =	vld [tilespmem:s14+$0xFFFFFE60];
	v9 =	vadd.f32 v9, v13;
	v13 =	vperm.xlane v49, v18  }
0x281: {  	(erf) = vrcp.f32 v52;
	v6 =	vadd.f32 v10, v6;
	v12 =	vadd.f32 v50, v12;
	v50 =	vld [tilespmem:s14+$0xFFFFFF70]  }
0x282: {  	v51 =	vld [tilespmem:s14+$0xFFFFFEF0];
	v10 =	vmul.f32 v46, v19;
	(erf) = vrcp.f32 v53;
	v13 =	vadd.f32 v49, v13  }
0x283: {  	v48 =	vld [tilespmem:s14+$0xFFFFFEE0];
	(erf) = vrcp.f32 v14  }
0x284: {  	v15 =	vld [tilespmem:s14+$0xFFFFFE70];
	v9 =	vadd.f32 v10, v9;
	v10 =	vmul.f32 v47, v20;
	v14 =	vperm.xlane v13, v16  }
0x285: {  	v52 =	vld [tilespmem:s14+$0xFFFFFF00]  }
0x286: {  	v53 =	vld [tilespmem:s14+$0xFFFFFE80];
	v9 =	vadd.f32 v10, v9;
	v10 =	vadd.f32 v13, v14;
	v13 =	vmul.f32 v50, v21  }
0x287: {  	v60 =	vmul.f32 v5, v20;
	v16 =	vld [tilespmem:$0x1FC80]  }
0x288: {  	v49 =	vmul.f32 v48, v20;
	v9 =	vadd.f32 v13, v9;
	v13 =	vld [tilespmem:$0x1FCA0]  }
0x289: {  	v6 =	vadd.f32 v60, v6;
	v60 =	vmul.f32 v15, v21  }
0x28a: {  	v12 =	vadd.f32 v49, v12;
	v49 =	vld [tilespmem:s14+$0xFFFFFF80]  }
0x28b: {  	v19 =	vmovc v7;
	v7 =	vmul.f32 v51, v21;
	v6 =	vadd.f32 v60, v6;
	v60 =	vmul.f32 v52, v22  }
0x28c: {  	v20 =	vmul.f32 v11, v16;
	v11 =	vmul.f32 v11, v37;
	v16 =	vpop (erf)  }
0x28d: {  	v14 =	vmul.f32 v53, v22;
	v7 =	vadd.f32 v7, v12;
	v12 =	vld [tilespmem:$0x1FFD0];
	v13 =	vmul.f32 v16, v13  }
0x28e: {  	[tilespmem:s8+$0xFFFFFFF0] =	vst v11  }
0x28f: {  	v6 =	vadd.f32 v14, v6;
	v7 =	vadd.f32 v60, v7;
	v11 =	vmul.f32 v49, v22;
	[tilespmem:s8+$0xFFFFFE10] =	vst v13;
	v13 =	vld [tilespmem:$0x1FC70]  }
0x290: {  	v14 =	vmul.f32 v16, v35  }
0x291: {  	v35 =	vperm.xlane v6, v17;
	v9 =	vadd.f32 v11, v9;
	v11 =	vperm.xlane v7, v17  }
0x292: {  	[tilespmem:$0x1FC80] =	vst v19;
	v37 =	vmov v3;
	v19 =	vperm.xlane v10, v12  }
0x293: {  	v3 =	vadd.f32 v6, v35;
	v6 =	vperm.xlane v9, v17;
	v17 =	vmovc v1;
	v1 =	vadd.f32 v7, v11  }
0x294: {  	[tilespmem:s8+$0xFFFFFE30] =	vst v14;
	v14 =	vmov v4;
	v4 =	vmul.f32 v16, v43;
	v13 =	vmul.f32 v16, v13  }
0x295: {  	v10 =	vadd.f32 v10, v19;
	v35 =	vmovc v2;
	v7 =	vmul.f32 v16, v36;
	v2 =	vperm.xlane v1, v18  }
0x296: {  	v11 =	vmul.f32 v16, v42;
	[tilespmem:s8+$0xFFFFFE20] =	vst v13;
	v13 =	vmul.f32 v16, v40  }
0x297: {  	v10 =	vadd.f32 v10, v38;
	v1 =	vadd.f32 v1, v2;
	v2 =	vmul.f32 v16, v59;
	v16 =	vld [tilespmem:$0x1FFC0]  }
0x298: {  	[tilespmem:s8+$0xFFFFFE40] =	vst v13;
	v13 =	vperm.xlane v3, v18  }
0x299: {  	v6 =	vadd.f32 v9, v6;
	v10 =	vsub.f32 $0.0e+00, v10  }
0x29a: {  	v3 =	vadd.f32 v3, v13  }
0x29b: {  	v21 =	vmovc v25;
	v42 =	vmov v5;
	v5 =	vperm.xlane v6, v18;
	v9 =	vmul.f32 $1.442695020e+00, v10  }
0x29c: {  	v25 =	vmov v0;
	v12 =	vpop (erf);
	[tilespmem:s8+$0xFFFFFE50] =	vst v7;
	v0 =	vperm.xlane v1, v16;
	v7 =	vperm.xlane v3, v16  }
0x29d: {  	v60 =	vpop (erf);
	(erf) = vpow2.f32 v9;
	v9 =	vadd.f32 v6, v5  }
0x29e: {  	[tilespmem:s8+$0xFFFFFFE0] =	vst v20;
	v6 =	vadd.f32 v3, v7;
	v3 =	vadd.f32 v1, v0;
	v0 =	vld [tilespmem:$0x1FC20]  }
0x29f: {  	[tilespmem:s8+$0xFFFFFE70] =	vst v4;
	v4 =	vld [tilespmem:$0x1FC00]  }
0x2a0: {  	v43 =	vmov v15;
	v15 =	vmul.f32 v12, v39;
	[tilespmem:s8+$0xFFFFFE80] =	vst v2;
	v2 =	vld [tilespmem:$0x1FC10]  }
0x2a1: {  	[tilespmem:$0x1FCA0] =	vst v17;
	v5 =	vmul.f32 v12, v54  }
0x2a2: {  	s13 =	sadd.s32 $0x4, s13;
	[tilespmem:s8+$0xFFFFFEC0] =	vst v15;
	v13 =	vld [tilespmem:$0x1FFD0]  }
0x2a3: {  	p0 =	slt.u32 s13, $0x4C;
	v19 =	vmov v58;
	[tilespmem:s8+$0xFFFFFEA0] =	vst v5;
	v5 =	vmul.f32 v12, v0;
	v0 =	vld [tilespmem:$0x1FC30]  }
.Ltmp2:
0x2a4: {  	[tilespmem:$0x1FC70] =	vst v19;
	v4 =	vmul.f32 v12, v4;
	(pc) =	sbr.rel @p0 .LBB2_7-.Ltmp2, $4  }
0x2a5: {  	v22 =	vmov v30;
	[tilespmem:s8+$0xFFFFFE60] =	vst v11;
	v10 =	vmul.f32 v12, v2  }
0x2a6: {  	v30 =	vmovc v56;
	v38 =	vmov v62;
	[tilespmem:s8+$0xFFFFFE90] =	vst v4;
	v2 =	vmul.f32 v12, v55;
	v7 =	vperm.xlane v9, v16  }
0x2a7: {  	v11 =	vmovc v61;
	v40 =	vmov v8;
	[tilespmem:s8+$0xFFFFFEB0] =	vst v10;
	v1 =	vmul.f32 v12, v57;
	v8 =	vperm.xlane v6, v13  }
0x2a8: {  	s10 =	smov.u32 s14;
	s14 =	sadd.s32 $0x200, s14;
	v4 =	vadd.f32 v9, v7;
	v7 =	vperm.xlane v3, v13;
	v0 =	vmul.f32 v12, v0;
	v12 =	vmovc v63  }
0x2a9: {  	v9 =	vld [tilespmem:$0x1FD10];
	_ =	sdelay $0x2  }
0x2aa: {  	v6 =	vadd.f32 v6, v8;
	_ =	sdelay $0x1  }
0x2ab: {  	v6 =	vadd.f32 v6, v9;
	_ =	sdelay $0x1  }
0x2ac: {  	v8 =	vpop (erf);
	v6 =	vsub.f32 $0.0e+00, v6  }
0x2ad: {  	v8 =	vadd.f32 $1.000000000e+00, v8  }
0x2ae: {  	v3 =	vadd.f32 v3, v7;
	v6 =	vmul.f32 $1.442695020e+00, v6  }
0x2af: {  	(erf) = vrcp.f32 v8  }
0x2b0: {  	v3 =	vadd.f32 v3, v9;
	(erf) = vpow2.f32 v6;
	v6 =	vperm.xlane v4, v13;
	_ =	sdelay $0x1  }
0x2b1: {  	[tilespmem:s8+$0xFFFFFED0] =	vst v5;
	v3 =	vsub.f32 $0.0e+00, v3;
	v4 =	vadd.f32 v4, v6  }
0x2b2: {  	[tilespmem:s8+$0xFFFFFEE0] =	vst v2  }
0x2b3: {  	[tilespmem:s8+$0xFFFFFEF0] =	vst v0;
	v0 =	vmul.f32 $1.442695020e+00, v3;
	v3 =	vmul.f32 v60, v22;
	v2 =	vadd.f32 v4, v9  }
0x2b4: {  	[tilespmem:s8+$0xFFFFFF00] =	vst v1;
	v4 =	vmul.f32 v60, v21  }
0x2b5: {  	[tilespmem:s8+$0xFFFFFF20] =	vst v3;
	v1 =	vsub.f32 $0.0e+00, v2;
	v2 =	vmul.f32 v60, v24  }
0x2b6: {  	[tilespmem:s8+$0xFFFFFF10] =	vst v4;
	v4 =	vmul.f32 v60, v23  }
0x2b7: {  	v1 =	vmul.f32 $1.442695020e+00, v1;
	[tilespmem:s8+$0xFFFFFF30] =	vst v2  }
0x2b8: {  	(erf) = vpow2.f32 v0;
	v0 =	vpop (erf);
	[tilespmem:s8+$0xFFFFFF40] =	vst v4  }
0x2b9: {  	v3 =	vpop (erf);
	(erf) = vpow2.f32 v1;
	v1 =	vld [tilespmem:$0x1FC40];
	_ =	sdelay $0x2  }
0x2ba: {  	v5 =	vmul.f32 v60, v27  }
0x2bb: {  	v2 =	vadd.f32 $1.000000000e+00, v3;
	v3 =	vmul.f32 v60, v28  }
0x2bc: {  	[tilespmem:s8+$0xFFFFFF50] =	vst v5;
	v1 =	vmul.f32 v60, v1  }
0x2bd: {  	[tilespmem:s8+$0xFFFFFF60] =	vst v3  }
0x2be: {  	(erf) = vrcp.f32 v2;
	v2 =	vld [tilespmem:$0x1FC50];
	[tilespmem:s8+$0xFFFFFF70] =	vst v1  }
0x2bf: {  	v3 =	vld [tilespmem:$0x1FC60];
	_ =	sdelay $0x3  }
0x2c0: {  	v2 =	vmul.f32 v60, v2  }
0x2c1: {  	v1 =	vmul.f32 v0, v45;
	v3 =	vmul.f32 v0, v3  }
0x2c2: {  	[tilespmem:s8+$0xFFFFFF80] =	vst v2;
	v2 =	vmul.f32 v0, v32  }
0x2c3: {  	[tilespmem:s10+$0x0] =	vst v1  }
0x2c4: {  	v1 =	vmul.f32 v0, v33;
	[tilespmem:s10+$0xFFFFFFA0] =	vst v2;
	v2 =	vmul.f32 v0, v31  }
0x2c5: {  	[tilespmem:s10+$0xFFFFFF90] =	vst v3;
	v3 =	vpop (erf)  }
0x2c6: {  	[tilespmem:s10+$0xFFFFFFB0] =	vst v1;
	v3 =	vadd.f32 $1.000000000e+00, v3  }
0x2c7: {  	[tilespmem:s10+$0xFFFFFFC0] =	vst v2  }
0x2c8: {  	v2 =	vpop (erf);
	(erf) = vrcp.f32 v3;
	v3 =	vld [tilespmem:$0x1FC80];
	_ =	sdelay $0x3  }
0x2c9: {  	v1 =	vmul.f32 v0, v34  }
0x2ca: {  	v3 =	vmul.f32 v0, v3  }
0x2cb: {  	[tilespmem:s10+$0xFFFFFFD0] =	vst v1;
	v0 =	vmul.f32 v0, v37  }
0x2cc: {  	[tilespmem:s10+$0xFFFFFFE0] =	vst v3  }
0x2cd: {  	v3 =	vld [tilespmem:$0x1FCA0];
	[tilespmem:s10+$0xFFFFFFF0] =	vst v0  }
0x2ce: {  	v0 =	vld [tilespmem:$0x1FC70];
	_ =	sdelay $0x2  }
0x2cf: {  	v1 =	vpop (erf)  }
0x2d0: {  	v3 =	vmul.f32 v1, v3  }
0x2d1: {  	v0 =	vmul.f32 v1, v0  }
0x2d2: {  	[tilespmem:s10+$0xFFFFFE10] =	vst v3;
	v3 =	vmul.f32 v1, v35  }
0x2d3: {  	[tilespmem:s10+$0xFFFFFE20] =	vst v0  }
0x2d4: {  	v0 =	vmul.f32 v1, v14;
	[tilespmem:s10+$0xFFFFFE30] =	vst v3;
	v3 =	vmul.f32 v1, v40  }
0x2d5: {  	v2 =	vadd.f32 $1.000000000e+00, v2  }
0x2d6: {  	[tilespmem:s10+$0xFFFFFE40] =	vst v0;
	v0 =	vmul.f32 v1, v42  }
0x2d7: {  	(erf) = vrcp.f32 v2;
	v2 =	vmul.f32 v1, v43;
	[tilespmem:s10+$0xFFFFFE50] =	vst v3  }
0x2d8: {  	[tilespmem:s10+$0xFFFFFE60] =	vst v0;
	v0 =	vmul.f32 v1, v53;
	v3 =	vpop (erf)  }
0x2d9: {  	[tilespmem:s10+$0xFFFFFE70] =	vst v2;
	v1 =	vmul.f32 v3, v25  }
0x2da: {  	v2 =	vmul.f32 v3, v30;
	[tilespmem:s10+$0xFFFFFE80] =	vst v0  }
0x2db: {  	v0 =	vmul.f32 v3, v38;
	[tilespmem:s10+$0xFFFFFE90] =	vst v1  }
0x2dc: {  	v1 =	vmul.f32 v3, v11;
	[tilespmem:s10+$0xFFFFFEA0] =	vst v2;
	v2 =	vmul.f32 v3, v12  }
0x2dd: {  	[tilespmem:s10+$0xFFFFFEB0] =	vst v0  }
0x2de: {  	v0 =	vmul.f32 v3, v48;
	[tilespmem:s10+$0xFFFFFEC0] =	vst v1  }
0x2df: {  	v1 =	vmul.f32 v3, v51;
	[tilespmem:s10+$0xFFFFFED0] =	vst v2  }
0x2e0: {  	v3 =	vmul.f32 v3, v52;
	[tilespmem:s10+$0xFFFFFEE0] =	vst v0;
	v2 =	vpop (erf)  }
0x2e1: {  	[tilespmem:s10+$0xFFFFFEF0] =	vst v1;
	v0 =	vmul.f32 v2, v26  }
0x2e2: {  	[tilespmem:s10+$0xFFFFFF00] =	vst v3;
	v1 =	vmul.f32 v2, v29  }
0x2e3: {  	v3 =	vmul.f32 v2, v41;
	[tilespmem:s10+$0xFFFFFF10] =	vst v0  }
0x2e4: {  	v0 =	vmul.f32 v2, v44;
	[tilespmem:s10+$0xFFFFFF20] =	vst v1  }
0x2e5: {  	v1 =	vmul.f32 v2, v46;
	[tilespmem:s10+$0xFFFFFF30] =	vst v3  }
0x2e6: {  	v3 =	vmul.f32 v2, v47;
	[tilespmem:s10+$0xFFFFFF40] =	vst v0  }
0x2e7: {  	v0 =	vmul.f32 v2, v50;
	[tilespmem:s10+$0xFFFFFF50] =	vst v1  }
0x2e8: {  	[tilespmem:s10+$0xFFFFFF60] =	vst v3;
	v1 =	vmul.f32 v2, v49  }
0x2e9: {  	[tilespmem:s10+$0xFFFFFF70] =	vst v0  }
0x2ea: {  	s13 =	simm.s32 $0x16080;
	s14 =	simm.s32 $0x1D900;
	[tilespmem:s10+$0xFFFFFF80] =	vst v1  }
0x2eb: {  	[spmem:s5] =	stream.indirect.scatter.add.f32 [tilespmem:s13], [sflag:$0xA], $0x80, s14, s25, $0xb8;
	[tilespmem:$0x1EF80] =	vst v63  }
0x2ec: {  	_ =	swait.ge [sflag:s30], $0x2800  }
0x2ed: {  	[sflag:s30] =	ssyncset.done $0x0  }
0x2ee: {  	[sflag:s30] =	ssyncadd.s32 $0xFFFFD800  }
0x2ef: {  	_ =	swait.ge [sflag:s31], $0x50  }
0x2f0: {  	p0 =	seq.s32 s1, $0x1E;
	[sflag:s31] =	ssyncset.done $0x0  }
0x2f1: {  	s8 =	simm.s32 @!p0 $0xA;
	[sflag:s31] =	ssyncadd.s32 $0xFFFFFFB0  }
0x2f2: {  	_ =	swait.ge @!p0 [sflag:s8], $0x2800  }
0x2f3: {  	s10 =	sadd.s32 @!p0 s7, s22;
	[sflag:s8] =	ssyncset.done @!p0 $0x0  }
0x2f4: {  	[sflag:s8] =	ssyncadd.s32 @!p0 $0xFFFFD800;
	s8 =	sshll.u32 @!p0 s10, $0x4  }
0x2f5: {  	s13 =	simm.s32 @!p0 $0x0;
	s14 =	simm.s32 @!p0 $0x16080;
	s8 =	sadd.s32 @!p0 s0, s8  }
0x2f6: {  	[tilespmem:s14], [sflag:$0x2] =	stream.linear.gather @!p0 [hbm4b:s8+s13], $0x2800, $0x38;
	[tilespmem:$0x1EF80] =	vst v63  }
0x2f7: {  	s8 =	sshrl.u32 @!p0 s10, $0x3  }
0x2f8: {  	s10 =	simm.s32 @!p0 $0x1D900;
	s8 =	sadd.s32 @!p0 s3, s8  }
0x2f9: {  	[tilespmem:s10], [sflag:$0x6] =	stream.linear.gather @!p0 [hbm4b:s8+s13], $0x50, $0x38;
	[tilespmem:$0x1EF80] =	vst v63  }
0x2fa: {  	s8 =	simm.s32 $0x18880  }
0x2fb: {  	v2 =	vld [tilespmem:s8+$0x10];
	_ =	sdelay $0x3  }
0x2fc: {  	v51 =	vld [tilespmem:s8+$0x180]  }
0x2fd: {  	v50 =	vld [tilespmem:s8+$0x190];
	[tilespmem:$0x1FB60] =	vst v2  }
0x2fe: {  	v4 =	vld [tilespmem:s8+$0x80];
	_ =	sdelay $0x4  }
0x2ff: {  	v54 =	vld [tilespmem:s8+$0x1A0];
	[tilespmem:$0x1FBA0] =	vst v4  }
0x300: {  	v49 =	vld [tilespmem:s8+$0x1B0]  }
0x301: {  	v36 =	vld [tilespmem:s8+$0x90]  }
0x302: {  	v5 =	vld [tilespmem:s8+$0x0]  }
0x303: {  	v59 =	vld [tilespmem:s8+$0x1C0]  }
0x304: {  	v21 =	vld [tilespmem:s8+$0x100]  }
0x305: {  	v61 =	vld [tilespmem:s8+$0x1D0]  }
0x306: {  	v22 =	vld [tilespmem:s8+$0x110]  }
0x307: {  	v60 =	vld [tilespmem:s8+$0x1E0];
	[tilespmem:$0x1FB50] =	vst v5  }
0x308: {  	v9 =	vld [tilespmem:s8+$0x20];
	_ =	sdelay $0x4  }
0x309: {  	v52 =	vld [tilespmem:s8+$0x1F0];
	[tilespmem:$0x1FB70] =	vst v9  }
0x30a: {  	v7 =	vld [tilespmem:s8+$0xA0];
	_ =	sdelay $0x4  }
0x30b: {  	[tilespmem:$0x1FBB0] =	vst v7  }
0x30c: {  	v10 =	vld [tilespmem:s8+$0x30];
	_ =	sdelay $0x2  }
0x30d: {  	v11 =	vld [tilespmem:$0x1EE80]  }
0x30e: {  	v12 =	vld [tilespmem:$0x1EE90]  }
0x30f: {  	v24 =	vld [tilespmem:s8+$0x120];
	[tilespmem:$0x1FB80] =	vst v10  }
0x310: {  	v8 =	vld [tilespmem:s8+$0xB0];
	_ =	sdelay $0x1  }
0x311: {  	v14 =	vld [tilespmem:$0x1EEA0];
	_ =	sdelay $0x1  }
0x312: {  	v15 =	vld [tilespmem:$0x1EEB0]  }
0x313: {  	v17 =	vld [tilespmem:$0x1EEC0];
	v0 =	vmul.f32 v51, v11;
	v1 =	vmul.f32 v50, v12;
	[tilespmem:$0x1FBC0] =	vst v8  }
0x314: {  	v29 =	vld [tilespmem:s8+$0x40]  }
0x315: {  	v0 =	vadd.f32 v1, v0;
	v1 =	vmul.f32 v54, v14  }
0x316: {  	v18 =	vld [tilespmem:$0x1EED0]  }
0x317: {  	v19 =	vld [tilespmem:$0x1EEE0];
	v0 =	vadd.f32 v1, v0;
	v1 =	vmul.f32 v49, v15  }
0x318: {  	v20 =	vld [tilespmem:$0x1EEF0]  }
0x319: {  	v0 =	vadd.f32 v1, v0;
	v1 =	vmul.f32 v59, v17;
	v23 =	vld [tilespmem:s8+$0x130];
	[tilespmem:$0x1FB90] =	vst v29  }
0x31a: {  	v25 =	vld [tilespmem:s8+$0xC0]  }
0x31b: {  	v0 =	vadd.f32 v1, v0;
	v1 =	vmul.f32 v61, v18;
	_ =	sdelay $0x1  }
0x31c: {  	v0 =	vadd.f32 v1, v0;
	v1 =	vmul.f32 v60, v19;
	_ =	sdelay $0x1  }
0x31d: {  	v2 =	vmul.f32 v2, v12;
	v0 =	vadd.f32 v1, v0;
	v1 =	vmul.f32 v52, v20;
	[tilespmem:$0x1FBD0] =	vst v25  }
0x31e: {  	v3 =	vmul.f32 v4, v11;
	v4 =	vmul.f32 v5, v11;
	v26 =	vld [tilespmem:s8+$0xD0]  }
0x31f: {  	v6 =	vmul.f32 v21, v11;
	v0 =	vadd.f32 v1, v0;
	v1 =	vmul.f32 v22, v12  }
0x320: {  	v2 =	vadd.f32 v2, v4;
	v4 =	vmul.f32 v9, v14;
	v9 =	vld [tilespmem:$0x1FFE0]  }
0x321: {  	v1 =	vadd.f32 v1, v6;
	v6 =	vmul.f32 v10, v15;
	v10 =	vld [tilespmem:$0x1FFF0]  }
0x322: {  	v2 =	vadd.f32 v4, v2;
	v27 =	vld [tilespmem:s8+$0x140]  }
0x323: {  	v5 =	vmul.f32 v36, v12;
	v62 =	vld [tilespmem:s8+$0x50];
	[tilespmem:$0x1FBE0] =	vst v26  }
0x324: {  	v2 =	vadd.f32 v6, v2;
	v6 =	vmul.f32 v29, v17;
	v29 =	vld [tilespmem:s8+$0xE0]  }
0x325: {  	v3 =	vadd.f32 v5, v3;
	v5 =	vmul.f32 v7, v14;
	v7 =	vperm.xlane v0, v9  }
0x326: {  	v4 =	vmul.f32 v24, v14  }
0x327: {  	v3 =	vadd.f32 v5, v3;
	v0 =	vadd.f32 v0, v7  }
0x328: {  	v1 =	vadd.f32 v4, v1;
	v5 =	vmul.f32 v8, v15;
	v4 =	vmul.f32 v23, v15;
	v28 =	vld [tilespmem:s8+$0x150]  }
0x329: {  	v7 =	vperm.xlane v0, v10;
	v58 =	vld [tilespmem:s8+$0x60];
	[tilespmem:$0x1FBF0] =	vst v29  }
0x32a: {  	v3 =	vadd.f32 v5, v3;
	v1 =	vadd.f32 v4, v1;
	v5 =	vmul.f32 v25, v17;
	v25 =	vld [tilespmem:s8+$0x160]  }
0x32b: {  	v2 =	vadd.f32 v6, v2;
	v6 =	vadd.f32 v0, v7;
	v4 =	vmul.f32 v27, v17;
	v57 =	vld [tilespmem:s8+$0x70]  }
0x32c: {  	v3 =	vadd.f32 v5, v3;
	v7 =	vmul.f32 v62, v18;
	v5 =	vmul.f32 v26, v18;
	v63 =	vld [tilespmem:s8+$0xF0]  }
0x32d: {  	v8 =	vperm.xlane v6, v16;
	v1 =	vadd.f32 v4, v1;
	v4 =	vmul.f32 v28, v18;
	v0 =	vld [tilespmem:s8+$0x170]  }
0x32e: {  	v2 =	vadd.f32 v7, v2;
	v3 =	vadd.f32 v5, v3;
	v7 =	vmul.f32 v58, v19  }
0x32f: {  	v5 =	vmul.f32 v29, v19;
	v1 =	vadd.f32 v4, v1;
	v4 =	vadd.f32 v6, v8  }
0x330: {  	v2 =	vadd.f32 v7, v2;
	v6 =	vmul.f32 v25, v19;
	v7 =	vmul.f32 v57, v20  }
0x331: {  	v39 =	vld [tilespmem:$0x1EF00];
	v3 =	vadd.f32 v5, v3;
	v5 =	vperm.xlane v4, v13;
	v8 =	vmul.f32 v63, v20  }
0x332: {  	v1 =	vadd.f32 v6, v1;
	v2 =	vadd.f32 v7, v2;
	v6 =	vmul.f32 v0, v20  }
0x333: {  	v3 =	vadd.f32 v8, v3  }
0x334: {  	v4 =	vadd.f32 v4, v5;
	v5 =	vperm.xlane v2, v9;
	v1 =	vadd.f32 v6, v1  }
0x335: {  	v6 =	vperm.xlane v3, v9  }
0x336: {  	v4 =	vadd.f32 v4, v39;
	v2 =	vadd.f32 v2, v5;
	v5 =	vperm.xlane v1, v9  }
0x337: {  	v3 =	vadd.f32 v3, v6  }
0x338: {  	v4 =	vsub.f32 $0.0e+00, v4;
	v1 =	vadd.f32 v1, v5  }
0x339: {  	v6 =	vperm.xlane v2, v10;
	v5 =	vperm.xlane v3, v10  }
0x33a: {  	v4 =	vmul.f32 $1.442695020e+00, v4;
	v7 =	vperm.xlane v1, v10  }
0x33b: {  	[tilespmem:$0x1FA60] =	vst v25;
	v2 =	vadd.f32 v2, v6;
	v3 =	vadd.f32 v3, v5  }
0x33c: {  	s10 =	simm.s32 $0x18A80;
	[tilespmem:$0x1FA70] =	vst v0;
	(erf) = vpow2.f32 v4;
	v1 =	vadd.f32 v1, v7  }
0x33d: {  	v32 =	vld [tilespmem:s10+$0x190];
	v4 =	vperm.xlane v2, v16;
	v5 =	vperm.xlane v3, v16  }
0x33e: {  	v7 =	vld [tilespmem:s10+$0x180];
	v6 =	vperm.xlane v1, v16  }
0x33f: {  	v33 =	vld [tilespmem:s10+$0x1A0];
	v2 =	vadd.f32 v2, v4;
	v3 =	vadd.f32 v3, v5  }
0x340: {  	v25 =	vld [tilespmem:s10+$0x80];
	v1 =	vadd.f32 v1, v6  }
0x341: {  	v31 =	vld [tilespmem:s10+$0x1B0];
	v4 =	vperm.xlane v2, v13;
	v5 =	vperm.xlane v3, v13  }
0x342: {  	v30 =	vld [tilespmem:s10+$0x90];
	v6 =	vperm.xlane v1, v13  }
0x343: {  	v0 =	vld [tilespmem:s10+$0x10];
	[tilespmem:$0x1FA80] =	vst v7;
	v2 =	vadd.f32 v2, v4;
	v3 =	vadd.f32 v3, v5  }
0x344: {  	v5 =	vmul.f32 v7, v11;
	v34 =	vld [tilespmem:s10+$0x1C0];
	v1 =	vadd.f32 v1, v6;
	v6 =	vmul.f32 v32, v12  }
0x345: {  	v26 =	vld [tilespmem:s10+$0x100];
	v4 =	vpop (erf);
	v2 =	vadd.f32 v2, v39;
	v3 =	vadd.f32 v3, v39  }
0x346: {  	v8 =	vld [tilespmem:s10+$0x1D0];
	v4 =	vadd.f32 $1.000000000e+00, v4;
	v5 =	vadd.f32 v6, v5;
	v6 =	vmul.f32 v33, v14  }
0x347: {  	v29 =	vld [tilespmem:s10+$0x110];
	v1 =	vadd.f32 v1, v39;
	v2 =	vsub.f32 $0.0e+00, v2  }
0x348: {  	v37 =	vld [tilespmem:s10+$0x1E0];
	[tilespmem:$0x1FA90] =	vst v0;
	(erf) = vrcp.f32 v4;
	v4 =	vadd.f32 v6, v5;
	v5 =	vmul.f32 v31, v15  }
0x349: {  	v45 =	vld [tilespmem:s10+$0x1F0];
	v3 =	vsub.f32 $0.0e+00, v3;
	v1 =	vsub.f32 $0.0e+00, v1;
	v6 =	vmul.f32 v0, v12  }
0x34a: {  	v2 =	vmul.f32 $1.442695020e+00, v2;
	v0 =	vld [tilespmem:s10+$0x0];
	v4 =	vadd.f32 v5, v4;
	v5 =	vmul.f32 v34, v17  }
0x34b: {  	v53 =	vld [tilespmem:s10+$0x20];
	v3 =	vmul.f32 $1.442695020e+00, v3;
	[tilespmem:$0x1FAA0] =	vst v8;
	v1 =	vmul.f32 $1.442695020e+00, v1  }
0x34c: {  	v38 =	vld [tilespmem:s10+$0xA0];
	(erf) = vpow2.f32 v2;
	v2 =	vadd.f32 v5, v4;
	v4 =	vmul.f32 v8, v18  }
0x34d: {  	v41 =	vld [tilespmem:s10+$0x120];
	(erf) = vpow2.f32 v3  }
0x34e: {  	v55 =	vld [tilespmem:s10+$0x30];
	[tilespmem:$0x1FAB0] =	vst v11;
	(erf) = vpow2.f32 v1;
	v1 =	vadd.f32 v4, v2;
	v2 =	vmul.f32 v37, v19  }
0x34f: {  	v7 =	vmul.f32 v25, v11;
	[tilespmem:$0x1FAD0] =	vst v12;
	v4 =	vmul.f32 v0, v11  }
0x350: {  	v5 =	vmul.f32 v30, v12;
	v8 =	vmul.f32 v45, v20;
	[tilespmem:$0x1FAC0] =	vst v0;
	v1 =	vadd.f32 v2, v1  }
0x351: {  	v3 =	vmul.f32 v26, v11;
	v11 =	vld [tilespmem:s10+$0xB0];
	v4 =	vadd.f32 v6, v4;
	v6 =	vmul.f32 v53, v14  }
0x352: {  	v5 =	vadd.f32 v5, v7;
	v44 =	vld [tilespmem:s10+$0x130];
	v2 =	vmul.f32 v29, v12;
	v1 =	vadd.f32 v8, v1  }
0x353: {  	v7 =	vmul.f32 v55, v15;
	v4 =	vadd.f32 v6, v4;
	v6 =	vmul.f32 v41, v14  }
0x354: {  	v2 =	vadd.f32 v2, v3;
	v3 =	vmul.f32 v38, v14;
	v8 =	vperm.xlane v1, v9  }
0x355: {  	[tilespmem:$0x1FAE0] =	vst v14  }
0x356: {  	v40 =	vld [tilespmem:s10+$0x40];
	v3 =	vadd.f32 v3, v5;
	v5 =	vpop (erf);
	v4 =	vadd.f32 v7, v4;
	v7 =	vmul.f32 v11, v15  }
0x357: {  	v12 =	vld [tilespmem:s10+$0xC0];
	v56 =	vmul.f32 v44, v15;
	v2 =	vadd.f32 v6, v2;
	v6 =	vpop (erf);
	v1 =	vadd.f32 v1, v8  }
0x358: {  	v46 =	vld [tilespmem:s10+$0x140];
	[tilespmem:$0x1FAF0] =	vst v15;
	v3 =	vadd.f32 v7, v3;
	v6 =	vadd.f32 $1.000000000e+00, v6;
	v8 =	vpop (erf)  }
0x359: {  	v42 =	vld [tilespmem:s10+$0x50];
	v2 =	vadd.f32 v56, v2;
	v56 =	vmul.f32 v5, v51;
	v7 =	vadd.f32 $1.000000000e+00, v8;
	v8 =	vpop (erf)  }
0x35a: {  	(erf) = vrcp.f32 v6;
	v6 =	vadd.f32 $1.000000000e+00, v8;
	v8 =	vperm.xlane v1, v10  }
0x35b: {  	v48 =	vld [tilespmem:s10+$0xD0];
	(erf) = vrcp.f32 v7;
	v7 =	vmul.f32 v40, v17  }
0x35c: {  	v47 =	vld [tilespmem:s10+$0x150];
	(erf) = vrcp.f32 v6;
	v6 =	vmul.f32 v12, v17  }
0x35d: {  	v43 =	vld [tilespmem:s10+$0x60];
	[tilespmem:$0x1FB00] =	vst v17;
	v1 =	vadd.f32 v1, v8;
	v8 =	vmul.f32 v46, v17;
	v4 =	vadd.f32 v7, v4  }
0x35e: {  	v51 =	vld [tilespmem:s10+$0xE0];
	v7 =	vmul.f32 v5, v52;
	v52 =	vmul.f32 v42, v18;
	v3 =	vadd.f32 v6, v3  }
0x35f: {  	v35 =	vmovc v53;
	v53 =	vperm.xlane v1, v16;
	v6 =	vadd.f32 v8, v2;
	v8 =	vmul.f32 v5, v50;
	v50 =	vld [tilespmem:s10+$0x160]  }
0x360: {  	v4 =	vadd.f32 v52, v4;
	v52 =	vld [tilespmem:s10+$0xF0]  }
0x361: {  	v1 =	vadd.f32 v1, v53;
	v53 =	vld [tilespmem:s10+$0x70];
	[tilespmem:$0x1FB10] =	vst v18  }
0x362: {  	[tilespmem:s8+$0x1F0] =	vst v7  }
0x363: {  	[tilespmem:s8+$0x180] =	vst v56  }
0x364: {  	v54 =	vmul.f32 v5, v54;
	[tilespmem:s8+$0x190] =	vst v8  }
0x365: {  	v14 =	vmov v55;
	v55 =	vmul.f32 v5, v49;
	v49 =	vld [tilespmem:s10+$0x170];
	[tilespmem:$0x1FB20] =	vst v19  }
0x366: {  	v0 =	vmul.f32 v48, v18;
	[tilespmem:s8+$0x1A0] =	vst v54  }
0x367: {  	[tilespmem:$0x1FB30] =	vst v39  }
0x368: {  	v0 =	vadd.f32 v0, v3;
	v3 =	vmul.f32 v5, v59;
	[tilespmem:s8+$0x1B0] =	vst v55  }
0x369: {  	v7 =	vmul.f32 v43, v19;
	[tilespmem:$0x1FB40] =	vst v20  }
0x36a: {  	[tilespmem:s8+$0x1C0] =	vst v3  }
0x36b: {  	v2 =	vmul.f32 v47, v18;
	v4 =	vadd.f32 v7, v4;
	v7 =	vmul.f32 v50, v19;
	v3 =	vld [tilespmem:$0x1FB50];
	_ =	sdelay $0x1  }
0x36c: {  	v2 =	vadd.f32 v2, v6;
	v6 =	vmul.f32 v5, v61;
	v8 =	vmul.f32 v53, v20  }
0x36d: {  	v5 =	vmul.f32 v5, v60;
	v59 =	vperm.xlane v1, v13  }
0x36e: {  	v2 =	vadd.f32 v7, v2;
	v4 =	vadd.f32 v8, v4;
	v7 =	vpop (erf);
	v8 =	vmul.f32 v49, v20;
	[tilespmem:s8+$0x1D0] =	vst v6  }
0x36f: {  	v1 =	vadd.f32 v1, v59;
	v6 =	vld [tilespmem:$0x1FB60];
	v3 =	vmul.f32 v7, v3  }
0x370: {  	v2 =	vadd.f32 v8, v2;
	v8 =	vperm.xlane v4, v9;
	[tilespmem:s8+$0x1E0] =	vst v5  }
0x371: {  	v1 =	vadd.f32 v1, v39;
	[tilespmem:s8+$0x0] =	vst v3  }
0x372: {  	v3 =	vadd.f32 v4, v8;
	v4 =	vld [tilespmem:$0x1FB70]  }
0x373: {  	v1 =	vsub.f32 $0.0e+00, v1  }
0x374: {  	v6 =	vmul.f32 v7, v6  }
0x375: {  	v1 =	vmul.f32 $1.442695020e+00, v1  }
0x376: {  	v61 =	vmul.f32 v51, v19;
	[tilespmem:s8+$0x10] =	vst v6  }
0x377: {  	(erf) = vpow2.f32 v1;
	v1 =	vld [tilespmem:$0x1FB80];
	v4 =	vmul.f32 v7, v4  }
0x378: {  	v0 =	vadd.f32 v61, v0;
	v39 =	vmul.f32 v52, v20  }
0x379: {  	[tilespmem:s8+$0x20] =	vst v4  }
0x37a: {  	v0 =	vadd.f32 v39, v0;
	v4 =	vld [tilespmem:$0x1FB90];
	_ =	sdelay $0x1  }
0x37b: {  	v5 =	vperm.xlane v0, v9;
	v1 =	vmul.f32 v7, v1;
	_ =	sdelay $0x1  }
0x37c: {  	v0 =	vadd.f32 v0, v5;
	[tilespmem:s8+$0x30] =	vst v1;
	v1 =	vmul.f32 v7, v62  }
0x37d: {  	v4 =	vmul.f32 v7, v4  }
0x37e: {  	v6 =	vperm.xlane v0, v10;
	[tilespmem:s8+$0x50] =	vst v1  }
0x37f: {  	[tilespmem:s8+$0x40] =	vst v4  }
0x380: {  	v0 =	vadd.f32 v0, v6;
	v6 =	vld [tilespmem:$0x1FBA0]  }
0x381: {  	v1 =	vmul.f32 v7, v57  }
0x382: {  	v8 =	vperm.xlane v2, v9;
	v4 =	vmul.f32 v7, v58  }
0x383: {  	[tilespmem:s8+$0x70] =	vst v1  }
0x384: {  	v59 =	vpop (erf);
	v2 =	vadd.f32 v2, v8;
	v5 =	vperm.xlane v3, v10;
	[tilespmem:s8+$0x60] =	vst v4  }
0x385: {  	v7 =	vmul.f32 v59, v6;
	v6 =	vld [tilespmem:$0x1FBB0]  }
0x386: {  	v3 =	vadd.f32 v3, v5;
	v5 =	vperm.xlane v2, v10;
	_ =	sdelay $0x1  }
0x387: {  	v4 =	vadd.f32 v2, v5;
	v2 =	vperm.xlane v3, v16;
	v5 =	vmul.f32 v59, v36  }
0x388: {  	v1 =	vperm.xlane v0, v16;
	[tilespmem:s8+$0x80] =	vst v7  }
0x389: {  	v8 =	vmul.f32 v59, v6;
	v6 =	vadd.f32 v3, v2;
	v2 =	vld [tilespmem:$0x1FBC0];
	[tilespmem:s8+$0x90] =	vst v5  }
0x38a: {  	v3 =	vadd.f32 v0, v1;
	v0 =	vld [tilespmem:$0x1FBD0];
	_ =	sdelay $0x4  }
0x38b: {  	v5 =	vmul.f32 v59, v0;
	v0 =	vld [tilespmem:$0x1FBE0];
	_ =	sdelay $0x3  }
0x38c: {  	[tilespmem:s8+$0xA0] =	vst v8  }
0x38d: {  	v62 =	vmul.f32 v59, v2;
	v2 =	vmul.f32 v59, v0;
	v0 =	vld [tilespmem:$0x1FBF0];
	_ =	sdelay $0x1  }
0x38e: {  	v7 =	vperm.xlane v4, v16;
	_ =	sdelay $0x1  }
0x38f: {  	v4 =	vadd.f32 v4, v7;
	v1 =	vmul.f32 v59, v63;
	v7 =	vperm.xlane v3, v13  }
0x390: {  	s14 =	simm.s32 $0x18C80;
	s13 =	simm.s32 $0x4;
	v60 =	vpop (erf);
	v8 =	vperm.xlane v6, v13;
	[tilespmem:s8+$0xB0] =	vst v62;
	v0 =	vmul.f32 v59, v0  }
.LBB2_9:
0x391: {  	v61 =	vld [tilespmem:s14+$0x180]  }
0x392: {  	[tilespmem:s8+$0xC0] =	vst v5;
	v5 =	vld [tilespmem:s14+$0x190]  }
0x393: {  	v58 =	vld [tilespmem:s14+$0x10]  }
0x394: {  	[tilespmem:$0x1FA30] =	vst v38;
	v38 =	vld [tilespmem:$0x1FB30]  }
0x395: {  	v9 =	vld [tilespmem:s14+$0x1B0]  }
0x396: {  	[tilespmem:$0x1FA40] =	vst v12;
	v12 =	vld [tilespmem:$0x1FAB0]  }
0x397: {  	v10 =	vld [tilespmem:s14+$0x1C0]  }
0x398: {  	v36 =	vmov v40;
	v40 =	vmov v14;
	v14 =	vld [tilespmem:$0x1FAE0]  }
0x399: {  	v19 =	vld [tilespmem:$0x1FB00];
	[tilespmem:s8+$0xD0] =	vst v2;
	v2 =	vmul.f32 v60, v22  }
0x39a: {  	[tilespmem:s8+$0xE0] =	vst v0;
	v0 =	vld [tilespmem:s14+$0x80]  }
0x39b: {  	[tilespmem:s8+$0x110] =	vst v2;
	v2 =	vld [tilespmem:$0x1FA60]  }
0x39c: {  	[tilespmem:$0x1FA20] =	vst v25;
	v54 =	vmul.f32 v60, v21;
	v56 =	vld [tilespmem:s14+$0x90]  }
0x39d: {  	v55 =	vmul.f32 v60, v24;
	v8 =	vadd.f32 v6, v8;
	v6 =	vperm.xlane v4, v13;
	[tilespmem:s8+$0xF0] =	vst v1;
	v13 =	vld [tilespmem:$0x1FAD0]  }
0x39e: {  	v57 =	vmul.f32 v60, v23;
	v20 =	vld [tilespmem:$0x1FB10];
	v3 =	vadd.f32 v3, v7;
	v7 =	vpop (erf);
	[tilespmem:s8+$0x100] =	vst v54  }
0x39f: {  	v1 =	vmul.f32 v60, v27;
	v22 =	vld [tilespmem:$0x1FB40];
	v7 =	vadd.f32 $1.000000000e+00, v7;
	[tilespmem:s8+$0x120] =	vst v55;
	v8 =	vadd.f32 v8, v38  }
0x3a0: {  	[tilespmem:s8+$0x130] =	vst v57;
	v4 =	vadd.f32 v4, v6;
	v6 =	vld [tilespmem:s14+$0x1A0];
	v2 =	vmul.f32 v60, v2  }
0x3a1: {  	v25 =	vmov v26;
	[tilespmem:s8+$0x140] =	vst v1;
	(erf) = vrcp.f32 v7;
	v26 =	vld [tilespmem:s14+$0x100];
	v15 =	vsub.f32 $0.0e+00, v8  }
0x3a2: {  	v54 =	vmovc v30;
	v30 =	vmov v29;
	v29 =	vld [tilespmem:s14+$0x110];
	v63 =	vmul.f32 v0, v12;
	[tilespmem:s8+$0x160] =	vst v2;
	v2 =	vmul.f32 v56, v13  }
0x3a3: {  	v24 =	vmovc v41;
	v27 =	vmovc v46;
	v3 =	vadd.f32 v3, v38;
	v4 =	vadd.f32 v4, v38;
	v41 =	vmul.f32 $1.442695020e+00, v15;
	v15 =	vld [tilespmem:$0x1FAF0]  }
0x3a4: {  	v1 =	vmovc v50;
	v21 =	vmul.f32 v5, v13;
	v8 =	vmul.f32 v61, v12;
	v46 =	vadd.f32 v2, v63;
	v2 =	vld [tilespmem:$0x1FA70]  }
0x3a5: {  	v59 =	vmul.f32 v60, v28;
	v23 =	vmovc v44;
	v7 =	vmovc v51;
	[tilespmem:$0x1FA60] =	vst v1;
	v1 =	vld [tilespmem:s14+$0x0];
	v3 =	vsub.f32 $0.0e+00, v3;
	v4 =	vsub.f32 $0.0e+00, v4  }
0x3a6: {  	v44 =	vmul.f32 v58, v13;
	[tilespmem:$0x1FA50] =	vst v7;
	v7 =	vld [tilespmem:s14+$0x1D0];
	v39 =	vmul.f32 v6, v14;
	v8 =	vadd.f32 v21, v8  }
0x3a7: {  	v62 =	vmul.f32 $1.442695020e+00, v3;
	v4 =	vmul.f32 $1.442695020e+00, v4;
	v3 =	vld [tilespmem:s14+$0x1E0]  }
0x3a8: {  	v57 =	vmovc v52;
	v21 =	vld [tilespmem:$0x1FB20];
	v8 =	vadd.f32 v39, v8;
	(erf) = vpow2.f32 v41;
	v52 =	vmul.f32 v9, v15  }
0x3a9: {  	v28 =	vmov v47;
	[tilespmem:s8+$0x150] =	vst v59;
	v18 =	vmul.f32 v60, v2;
	v60 =	vmul.f32 v29, v13;
	v13 =	vld [tilespmem:$0x1FA80]  }
0x3aa: {  	v59 =	vmovc v53;
	v53 =	vmul.f32 v10, v19;
	v50 =	vld [tilespmem:s14+$0x1F0];
	v47 =	vmul.f32 v26, v12;
	v8 =	vadd.f32 v52, v8  }
0x3ab: {  	v17 =	vmovc v49;
	v55 =	vmovc v48;
	(erf) = vpow2.f32 v62;
	v39 =	vmov v11;
	v48 =	vmul.f32 v7, v20;
	v2 =	vld [tilespmem:s14+$0x20]  }
0x3ac: {  	v41 =	vld [tilespmem:s14+$0x120];
	[tilespmem:$0x1FA70] =	vst v17;
	(erf) = vpow2.f32 v4;
	v11 =	vpop (erf);
	v4 =	vmov v61;
	v8 =	vadd.f32 v53, v8  }
0x3ad: {  	v33 =	vmul.f32 v11, v33;
	v52 =	vmul.f32 v3, v21;
	[tilespmem:$0x1FA80] =	vst v4;
	v4 =	vld [tilespmem:s14+$0x30]  }
0x3ae: {  	v62 =	vld [tilespmem:s14+$0xA0];
	v53 =	vmul.f32 v1, v12;
	[tilespmem:s8+$0x170] =	vst v18;
	s8 =	smov.u32 s10;
	v8 =	vadd.f32 v48, v8;
	v63 =	vmul.f32 v11, v13  }
0x3af: {  	v49 =	vmul.f32 v50, v22;
	v17 =	vld [tilespmem:$0x1FFE0];
	v47 =	vadd.f32 v60, v47;
	[tilespmem:s8+$0x1A0] =	vst v33;
	v33 =	vmul.f32 v11, v34  }
0x3b0: {  	v61 =	vld [tilespmem:s14+$0xB0];
	v48 =	vadd.f32 v52, v8;
	v13 =	vadd.f32 v44, v53;
	v60 =	vmul.f32 v2, v14  }
0x3b1: {  	v45 =	vmul.f32 v11, v45;
	v44 =	vld [tilespmem:s14+$0x130]  }
0x3b2: {  	v8 =	vld [tilespmem:s14+$0x40];
	[tilespmem:s8+$0x180] =	vst v63;
	v49 =	vadd.f32 v49, v48;
	v18 =	vadd.f32 v60, v13;
	v48 =	vmul.f32 v4, v15;
	v63 =	vpop (erf)  }
0x3b3: {  	v51 =	vmul.f32 v62, v14;
	v12 =	vmul.f32 v11, v31;
	[tilespmem:s8+$0x1F0] =	vst v45;
	v52 =	vadd.f32 $1.000000000e+00, v63;
	v63 =	vld [tilespmem:s14+$0xC0]  }
0x3b4: {  	v45 =	vmul.f32 v41, v14;
	[tilespmem:s8+$0x1C0] =	vst v33;
	v33 =	vmov v6;
	v6 =	vadd.f32 v48, v18;
	v18 =	vld [tilespmem:$0x1FFF0]  }
0x3b5: {  	v32 =	vmul.f32 v11, v32;
	v51 =	vadd.f32 v51, v46;
	v60 =	vperm.xlane v49, v17;
	v31 =	vpop (erf)  }
0x3b6: {  	[tilespmem:s8+$0x1B0] =	vst v12;
	v46 =	vld [tilespmem:s14+$0x140];
	v12 =	vmul.f32 v61, v15;
	v13 =	vadd.f32 v45, v47;
	v53 =	vadd.f32 $1.000000000e+00, v31;
	v31 =	vpop (erf)  }
0x3b7: {  	v34 =	vmovc v10;
	v49 =	vadd.f32 v49, v60;
	v14 =	vadd.f32 $1.000000000e+00, v31;
	v31 =	vmovc v9;
	v9 =	vmul.f32 v44, v15  }
0x3b8: {  	v12 =	vadd.f32 v12, v51;
	v47 =	vld [tilespmem:s14+$0x150];
	v45 =	vmovc v50;
	v10 =	vmul.f32 v8, v19;
	v50 =	vmul.f32 v63, v19  }
0x3b9: {  	[tilespmem:s8+$0x190] =	vst v32;
	v32 =	vmov v5;
	v5 =	vld [tilespmem:s14+$0x50];
	v9 =	vadd.f32 v9, v13;
	v13 =	vperm.xlane v49, v18  }
0x3ba: {  	(erf) = vrcp.f32 v52;
	v6 =	vadd.f32 v10, v6;
	v12 =	vadd.f32 v50, v12;
	v50 =	vld [tilespmem:s14+$0x160]  }
0x3bb: {  	v51 =	vld [tilespmem:s14+$0xE0];
	v10 =	vmul.f32 v46, v19;
	(erf) = vrcp.f32 v53;
	v13 =	vadd.f32 v49, v13  }
0x3bc: {  	v48 =	vld [tilespmem:s14+$0xD0];
	(erf) = vrcp.f32 v14  }
0x3bd: {  	v15 =	vld [tilespmem:s14+$0x60];
	v9 =	vadd.f32 v10, v9;
	v10 =	vmul.f32 v47, v20;
	v14 =	vperm.xlane v13, v16  }
0x3be: {  	v52 =	vld [tilespmem:s14+$0xF0]  }
0x3bf: {  	v53 =	vld [tilespmem:s14+$0x70];
	v9 =	vadd.f32 v10, v9;
	v10 =	vadd.f32 v13, v14;
	v13 =	vmul.f32 v50, v21  }
0x3c0: {  	v60 =	vmul.f32 v5, v20;
	v16 =	vld [tilespmem:$0x1FAA0]  }
0x3c1: {  	v49 =	vmul.f32 v48, v20;
	v9 =	vadd.f32 v13, v9;
	v13 =	vld [tilespmem:$0x1FAC0]  }
0x3c2: {  	v6 =	vadd.f32 v60, v6;
	v60 =	vmul.f32 v15, v21  }
0x3c3: {  	v12 =	vadd.f32 v49, v12;
	v49 =	vld [tilespmem:s14+$0x170]  }
0x3c4: {  	v19 =	vmovc v7;
	v7 =	vmul.f32 v51, v21;
	v6 =	vadd.f32 v60, v6;
	v60 =	vmul.f32 v52, v22  }
0x3c5: {  	v20 =	vmul.f32 v11, v16;
	v11 =	vmul.f32 v11, v37;
	v16 =	vpop (erf)  }
0x3c6: {  	v14 =	vmul.f32 v53, v22;
	v7 =	vadd.f32 v7, v12;
	v12 =	vld [tilespmem:$0x1FFD0];
	v13 =	vmul.f32 v16, v13  }
0x3c7: {  	[tilespmem:s8+$0x1E0] =	vst v11  }
0x3c8: {  	v6 =	vadd.f32 v14, v6;
	v7 =	vadd.f32 v60, v7;
	v11 =	vmul.f32 v49, v22;
	[tilespmem:s8+$0x0] =	vst v13;
	v13 =	vld [tilespmem:$0x1FA90]  }
0x3c9: {  	v14 =	vmul.f32 v16, v35  }
0x3ca: {  	v35 =	vperm.xlane v6, v17;
	v9 =	vadd.f32 v11, v9;
	v11 =	vperm.xlane v7, v17  }
0x3cb: {  	[tilespmem:$0x1FAA0] =	vst v19;
	v37 =	vmov v3;
	v19 =	vperm.xlane v10, v12  }
0x3cc: {  	v3 =	vadd.f32 v6, v35;
	v6 =	vperm.xlane v9, v17;
	v17 =	vmovc v1;
	v1 =	vadd.f32 v7, v11  }
0x3cd: {  	[tilespmem:s8+$0x20] =	vst v14;
	v14 =	vmov v4;
	v4 =	vmul.f32 v16, v43;
	v13 =	vmul.f32 v16, v13  }
0x3ce: {  	v10 =	vadd.f32 v10, v19;
	v35 =	vmovc v2;
	v7 =	vmul.f32 v16, v36;
	v2 =	vperm.xlane v1, v18  }
0x3cf: {  	v11 =	vmul.f32 v16, v42;
	[tilespmem:s8+$0x10] =	vst v13;
	v13 =	vmul.f32 v16, v40  }
0x3d0: {  	v10 =	vadd.f32 v10, v38;
	v1 =	vadd.f32 v1, v2;
	v2 =	vmul.f32 v16, v59;
	v16 =	vld [tilespmem:$0x1FFC0]  }
0x3d1: {  	[tilespmem:s8+$0x30] =	vst v13;
	v13 =	vperm.xlane v3, v18  }
0x3d2: {  	v6 =	vadd.f32 v9, v6;
	v10 =	vsub.f32 $0.0e+00, v10  }
0x3d3: {  	v3 =	vadd.f32 v3, v13  }
0x3d4: {  	v21 =	vmovc v25;
	v42 =	vmov v5;
	v5 =	vperm.xlane v6, v18;
	v9 =	vmul.f32 $1.442695020e+00, v10  }
0x3d5: {  	v25 =	vmov v0;
	v12 =	vpop (erf);
	[tilespmem:s8+$0x40] =	vst v7;
	v0 =	vperm.xlane v1, v16;
	v7 =	vperm.xlane v3, v16  }
0x3d6: {  	v60 =	vpop (erf);
	(erf) = vpow2.f32 v9;
	v9 =	vadd.f32 v6, v5  }
0x3d7: {  	[tilespmem:s8+$0x1D0] =	vst v20;
	v6 =	vadd.f32 v3, v7;
	v3 =	vadd.f32 v1, v0;
	v0 =	vld [tilespmem:$0x1FA40]  }
0x3d8: {  	[tilespmem:s8+$0x60] =	vst v4;
	v4 =	vld [tilespmem:$0x1FA20]  }
0x3d9: {  	v43 =	vmov v15;
	v15 =	vmul.f32 v12, v39;
	[tilespmem:s8+$0x70] =	vst v2;
	v2 =	vld [tilespmem:$0x1FA30]  }
0x3da: {  	[tilespmem:$0x1FAC0] =	vst v17;
	v5 =	vmul.f32 v12, v54  }
0x3db: {  	s13 =	sadd.s32 $0x4, s13;
	[tilespmem:s8+$0xB0] =	vst v15;
	v13 =	vld [tilespmem:$0x1FFD0]  }
0x3dc: {  	p1 =	slt.u32 s13, $0x4C;
	v19 =	vmov v58;
	[tilespmem:s8+$0x90] =	vst v5;
	v5 =	vmul.f32 v12, v0;
	v0 =	vld [tilespmem:$0x1FA50]  }
.Ltmp3:
0x3dd: {  	[tilespmem:$0x1FA90] =	vst v19;
	v4 =	vmul.f32 v12, v4;
	(pc) =	sbr.rel @p1 .LBB2_9-.Ltmp3, $4  }
0x3de: {  	v22 =	vmov v30;
	[tilespmem:s8+$0x50] =	vst v11;
	v10 =	vmul.f32 v12, v2  }
0x3df: {  	v30 =	vmovc v56;
	v38 =	vmov v62;
	[tilespmem:s8+$0x80] =	vst v4;
	v2 =	vmul.f32 v12, v55;
	v7 =	vperm.xlane v9, v16  }
0x3e0: {  	v11 =	vmovc v61;
	v40 =	vmov v8;
	[tilespmem:s8+$0xA0] =	vst v10;
	v1 =	vmul.f32 v12, v57;
	v8 =	vperm.xlane v6, v13  }
0x3e1: {  	s10 =	smov.u32 s14;
	s14 =	sadd.s32 $0x200, s14;
	v4 =	vadd.f32 v9, v7;
	v7 =	vperm.xlane v3, v13;
	v0 =	vmul.f32 v12, v0;
	v12 =	vmovc v63  }
0x3e2: {  	v9 =	vld [tilespmem:$0x1FB30];
	_ =	sdelay $0x2  }
0x3e3: {  	v6 =	vadd.f32 v6, v8;
	_ =	sdelay $0x1  }
0x3e4: {  	v6 =	vadd.f32 v6, v9;
	_ =	sdelay $0x1  }
0x3e5: {  	v8 =	vpop (erf);
	v6 =	vsub.f32 $0.0e+00, v6  }
0x3e6: {  	v8 =	vadd.f32 $1.000000000e+00, v8  }
0x3e7: {  	v3 =	vadd.f32 v3, v7;
	v6 =	vmul.f32 $1.442695020e+00, v6  }
0x3e8: {  	(erf) = vrcp.f32 v8  }
0x3e9: {  	v3 =	vadd.f32 v3, v9;
	(erf) = vpow2.f32 v6;
	v6 =	vperm.xlane v4, v13;
	_ =	sdelay $0x1  }
0x3ea: {  	[tilespmem:s8+$0xC0] =	vst v5;
	v3 =	vsub.f32 $0.0e+00, v3;
	v4 =	vadd.f32 v4, v6  }
0x3eb: {  	[tilespmem:s8+$0xD0] =	vst v2  }
0x3ec: {  	[tilespmem:s8+$0xE0] =	vst v0;
	v0 =	vmul.f32 $1.442695020e+00, v3;
	v3 =	vmul.f32 v60, v22;
	v2 =	vadd.f32 v4, v9  }
0x3ed: {  	[tilespmem:s8+$0xF0] =	vst v1;
	v4 =	vmul.f32 v60, v21  }
0x3ee: {  	[tilespmem:s8+$0x110] =	vst v3;
	v1 =	vsub.f32 $0.0e+00, v2;
	v2 =	vmul.f32 v60, v24  }
0x3ef: {  	[tilespmem:s8+$0x100] =	vst v4;
	v4 =	vmul.f32 v60, v23  }
0x3f0: {  	v1 =	vmul.f32 $1.442695020e+00, v1;
	[tilespmem:s8+$0x120] =	vst v2  }
0x3f1: {  	(erf) = vpow2.f32 v0;
	v0 =	vpop (erf);
	[tilespmem:s8+$0x130] =	vst v4  }
0x3f2: {  	v3 =	vpop (erf);
	(erf) = vpow2.f32 v1;
	v1 =	vld [tilespmem:$0x1FA60];
	_ =	sdelay $0x2  }
0x3f3: {  	v5 =	vmul.f32 v60, v27  }
0x3f4: {  	v2 =	vadd.f32 $1.000000000e+00, v3;
	v3 =	vmul.f32 v60, v28  }
0x3f5: {  	[tilespmem:s8+$0x140] =	vst v5;
	v1 =	vmul.f32 v60, v1  }
0x3f6: {  	[tilespmem:s8+$0x150] =	vst v3  }
0x3f7: {  	(erf) = vrcp.f32 v2;
	v2 =	vld [tilespmem:$0x1FA70];
	[tilespmem:s8+$0x160] =	vst v1  }
0x3f8: {  	v3 =	vld [tilespmem:$0x1FA80];
	_ =	sdelay $0x3  }
0x3f9: {  	v2 =	vmul.f32 v60, v2  }
0x3fa: {  	v1 =	vmul.f32 v0, v45;
	v3 =	vmul.f32 v0, v3  }
0x3fb: {  	[tilespmem:s8+$0x170] =	vst v2;
	v2 =	vmul.f32 v0, v32  }
0x3fc: {  	[tilespmem:s10+$0x1F0] =	vst v1  }
0x3fd: {  	v1 =	vmul.f32 v0, v33;
	[tilespmem:s10+$0x190] =	vst v2;
	v2 =	vmul.f32 v0, v31  }
0x3fe: {  	[tilespmem:s10+$0x180] =	vst v3;
	v3 =	vpop (erf)  }
0x3ff: {  	[tilespmem:s10+$0x1A0] =	vst v1;
	v3 =	vadd.f32 $1.000000000e+00, v3  }
0x400: {  	[tilespmem:s10+$0x1B0] =	vst v2  }
0x401: {  	v2 =	vpop (erf);
	(erf) = vrcp.f32 v3;
	v3 =	vld [tilespmem:$0x1FAA0];
	_ =	sdelay $0x3  }
0x402: {  	v1 =	vmul.f32 v0, v34  }
0x403: {  	v3 =	vmul.f32 v0, v3  }
0x404: {  	[tilespmem:s10+$0x1C0] =	vst v1;
	v0 =	vmul.f32 v0, v37  }
0x405: {  	[tilespmem:s10+$0x1D0] =	vst v3  }
0x406: {  	v3 =	vld [tilespmem:$0x1FAC0];
	[tilespmem:s10+$0x1E0] =	vst v0  }
0x407: {  	v0 =	vld [tilespmem:$0x1FA90];
	_ =	sdelay $0x2  }
0x408: {  	v1 =	vpop (erf)  }
0x409: {  	v3 =	vmul.f32 v1, v3  }
0x40a: {  	v0 =	vmul.f32 v1, v0  }
0x40b: {  	[tilespmem:s10+$0x0] =	vst v3;
	v3 =	vmul.f32 v1, v35  }
0x40c: {  	[tilespmem:s10+$0x10] =	vst v0  }
0x40d: {  	v0 =	vmul.f32 v1, v14;
	[tilespmem:s10+$0x20] =	vst v3;
	v3 =	vmul.f32 v1, v40  }
0x40e: {  	v2 =	vadd.f32 $1.000000000e+00, v2  }
0x40f: {  	[tilespmem:s10+$0x30] =	vst v0;
	v0 =	vmul.f32 v1, v42  }
0x410: {  	(erf) = vrcp.f32 v2;
	v2 =	vmul.f32 v1, v43;
	[tilespmem:s10+$0x40] =	vst v3  }
0x411: {  	[tilespmem:s10+$0x50] =	vst v0;
	v0 =	vmul.f32 v1, v53;
	v3 =	vpop (erf)  }
0x412: {  	[tilespmem:s10+$0x60] =	vst v2;
	v1 =	vmul.f32 v3, v25  }
0x413: {  	v2 =	vmul.f32 v3, v30;
	[tilespmem:s10+$0x70] =	vst v0  }
0x414: {  	v0 =	vmul.f32 v3, v38;
	[tilespmem:s10+$0x80] =	vst v1  }
0x415: {  	v1 =	vmul.f32 v3, v11;
	[tilespmem:s10+$0x90] =	vst v2;
	v2 =	vmul.f32 v3, v12  }
0x416: {  	[tilespmem:s10+$0xA0] =	vst v0  }
0x417: {  	v0 =	vmul.f32 v3, v48;
	[tilespmem:s10+$0xB0] =	vst v1  }
0x418: {  	v1 =	vmul.f32 v3, v51;
	[tilespmem:s10+$0xC0] =	vst v2  }
0x419: {  	v3 =	vmul.f32 v3, v52;
	[tilespmem:s10+$0xD0] =	vst v0;
	v2 =	vpop (erf)  }
0x41a: {  	[tilespmem:s10+$0xE0] =	vst v1;
	v0 =	vmul.f32 v2, v26  }
0x41b: {  	[tilespmem:s10+$0xF0] =	vst v3;
	v1 =	vmul.f32 v2, v29  }
0x41c: {  	v3 =	vmul.f32 v2, v41;
	[tilespmem:s10+$0x100] =	vst v0  }
0x41d: {  	v0 =	vmul.f32 v2, v44;
	[tilespmem:s10+$0x110] =	vst v1  }
0x41e: {  	v1 =	vmul.f32 v2, v46;
	[tilespmem:s10+$0x120] =	vst v3  }
0x41f: {  	v3 =	vmul.f32 v2, v47;
	[tilespmem:s10+$0x130] =	vst v0  }
0x420: {  	v0 =	vmul.f32 v2, v50;
	[tilespmem:s10+$0x140] =	vst v1  }
0x421: {  	[tilespmem:s10+$0x150] =	vst v3;
	v1 =	vmul.f32 v2, v49  }
0x422: {  	[tilespmem:s10+$0x160] =	vst v0  }
0x423: {  	[tilespmem:s10+$0x170] =	vst v1  }
0x424: {  	[spmem:s5] =	stream.indirect.scatter.add.f32 [tilespmem:s15], [sflag:$0xB], $0x80, s16, s25, $0xb8;
	[tilespmem:$0x1EF80] =	vst v63  }
0x425: {  	_ =	swait.ge [sflag:s4], $0x2800  }
0x426: {  	[sflag:s4] =	ssyncset.done $0x0  }
0x427: {  	[sflag:s4] =	ssyncadd.s32 $0xFFFFD800  }
0x428: {  	_ =	swait.ge [sflag:s2], $0x50  }
0x429: {  	[sflag:s2] =	ssyncset.done $0x0  }
0x42a: {  	s8 =	simm.s32 @!p0 $0xB;
	[sflag:s2] =	ssyncadd.s32 $0xFFFFFFB0  }
0x42b: {  	_ =	swait.ge @!p0 [sflag:s8], $0x2800  }
0x42c: {  	s7 =	sadd.s32 @!p0 s7, s23;
	[sflag:s8] =	ssyncset.done @!p0 $0x0  }
0x42d: {  	s13 =	simm.s32 @!p0 $0x18880;
	[sflag:s8] =	ssyncadd.s32 @!p0 $0xFFFFD800;
	s8 =	sshll.u32 @!p0 s7, $0x4  }
0x42e: {  	s10 =	simm.s32 @!p0 $0x0;
	s7 =	sshrl.u32 @!p0 s7, $0x3;
	s8 =	sadd.s32 @!p0 s0, s8  }
0x42f: {  	[tilespmem:s13], [sflag:$0x3] =	stream.linear.gather @!p0 [hbm4b:s8+s10], $0x2800, $0x38;
	[tilespmem:$0x1EF80] =	vst v63  }
0x430: {  	s7 =	sadd.s32 @!p0 s3, s7;
	s8 =	simm.s32 @!p0 $0x1D980  }
0x431: {  	[tilespmem:s8], [sflag:$0x7] =	stream.linear.gather @!p0 [hbm4b:s7+s10], $0x50, $0x38;
	[tilespmem:$0x1EF80] =	vst v63  }
0x432: {  	s7 =	simm.s32 $0x1B080  }
0x433: {  	v2 =	vld [tilespmem:s7+$0x10];
	_ =	sdelay $0x3  }
0x434: {  	v51 =	vld [tilespmem:s7+$0x180]  }
0x435: {  	v50 =	vld [tilespmem:s7+$0x190];
	[tilespmem:$0x1F980] =	vst v2  }
0x436: {  	v4 =	vld [tilespmem:s7+$0x80];
	_ =	sdelay $0x4  }
0x437: {  	v54 =	vld [tilespmem:s7+$0x1A0];
	[tilespmem:$0x1F9C0] =	vst v4  }
0x438: {  	v49 =	vld [tilespmem:s7+$0x1B0]  }
0x439: {  	v36 =	vld [tilespmem:s7+$0x90]  }
0x43a: {  	v5 =	vld [tilespmem:s7+$0x0]  }
0x43b: {  	v59 =	vld [tilespmem:s7+$0x1C0]  }
0x43c: {  	v21 =	vld [tilespmem:s7+$0x100]  }
0x43d: {  	v61 =	vld [tilespmem:s7+$0x1D0]  }
0x43e: {  	v22 =	vld [tilespmem:s7+$0x110]  }
0x43f: {  	v60 =	vld [tilespmem:s7+$0x1E0];
	[tilespmem:$0x1F970] =	vst v5  }
0x440: {  	v9 =	vld [tilespmem:s7+$0x20];
	_ =	sdelay $0x4  }
0x441: {  	v52 =	vld [tilespmem:s7+$0x1F0];
	[tilespmem:$0x1F990] =	vst v9  }
0x442: {  	v7 =	vld [tilespmem:s7+$0xA0];
	_ =	sdelay $0x4  }
0x443: {  	[tilespmem:$0x1F9D0] =	vst v7  }
0x444: {  	v10 =	vld [tilespmem:s7+$0x30];
	_ =	sdelay $0x2  }
0x445: {  	v11 =	vld [tilespmem:$0x1EE80]  }
0x446: {  	v12 =	vld [tilespmem:$0x1EE90]  }
0x447: {  	v24 =	vld [tilespmem:s7+$0x120];
	[tilespmem:$0x1F9A0] =	vst v10  }
0x448: {  	v8 =	vld [tilespmem:s7+$0xB0];
	_ =	sdelay $0x1  }
0x449: {  	v14 =	vld [tilespmem:$0x1EEA0];
	_ =	sdelay $0x1  }
0x44a: {  	v15 =	vld [tilespmem:$0x1EEB0]  }
0x44b: {  	v17 =	vld [tilespmem:$0x1EEC0];
	v0 =	vmul.f32 v51, v11;
	v1 =	vmul.f32 v50, v12;
	[tilespmem:$0x1F9E0] =	vst v8  }
0x44c: {  	v29 =	vld [tilespmem:s7+$0x40]  }
0x44d: {  	v0 =	vadd.f32 v1, v0;
	v1 =	vmul.f32 v54, v14  }
0x44e: {  	v18 =	vld [tilespmem:$0x1EED0]  }
0x44f: {  	v19 =	vld [tilespmem:$0x1EEE0];
	v0 =	vadd.f32 v1, v0;
	v1 =	vmul.f32 v49, v15  }
0x450: {  	v20 =	vld [tilespmem:$0x1EEF0]  }
0x451: {  	v0 =	vadd.f32 v1, v0;
	v1 =	vmul.f32 v59, v17;
	v23 =	vld [tilespmem:s7+$0x130];
	[tilespmem:$0x1F9B0] =	vst v29  }
0x452: {  	v25 =	vld [tilespmem:s7+$0xC0]  }
0x453: {  	v0 =	vadd.f32 v1, v0;
	v1 =	vmul.f32 v61, v18;
	_ =	sdelay $0x1  }
0x454: {  	v0 =	vadd.f32 v1, v0;
	v1 =	vmul.f32 v60, v19;
	_ =	sdelay $0x1  }
0x455: {  	v2 =	vmul.f32 v2, v12;
	v0 =	vadd.f32 v1, v0;
	v1 =	vmul.f32 v52, v20;
	[tilespmem:$0x1F9F0] =	vst v25  }
0x456: {  	v3 =	vmul.f32 v4, v11;
	v4 =	vmul.f32 v5, v11;
	v26 =	vld [tilespmem:s7+$0xD0]  }
0x457: {  	v6 =	vmul.f32 v21, v11;
	v0 =	vadd.f32 v1, v0;
	v1 =	vmul.f32 v22, v12  }
0x458: {  	v2 =	vadd.f32 v2, v4;
	v4 =	vmul.f32 v9, v14;
	v9 =	vld [tilespmem:$0x1FFE0]  }
0x459: {  	v1 =	vadd.f32 v1, v6;
	v6 =	vmul.f32 v10, v15;
	v10 =	vld [tilespmem:$0x1FFF0]  }
0x45a: {  	v2 =	vadd.f32 v4, v2;
	v27 =	vld [tilespmem:s7+$0x140]  }
0x45b: {  	v5 =	vmul.f32 v36, v12;
	v62 =	vld [tilespmem:s7+$0x50];
	[tilespmem:$0x1FA00] =	vst v26  }
0x45c: {  	v2 =	vadd.f32 v6, v2;
	v6 =	vmul.f32 v29, v17;
	v29 =	vld [tilespmem:s7+$0xE0]  }
0x45d: {  	v3 =	vadd.f32 v5, v3;
	v5 =	vmul.f32 v7, v14;
	v7 =	vperm.xlane v0, v9  }
0x45e: {  	v4 =	vmul.f32 v24, v14  }
0x45f: {  	v3 =	vadd.f32 v5, v3;
	v0 =	vadd.f32 v0, v7  }
0x460: {  	v1 =	vadd.f32 v4, v1;
	v5 =	vmul.f32 v8, v15;
	v4 =	vmul.f32 v23, v15;
	v28 =	vld [tilespmem:s7+$0x150]  }
0x461: {  	v7 =	vperm.xlane v0, v10;
	v58 =	vld [tilespmem:s7+$0x60];
	[tilespmem:$0x1FA10] =	vst v29  }
0x462: {  	v3 =	vadd.f32 v5, v3;
	v1 =	vadd.f32 v4, v1;
	v5 =	vmul.f32 v25, v17;
	v25 =	vld [tilespmem:s7+$0x160]  }
0x463: {  	v2 =	vadd.f32 v6, v2;
	v6 =	vadd.f32 v0, v7;
	v4 =	vmul.f32 v27, v17;
	v57 =	vld [tilespmem:s7+$0x70]  }
0x464: {  	v3 =	vadd.f32 v5, v3;
	v7 =	vmul.f32 v62, v18;
	v5 =	vmul.f32 v26, v18;
	v63 =	vld [tilespmem:s7+$0xF0]  }
0x465: {  	v8 =	vperm.xlane v6, v16;
	v1 =	vadd.f32 v4, v1;
	v4 =	vmul.f32 v28, v18;
	v0 =	vld [tilespmem:s7+$0x170]  }
0x466: {  	v2 =	vadd.f32 v7, v2;
	v3 =	vadd.f32 v5, v3;
	v7 =	vmul.f32 v58, v19  }
0x467: {  	v5 =	vmul.f32 v29, v19;
	v1 =	vadd.f32 v4, v1;
	v4 =	vadd.f32 v6, v8  }
0x468: {  	v2 =	vadd.f32 v7, v2;
	v6 =	vmul.f32 v25, v19;
	v7 =	vmul.f32 v57, v20  }
0x469: {  	v39 =	vld [tilespmem:$0x1EF00];
	v3 =	vadd.f32 v5, v3;
	v5 =	vperm.xlane v4, v13;
	v8 =	vmul.f32 v63, v20  }
0x46a: {  	v1 =	vadd.f32 v6, v1;
	v2 =	vadd.f32 v7, v2;
	v6 =	vmul.f32 v0, v20  }
0x46b: {  	v3 =	vadd.f32 v8, v3  }
0x46c: {  	v4 =	vadd.f32 v4, v5;
	v5 =	vperm.xlane v2, v9;
	v1 =	vadd.f32 v6, v1  }
0x46d: {  	v6 =	vperm.xlane v3, v9  }
0x46e: {  	v4 =	vadd.f32 v4, v39;
	v2 =	vadd.f32 v2, v5;
	v5 =	vperm.xlane v1, v9  }
0x46f: {  	v3 =	vadd.f32 v3, v6  }
0x470: {  	v4 =	vsub.f32 $0.0e+00, v4;
	v1 =	vadd.f32 v1, v5  }
0x471: {  	v6 =	vperm.xlane v2, v10;
	v5 =	vperm.xlane v3, v10  }
0x472: {  	v4 =	vmul.f32 $1.442695020e+00, v4;
	v7 =	vperm.xlane v1, v10  }
0x473: {  	[tilespmem:$0x1F880] =	vst v25;
	v2 =	vadd.f32 v2, v6;
	v3 =	vadd.f32 v3, v5  }
0x474: {  	s8 =	simm.s32 $0x1B280;
	[tilespmem:$0x1F890] =	vst v0;
	(erf) = vpow2.f32 v4;
	v1 =	vadd.f32 v1, v7  }
0x475: {  	v32 =	vld [tilespmem:s8+$0x190];
	v4 =	vperm.xlane v2, v16;
	v5 =	vperm.xlane v3, v16  }
0x476: {  	v7 =	vld [tilespmem:s8+$0x180];
	v6 =	vperm.xlane v1, v16  }
0x477: {  	v33 =	vld [tilespmem:s8+$0x1A0];
	v2 =	vadd.f32 v2, v4;
	v3 =	vadd.f32 v3, v5  }
0x478: {  	v25 =	vld [tilespmem:s8+$0x80];
	v1 =	vadd.f32 v1, v6  }
0x479: {  	v31 =	vld [tilespmem:s8+$0x1B0];
	v4 =	vperm.xlane v2, v13;
	v5 =	vperm.xlane v3, v13  }
0x47a: {  	v30 =	vld [tilespmem:s8+$0x90];
	v6 =	vperm.xlane v1, v13  }
0x47b: {  	v0 =	vld [tilespmem:s8+$0x10];
	[tilespmem:$0x1F8A0] =	vst v7;
	v2 =	vadd.f32 v2, v4;
	v3 =	vadd.f32 v3, v5  }
0x47c: {  	v5 =	vmul.f32 v7, v11;
	v34 =	vld [tilespmem:s8+$0x1C0];
	v1 =	vadd.f32 v1, v6;
	v6 =	vmul.f32 v32, v12  }
0x47d: {  	v26 =	vld [tilespmem:s8+$0x100];
	v4 =	vpop (erf);
	v2 =	vadd.f32 v2, v39;
	v3 =	vadd.f32 v3, v39  }
0x47e: {  	v8 =	vld [tilespmem:s8+$0x1D0];
	v4 =	vadd.f32 $1.000000000e+00, v4;
	v5 =	vadd.f32 v6, v5;
	v6 =	vmul.f32 v33, v14  }
0x47f: {  	v29 =	vld [tilespmem:s8+$0x110];
	v1 =	vadd.f32 v1, v39;
	v2 =	vsub.f32 $0.0e+00, v2  }
0x480: {  	v37 =	vld [tilespmem:s8+$0x1E0];
	[tilespmem:$0x1F8B0] =	vst v0;
	(erf) = vrcp.f32 v4;
	v4 =	vadd.f32 v6, v5;
	v5 =	vmul.f32 v31, v15  }
0x481: {  	v45 =	vld [tilespmem:s8+$0x1F0];
	v3 =	vsub.f32 $0.0e+00, v3;
	v1 =	vsub.f32 $0.0e+00, v1;
	v6 =	vmul.f32 v0, v12  }
0x482: {  	v2 =	vmul.f32 $1.442695020e+00, v2;
	v0 =	vld [tilespmem:s8+$0x0];
	v4 =	vadd.f32 v5, v4;
	v5 =	vmul.f32 v34, v17  }
0x483: {  	v53 =	vld [tilespmem:s8+$0x20];
	v3 =	vmul.f32 $1.442695020e+00, v3;
	[tilespmem:$0x1F8C0] =	vst v8;
	v1 =	vmul.f32 $1.442695020e+00, v1  }
0x484: {  	v38 =	vld [tilespmem:s8+$0xA0];
	(erf) = vpow2.f32 v2;
	v2 =	vadd.f32 v5, v4;
	v4 =	vmul.f32 v8, v18  }
0x485: {  	v41 =	vld [tilespmem:s8+$0x120];
	(erf) = vpow2.f32 v3  }
0x486: {  	v55 =	vld [tilespmem:s8+$0x30];
	[tilespmem:$0x1F8D0] =	vst v11;
	(erf) = vpow2.f32 v1;
	v1 =	vadd.f32 v4, v2;
	v2 =	vmul.f32 v37, v19  }
0x487: {  	v7 =	vmul.f32 v25, v11;
	[tilespmem:$0x1F8F0] =	vst v12;
	v4 =	vmul.f32 v0, v11  }
0x488: {  	v5 =	vmul.f32 v30, v12;
	v8 =	vmul.f32 v45, v20;
	[tilespmem:$0x1F8E0] =	vst v0;
	v1 =	vadd.f32 v2, v1  }
0x489: {  	v3 =	vmul.f32 v26, v11;
	v11 =	vld [tilespmem:s8+$0xB0];
	v4 =	vadd.f32 v6, v4;
	v6 =	vmul.f32 v53, v14  }
0x48a: {  	v5 =	vadd.f32 v5, v7;
	v44 =	vld [tilespmem:s8+$0x130];
	v2 =	vmul.f32 v29, v12;
	v1 =	vadd.f32 v8, v1  }
0x48b: {  	v7 =	vmul.f32 v55, v15;
	v4 =	vadd.f32 v6, v4;
	v6 =	vmul.f32 v41, v14  }
0x48c: {  	v2 =	vadd.f32 v2, v3;
	v3 =	vmul.f32 v38, v14;
	v8 =	vperm.xlane v1, v9  }
0x48d: {  	[tilespmem:$0x1F900] =	vst v14  }
0x48e: {  	v40 =	vld [tilespmem:s8+$0x40];
	v3 =	vadd.f32 v3, v5;
	v5 =	vpop (erf);
	v4 =	vadd.f32 v7, v4;
	v7 =	vmul.f32 v11, v15  }
0x48f: {  	v12 =	vld [tilespmem:s8+$0xC0];
	v56 =	vmul.f32 v44, v15;
	v2 =	vadd.f32 v6, v2;
	v6 =	vpop (erf);
	v1 =	vadd.f32 v1, v8  }
0x490: {  	v46 =	vld [tilespmem:s8+$0x140];
	[tilespmem:$0x1F910] =	vst v15;
	v3 =	vadd.f32 v7, v3;
	v6 =	vadd.f32 $1.000000000e+00, v6;
	v8 =	vpop (erf)  }
0x491: {  	v42 =	vld [tilespmem:s8+$0x50];
	v2 =	vadd.f32 v56, v2;
	v56 =	vmul.f32 v5, v51;
	v7 =	vadd.f32 $1.000000000e+00, v8;
	v8 =	vpop (erf)  }
0x492: {  	(erf) = vrcp.f32 v6;
	v6 =	vadd.f32 $1.000000000e+00, v8;
	v8 =	vperm.xlane v1, v10  }
0x493: {  	v48 =	vld [tilespmem:s8+$0xD0];
	(erf) = vrcp.f32 v7;
	v7 =	vmul.f32 v40, v17  }
0x494: {  	v47 =	vld [tilespmem:s8+$0x150];
	(erf) = vrcp.f32 v6;
	v6 =	vmul.f32 v12, v17  }
0x495: {  	v43 =	vld [tilespmem:s8+$0x60];
	[tilespmem:$0x1F920] =	vst v17;
	v1 =	vadd.f32 v1, v8;
	v8 =	vmul.f32 v46, v17;
	v4 =	vadd.f32 v7, v4  }
0x496: {  	v51 =	vld [tilespmem:s8+$0xE0];
	v7 =	vmul.f32 v5, v52;
	v52 =	vmul.f32 v42, v18;
	v3 =	vadd.f32 v6, v3  }
0x497: {  	v35 =	vmovc v53;
	v53 =	vperm.xlane v1, v16;
	v6 =	vadd.f32 v8, v2;
	v8 =	vmul.f32 v5, v50;
	v50 =	vld [tilespmem:s8+$0x160]  }
0x498: {  	v4 =	vadd.f32 v52, v4;
	v52 =	vld [tilespmem:s8+$0xF0]  }
0x499: {  	v1 =	vadd.f32 v1, v53;
	v53 =	vld [tilespmem:s8+$0x70];
	[tilespmem:$0x1F930] =	vst v18  }
0x49a: {  	[tilespmem:s7+$0x1F0] =	vst v7  }
0x49b: {  	[tilespmem:s7+$0x180] =	vst v56  }
0x49c: {  	v54 =	vmul.f32 v5, v54;
	[tilespmem:s7+$0x190] =	vst v8  }
0x49d: {  	v14 =	vmov v55;
	v55 =	vmul.f32 v5, v49;
	v49 =	vld [tilespmem:s8+$0x170];
	[tilespmem:$0x1F940] =	vst v19  }
0x49e: {  	v0 =	vmul.f32 v48, v18;
	[tilespmem:s7+$0x1A0] =	vst v54  }
0x49f: {  	[tilespmem:$0x1F950] =	vst v39  }
0x4a0: {  	v0 =	vadd.f32 v0, v3;
	v3 =	vmul.f32 v5, v59;
	[tilespmem:s7+$0x1B0] =	vst v55  }
0x4a1: {  	v7 =	vmul.f32 v43, v19;
	[tilespmem:$0x1F960] =	vst v20  }
0x4a2: {  	[tilespmem:s7+$0x1C0] =	vst v3  }
0x4a3: {  	v2 =	vmul.f32 v47, v18;
	v4 =	vadd.f32 v7, v4;
	v7 =	vmul.f32 v50, v19;
	v3 =	vld [tilespmem:$0x1F970];
	_ =	sdelay $0x1  }
0x4a4: {  	v2 =	vadd.f32 v2, v6;
	v6 =	vmul.f32 v5, v61;
	v8 =	vmul.f32 v53, v20  }
0x4a5: {  	v5 =	vmul.f32 v5, v60;
	v59 =	vperm.xlane v1, v13  }
0x4a6: {  	v2 =	vadd.f32 v7, v2;
	v4 =	vadd.f32 v8, v4;
	v7 =	vpop (erf);
	v8 =	vmul.f32 v49, v20;
	[tilespmem:s7+$0x1D0] =	vst v6  }
0x4a7: {  	v1 =	vadd.f32 v1, v59;
	v6 =	vld [tilespmem:$0x1F980];
	v3 =	vmul.f32 v7, v3  }
0x4a8: {  	v2 =	vadd.f32 v8, v2;
	v8 =	vperm.xlane v4, v9;
	[tilespmem:s7+$0x1E0] =	vst v5  }
0x4a9: {  	v1 =	vadd.f32 v1, v39;
	[tilespmem:s7+$0x0] =	vst v3  }
0x4aa: {  	v3 =	vadd.f32 v4, v8;
	v4 =	vld [tilespmem:$0x1F990]  }
0x4ab: {  	v1 =	vsub.f32 $0.0e+00, v1  }
0x4ac: {  	v6 =	vmul.f32 v7, v6  }
0x4ad: {  	v1 =	vmul.f32 $1.442695020e+00, v1  }
0x4ae: {  	v61 =	vmul.f32 v51, v19;
	[tilespmem:s7+$0x10] =	vst v6  }
0x4af: {  	(erf) = vpow2.f32 v1;
	v1 =	vld [tilespmem:$0x1F9A0];
	v4 =	vmul.f32 v7, v4  }
0x4b0: {  	v0 =	vadd.f32 v61, v0;
	v39 =	vmul.f32 v52, v20  }
0x4b1: {  	[tilespmem:s7+$0x20] =	vst v4  }
0x4b2: {  	v0 =	vadd.f32 v39, v0;
	v4 =	vld [tilespmem:$0x1F9B0];
	_ =	sdelay $0x1  }
0x4b3: {  	v5 =	vperm.xlane v0, v9;
	v1 =	vmul.f32 v7, v1;
	_ =	sdelay $0x1  }
0x4b4: {  	v0 =	vadd.f32 v0, v5;
	[tilespmem:s7+$0x30] =	vst v1;
	v1 =	vmul.f32 v7, v62  }
0x4b5: {  	v4 =	vmul.f32 v7, v4  }
0x4b6: {  	v6 =	vperm.xlane v0, v10;
	[tilespmem:s7+$0x50] =	vst v1  }
0x4b7: {  	[tilespmem:s7+$0x40] =	vst v4  }
0x4b8: {  	v0 =	vadd.f32 v0, v6;
	v6 =	vld [tilespmem:$0x1F9C0]  }
0x4b9: {  	v1 =	vmul.f32 v7, v57  }
0x4ba: {  	v8 =	vperm.xlane v2, v9;
	v4 =	vmul.f32 v7, v58  }
0x4bb: {  	[tilespmem:s7+$0x70] =	vst v1  }
0x4bc: {  	v59 =	vpop (erf);
	v2 =	vadd.f32 v2, v8;
	v5 =	vperm.xlane v3, v10;
	[tilespmem:s7+$0x60] =	vst v4  }
0x4bd: {  	v7 =	vmul.f32 v59, v6;
	v6 =	vld [tilespmem:$0x1F9D0]  }
0x4be: {  	v3 =	vadd.f32 v3, v5;
	v5 =	vperm.xlane v2, v10;
	_ =	sdelay $0x1  }
0x4bf: {  	v4 =	vadd.f32 v2, v5;
	v2 =	vperm.xlane v3, v16;
	v5 =	vmul.f32 v59, v36  }
0x4c0: {  	v1 =	vperm.xlane v0, v16;
	[tilespmem:s7+$0x80] =	vst v7  }
0x4c1: {  	v8 =	vmul.f32 v59, v6;
	v6 =	vadd.f32 v3, v2;
	v2 =	vld [tilespmem:$0x1F9E0];
	[tilespmem:s7+$0x90] =	vst v5  }
0x4c2: {  	v3 =	vadd.f32 v0, v1;
	v0 =	vld [tilespmem:$0x1F9F0];
	_ =	sdelay $0x4  }
0x4c3: {  	v5 =	vmul.f32 v59, v0;
	v0 =	vld [tilespmem:$0x1FA00];
	_ =	sdelay $0x3  }
0x4c4: {  	[tilespmem:s7+$0xA0] =	vst v8  }
0x4c5: {  	v62 =	vmul.f32 v59, v2;
	v2 =	vmul.f32 v59, v0;
	v0 =	vld [tilespmem:$0x1FA10];
	_ =	sdelay $0x1  }
0x4c6: {  	v7 =	vperm.xlane v4, v16;
	_ =	sdelay $0x1  }
0x4c7: {  	v4 =	vadd.f32 v4, v7;
	v1 =	vmul.f32 v59, v63;
	v7 =	vperm.xlane v3, v13  }
0x4c8: {  	s13 =	simm.s32 $0x1B480;
	s10 =	simm.s32 $0x4;
	v60 =	vpop (erf);
	v8 =	vperm.xlane v6, v13;
	[tilespmem:s7+$0xB0] =	vst v62;
	v0 =	vmul.f32 v59, v0  }
.LBB2_11:
0x4c9: {  	v61 =	vld [tilespmem:s13+$0x180]  }
0x4ca: {  	[tilespmem:s7+$0xC0] =	vst v5;
	v5 =	vld [tilespmem:s13+$0x190]  }
0x4cb: {  	v58 =	vld [tilespmem:s13+$0x10]  }
0x4cc: {  	[tilespmem:$0x1F850] =	vst v38;
	v38 =	vld [tilespmem:$0x1F950]  }
0x4cd: {  	v9 =	vld [tilespmem:s13+$0x1B0]  }
0x4ce: {  	[tilespmem:$0x1F860] =	vst v12;
	v12 =	vld [tilespmem:$0x1F8D0]  }
0x4cf: {  	v10 =	vld [tilespmem:s13+$0x1C0]  }
0x4d0: {  	v36 =	vmov v40;
	v40 =	vmov v14;
	v14 =	vld [tilespmem:$0x1F900]  }
0x4d1: {  	v19 =	vld [tilespmem:$0x1F920];
	[tilespmem:s7+$0xD0] =	vst v2;
	v2 =	vmul.f32 v60, v22  }
0x4d2: {  	[tilespmem:s7+$0xE0] =	vst v0;
	v0 =	vld [tilespmem:s13+$0x80]  }
0x4d3: {  	[tilespmem:s7+$0x110] =	vst v2;
	v2 =	vld [tilespmem:$0x1F880]  }
0x4d4: {  	[tilespmem:$0x1F840] =	vst v25;
	v54 =	vmul.f32 v60, v21;
	v56 =	vld [tilespmem:s13+$0x90]  }
0x4d5: {  	v55 =	vmul.f32 v60, v24;
	v8 =	vadd.f32 v6, v8;
	v6 =	vperm.xlane v4, v13;
	[tilespmem:s7+$0xF0] =	vst v1;
	v13 =	vld [tilespmem:$0x1F8F0]  }
0x4d6: {  	v57 =	vmul.f32 v60, v23;
	v20 =	vld [tilespmem:$0x1F930];
	v3 =	vadd.f32 v3, v7;
	v7 =	vpop (erf);
	[tilespmem:s7+$0x100] =	vst v54  }
0x4d7: {  	v1 =	vmul.f32 v60, v27;
	v22 =	vld [tilespmem:$0x1F960];
	v7 =	vadd.f32 $1.000000000e+00, v7;
	[tilespmem:s7+$0x120] =	vst v55;
	v8 =	vadd.f32 v8, v38  }
0x4d8: {  	[tilespmem:s7+$0x130] =	vst v57;
	v4 =	vadd.f32 v4, v6;
	v6 =	vld [tilespmem:s13+$0x1A0];
	v2 =	vmul.f32 v60, v2  }
0x4d9: {  	v25 =	vmov v26;
	[tilespmem:s7+$0x140] =	vst v1;
	(erf) = vrcp.f32 v7;
	v26 =	vld [tilespmem:s13+$0x100];
	v15 =	vsub.f32 $0.0e+00, v8  }
0x4da: {  	v54 =	vmovc v30;
	v30 =	vmov v29;
	v29 =	vld [tilespmem:s13+$0x110];
	v63 =	vmul.f32 v0, v12;
	[tilespmem:s7+$0x160] =	vst v2;
	v2 =	vmul.f32 v56, v13  }
0x4db: {  	v24 =	vmovc v41;
	v27 =	vmovc v46;
	v3 =	vadd.f32 v3, v38;
	v4 =	vadd.f32 v4, v38;
	v41 =	vmul.f32 $1.442695020e+00, v15;
	v15 =	vld [tilespmem:$0x1F910]  }
0x4dc: {  	v1 =	vmovc v50;
	v21 =	vmul.f32 v5, v13;
	v8 =	vmul.f32 v61, v12;
	v46 =	vadd.f32 v2, v63;
	v2 =	vld [tilespmem:$0x1F890]  }
0x4dd: {  	v59 =	vmul.f32 v60, v28;
	v23 =	vmovc v44;
	v7 =	vmovc v51;
	[tilespmem:$0x1F880] =	vst v1;
	v1 =	vld [tilespmem:s13+$0x0];
	v3 =	vsub.f32 $0.0e+00, v3;
	v4 =	vsub.f32 $0.0e+00, v4  }
0x4de: {  	v44 =	vmul.f32 v58, v13;
	[tilespmem:$0x1F870] =	vst v7;
	v7 =	vld [tilespmem:s13+$0x1D0];
	v39 =	vmul.f32 v6, v14;
	v8 =	vadd.f32 v21, v8  }
0x4df: {  	v62 =	vmul.f32 $1.442695020e+00, v3;
	v4 =	vmul.f32 $1.442695020e+00, v4;
	v3 =	vld [tilespmem:s13+$0x1E0]  }
0x4e0: {  	v57 =	vmovc v52;
	v21 =	vld [tilespmem:$0x1F940];
	v8 =	vadd.f32 v39, v8;
	(erf) = vpow2.f32 v41;
	v52 =	vmul.f32 v9, v15  }
0x4e1: {  	v28 =	vmov v47;
	[tilespmem:s7+$0x150] =	vst v59;
	v18 =	vmul.f32 v60, v2;
	v60 =	vmul.f32 v29, v13;
	v13 =	vld [tilespmem:$0x1F8A0]  }
0x4e2: {  	v59 =	vmovc v53;
	v53 =	vmul.f32 v10, v19;
	v50 =	vld [tilespmem:s13+$0x1F0];
	v47 =	vmul.f32 v26, v12;
	v8 =	vadd.f32 v52, v8  }
0x4e3: {  	v17 =	vmovc v49;
	v55 =	vmovc v48;
	(erf) = vpow2.f32 v62;
	v39 =	vmov v11;
	v48 =	vmul.f32 v7, v20;
	v2 =	vld [tilespmem:s13+$0x20]  }
0x4e4: {  	v41 =	vld [tilespmem:s13+$0x120];
	[tilespmem:$0x1F890] =	vst v17;
	(erf) = vpow2.f32 v4;
	v11 =	vpop (erf);
	v4 =	vmov v61;
	v8 =	vadd.f32 v53, v8  }
0x4e5: {  	v33 =	vmul.f32 v11, v33;
	v52 =	vmul.f32 v3, v21;
	[tilespmem:$0x1F8A0] =	vst v4;
	v4 =	vld [tilespmem:s13+$0x30]  }
0x4e6: {  	v62 =	vld [tilespmem:s13+$0xA0];
	v53 =	vmul.f32 v1, v12;
	[tilespmem:s7+$0x170] =	vst v18;
	s7 =	smov.u32 s8;
	v8 =	vadd.f32 v48, v8;
	v63 =	vmul.f32 v11, v13  }
0x4e7: {  	v49 =	vmul.f32 v50, v22;
	v17 =	vld [tilespmem:$0x1FFE0];
	v47 =	vadd.f32 v60, v47;
	[tilespmem:s7+$0x1A0] =	vst v33;
	v33 =	vmul.f32 v11, v34  }
0x4e8: {  	v61 =	vld [tilespmem:s13+$0xB0];
	v48 =	vadd.f32 v52, v8;
	v13 =	vadd.f32 v44, v53;
	v60 =	vmul.f32 v2, v14  }
0x4e9: {  	v45 =	vmul.f32 v11, v45;
	v44 =	vld [tilespmem:s13+$0x130]  }
0x4ea: {  	v8 =	vld [tilespmem:s13+$0x40];
	[tilespmem:s7+$0x180] =	vst v63;
	v49 =	vadd.f32 v49, v48;
	v18 =	vadd.f32 v60, v13;
	v48 =	vmul.f32 v4, v15;
	v63 =	vpop (erf)  }
0x4eb: {  	v51 =	vmul.f32 v62, v14;
	v12 =	vmul.f32 v11, v31;
	[tilespmem:s7+$0x1F0] =	vst v45;
	v52 =	vadd.f32 $1.000000000e+00, v63;
	v63 =	vld [tilespmem:s13+$0xC0]  }
0x4ec: {  	v45 =	vmul.f32 v41, v14;
	[tilespmem:s7+$0x1C0] =	vst v33;
	v33 =	vmov v6;
	v6 =	vadd.f32 v48, v18;
	v18 =	vld [tilespmem:$0x1FFF0]  }
0x4ed: {  	v32 =	vmul.f32 v11, v32;
	v51 =	vadd.f32 v51, v46;
	v60 =	vperm.xlane v49, v17;
	v31 =	vpop (erf)  }
0x4ee: {  	[tilespmem:s7+$0x1B0] =	vst v12;
	v46 =	vld [tilespmem:s13+$0x140];
	v12 =	vmul.f32 v61, v15;
	v13 =	vadd.f32 v45, v47;
	v53 =	vadd.f32 $1.000000000e+00, v31;
	v31 =	vpop (erf)  }
0x4ef: {  	v34 =	vmovc v10;
	v49 =	vadd.f32 v49, v60;
	v14 =	vadd.f32 $1.000000000e+00, v31;
	v31 =	vmovc v9;
	v9 =	vmul.f32 v44, v15  }
0x4f0: {  	v12 =	vadd.f32 v12, v51;
	v47 =	vld [tilespmem:s13+$0x150];
	v45 =	vmovc v50;
	v10 =	vmul.f32 v8, v19;
	v50 =	vmul.f32 v63, v19  }
0x4f1: {  	[tilespmem:s7+$0x190] =	vst v32;
	v32 =	vmov v5;
	v5 =	vld [tilespmem:s13+$0x50];
	v9 =	vadd.f32 v9, v13;
	v13 =	vperm.xlane v49, v18  }
0x4f2: {  	(erf) = vrcp.f32 v52;
	v6 =	vadd.f32 v10, v6;
	v12 =	vadd.f32 v50, v12;
	v50 =	vld [tilespmem:s13+$0x160]  }
0x4f3: {  	v51 =	vld [tilespmem:s13+$0xE0];
	v10 =	vmul.f32 v46, v19;
	(erf) = vrcp.f32 v53;
	v13 =	vadd.f32 v49, v13  }
0x4f4: {  	v48 =	vld [tilespmem:s13+$0xD0];
	(erf) = vrcp.f32 v14  }
0x4f5: {  	v15 =	vld [tilespmem:s13+$0x60];
	v9 =	vadd.f32 v10, v9;
	v10 =	vmul.f32 v47, v20;
	v14 =	vperm.xlane v13, v16  }
0x4f6: {  	v52 =	vld [tilespmem:s13+$0xF0]  }
0x4f7: {  	v53 =	vld [tilespmem:s13+$0x70];
	v9 =	vadd.f32 v10, v9;
	v10 =	vadd.f32 v13, v14;
	v13 =	vmul.f32 v50, v21  }
0x4f8: {  	v60 =	vmul.f32 v5, v20;
	v16 =	vld [tilespmem:$0x1F8C0]  }
0x4f9: {  	v49 =	vmul.f32 v48, v20;
	v9 =	vadd.f32 v13, v9;
	v13 =	vld [tilespmem:$0x1F8E0]  }
0x4fa: {  	v6 =	vadd.f32 v60, v6;
	v60 =	vmul.f32 v15, v21  }
0x4fb: {  	v12 =	vadd.f32 v49, v12;
	v49 =	vld [tilespmem:s13+$0x170]  }
0x4fc: {  	v19 =	vmovc v7;
	v7 =	vmul.f32 v51, v21;
	v6 =	vadd.f32 v60, v6;
	v60 =	vmul.f32 v52, v22  }
0x4fd: {  	v20 =	vmul.f32 v11, v16;
	v11 =	vmul.f32 v11, v37;
	v16 =	vpop (erf)  }
0x4fe: {  	v14 =	vmul.f32 v53, v22;
	v7 =	vadd.f32 v7, v12;
	v12 =	vld [tilespmem:$0x1FFD0];
	v13 =	vmul.f32 v16, v13  }
0x4ff: {  	[tilespmem:s7+$0x1E0] =	vst v11  }
0x500: {  	v6 =	vadd.f32 v14, v6;
	v7 =	vadd.f32 v60, v7;
	v11 =	vmul.f32 v49, v22;
	[tilespmem:s7+$0x0] =	vst v13;
	v13 =	vld [tilespmem:$0x1F8B0]  }
0x501: {  	v14 =	vmul.f32 v16, v35  }
0x502: {  	v35 =	vperm.xlane v6, v17;
	v9 =	vadd.f32 v11, v9;
	v11 =	vperm.xlane v7, v17  }
0x503: {  	[tilespmem:$0x1F8C0] =	vst v19;
	v37 =	vmov v3;
	v19 =	vperm.xlane v10, v12  }
0x504: {  	v3 =	vadd.f32 v6, v35;
	v6 =	vperm.xlane v9, v17;
	v17 =	vmovc v1;
	v1 =	vadd.f32 v7, v11  }
0x505: {  	[tilespmem:s7+$0x20] =	vst v14;
	v14 =	vmov v4;
	v4 =	vmul.f32 v16, v43;
	v13 =	vmul.f32 v16, v13  }
0x506: {  	v10 =	vadd.f32 v10, v19;
	v35 =	vmovc v2;
	v7 =	vmul.f32 v16, v36;
	v2 =	vperm.xlane v1, v18  }
0x507: {  	v11 =	vmul.f32 v16, v42;
	[tilespmem:s7+$0x10] =	vst v13;
	v13 =	vmul.f32 v16, v40  }
0x508: {  	v10 =	vadd.f32 v10, v38;
	v1 =	vadd.f32 v1, v2;
	v2 =	vmul.f32 v16, v59;
	v16 =	vld [tilespmem:$0x1FFC0]  }
0x509: {  	[tilespmem:s7+$0x30] =	vst v13;
	v13 =	vperm.xlane v3, v18  }
0x50a: {  	v6 =	vadd.f32 v9, v6;
	v10 =	vsub.f32 $0.0e+00, v10  }
0x50b: {  	v3 =	vadd.f32 v3, v13  }
0x50c: {  	v21 =	vmovc v25;
	v42 =	vmov v5;
	v5 =	vperm.xlane v6, v18;
	v9 =	vmul.f32 $1.442695020e+00, v10  }
0x50d: {  	v25 =	vmov v0;
	v12 =	vpop (erf);
	[tilespmem:s7+$0x40] =	vst v7;
	v0 =	vperm.xlane v1, v16;
	v7 =	vperm.xlane v3, v16  }
0x50e: {  	v60 =	vpop (erf);
	(erf) = vpow2.f32 v9;
	v9 =	vadd.f32 v6, v5  }
0x50f: {  	[tilespmem:s7+$0x1D0] =	vst v20;
	v6 =	vadd.f32 v3, v7;
	v3 =	vadd.f32 v1, v0;
	v0 =	vld [tilespmem:$0x1F860]  }
0x510: {  	[tilespmem:s7+$0x60] =	vst v4;
	v4 =	vld [tilespmem:$0x1F840]  }
0x511: {  	v43 =	vmov v15;
	v15 =	vmul.f32 v12, v39;
	[tilespmem:s7+$0x70] =	vst v2;
	v2 =	vld [tilespmem:$0x1F850]  }
0x512: {  	[tilespmem:$0x1F8E0] =	vst v17;
	v5 =	vmul.f32 v12, v54  }
0x513: {  	s10 =	sadd.s32 $0x4, s10;
	[tilespmem:s7+$0xB0] =	vst v15;
	v13 =	vld [tilespmem:$0x1FFD0]  }
0x514: {  	p0 =	slt.u32 s10, $0x4C;
	v19 =	vmov v58;
	[tilespmem:s7+$0x90] =	vst v5;
	v5 =	vmul.f32 v12, v0;
	v0 =	vld [tilespmem:$0x1F870]  }
.Ltmp4:
0x515: {  	[tilespmem:$0x1F8B0] =	vst v19;
	v4 =	vmul.f32 v12, v4;
	(pc) =	sbr.rel @p0 .LBB2_11-.Ltmp4, $4  }
0x516: {  	v22 =	vmov v30;
	[tilespmem:s7+$0x50] =	vst v11;
	v10 =	vmul.f32 v12, v2  }
0x517: {  	v30 =	vmovc v56;
	v38 =	vmov v62;
	[tilespmem:s7+$0x80] =	vst v4;
	v2 =	vmul.f32 v12, v55;
	v7 =	vperm.xlane v9, v16  }
0x518: {  	v11 =	vmovc v61;
	v40 =	vmov v8;
	[tilespmem:s7+$0xA0] =	vst v10;
	v1 =	vmul.f32 v12, v57;
	v8 =	vperm.xlane v6, v13  }
0x519: {  	s8 =	smov.u32 s13;
	s13 =	sadd.s32 $0x200, s13;
	v4 =	vadd.f32 v9, v7;
	v7 =	vperm.xlane v3, v13;
	v0 =	vmul.f32 v12, v0;
	v12 =	vmovc v63  }
0x51a: {  	v9 =	vld [tilespmem:$0x1F950];
	_ =	sdelay $0x1  }
0x51b: {  	[tilespmem:s7+$0xC0] =	vst v5  }
0x51c: {  	v6 =	vadd.f32 v6, v8;
	v8 =	vpop (erf);
	[tilespmem:s7+$0xD0] =	vst v2  }
0x51d: {  	v36 =	vmul.f32 v60, v21;
	[tilespmem:s7+$0xF0] =	vst v1;
	v8 =	vadd.f32 $1.000000000e+00, v8  }
0x51e: {  	v54 =	vmul.f32 v60, v22;
	v63 =	vperm.xlane v4, v13;
	[tilespmem:s7+$0xE0] =	vst v0;
	v6 =	vadd.f32 v6, v9  }
0x51f: {  	v56 =	vmul.f32 v60, v24;
	v3 =	vadd.f32 v3, v7;
	[tilespmem:s7+$0x100] =	vst v36;
	(erf) = vrcp.f32 v8  }
0x520: {  	v58 =	vmul.f32 v60, v23;
	[tilespmem:s7+$0x110] =	vst v54;
	v4 =	vadd.f32 v4, v63;
	v6 =	vsub.f32 $0.0e+00, v6  }
0x521: {  	[tilespmem:s7+$0x120] =	vst v56;
	v3 =	vadd.f32 v3, v9  }
0x522: {  	v61 =	vmul.f32 v60, v27;
	[tilespmem:s7+$0x130] =	vst v58;
	v20 =	vadd.f32 v4, v9;
	v6 =	vmul.f32 $1.442695020e+00, v6  }
0x523: {  	v63 =	vmul.f32 v60, v28;
	v4 =	vld [tilespmem:$0x1F880];
	v3 =	vsub.f32 $0.0e+00, v3  }
0x524: {  	[tilespmem:s7+$0x140] =	vst v61;
	v55 =	vsub.f32 $0.0e+00, v20;
	(erf) = vpow2.f32 v6  }
0x525: {  	[tilespmem:s7+$0x150] =	vst v63;
	v39 =	vmul.f32 $1.442695020e+00, v3  }
0x526: {  	v5 =	vld [tilespmem:$0x1F890];
	v1 =	vmul.f32 $1.442695020e+00, v55  }
0x527: {  	(erf) = vpow2.f32 v39  }
0x528: {  	v57 =	vpop (erf);
	(erf) = vpow2.f32 v1;
	v1 =	vmul.f32 v60, v4;
	_ =	sdelay $0x1  }
0x529: {  	[tilespmem:s7+$0x160] =	vst v1  }
0x52a: {  	v2 =	vmul.f32 v60, v5;
	v3 =	vld [tilespmem:$0x1F8A0]  }
0x52b: {  	v6 =	vmul.f32 v57, v45  }
0x52c: {  	v7 =	vmul.f32 v57, v32;
	[tilespmem:s7+$0x170] =	vst v2;
	v59 =	vpop (erf)  }
0x52d: {  	v20 =	vmul.f32 v57, v33;
	[tilespmem:s8+$0x1F0] =	vst v6;
	v62 =	vadd.f32 $1.000000000e+00, v59  }
0x52e: {  	v22 =	vmul.f32 v57, v31;
	[tilespmem:s8+$0x190] =	vst v7  }
0x52f: {  	[tilespmem:s8+$0x1A0] =	vst v20;
	v3 =	vmul.f32 v57, v3;
	(erf) = vrcp.f32 v62  }
0x530: {  	[tilespmem:s8+$0x1B0] =	vst v22  }
0x531: {  	[tilespmem:s8+$0x180] =	vst v3  }
0x532: {  	v21 =	vpop (erf);
	v27 =	vld [tilespmem:$0x1F8C0]  }
0x533: {  	v3 =	vadd.f32 $1.000000000e+00, v21;
	_ =	sdelay $0x1  }
0x534: {  	v24 =	vpop (erf);
	(erf) = vrcp.f32 v3  }
0x535: {  	v23 =	vmul.f32 v57, v34  }
0x536: {  	v3 =	vmul.f32 v57, v27  }
0x537: {  	v0 =	vmul.f32 v57, v37;
	[tilespmem:s8+$0x1C0] =	vst v23;
	v28 =	vpop (erf)  }
0x538: {  	[tilespmem:s8+$0x1D0] =	vst v3;
	v31 =	vmul.f32 v28, v35  }
0x539: {  	v3 =	vld [tilespmem:$0x1F8E0];
	[tilespmem:s8+$0x1E0] =	vst v0;
	v32 =	vmul.f32 v28, v14  }
0x53a: {  	v0 =	vld [tilespmem:$0x1F8B0];
	v33 =	vmul.f32 v28, v40;
	[tilespmem:s8+$0x20] =	vst v31  }
0x53b: {  	v34 =	vmul.f32 v28, v42;
	[tilespmem:s8+$0x30] =	vst v32  }
0x53c: {  	v2 =	vadd.f32 $1.000000000e+00, v24;
	v35 =	vmul.f32 v28, v43;
	[tilespmem:s8+$0x40] =	vst v33  }
0x53d: {  	v37 =	vmul.f32 v28, v53;
	v36 =	vpop (erf);
	[tilespmem:s8+$0x50] =	vst v34  }
0x53e: {  	(erf) = vrcp.f32 v2;
	[tilespmem:s8+$0x60] =	vst v35;
	v39 =	vmul.f32 v36, v25  }
0x53f: {  	v40 =	vmul.f32 v36, v30;
	[tilespmem:s8+$0x70] =	vst v37  }
0x540: {  	v42 =	vmul.f32 v36, v38;
	[tilespmem:s8+$0x80] =	vst v39  }
0x541: {  	v43 =	vmul.f32 v36, v11;
	[tilespmem:s8+$0x90] =	vst v40  }
0x542: {  	v45 =	vmul.f32 v36, v12;
	[tilespmem:s8+$0xA0] =	vst v42  }
0x543: {  	v53 =	vmul.f32 v36, v48;
	[tilespmem:s8+$0xB0] =	vst v43  }
0x544: {  	v54 =	vmul.f32 v36, v51;
	[tilespmem:s8+$0xC0] =	vst v45  }
0x545: {  	v3 =	vmul.f32 v28, v3;
	[tilespmem:s8+$0xD0] =	vst v53  }
0x546: {  	[tilespmem:s8+$0xE0] =	vst v54;
	v0 =	vmul.f32 v28, v0  }
0x547: {  	[tilespmem:s8+$0x0] =	vst v3;
	v3 =	vmul.f32 v36, v52;
	v55 =	vpop (erf)  }
0x548: {  	[tilespmem:s8+$0x10] =	vst v0;
	v56 =	vmul.f32 v55, v26  }
0x549: {  	[tilespmem:s8+$0xF0] =	vst v3;
	v57 =	vmul.f32 v55, v29  }
0x54a: {  	v58 =	vmul.f32 v55, v41;
	[tilespmem:s8+$0x100] =	vst v56  }
0x54b: {  	v59 =	vmul.f32 v55, v44;
	[tilespmem:s8+$0x110] =	vst v57  }
0x54c: {  	v60 =	vmul.f32 v55, v46;
	[tilespmem:s8+$0x120] =	vst v58  }
0x54d: {  	s1 =	sadd.s32 $0x1, s1;
	v61 =	vmul.f32 v55, v47;
	[tilespmem:s8+$0x130] =	vst v59  }
0x54e: {  	p0 =	sne.s32 s1, $0x1F;
	v62 =	vmul.f32 v55, v50;
	[tilespmem:s8+$0x140] =	vst v60  }
.Ltmp5:
0x54f: {  	v63 =	vmul.f32 v55, v49;
	[tilespmem:s8+$0x150] =	vst v61;
	(pc) =	sbr.rel @p0 .LBB2_4-.Ltmp5, $4  }
0x550: {  	[tilespmem:s8+$0x160] =	vst v62  }
0x551: {  	[tilespmem:s8+$0x170] =	vst v63  }
0x552: {  	v9 =	vld [tilespmem:$0x1FFE0]  }
0x553: {  	[spmem:s5] =	stream.indirect.scatter.add.f32 [tilespmem:s21], [sflag:$0xC], $0x80, s24, s25, $0xb8;
	v10 =	vld [tilespmem:$0x1FFF0]  }
0x554: {  	_ =	swait.ge [sflag:s17], $0x2800  }
0x555: {  	[sflag:s17] =	ssyncset.done $0x0  }
0x556: {  	[sflag:s17] =	ssyncadd.s32 $0xFFFFD800  }
0x557: {  	_ =	swait.ge [sflag:s18], $0x50  }
0x558: {  	[sflag:s18] =	ssyncset.done $0x0  }
0x559: {  	s1 =	simm.s32 $0x13980;
	[sflag:s18] =	ssyncadd.s32 $0xFFFFFFB0  }
0x55a: {  	v2 =	vld [tilespmem:s1+$0xFFFFFF10];
	_ =	sdelay $0x3  }
0x55b: {  	v51 =	vld [tilespmem:s1+$0x80]  }
0x55c: {  	v50 =	vld [tilespmem:s1+$0x90];
	[tilespmem:$0x1F7A0] =	vst v2  }
0x55d: {  	v4 =	vld [tilespmem:s1+$0xFFFFFF80];
	_ =	sdelay $0x4  }
0x55e: {  	v54 =	vld [tilespmem:s1+$0xA0];
	[tilespmem:$0x1F7E0] =	vst v4  }
0x55f: {  	v49 =	vld [tilespmem:s1+$0xB0]  }
0x560: {  	v36 =	vld [tilespmem:s1+$0xFFFFFF90]  }
0x561: {  	v5 =	vld [tilespmem:s1+$0xFFFFFF00]  }
0x562: {  	v59 =	vld [tilespmem:s1+$0xC0]  }
0x563: {  	v21 =	vld [tilespmem:s1+$0x0]  }
0x564: {  	v61 =	vld [tilespmem:s1+$0xD0]  }
0x565: {  	v22 =	vld [tilespmem:s1+$0x10]  }
0x566: {  	v60 =	vld [tilespmem:s1+$0xE0];
	[tilespmem:$0x1F790] =	vst v5  }
0x567: {  	v26 =	vld [tilespmem:s1+$0xFFFFFF20];
	_ =	sdelay $0x4  }
0x568: {  	v43 =	vld [tilespmem:s1+$0xF0];
	[tilespmem:$0x1F7B0] =	vst v26  }
0x569: {  	v7 =	vld [tilespmem:s1+$0xFFFFFFA0];
	_ =	sdelay $0x4  }
0x56a: {  	[tilespmem:$0x1F7F0] =	vst v7  }
0x56b: {  	v28 =	vld [tilespmem:s1+$0xFFFFFF30];
	_ =	sdelay $0x3  }
0x56c: {  	v11 =	vld [tilespmem:$0x1EE80]  }
0x56d: {  	v24 =	vld [tilespmem:s1+$0x20];
	[tilespmem:$0x1F7C0] =	vst v28  }
0x56e: {  	v8 =	vld [tilespmem:s1+$0xFFFFFFB0]  }
0x56f: {  	v12 =	vld [tilespmem:$0x1EE90];
	_ =	sdelay $0x1  }
0x570: {  	v14 =	vld [tilespmem:$0x1EEA0];
	_ =	sdelay $0x1  }
0x571: {  	v15 =	vld [tilespmem:$0x1EEB0];
	[tilespmem:$0x1F800] =	vst v8  }
0x572: {  	v0 =	vmul.f32 v51, v11;
	v1 =	vmul.f32 v50, v12;
	v29 =	vld [tilespmem:s1+$0xFFFFFF40]  }
0x573: {  	v17 =	vld [tilespmem:$0x1EEC0]  }
0x574: {  	v0 =	vadd.f32 v1, v0;
	v1 =	vmul.f32 v54, v14  }
0x575: {  	v18 =	vld [tilespmem:$0x1EED0]  }
0x576: {  	v19 =	vld [tilespmem:$0x1EEE0];
	v0 =	vadd.f32 v1, v0;
	v1 =	vmul.f32 v49, v15  }
0x577: {  	v23 =	vld [tilespmem:s1+$0x30];
	[tilespmem:$0x1F7D0] =	vst v29  }
0x578: {  	v0 =	vadd.f32 v1, v0;
	v1 =	vmul.f32 v59, v17;
	v25 =	vld [tilespmem:s1+$0xFFFFFFC0]  }
0x579: {  	v20 =	vld [tilespmem:$0x1EEF0]  }
0x57a: {  	v2 =	vmul.f32 v2, v12;
	v0 =	vadd.f32 v1, v0;
	v1 =	vmul.f32 v61, v18  }
0x57b: {  	v3 =	vmul.f32 v4, v11;
	v4 =	vmul.f32 v5, v11  }
0x57c: {  	v0 =	vadd.f32 v1, v0;
	v1 =	vmul.f32 v60, v19  }
0x57d: {  	v2 =	vadd.f32 v2, v4;
	[tilespmem:$0x1F810] =	vst v25  }
0x57e: {  	v4 =	vmul.f32 v26, v14;
	v0 =	vadd.f32 v1, v0;
	v1 =	vmul.f32 v43, v20;
	v26 =	vld [tilespmem:s1+$0xFFFFFFD0];
	_ =	sdelay $0x1  }
0x57f: {  	v6 =	vmul.f32 v21, v11;
	v0 =	vadd.f32 v1, v0;
	v1 =	vmul.f32 v22, v12;
	_ =	sdelay $0x1  }
0x580: {  	v2 =	vadd.f32 v4, v2;
	v1 =	vadd.f32 v1, v6;
	v6 =	vmul.f32 v28, v15;
	v27 =	vld [tilespmem:s1+$0x40]  }
0x581: {  	v5 =	vmul.f32 v36, v12;
	v62 =	vld [tilespmem:s1+$0xFFFFFF50];
	[tilespmem:$0x1F820] =	vst v26  }
0x582: {  	v2 =	vadd.f32 v6, v2;
	v6 =	vmul.f32 v29, v17;
	v29 =	vld [tilespmem:s1+$0xFFFFFFE0]  }
0x583: {  	v3 =	vadd.f32 v5, v3;
	v5 =	vmul.f32 v7, v14;
	v7 =	vperm.xlane v0, v9  }
0x584: {  	v4 =	vmul.f32 v24, v14  }
0x585: {  	v3 =	vadd.f32 v5, v3;
	v0 =	vadd.f32 v0, v7  }
0x586: {  	v1 =	vadd.f32 v4, v1;
	v5 =	vmul.f32 v8, v15;
	v4 =	vmul.f32 v23, v15;
	v28 =	vld [tilespmem:s1+$0x50]  }
0x587: {  	v7 =	vperm.xlane v0, v10;
	v58 =	vld [tilespmem:s1+$0xFFFFFF60];
	[tilespmem:$0x1F830] =	vst v29  }
0x588: {  	v3 =	vadd.f32 v5, v3;
	v1 =	vadd.f32 v4, v1;
	v5 =	vmul.f32 v25, v17;
	v25 =	vld [tilespmem:s1+$0x60]  }
0x589: {  	v2 =	vadd.f32 v6, v2;
	v6 =	vadd.f32 v0, v7;
	v4 =	vmul.f32 v27, v17;
	v57 =	vld [tilespmem:s1+$0xFFFFFF70]  }
0x58a: {  	v3 =	vadd.f32 v5, v3;
	v7 =	vmul.f32 v62, v18;
	v5 =	vmul.f32 v26, v18;
	v63 =	vld [tilespmem:s1+$0xFFFFFFF0]  }
0x58b: {  	v8 =	vperm.xlane v6, v16;
	v1 =	vadd.f32 v4, v1;
	v4 =	vmul.f32 v28, v18;
	v0 =	vld [tilespmem:s1+$0x70]  }
0x58c: {  	v2 =	vadd.f32 v7, v2;
	v3 =	vadd.f32 v5, v3;
	v7 =	vmul.f32 v58, v19  }
0x58d: {  	v5 =	vmul.f32 v29, v19;
	v1 =	vadd.f32 v4, v1;
	v4 =	vadd.f32 v6, v8  }
0x58e: {  	v2 =	vadd.f32 v7, v2;
	v6 =	vmul.f32 v25, v19;
	v7 =	vmul.f32 v57, v20  }
0x58f: {  	v39 =	vld [tilespmem:$0x1EF00];
	v3 =	vadd.f32 v5, v3;
	v5 =	vperm.xlane v4, v13;
	v8 =	vmul.f32 v63, v20  }
0x590: {  	v1 =	vadd.f32 v6, v1;
	v2 =	vadd.f32 v7, v2;
	v6 =	vmul.f32 v0, v20  }
0x591: {  	v3 =	vadd.f32 v8, v3  }
0x592: {  	v4 =	vadd.f32 v4, v5;
	v5 =	vperm.xlane v2, v9;
	v1 =	vadd.f32 v6, v1  }
0x593: {  	v6 =	vperm.xlane v3, v9  }
0x594: {  	v4 =	vadd.f32 v4, v39;
	v2 =	vadd.f32 v2, v5;
	v5 =	vperm.xlane v1, v9  }
0x595: {  	v3 =	vadd.f32 v3, v6  }
0x596: {  	v4 =	vsub.f32 $0.0e+00, v4;
	v1 =	vadd.f32 v1, v5  }
0x597: {  	v6 =	vperm.xlane v2, v10;
	v5 =	vperm.xlane v3, v10  }
0x598: {  	v4 =	vmul.f32 $1.442695020e+00, v4;
	v7 =	vperm.xlane v1, v10  }
0x599: {  	v2 =	vadd.f32 v2, v6;
	v3 =	vadd.f32 v3, v5  }
0x59a: {  	[tilespmem:$0x1F6A0] =	vst v25;
	(erf) = vpow2.f32 v4;
	v1 =	vadd.f32 v1, v7  }
0x59b: {  	s7 =	simm.s32 $0x13B80;
	[tilespmem:$0x1F6B0] =	vst v0;
	v4 =	vperm.xlane v2, v16;
	v5 =	vperm.xlane v3, v16  }
0x59c: {  	v32 =	vld [tilespmem:s7+$0x90];
	v6 =	vperm.xlane v1, v16  }
0x59d: {  	v7 =	vld [tilespmem:s7+$0x80];
	v2 =	vadd.f32 v2, v4;
	v3 =	vadd.f32 v3, v5  }
0x59e: {  	v33 =	vld [tilespmem:s7+$0xA0];
	v1 =	vadd.f32 v1, v6  }
0x59f: {  	v25 =	vld [tilespmem:s7+$0xFFFFFF80];
	v4 =	vperm.xlane v2, v13;
	v5 =	vperm.xlane v3, v13  }
0x5a0: {  	v31 =	vld [tilespmem:s7+$0xB0];
	v6 =	vperm.xlane v1, v13  }
0x5a1: {  	v30 =	vld [tilespmem:s7+$0xFFFFFF90];
	v2 =	vadd.f32 v2, v4;
	v3 =	vadd.f32 v3, v5  }
0x5a2: {  	v0 =	vld [tilespmem:s7+$0xFFFFFF10];
	[tilespmem:$0x1F6C0] =	vst v7;
	v5 =	vmul.f32 v7, v11;
	v1 =	vadd.f32 v1, v6;
	v6 =	vmul.f32 v32, v12  }
0x5a3: {  	v34 =	vld [tilespmem:s7+$0xC0];
	v4 =	vpop (erf);
	v2 =	vadd.f32 v2, v39;
	v3 =	vadd.f32 v3, v39  }
0x5a4: {  	v26 =	vld [tilespmem:s7+$0x0];
	v4 =	vadd.f32 $1.000000000e+00, v4;
	v5 =	vadd.f32 v6, v5;
	v6 =	vmul.f32 v33, v14  }
0x5a5: {  	v8 =	vld [tilespmem:s7+$0xD0];
	v1 =	vadd.f32 v1, v39;
	v2 =	vsub.f32 $0.0e+00, v2  }
0x5a6: {  	v29 =	vld [tilespmem:s7+$0x10];
	(erf) = vrcp.f32 v4;
	v4 =	vadd.f32 v6, v5;
	v5 =	vmul.f32 v31, v15  }
0x5a7: {  	v37 =	vld [tilespmem:s7+$0xE0];
	[tilespmem:$0x1F6D0] =	vst v0;
	v3 =	vsub.f32 $0.0e+00, v3;
	v1 =	vsub.f32 $0.0e+00, v1;
	v6 =	vmul.f32 v0, v12  }
0x5a8: {  	v2 =	vmul.f32 $1.442695020e+00, v2;
	v0 =	vld [tilespmem:s7+$0xFFFFFF00];
	v4 =	vadd.f32 v5, v4;
	v5 =	vmul.f32 v34, v17  }
0x5a9: {  	v45 =	vld [tilespmem:s7+$0xF0];
	v3 =	vmul.f32 $1.442695020e+00, v3;
	v1 =	vmul.f32 $1.442695020e+00, v1  }
0x5aa: {  	v40 =	vld [tilespmem:s7+$0xFFFFFF20];
	[tilespmem:$0x1F6E0] =	vst v8;
	(erf) = vpow2.f32 v2;
	v2 =	vadd.f32 v5, v4;
	v4 =	vmul.f32 v8, v18  }
0x5ab: {  	v38 =	vld [tilespmem:s7+$0xFFFFFFA0];
	(erf) = vpow2.f32 v3  }
0x5ac: {  	v41 =	vld [tilespmem:s7+$0x20];
	(erf) = vpow2.f32 v1;
	v1 =	vadd.f32 v4, v2;
	v2 =	vmul.f32 v37, v19  }
0x5ad: {  	v7 =	vmul.f32 v25, v11;
	v42 =	vld [tilespmem:s7+$0xFFFFFF30];
	[tilespmem:$0x1F6F0] =	vst v11;
	v4 =	vmul.f32 v0, v11  }
0x5ae: {  	[tilespmem:$0x1F710] =	vst v12;
	v5 =	vmul.f32 v30, v12;
	v8 =	vmul.f32 v45, v20;
	v1 =	vadd.f32 v2, v1  }
0x5af: {  	v3 =	vmul.f32 v26, v11;
	[tilespmem:$0x1F700] =	vst v0;
	v4 =	vadd.f32 v6, v4;
	v6 =	vmul.f32 v40, v14  }
0x5b0: {  	v11 =	vld [tilespmem:s7+$0xFFFFFFB0];
	v5 =	vadd.f32 v5, v7;
	v2 =	vmul.f32 v29, v12;
	v1 =	vadd.f32 v8, v1  }
0x5b1: {  	v4 =	vadd.f32 v6, v4;
	v6 =	vmul.f32 v41, v14  }
0x5b2: {  	v44 =	vld [tilespmem:s7+$0x30];
	v2 =	vadd.f32 v2, v3;
	v3 =	vmul.f32 v38, v14;
	v8 =	vperm.xlane v1, v9  }
0x5b3: {  	[tilespmem:$0x1F720] =	vst v14;
	v7 =	vmul.f32 v42, v15  }
0x5b4: {  	v35 =	vmov v40;
	v40 =	vld [tilespmem:s7+$0xFFFFFF40];
	v3 =	vadd.f32 v3, v5;
	v5 =	vpop (erf)  }
0x5b5: {  	v12 =	vld [tilespmem:s7+$0xFFFFFFC0];
	v2 =	vadd.f32 v6, v2;
	v4 =	vadd.f32 v7, v4;
	v7 =	vmul.f32 v11, v15;
	v6 =	vpop (erf)  }
0x5b6: {  	v46 =	vld [tilespmem:s7+$0x40];
	[tilespmem:$0x1F730] =	vst v15;
	v14 =	vmov v42;
	v1 =	vadd.f32 v1, v8;
	v6 =	vadd.f32 $1.000000000e+00, v6;
	v8 =	vpop (erf)  }
0x5b7: {  	v42 =	vld [tilespmem:s7+$0xFFFFFF50];
	v47 =	vmul.f32 v44, v15;
	v3 =	vadd.f32 v7, v3;
	v7 =	vadd.f32 $1.000000000e+00, v8;
	v8 =	vpop (erf)  }
0x5b8: {  	(erf) = vrcp.f32 v6;
	v6 =	vadd.f32 $1.000000000e+00, v8;
	v8 =	vperm.xlane v1, v10  }
0x5b9: {  	v48 =	vld [tilespmem:s7+$0xFFFFFFD0];
	v2 =	vadd.f32 v47, v2;
	(erf) = vrcp.f32 v7;
	v7 =	vmul.f32 v40, v17  }
0x5ba: {  	v47 =	vld [tilespmem:s7+$0x50];
	v1 =	vadd.f32 v1, v8;
	(erf) = vrcp.f32 v6;
	v6 =	vmul.f32 v12, v17  }
0x5bb: {  	v8 =	vmul.f32 v46, v17;
	v4 =	vadd.f32 v7, v4;
	v7 =	vmul.f32 v5, v43;
	v43 =	vld [tilespmem:s7+$0xFFFFFF60];
	[tilespmem:$0x1F740] =	vst v17  }
0x5bc: {  	v56 =	vmul.f32 v5, v51;
	v52 =	vmul.f32 v42, v18;
	v3 =	vadd.f32 v6, v3;
	v51 =	vld [tilespmem:s7+$0xFFFFFFE0]  }
0x5bd: {  	v53 =	vperm.xlane v1, v16;
	v6 =	vadd.f32 v8, v2;
	v8 =	vmul.f32 v5, v50;
	v50 =	vld [tilespmem:s7+$0x60]  }
0x5be: {  	v4 =	vadd.f32 v52, v4;
	v52 =	vld [tilespmem:s7+$0xFFFFFFF0]  }
0x5bf: {  	v1 =	vadd.f32 v1, v53;
	v53 =	vld [tilespmem:s7+$0xFFFFFF70];
	[tilespmem:$0x1F750] =	vst v18  }
0x5c0: {  	[tilespmem:s1+$0xF0] =	vst v7  }
0x5c1: {  	[tilespmem:s1+$0x80] =	vst v56  }
0x5c2: {  	v54 =	vmul.f32 v5, v54;
	[tilespmem:s1+$0x90] =	vst v8  }
0x5c3: {  	v55 =	vmul.f32 v5, v49;
	v49 =	vld [tilespmem:s7+$0x70];
	[tilespmem:$0x1F760] =	vst v19  }
0x5c4: {  	v0 =	vmul.f32 v48, v18;
	[tilespmem:s1+$0xA0] =	vst v54  }
0x5c5: {  	[tilespmem:$0x1F770] =	vst v39  }
0x5c6: {  	v0 =	vadd.f32 v0, v3;
	v3 =	vmul.f32 v5, v59;
	[tilespmem:s1+$0xB0] =	vst v55  }
0x5c7: {  	v7 =	vmul.f32 v43, v19;
	[tilespmem:$0x1F780] =	vst v20  }
0x5c8: {  	[tilespmem:s1+$0xC0] =	vst v3  }
0x5c9: {  	v2 =	vmul.f32 v47, v18;
	v4 =	vadd.f32 v7, v4;
	v7 =	vmul.f32 v50, v19;
	v3 =	vld [tilespmem:$0x1F790];
	_ =	sdelay $0x1  }
0x5ca: {  	v2 =	vadd.f32 v2, v6;
	v6 =	vmul.f32 v5, v61;
	v8 =	vmul.f32 v53, v20  }
0x5cb: {  	v5 =	vmul.f32 v5, v60;
	v59 =	vperm.xlane v1, v13  }
0x5cc: {  	v2 =	vadd.f32 v7, v2;
	v4 =	vadd.f32 v8, v4;
	v8 =	vmul.f32 v49, v20;
	v7 =	vpop (erf);
	[tilespmem:s1+$0xD0] =	vst v6  }
0x5cd: {  	v1 =	vadd.f32 v1, v59;
	v6 =	vld [tilespmem:$0x1F7A0];
	v3 =	vmul.f32 v7, v3  }
0x5ce: {  	v2 =	vadd.f32 v8, v2;
	v8 =	vperm.xlane v4, v9;
	[tilespmem:s1+$0xE0] =	vst v5  }
0x5cf: {  	v1 =	vadd.f32 v1, v39;
	[tilespmem:s1+$0xFFFFFF00] =	vst v3  }
0x5d0: {  	v3 =	vadd.f32 v4, v8;
	v4 =	vld [tilespmem:$0x1F7B0]  }
0x5d1: {  	v1 =	vsub.f32 $0.0e+00, v1  }
0x5d2: {  	v6 =	vmul.f32 v7, v6  }
0x5d3: {  	v1 =	vmul.f32 $1.442695020e+00, v1  }
0x5d4: {  	v61 =	vmul.f32 v51, v19;
	[tilespmem:s1+$0xFFFFFF10] =	vst v6  }
0x5d5: {  	(erf) = vpow2.f32 v1;
	v1 =	vld [tilespmem:$0x1F7C0];
	v4 =	vmul.f32 v7, v4  }
0x5d6: {  	v0 =	vadd.f32 v61, v0;
	v39 =	vmul.f32 v52, v20  }
0x5d7: {  	[tilespmem:s1+$0xFFFFFF20] =	vst v4  }
0x5d8: {  	v0 =	vadd.f32 v39, v0;
	v4 =	vld [tilespmem:$0x1F7D0];
	_ =	sdelay $0x1  }
0x5d9: {  	v5 =	vperm.xlane v0, v9;
	v1 =	vmul.f32 v7, v1;
	_ =	sdelay $0x1  }
0x5da: {  	v0 =	vadd.f32 v0, v5;
	[tilespmem:s1+$0xFFFFFF30] =	vst v1;
	v1 =	vmul.f32 v7, v62  }
0x5db: {  	v4 =	vmul.f32 v7, v4  }
0x5dc: {  	v6 =	vperm.xlane v0, v10;
	[tilespmem:s1+$0xFFFFFF50] =	vst v1  }
0x5dd: {  	[tilespmem:s1+$0xFFFFFF40] =	vst v4  }
0x5de: {  	v0 =	vadd.f32 v0, v6;
	v6 =	vld [tilespmem:$0x1F7E0]  }
0x5df: {  	v1 =	vmul.f32 v7, v57  }
0x5e0: {  	v8 =	vperm.xlane v2, v9;
	v4 =	vmul.f32 v7, v58  }
0x5e1: {  	[tilespmem:s1+$0xFFFFFF70] =	vst v1  }
0x5e2: {  	v59 =	vpop (erf);
	v2 =	vadd.f32 v2, v8;
	v5 =	vperm.xlane v3, v10;
	[tilespmem:s1+$0xFFFFFF60] =	vst v4  }
0x5e3: {  	v7 =	vmul.f32 v59, v6;
	v6 =	vld [tilespmem:$0x1F7F0]  }
0x5e4: {  	v3 =	vadd.f32 v3, v5;
	v5 =	vperm.xlane v2, v10;
	_ =	sdelay $0x1  }
0x5e5: {  	v4 =	vadd.f32 v2, v5;
	v2 =	vperm.xlane v3, v16;
	v5 =	vmul.f32 v59, v36  }
0x5e6: {  	v1 =	vperm.xlane v0, v16;
	[tilespmem:s1+$0xFFFFFF80] =	vst v7  }
0x5e7: {  	v8 =	vmul.f32 v59, v6;
	v6 =	vadd.f32 v3, v2;
	v2 =	vld [tilespmem:$0x1F800];
	[tilespmem:s1+$0xFFFFFF90] =	vst v5  }
0x5e8: {  	v3 =	vadd.f32 v0, v1;
	v0 =	vld [tilespmem:$0x1F810];
	_ =	sdelay $0x4  }
0x5e9: {  	v5 =	vmul.f32 v59, v0;
	v0 =	vld [tilespmem:$0x1F820];
	_ =	sdelay $0x3  }
0x5ea: {  	[tilespmem:s1+$0xFFFFFFA0] =	vst v8  }
0x5eb: {  	v62 =	vmul.f32 v59, v2;
	v2 =	vmul.f32 v59, v0;
	v0 =	vld [tilespmem:$0x1F830];
	_ =	sdelay $0x1  }
0x5ec: {  	v7 =	vperm.xlane v4, v16;
	_ =	sdelay $0x1  }
0x5ed: {  	v17 =	vmovc v9;
	v4 =	vadd.f32 v4, v7;
	v1 =	vmul.f32 v59, v63;
	v7 =	vperm.xlane v3, v13  }
0x5ee: {  	s8 =	simm.s32 $0x4;
	s10 =	simm.s32 $0x13D80;
	v18 =	vmov v10;
	v60 =	vpop (erf);
	v8 =	vperm.xlane v6, v13;
	[tilespmem:s1+$0xFFFFFFB0] =	vst v62;
	v0 =	vmul.f32 v59, v0  }
.LBB2_14:
0x5ef: {  	v61 =	vld [tilespmem:s10+$0x80]  }
0x5f0: {  	[tilespmem:s1+$0xFFFFFFC0] =	vst v5;
	v5 =	vld [tilespmem:s10+$0x90]  }
0x5f1: {  	v58 =	vld [tilespmem:s10+$0xFFFFFF10]  }
0x5f2: {  	[tilespmem:$0x1F670] =	vst v38;
	v38 =	vld [tilespmem:$0x1F770]  }
0x5f3: {  	v9 =	vld [tilespmem:s10+$0xB0]  }
0x5f4: {  	[tilespmem:$0x1F680] =	vst v12;
	v12 =	vld [tilespmem:$0x1F6F0]  }
0x5f5: {  	v10 =	vld [tilespmem:s10+$0xC0]  }
0x5f6: {  	[tilespmem:$0x1F660] =	vst v25;
	v36 =	vmov v40;
	v40 =	vmov v14;
	v14 =	vld [tilespmem:$0x1F720]  }
0x5f7: {  	v19 =	vld [tilespmem:$0x1F740];
	[tilespmem:s1+$0xFFFFFFD0] =	vst v2;
	v2 =	vmul.f32 v60, v22  }
0x5f8: {  	[tilespmem:s1+$0xFFFFFFE0] =	vst v0;
	v0 =	vld [tilespmem:s10+$0xFFFFFF80]  }
0x5f9: {  	v54 =	vmul.f32 v60, v21;
	[tilespmem:s1+$0x10] =	vst v2;
	v2 =	vld [tilespmem:$0x1F6A0]  }
0x5fa: {  	v55 =	vmul.f32 v60, v24;
	v57 =	vmul.f32 v60, v23;
	[tilespmem:s1+$0xFFFFFFF0] =	vst v1;
	v56 =	vld [tilespmem:s10+$0xFFFFFF90]  }
0x5fb: {  	v8 =	vadd.f32 v6, v8;
	v6 =	vperm.xlane v4, v13;
	v3 =	vadd.f32 v3, v7;
	v7 =	vpop (erf);
	v13 =	vld [tilespmem:$0x1F710];
	[tilespmem:s1+$0x0] =	vst v54  }
0x5fc: {  	v20 =	vld [tilespmem:$0x1F750];
	v1 =	vmul.f32 v60, v27;
	v7 =	vadd.f32 $1.000000000e+00, v7;
	[tilespmem:s1+$0x20] =	vst v55  }
0x5fd: {  	[tilespmem:s1+$0x30] =	vst v57;
	v4 =	vadd.f32 v4, v6;
	v6 =	vld [tilespmem:s10+$0xA0];
	v8 =	vadd.f32 v8, v38  }
0x5fe: {  	v25 =	vmov v26;
	[tilespmem:s1+$0x40] =	vst v1;
	v26 =	vld [tilespmem:s10+$0x0];
	v2 =	vmul.f32 v60, v2  }
0x5ff: {  	(erf) = vrcp.f32 v7;
	v54 =	vmovc v30;
	v30 =	vmov v29;
	v29 =	vld [tilespmem:s10+$0x10];
	v15 =	vsub.f32 $0.0e+00, v8  }
0x600: {  	v1 =	vmov v50;
	v50 =	vld [tilespmem:s10+$0xF0];
	v63 =	vmul.f32 v0, v12;
	[tilespmem:s1+$0x60] =	vst v2;
	v2 =	vmul.f32 v56, v13  }
0x601: {  	v24 =	vmovc v41;
	v3 =	vadd.f32 v3, v38;
	v21 =	vmul.f32 v5, v13;
	v41 =	vmul.f32 $1.442695020e+00, v15;
	v15 =	vld [tilespmem:$0x1F730]  }
0x602: {  	v27 =	vmov v46;
	v46 =	vadd.f32 v2, v63;
	v2 =	vld [tilespmem:$0x1F6B0]  }
0x603: {  	v59 =	vmul.f32 v60, v28;
	v7 =	vmovc v51;
	[tilespmem:$0x1F6A0] =	vst v1;
	v1 =	vld [tilespmem:s10+$0xFFFFFF00];
	v3 =	vsub.f32 $0.0e+00, v3;
	v8 =	vmul.f32 v61, v12  }
0x604: {  	v23 =	vmov v44;
	v4 =	vadd.f32 v4, v38;
	v44 =	vmul.f32 v58, v13;
	[tilespmem:$0x1F690] =	vst v7;
	v7 =	vld [tilespmem:s10+$0xD0]  }
0x605: {  	v39 =	vmul.f32 v6, v14;
	v8 =	vadd.f32 v21, v8;
	v62 =	vmul.f32 $1.442695020e+00, v3;
	v3 =	vld [tilespmem:s10+$0xE0];
	v21 =	vmovc v49  }
0x606: {  	v57 =	vmovc v52;
	v4 =	vsub.f32 $0.0e+00, v4;
	(erf) = vpow2.f32 v41;
	[tilespmem:$0x1F6B0] =	vst v21;
	v21 =	vld [tilespmem:$0x1F760];
	v52 =	vmul.f32 v9, v15  }
0x607: {  	v8 =	vadd.f32 v39, v8;
	v22 =	vmul.f32 v60, v2;
	v60 =	vmul.f32 v29, v13;
	v13 =	vld [tilespmem:$0x1F6C0]  }
0x608: {  	v28 =	vmovc v47;
	[tilespmem:s1+$0x50] =	vst v59;
	v55 =	vmov v48;
	v4 =	vmul.f32 $1.442695020e+00, v4;
	(erf) = vpow2.f32 v62;
	v62 =	vld [tilespmem:s10+$0xFFFFFFA0]  }
0x609: {  	v59 =	vmovc v53;
	v53 =	vmul.f32 v10, v19;
	v47 =	vmul.f32 v26, v12;
	v41 =	vld [tilespmem:s10+$0x20];
	v8 =	vadd.f32 v52, v8  }
0x60a: {  	v39 =	vmov v11;
	v48 =	vmul.f32 v7, v20;
	(erf) = vpow2.f32 v4;
	v11 =	vpop (erf);
	[tilespmem:s1+$0x70] =	vst v22;
	v22 =	vld [tilespmem:$0x1F780]  }
0x60b: {  	v45 =	vmul.f32 v11, v45;
	v33 =	vmul.f32 v11, v33;
	v2 =	vld [tilespmem:s10+$0xFFFFFF20];
	v8 =	vadd.f32 v53, v8  }
0x60c: {  	v4 =	vmov v61;
	v61 =	vld [tilespmem:s10+$0xFFFFFFB0];
	v52 =	vmul.f32 v3, v21;
	v63 =	vmul.f32 v11, v13  }
0x60d: {  	[tilespmem:$0x1F6C0] =	vst v4;
	v51 =	vmul.f32 v62, v14;
	v53 =	vmul.f32 v1, v12;
	s1 =	smov.u32 s7;
	v8 =	vadd.f32 v48, v8  }
0x60e: {  	v4 =	vld [tilespmem:s10+$0xFFFFFF30];
	v12 =	vmul.f32 v11, v31;
	v47 =	vadd.f32 v60, v47;
	[tilespmem:s1+$0xA0] =	vst v33;
	v33 =	vmul.f32 v11, v34  }
0x60f: {  	[tilespmem:s1+$0xF0] =	vst v45;
	v48 =	vadd.f32 v52, v8;
	v13 =	vadd.f32 v44, v53;
	v44 =	vld [tilespmem:s10+$0x30];
	v49 =	vmul.f32 v50, v22  }
0x610: {  	v51 =	vadd.f32 v51, v46;
	v45 =	vmul.f32 v41, v14;
	v60 =	vmul.f32 v2, v14;
	v8 =	vld [tilespmem:s10+$0xFFFFFF40];
	[tilespmem:s1+$0x80] =	vst v63;
	v63 =	vpop (erf)  }
0x611: {  	[tilespmem:s1+$0xB0] =	vst v12;
	v12 =	vmul.f32 v61, v15;
	v49 =	vadd.f32 v49, v48;
	v52 =	vadd.f32 $1.000000000e+00, v63;
	v63 =	vld [tilespmem:s10+$0xFFFFFFC0]  }
0x612: {  	v32 =	vmul.f32 v11, v32;
	v34 =	vadd.f32 v60, v13  }
0x613: {  	v12 =	vadd.f32 v12, v51;
	v13 =	vadd.f32 v45, v47;
	v31 =	vpop (erf);
	v60 =	vperm.xlane v49, v17  }
0x614: {  	v46 =	vld [tilespmem:s10+$0x40];
	[tilespmem:s1+$0xC0] =	vst v33;
	v33 =	vmov v6;
	v48 =	vmul.f32 v4, v15;
	v53 =	vadd.f32 $1.000000000e+00, v31;
	v31 =	vpop (erf)  }
0x615: {  	v45 =	vmovc v50;
	v14 =	vadd.f32 $1.000000000e+00, v31;
	v31 =	vmovc v9;
	v9 =	vmul.f32 v44, v15;
	v49 =	vadd.f32 v49, v60  }
0x616: {  	v47 =	vld [tilespmem:s10+$0x50];
	v6 =	vadd.f32 v48, v34;
	v34 =	vmovc v10;
	v10 =	vmul.f32 v8, v19;
	v50 =	vmul.f32 v63, v19  }
0x617: {  	v48 =	vld [tilespmem:s10+$0xFFFFFFD0];
	v9 =	vadd.f32 v9, v13;
	v13 =	vperm.xlane v49, v18  }
0x618: {  	(erf) = vrcp.f32 v52;
	v6 =	vadd.f32 v10, v6;
	v12 =	vadd.f32 v50, v12;
	v50 =	vld [tilespmem:s10+$0x60]  }
0x619: {  	[tilespmem:s1+$0x90] =	vst v32;
	v32 =	vmovc v5;
	v5 =	vld [tilespmem:s10+$0xFFFFFF50];
	v10 =	vmul.f32 v46, v19;
	(erf) = vrcp.f32 v53;
	v13 =	vadd.f32 v49, v13  }
0x61a: {  	v51 =	vld [tilespmem:s10+$0xFFFFFFE0];
	(erf) = vrcp.f32 v14  }
0x61b: {  	v15 =	vld [tilespmem:s10+$0xFFFFFF60];
	v9 =	vadd.f32 v10, v9;
	v10 =	vmul.f32 v47, v20;
	v14 =	vperm.xlane v13, v16  }
0x61c: {  	v52 =	vld [tilespmem:s10+$0xFFFFFFF0];
	v49 =	vmul.f32 v48, v20  }
0x61d: {  	v53 =	vld [tilespmem:s10+$0xFFFFFF70];
	v9 =	vadd.f32 v10, v9;
	v10 =	vadd.f32 v13, v14;
	v13 =	vmul.f32 v50, v21  }
0x61e: {  	v60 =	vmul.f32 v5, v20;
	v16 =	vld [tilespmem:$0x1F6E0]  }
0x61f: {  	v19 =	vmovc v7;
	v7 =	vmul.f32 v51, v21;
	v12 =	vadd.f32 v49, v12;
	v9 =	vadd.f32 v13, v9;
	v13 =	vld [tilespmem:$0x1F700]  }
0x620: {  	v49 =	vld [tilespmem:s10+$0x70]  }
0x621: {  	v6 =	vadd.f32 v60, v6;
	v60 =	vmul.f32 v15, v21;
	v7 =	vadd.f32 v7, v12;
	v12 =	vld [tilespmem:$0x1FFD0]  }
0x622: {  	v14 =	vmul.f32 v53, v22  }
0x623: {  	v6 =	vadd.f32 v60, v6;
	v20 =	vmul.f32 v11, v16;
	v11 =	vmul.f32 v11, v37;
	v16 =	vpop (erf)  }
0x624: {  	[tilespmem:$0x1F6E0] =	vst v19;
	v60 =	vmul.f32 v52, v22;
	v13 =	vmul.f32 v16, v13  }
0x625: {  	v6 =	vadd.f32 v14, v6;
	[tilespmem:s1+$0xE0] =	vst v11  }
0x626: {  	v7 =	vadd.f32 v60, v7;
	v19 =	vperm.xlane v10, v12;
	v11 =	vmul.f32 v49, v22;
	[tilespmem:s1+$0xFFFFFF00] =	vst v13;
	v13 =	vld [tilespmem:$0x1F6D0]  }
0x627: {  	v14 =	vmul.f32 v16, v35  }
0x628: {  	v35 =	vperm.xlane v6, v17;
	v9 =	vadd.f32 v11, v9;
	v11 =	vperm.xlane v7, v17;
	_ =	sdelay $0x1  }
0x629: {  	v10 =	vadd.f32 v10, v19;
	v19 =	vmov v1;
	v1 =	vadd.f32 v7, v11  }
0x62a: {  	v37 =	vmovc v3;
	[tilespmem:s1+$0xFFFFFF20] =	vst v14;
	v14 =	vmov v4;
	v4 =	vmul.f32 v16, v43;
	v13 =	vmul.f32 v16, v13  }
0x62b: {  	v3 =	vadd.f32 v6, v35;
	v35 =	vmovc v2;
	v6 =	vperm.xlane v9, v17;
	v2 =	vperm.xlane v1, v18  }
0x62c: {  	v10 =	vadd.f32 v10, v38;
	v7 =	vmul.f32 v16, v36;
	[tilespmem:s1+$0xFFFFFF10] =	vst v13;
	v13 =	vmul.f32 v16, v40  }
0x62d: {  	v11 =	vmul.f32 v16, v42;
	v1 =	vadd.f32 v1, v2;
	v2 =	vmul.f32 v16, v59;
	v16 =	vld [tilespmem:$0x1FFC0]  }
0x62e: {  	[tilespmem:s1+$0xFFFFFF30] =	vst v13;
	v13 =	vperm.xlane v3, v18  }
0x62f: {  	v10 =	vsub.f32 $0.0e+00, v10;
	v6 =	vadd.f32 v9, v6  }
0x630: {  	v3 =	vadd.f32 v3, v13  }
0x631: {  	v21 =	vmovc v25;
	v42 =	vmov v5;
	v9 =	vmul.f32 $1.442695020e+00, v10;
	v5 =	vperm.xlane v6, v18  }
0x632: {  	v25 =	vmov v0;
	v12 =	vpop (erf);
	[tilespmem:s1+$0xFFFFFF40] =	vst v7;
	v0 =	vperm.xlane v1, v16;
	v7 =	vperm.xlane v3, v16  }
0x633: {  	v60 =	vpop (erf);
	(erf) = vpow2.f32 v9;
	v9 =	vadd.f32 v6, v5  }
0x634: {  	[tilespmem:s1+$0xD0] =	vst v20;
	v6 =	vadd.f32 v3, v7;
	v3 =	vadd.f32 v1, v0;
	v0 =	vld [tilespmem:$0x1F680]  }
0x635: {  	[tilespmem:s1+$0xFFFFFF60] =	vst v4;
	v4 =	vld [tilespmem:$0x1F660]  }
0x636: {  	v20 =	vmov v58;
	[tilespmem:s1+$0xFFFFFF70] =	vst v2;
	v2 =	vld [tilespmem:$0x1F670]  }
0x637: {  	[tilespmem:$0x1F6D0] =	vst v20;
	v5 =	vmul.f32 v12, v54  }
0x638: {  	s8 =	sadd.s32 $0x4, s8;
	v43 =	vmov v15;
	v15 =	vmul.f32 v12, v39;
	[tilespmem:$0x1F700] =	vst v19;
	v13 =	vld [tilespmem:$0x1FFD0]  }
0x639: {  	p0 =	slt.u32 s8, $0x4C;
	[tilespmem:s1+$0xFFFFFF90] =	vst v5;
	v5 =	vmul.f32 v12, v0;
	v0 =	vld [tilespmem:$0x1F690]  }
.Ltmp6:
0x63a: {  	[tilespmem:s1+$0xFFFFFFB0] =	vst v15;
	v4 =	vmul.f32 v12, v4;
	(pc) =	sbr.rel @p0 .LBB2_14-.Ltmp6, $4  }
0x63b: {  	v22 =	vmov v30;
	[tilespmem:s1+$0xFFFFFF50] =	vst v11;
	v10 =	vmul.f32 v12, v2  }
0x63c: {  	v30 =	vmovc v56;
	v38 =	vmov v62;
	[tilespmem:s1+$0xFFFFFF80] =	vst v4;
	v2 =	vmul.f32 v12, v55;
	v7 =	vperm.xlane v9, v16  }
0x63d: {  	v11 =	vmovc v61;
	v40 =	vmov v8;
	[tilespmem:s1+$0xFFFFFFA0] =	vst v10;
	v1 =	vmul.f32 v12, v57;
	v8 =	vperm.xlane v6, v13  }
0x63e: {  	s7 =	smov.u32 s10;
	s10 =	sadd.s32 $0x200, s10;
	v4 =	vadd.f32 v9, v7;
	v7 =	vperm.xlane v3, v13;
	v0 =	vmul.f32 v12, v0;
	v12 =	vmovc v63  }
0x63f: {  	v9 =	vld [tilespmem:$0x1F770];
	_ =	sdelay $0x2  }
0x640: {  	v6 =	vadd.f32 v6, v8;
	_ =	sdelay $0x1  }
0x641: {  	v6 =	vadd.f32 v6, v9;
	_ =	sdelay $0x1  }
0x642: {  	v8 =	vpop (erf);
	v6 =	vsub.f32 $0.0e+00, v6  }
0x643: {  	v8 =	vadd.f32 $1.000000000e+00, v8  }
0x644: {  	v6 =	vmul.f32 $1.442695020e+00, v6  }
0x645: {  	v3 =	vadd.f32 v3, v7;
	(erf) = vrcp.f32 v8  }
0x646: {  	(erf) = vpow2.f32 v6;
	v6 =	vperm.xlane v4, v13  }
0x647: {  	[tilespmem:s1+$0xFFFFFFC0] =	vst v5;
	v3 =	vadd.f32 v3, v9  }
0x648: {  	[tilespmem:s1+$0xFFFFFFD0] =	vst v2;
	v4 =	vadd.f32 v4, v6  }
0x649: {  	[tilespmem:s1+$0xFFFFFFF0] =	vst v1;
	v63 =	vmul.f32 v60, v24;
	v3 =	vsub.f32 $0.0e+00, v3  }
0x64a: {  	[tilespmem:s1+$0xFFFFFFE0] =	vst v0;
	v59 =	vadd.f32 v4, v9;
	v4 =	vmul.f32 v60, v21  }
0x64b: {  	[tilespmem:s1+$0x20] =	vst v63;
	v61 =	vmul.f32 $1.442695020e+00, v3;
	v3 =	vmul.f32 v60, v22  }
0x64c: {  	[tilespmem:s1+$0x0] =	vst v4;
	v4 =	vmul.f32 v60, v23  }
0x64d: {  	[tilespmem:s1+$0x10] =	vst v3  }
0x64e: {  	[tilespmem:s1+$0x30] =	vst v4  }
0x64f: {  	v22 =	vld [tilespmem:$0x1F6A0]  }
0x650: {  	v62 =	vsub.f32 $0.0e+00, v59  }
0x651: {  	v20 =	vpop (erf)  }
0x652: {  	v5 =	vmul.f32 v60, v27;
	v1 =	vmul.f32 $1.442695020e+00, v62;
	v3 =	vpop (erf)  }
0x653: {  	(erf) = vpow2.f32 v61;
	v21 =	vadd.f32 $1.000000000e+00, v3;
	v3 =	vmul.f32 v60, v28  }
0x654: {  	[tilespmem:s1+$0x40] =	vst v5;
	(erf) = vpow2.f32 v1;
	v1 =	vmul.f32 v60, v22  }
0x655: {  	[tilespmem:s1+$0x50] =	vst v3  }
0x656: {  	v23 =	vld [tilespmem:$0x1F6B0];
	[tilespmem:s1+$0x60] =	vst v1  }
0x657: {  	v3 =	vld [tilespmem:$0x1F6C0];
	_ =	sdelay $0x3  }
0x658: {  	v24 =	vmul.f32 v20, v45  }
0x659: {  	v27 =	vmul.f32 v20, v32;
	v3 =	vmul.f32 v20, v3  }
0x65a: {  	v28 =	vmul.f32 v20, v33;
	[tilespmem:s7+$0xF0] =	vst v24  }
0x65b: {  	[tilespmem:s7+$0x90] =	vst v27  }
0x65c: {  	v31 =	vmul.f32 v20, v31;
	[tilespmem:s7+$0xA0] =	vst v28  }
0x65d: {  	v2 =	vmul.f32 v60, v23;
	[tilespmem:s7+$0x80] =	vst v3;
	v3 =	vpop (erf)  }
0x65e: {  	[tilespmem:s7+$0xB0] =	vst v31;
	v3 =	vadd.f32 $1.000000000e+00, v3  }
0x65f: {  	(erf) = vrcp.f32 v21;
	[tilespmem:s1+$0x70] =	vst v2  }
0x660: {  	v33 =	vpop (erf);
	(erf) = vrcp.f32 v3;
	v3 =	vld [tilespmem:$0x1F6E0];
	_ =	sdelay $0x3  }
0x661: {  	v32 =	vmul.f32 v20, v34  }
0x662: {  	v3 =	vmul.f32 v20, v3  }
0x663: {  	[tilespmem:s7+$0xC0] =	vst v32  }
0x664: {  	[tilespmem:s7+$0xD0] =	vst v3  }
0x665: {  	v3 =	vld [tilespmem:$0x1F700];
	_ =	sdelay $0x3  }
0x666: {  	v0 =	vmul.f32 v20, v37;
	v34 =	vpop (erf)  }
0x667: {  	v3 =	vmul.f32 v34, v3  }
0x668: {  	[tilespmem:s7+$0xE0] =	vst v0  }
0x669: {  	v0 =	vld [tilespmem:$0x1F6D0];
	[tilespmem:s7+$0xFFFFFF00] =	vst v3;
	v3 =	vmul.f32 v34, v35  }
0x66a: {  	v36 =	vmul.f32 v34, v14  }
0x66b: {  	v37 =	vmul.f32 v34, v42;
	[tilespmem:s7+$0xFFFFFF20] =	vst v3;
	v3 =	vmul.f32 v34, v40  }
0x66c: {  	v2 =	vadd.f32 $1.000000000e+00, v33;
	v39 =	vmul.f32 v34, v43;
	[tilespmem:s7+$0xFFFFFF30] =	vst v36  }
0x66d: {  	[tilespmem:s7+$0xFFFFFF50] =	vst v37  }
0x66e: {  	(erf) = vrcp.f32 v2;
	[tilespmem:s7+$0xFFFFFF60] =	vst v39;
	v0 =	vmul.f32 v34, v0  }
0x66f: {  	v40 =	vmul.f32 v34, v53;
	[tilespmem:s7+$0xFFFFFF40] =	vst v3;
	v3 =	vpop (erf)  }
0x670: {  	[tilespmem:s7+$0xFFFFFF10] =	vst v0;
	v42 =	vmul.f32 v3, v25  }
0x671: {  	[tilespmem:s7+$0xFFFFFF70] =	vst v40;
	v43 =	vmul.f32 v3, v30  }
0x672: {  	v45 =	vmul.f32 v3, v38;
	[tilespmem:s7+$0xFFFFFF80] =	vst v42  }
0x673: {  	v53 =	vmul.f32 v3, v11;
	[tilespmem:s7+$0xFFFFFF90] =	vst v43  }
0x674: {  	v54 =	vmul.f32 v3, v12;
	[tilespmem:s7+$0xFFFFFFA0] =	vst v45  }
0x675: {  	v55 =	vmul.f32 v3, v48;
	[tilespmem:s7+$0xFFFFFFB0] =	vst v53  }
0x676: {  	v56 =	vmul.f32 v3, v51;
	[tilespmem:s7+$0xFFFFFFC0] =	vst v54  }
0x677: {  	v57 =	vpop (erf);
	v3 =	vmul.f32 v3, v52;
	[tilespmem:s7+$0xFFFFFFD0] =	vst v55  }
0x678: {  	v58 =	vmul.f32 v57, v26;
	[tilespmem:s7+$0xFFFFFFE0] =	vst v56  }
0x679: {  	v59 =	vmul.f32 v57, v29;
	[tilespmem:s7+$0xFFFFFFF0] =	vst v3  }
0x67a: {  	v60 =	vmul.f32 v57, v44;
	[tilespmem:s7+$0x0] =	vst v58  }
0x67b: {  	v61 =	vmul.f32 v57, v46;
	[tilespmem:s7+$0x10] =	vst v59  }
0x67c: {  	v62 =	vmul.f32 v57, v50;
	[tilespmem:s7+$0x30] =	vst v60  }
0x67d: {  	v3 =	vmul.f32 v57, v41;
	[tilespmem:s7+$0x40] =	vst v61  }
0x67e: {  	v63 =	vmul.f32 v57, v49;
	[tilespmem:s7+$0x60] =	vst v62  }
0x67f: {  	[tilespmem:s7+$0x20] =	vst v3;
	v3 =	vmul.f32 v57, v47  }
0x680: {  	[tilespmem:s7+$0x70] =	vst v63  }
0x681: {  	[tilespmem:s7+$0x50] =	vst v3;
	s7 =	simm.s32 $0xA  }
0x682: {  	[spmem:s5] =	stream.indirect.scatter.add.f32 [tilespmem:s11], [sflag:$0x9], $0x80, s12, s25, $0xb8;
	[tilespmem:$0x1EF80] =	vst v63  }
0x683: {  	_ =	swait.ge [sflag:s7], $0x2800  }
0x684: {  	[sflag:s7] =	ssyncset.done $0x0  }
0x685: {  	s8 =	simm.s32 $0xB;
	[sflag:s7] =	ssyncadd.s32 $0xFFFFD800  }
0x686: {  	_ =	swait.ge [sflag:s8], $0x2800  }
0x687: {  	[sflag:s8] =	ssyncset.done $0x0  }
0x688: {  	s10 =	simm.s32 $0xC;
	[sflag:s8] =	ssyncadd.s32 $0xFFFFD800  }
0x689: {  	_ =	swait.ge [sflag:s10], $0x2800  }
0x68a: {  	[sflag:s10] =	ssyncset.done $0x0  }
0x68b: {  	[sflag:s10] =	ssyncadd.s32 $0xFFFFD800  }
0x68c: {  	_ =	swait.ge [sflag:s29], $0x2800  }
0x68d: {  	[sflag:s29] =	ssyncset.done $0x0  }
0x68e: {  	[sflag:s29] =	ssyncadd.s32 $0xFFFFD800  }
0x68f: {  	s13 =	stileid.u32;
	[bflag:$0x0] =	sbarrier.arrive $0xFFFF  }
0x690: {  	s1 =	sshll.u32 s13, $0x6;
	s13 =	rddreg [dreg:$0x6]  }
0x691: {  	s1 =	sor.u32 $0x1C0D, s1;
	s8 =	rddreg [dreg:$0x13];
	s14 =	sshrl.u32 s13, $0x3  }
0x692: {  	[hbm:s8], [sflag:s1] =	dma.local [spmem:s14], $0x2800  }
0x693: {  	_ =	swait.ge [sflag:s9], $0x2800  }
0x694: {  	s10 =	rddreg [dreg:$0x1e]  }
0x695: {  	s14 =	rddreg [dreg:$0x14];
	s7 =	sadd.s32 $0x1, s10  }
0x696: {  	p0 =	sne.s32 s7, s14  }
.Ltmp7:
0x697: {  	_ = 	snop;
	(pc) =	sbr.rel @p0 .LBB2_1-.Ltmp7, $3  }
0x698: {  	_ =	sdelay $0x1  }
0x699: {  	[sflag:s9] =	ssyncset.done $0x0  }
0x69a: {  	v10 =	vmov v18;
	v9 =	vmov v17;
	v5 =	vimm.f32 $0.0e+00;
	[sflag:s9] =	ssyncadd.s32 $0xFFFFD800  }
0x69b: {  	_ =	sfence.sel $0x180000  }
0x69c: {  	[bflag:$0x0] =	sbarrier.arrive $0xFFFF  }
0x69d: {  	_ =	strace $0x90000047  }
0x69e: {  	s0 =	stileid.u32;
	[bflag:$0x2] =	sbarrier.arrive $0xFFFF  }
0x69f: {  	p0 =	sne.s32 s0, $0x0;
	s0 =	rddreg [dreg:$0x5]  }
0x6a0: {  	s0 =	sadd.s32 @!p0 $0x100000, s0  }
0x6a1: {  	[sflag:s0] =	ssyncadd.tile.s32 @!p0 $0x1;
	_ =	shalt  }
.Lfunc_end2:
_tile_overlayer_lowered:
.L_overlay_start_2:
0x6a2: {  	(tag) =	ssettag $0x2  }
0x6a3: {  	s0 =	rddreg [dreg:$0x0];
	s2 =	stileid.u32  }
0x6a4: {  	s1 =	rddreg [dreg:$0x1];
	p0 =	sne.s32 s2, $0x0  }
0x6a5: {  	s3 =	rddreg [dreg:$0x2];
	[bflag:$0x3] =	sbarrier.arrive $0xFFFF;
	s2 =	simm.s32 @!p0 $0x1C0D  }
0x6a6: {  	[timem:s3], [sflag:s2] =	dma.local @!p0 [hbm:s0], s1  }
0x6a7: {  	s0 =	simm.s32 @!p0 $0xD  }
0x6a8: {  	_ =	swait.ge @!p0 [sflag:s0], s1  }
0x6a9: {  	s1 =	ssub.s32 @!p0 $0x0, s1;
	[sflag:s0] =	ssyncset.done @!p0 $0x0  }
0x6aa: {  	[sflag:s0] =	ssyncadd.s32 @!p0 s1  }
0x6ab: {  	[bflag:$0x3] =	sbarrier.arrive $0xFFFF  }
0x6ac: {  	_ =	shalt  }

</sc_bundles>
